<compile_context>
chip_gen: v7x
topology: tpu7x:2x2x1
jax: 0.10.2.dev20260603
libtpu: 0.0.44.dev20260713+nightly
codegen_flags: <defaults>
</compile_context>

<pallas_src>
import jax
import jax.numpy as jnp
from jax import lax
from jax.experimental import pallas as pl
from jax.experimental.pallas import tpu as pltpu
from jax.experimental.pallas import tpu_sc as plsc

f32 = jnp.float32
i32 = jnp.int32

H = 128
N = 10000
E = 320000
B = 64
TMAX = 3200
NC, NS = 2, 16
NW = NC * NS
CH = 100
NA0 = 10240



def _sc_scatter_sum(table, sd4, n_acc):
    nchunk = sd4.shape[1]
    assert nchunk % 2 == 0
    rpt = n_acc // NS
    mesh = plsc.VectorSubcoreMesh(core_axis_name="c", subcore_axis_name="s")

    def body(tab_ref, sd_ref, out_ref, acc, idx0, idx1, rows0, rows1,
             sg0, sg1):
        c = lax.axis_index("c")
        s = lax.axis_index("s")
        w = c * NS + s
        with jax.named_scope("agg_zero"):
            pltpu.sync_copy(sd_ref.at[w, 0], idx0)
            pltpu.async_copy(tab_ref.at[idx0.at[0]], rows0, sg0)
            zeros16 = jnp.zeros((16,), f32)

            def zrow(r, carry):
                for j in range(8):
                    rows1[r, pl.ds(j * 16, 16)] = zeros16
                return carry
            lax.fori_loop(0, CH, zrow, 0)
            for k in range(rpt // CH):
                pltpu.sync_copy(rows1, acc.at[pl.ds(s * rpt + k * CH, CH)])
            rem = rpt % CH
            if rem:
                pltpu.sync_copy(rows1.at[pl.ds(0, rem)],
                                acc.at[pl.ds(s * rpt + (rpt // CH) * CH, rem)])
            plsc.subcore_barrier()

        idx = (idx0, idx1)
        rows = (rows0, rows1)
        sg = (sg0, sg1)

        def halfstep(i, p):
            q = 1 - p
            nxt = lax.rem(i + 1, nchunk)
            pltpu.sync_copy(sd_ref.at[w, nxt], idx[q])
            pltpu.make_async_copy(tab_ref.at[idx[p].at[0]], rows[p],
                                  sg[p]).wait()
            pltpu.async_copy(tab_ref.at[idx[q].at[0]], rows[q], sg[q])
            pltpu.sync_copy(rows[p], acc.at[idx[p].at[1]], add=True)

        def loop2(jj, carry):
            halfstep(2 * jj, 0)
            halfstep(2 * jj + 1, 1)
            return carry
        with jax.named_scope("agg_loop"):
            lax.fori_loop(0, nchunk // 2, loop2, 0)
            pltpu.make_async_copy(tab_ref.at[idx0.at[0]], rows0, sg0).wait()
        with jax.named_scope("agg_out"):
            plsc.subcore_barrier()
            pltpu.sync_copy(acc.at[pl.ds(s * rpt, rpt)],
                            out_ref.at[c, pl.ds(s * rpt, rpt)])

    return pl.kernel(
        body,
        out_type=jax.ShapeDtypeStruct((NC, n_acc, H), f32),
        mesh=mesh,
        scratch_types=[
            pltpu.VMEM_SHARED((n_acc, H), f32),
            pltpu.VMEM((2, CH), i32),
            pltpu.VMEM((2, CH), i32),
            pltpu.VMEM((CH, H), f32),
            pltpu.VMEM((CH, H), f32),
            pltpu.SemaphoreType.DMA,
            pltpu.SemaphoreType.DMA,
        ],
    )(table, sd4)



def _relu(x):
    return jnp.maximum(x, 0.0)


def _dot(a, b):
    return jnp.dot(a, b, preferred_element_type=f32)


def _mm_relu_body(x_ref, w_ref, b_ref, o_ref):
    o_ref[...] = _relu(_dot(x_ref[...], w_ref[...]) + b_ref[...])


def _mm_relu(x, w, b, blk):
    n = x.shape[0]
    return pl.pallas_call(
        _mm_relu_body,
        grid=(n // blk,),
        in_specs=[
            pl.BlockSpec((blk, H), lambda i: (i, 0)),
            pl.BlockSpec((H, H), lambda i: (0, 0)),
            pl.BlockSpec((1, H), lambda i: (0, 0)),
        ],
        out_specs=pl.BlockSpec((blk, H), lambda i: (i, 0)),
        out_shape=jax.ShapeDtypeStruct((n, H), f32),
    )(x, w, b.reshape(1, H))


def _layer_body(h_ref, s_ref, inv_ref, ws_ref, wn_ref, b_ref, o_ref):
    agg = (s_ref[0] + s_ref[1]) * inv_ref[...]
    o_ref[...] = _relu(_dot(h_ref[...], ws_ref[...]) + _dot(agg, wn_ref[...])
                       + b_ref[...])


def _fused_layer(h, S, invb, Ws, Wn, b, blk):
    n = h.shape[0]
    return pl.pallas_call(
        _layer_body,
        grid=(n // blk,),
        in_specs=[
            pl.BlockSpec((blk, H), lambda i: (i, 0)),
            pl.BlockSpec((2, blk, H), lambda i: (0, i, 0)),
            pl.BlockSpec((blk, H), lambda i: (i, 0)),
            pl.BlockSpec((H, H), lambda i: (0, 0)),
            pl.BlockSpec((H, H), lambda i: (0, 0)),
            pl.BlockSpec((1, H), lambda i: (0, 0)),
        ],
        out_specs=pl.BlockSpec((blk, H), lambda i: (i, 0)),
        out_shape=jax.ShapeDtypeStruct((n, H), f32),
    )(h, S, invb, Ws, Wn, b.reshape(1, H))


def _dual_body(a_ref, h_ref, w1_ref, w2_ref, b_ref, o_ref):
    o_ref[...] = _relu(_dot(a_ref[...], w1_ref[...]) + _dot(h_ref[...], w2_ref[...])
                       + b_ref[...])


def _dual_mm_relu(a, h, W1, W2, b, blk):
    n = h.shape[0]
    return pl.pallas_call(
        _dual_body,
        grid=(n // blk,),
        in_specs=[
            pl.BlockSpec((blk, H), lambda i: (i, 0)),
            pl.BlockSpec((blk, H), lambda i: (i, 0)),
            pl.BlockSpec((H, H), lambda i: (0, 0)),
            pl.BlockSpec((H, H), lambda i: (0, 0)),
            pl.BlockSpec((1, H), lambda i: (0, 0)),
        ],
        out_specs=pl.BlockSpec((blk, H), lambda i: (i, 0)),
        out_shape=jax.ShapeDtypeStruct((n, H), f32),
    )(a, h, W1, W2, b.reshape(1, H))


def _mlp2_body(x_ref, w_ref, b_ref, o_ref):
    hmid = _relu(_dot(x_ref[...], w_ref[0]) + b_ref[0])
    o_ref[...] = _relu(_dot(hmid, w_ref[1]) + b_ref[1])


def _mlp2(x, W, b, blk):
    n = x.shape[0]
    return pl.pallas_call(
        _mlp2_body,
        grid=(n // blk,),
        in_specs=[
            pl.BlockSpec((blk, H), lambda i: (i, 0)),
            pl.BlockSpec((2, H, H), lambda i: (0, 0, 0)),
            pl.BlockSpec((2, 1, H), lambda i: (0, 0, 0)),
        ],
        out_specs=pl.BlockSpec((blk, H), lambda i: (i, 0)),
        out_shape=jax.ShapeDtypeStruct((n, H), f32),
    )(x, W, b.reshape(2, 1, H))


SEGB = 800


def _up_pool_body(id_ref, d_ref, h_ref, wc_ref, ws_ref, b_ref,
                  o_ref, acc_ref, cnt_ref):
    gj = pl.program_id(0)
    gi = pl.program_id(1)
    ngi = pl.num_programs(1)
    blk = id_ref.shape[0]
    oh = (id_ref[...] == gj * SEGB
          + lax.broadcasted_iota(i32, (blk, SEGB), 1)).astype(f32)
    part = lax.dot_general(oh, d_ref[...], (((0,), (0,)), ((), ())),
                           preferred_element_type=f32)
    pcnt = lax.dot_general(oh, jnp.ones((blk, 1), f32), (((0,), (0,)), ((), ())),
                           preferred_element_type=f32)

    @pl.when(gi == 0)
    def _init():
        acc_ref[...] = jnp.zeros_like(acc_ref)
        cnt_ref[...] = jnp.zeros_like(cnt_ref)

    acc_ref[...] += part
    cnt_ref[...] += pcnt

    @pl.when(gi == ngi - 1)
    def _emit():
        up = acc_ref[...] / jnp.maximum(cnt_ref[...], 1.0)
        o_ref[...] = _relu(_dot(up, wc_ref[...]) + _dot(h_ref[...], ws_ref[...])
                           + b_ref[...])


def _up_pool_mm(ids2d, data, h, Wc, Ws, b, blk):
    n = data.shape[0]
    return pl.pallas_call(
        _up_pool_body,
        grid=(TMAX // SEGB, n // blk),
        in_specs=[
            pl.BlockSpec((blk, 1), lambda gj, gi: (gi, 0)),
            pl.BlockSpec((blk, H), lambda gj, gi: (gi, 0)),
            pl.BlockSpec((SEGB, H), lambda gj, gi: (gj, 0)),
            pl.BlockSpec((H, H), lambda gj, gi: (0, 0)),
            pl.BlockSpec((H, H), lambda gj, gi: (0, 0)),
            pl.BlockSpec((1, H), lambda gj, gi: (0, 0)),
        ],
        out_specs=pl.BlockSpec((SEGB, H), lambda gj, gi: (gj, 0)),
        out_shape=jax.ShapeDtypeStruct((TMAX, H), f32),
        scratch_shapes=[pltpu.VMEM((SEGB, H), f32),
                        pltpu.VMEM((SEGB, 1), f32)],
    )(ids2d, data, h, Wc, Ws, b.reshape(1, H))


def _down_body(id_ref, t_ref, h_ref, wc_ref, ws_ref, b_ref, o_ref, acc_ref):
    gi = pl.program_id(0)
    gj = pl.program_id(1)
    ngj = pl.num_programs(1)
    oh = (id_ref[...] == gj * SEGB
          + lax.broadcasted_iota(i32, (id_ref.shape[0], SEGB), 1)).astype(f32)
    part = _dot(oh, t_ref[...])

    @pl.when(gj == 0)
    def _init():
        acc_ref[...] = jnp.zeros_like(acc_ref)

    acc_ref[...] += part

    @pl.when(gj == ngj - 1)
    def _emit():
        o_ref[...] = _relu(_dot(acc_ref[...], wc_ref[...])
                           + _dot(h_ref[...], ws_ref[...]) + b_ref[...])


def _down_gather_mm(ids2d, table, h, Wc, Ws, b, blk):
    n = h.shape[0]
    return pl.pallas_call(
        _down_body,
        grid=(n // blk, TMAX // SEGB),
        in_specs=[
            pl.BlockSpec((blk, 1), lambda gi, gj: (gi, 0)),
            pl.BlockSpec((SEGB, H), lambda gi, gj: (gj, 0)),
            pl.BlockSpec((blk, H), lambda gi, gj: (gi, 0)),
            pl.BlockSpec((H, H), lambda gi, gj: (0, 0)),
            pl.BlockSpec((H, H), lambda gi, gj: (0, 0)),
            pl.BlockSpec((1, H), lambda gi, gj: (0, 0)),
        ],
        out_specs=pl.BlockSpec((blk, H), lambda gi, gj: (gi, 0)),
        out_shape=jax.ShapeDtypeStruct((n, H), f32),
        scratch_shapes=[pltpu.VMEM((blk, H), f32)],
    )(ids2d, table, h, Wc, Ws, b.reshape(1, H))


def _pool_body(d_ref, id_ref, inv_ref, o_ref):
    i = pl.program_id(0)
    n = pl.num_programs(0)
    oh = (id_ref[...] == lax.broadcasted_iota(i32, (d_ref.shape[0], B), 1)
          ).astype(f32)
    part = lax.dot_general(oh, d_ref[...], (((0,), (0,)), ((), ())),
                           preferred_element_type=f32)

    @pl.when(i == 0)
    def _init():
        o_ref[...] = jnp.zeros_like(o_ref)

    o_ref[...] += part

    @pl.when(i == n - 1)
    def _scale():
        o_ref[...] = o_ref[...] * inv_ref[...]


def _pool_mean(data, ids2d, invb, blk):
    n = data.shape[0]
    return pl.pallas_call(
        _pool_body,
        grid=(n // blk,),
        in_specs=[
            pl.BlockSpec((blk, H), lambda i: (i, 0)),
            pl.BlockSpec((blk, 1), lambda i: (i, 0)),
            pl.BlockSpec((B, H), lambda i: (0, 0)),
        ],
        out_specs=pl.BlockSpec((B, H), lambda i: (0, 0)),
        out_shape=jax.ShapeDtypeStruct((B, H), f32),
    )(data, ids2d, invb)


def _head_body(g0_ref, g1_ref, h2_ref, w1_ref, b1_ref, w2_ref, b2_ref, o_ref):
    hid = _relu(_dot(g0_ref[...], w1_ref[0]) + _dot(g1_ref[...], w1_ref[1])
                + _dot(h2_ref[...], w1_ref[2]) + b1_ref[...])
    o_ref[...] = _dot(hid, w2_ref[...]) + b2_ref[...]


def _head(g0, g1, h2, W1, b1, W2p, b2p):
    return pl.pallas_call(
        _head_body,
        in_specs=[pl.BlockSpec((B, H), lambda: (0, 0))] * 3 + [
            pl.BlockSpec((3, H, H), lambda: (0, 0, 0)),
            pl.BlockSpec((1, H), lambda: (0, 0)),
            pl.BlockSpec((H, H), lambda: (0, 0)),
            pl.BlockSpec((1, H), lambda: (0, 0)),
        ],
        out_specs=pl.BlockSpec((B, H), lambda: (0, 0)),
        out_shape=jax.ShapeDtypeStruct((B, H), f32),
    )(g0, g1, h2, W1.reshape(3, H, H), b1.reshape(1, H), W2p, b2p)



def _gcn_encoder(h, sd4, invdegb, Wself, Wnei, bb):
    for l in range(Wself.shape[0]):
        S = _sc_scatter_sum(h, sd4, NA0)
        h = _fused_layer(h, S, invdegb, Wself[l], Wnei[l], bb[l], 2000)
    return h


def kernel(x, edge_index, batch, assign_index, W_in, b_in, enc_Wself, enc_Wnei,
           enc_b, inter_Wc, inter_Ws, inter_b, head_W1, head_b1, head_W2,
           head_b2):
    src = edge_index[0]
    dst = edge_index[1]

    bids = jnp.arange(B, dtype=i32)
    onehot_b = batch[:, None] == bids[None, :]
    imin = jnp.iinfo(i32).min
    max_func = jnp.max(jnp.where(onehot_b, assign_index[:, None], imin),
                       axis=0)
    nums = max_func + 1
    offsets = jnp.concatenate([jnp.zeros((1,), nums.dtype),
                               jnp.cumsum(nums)[:-1]])
    assign0 = assign_index + offsets[batch]
    bounds = jnp.cumsum(nums)
    assign1 = jnp.sum((jnp.arange(TMAX, dtype=i32)[:, None]
                       >= bounds[None, :]).astype(i32), axis=1)

    sd4 = jnp.concatenate([src.reshape(NW, -1, 1, CH),
                           dst.reshape(NW, -1, 1, CH)], axis=2)

    deg = jax.ops.segment_sum(jnp.ones((E,), f32), dst, num_segments=N)
    invdegb = jnp.broadcast_to((1.0 / jnp.maximum(deg, 1.0))[:, None], (N, H))
    cnt1 = jnp.sum((assign1[:, None] == bids[None, :]).astype(f32), axis=0)
    inv1b = jnp.broadcast_to((1.0 / jnp.maximum(cnt1, 1.0))[:, None], (B, H))
    cntb = jnp.sum(onehot_b.astype(f32), axis=0)
    invbb = jnp.broadcast_to((1.0 / jnp.maximum(cntb, 1.0))[:, None], (B, H))
    batch2d = batch.reshape(N, 1)
    assign1_2d = assign1.reshape(TMAX, 1)
    assign0_2d = assign0.reshape(N, 1)

    x0 = _mm_relu(x, W_in, b_in, 2000)
    x1 = jnp.zeros((TMAX, H), f32)
    x2 = jnp.zeros((B, H), f32)
    h0 = _gcn_encoder(x0, sd4, invdegb, enc_Wself[0], enc_Wnei[0], enc_b[0])
    h1 = _mlp2(x1, enc_Wself[1], enc_b[1], 800)
    h2 = _mlp2(x2, enc_Wself[2], enc_b[2], B)

    for _ in range(2):
        h1n = _up_pool_mm(assign0_2d, h0, h1, inter_Wc[0],
                          inter_Ws[0], inter_b[0], 2000)
        up12 = _pool_mean(h1n, assign1_2d, inv1b, 800)
        h2n = _dual_mm_relu(up12, h2, inter_Wc[1], inter_Ws[1], inter_b[1], B)
        h0 = _down_gather_mm(assign0_2d, h1n, h0, inter_Wc[2], inter_Ws[2],
                             inter_b[2], 2000)
        h1, h2 = h1n, h2n
        h0 = _gcn_encoder(h0, sd4, invdegb, enc_Wself[3], enc_Wnei[3],
                          enc_b[3])
        h1 = _mlp2(h1, enc_Wself[4], enc_b[4], 800)
        h2 = _mlp2(h2, enc_Wself[5], enc_b[5], B)

    g0 = _pool_mean(h0, batch2d, invbb, 2000)
    g1 = _pool_mean(h1, assign1_2d, inv1b, 800)
    W2p = jnp.pad(head_W2, ((0, 0), (0, H - head_W2.shape[1])))
    b2p = jnp.pad(head_b2, (0, H - head_b2.shape[0])).reshape(1, H)
    out = _head(g0, g1, h2, head_W1, head_b1, W2p, b2p)
    return out[:, :head_W2.shape[1]]

# --- scband reference (transcript-rebuilt; emitter-appended) ---
"""Pipeline reference for scband-immpnnwebshell-classifier-61469571940402 (READ-ONLY COPY).

The authoritative reference and input builder live on the scoring server;
editing this copy changes nothing except your own understanding.
"""

import jax, jax.numpy as jnp
import numpy as np

H = 128
L = 2

def segment_mean(data, segment_ids, num_segments):
    s = jax.ops.segment_sum(data, segment_ids, num_segments=num_segments)
    c = jax.ops.segment_sum(jnp.ones((data.shape[0],), data.dtype), segment_ids, num_segments=num_segments)
    return s / jnp.maximum(c, 1.0)[:, None]

def gcn_layer(h, edge_index, Wself, Wnei, b):
    if edge_index.shape[1] == 0:
        agg = jnp.zeros_like(h)
    else:
        src = edge_index[0]
        dst = edge_index[1]
        agg = segment_mean(h[src], dst, h.shape[0])
    return jax.nn.relu(h @ Wself + agg @ Wnei + b)

def encoder(h, edge_index, Wself, Wnei, b):
    for l in range(Wself.shape[0]):
        h = gcn_layer(h, edge_index, Wself[l], Wnei[l], b[l])
    return h

def inter_block(h0, h1, h2, assign0, assign1, Wc, Ws, bb):
    up01 = segment_mean(h0, assign0, h1.shape[0])
    h1n = jax.nn.relu(up01 @ Wc[0] + h1 @ Ws[0] + bb[0])
    up12 = segment_mean(h1n, assign1, h2.shape[0])
    h2n = jax.nn.relu(up12 @ Wc[1] + h2 @ Ws[1] + bb[1])
    down = h1n[assign0]
    h0n = jax.nn.relu(down @ Wc[2] + h0 @ Ws[2] + bb[2])
    return h0n, h1n, h2n

def setup_inputs(seed: int = 0):
    key = jax.random.key(seed)
    ks = jax.random.split(key, 16)
    N = 10000; E = 320000; Din = 128; B = 64
    x = jax.random.normal(ks[0], (N, Din), dtype=jnp.float32)
    edge_index = jax.random.randint(ks[1], (2, E), 0, N, dtype=jnp.int32)
    batch = jnp.sort(jax.random.randint(ks[2], (N,), 0, B, dtype=jnp.int32))
    assign_index = jax.random.randint(ks[3], (N,), 0, 50, dtype=jnp.int32)
    s = 1.0 / np.sqrt(H)
    W_in = jax.random.normal(ks[4], (Din, H), jnp.float32) / np.sqrt(Din)
    b_in = jnp.zeros((H,), jnp.float32)
    enc_Wself = jax.random.normal(ks[5], (6, L, H, H), jnp.float32) * s
    enc_Wnei = jax.random.normal(ks[6], (6, L, H, H), jnp.float32) * s
    enc_b = jnp.zeros((6, L, H), jnp.float32)
    inter_Wc = jax.random.normal(ks[7], (3, H, H), jnp.float32) * s
    inter_Ws = jax.random.normal(ks[8], (3, H, H), jnp.float32) * s
    inter_b = jnp.zeros((3, H), jnp.float32)
    head_W1 = jax.random.normal(ks[9], (3 * H, H), jnp.float32) / np.sqrt(3 * H)
    head_b1 = jnp.zeros((H,), jnp.float32)
    head_W2 = jax.random.normal(ks[10], (H, 2), jnp.float32) * s
    head_b2 = jnp.zeros((2,), jnp.float32)
    return {"x": x, "edge_index": edge_index, "batch": batch, "assign_index": assign_index,
            "W_in": W_in, "b_in": b_in, "enc_Wself": enc_Wself, "enc_Wnei": enc_Wnei, "enc_b": enc_b,
            "inter_Wc": inter_Wc, "inter_Ws": inter_Ws, "inter_b": inter_b,
            "head_W1": head_W1, "head_b1": head_b1, "head_W2": head_W2, "head_b2": head_b2}

def reference(x, edge_index, batch, assign_index, W_in, b_in, enc_Wself, enc_Wnei, enc_b, inter_Wc, inter_Ws, inter_b, head_W1, head_b1, head_W2, head_b2):
    Bsz = 64
    TMAX = Bsz * 50
    max_func = jax.ops.segment_max(assign_index, batch, num_segments=Bsz)
    nums = max_func + 1
    offsets = jnp.concatenate([jnp.zeros((1,), nums.dtype), jnp.cumsum(nums)[:-1]])
    assign0 = assign_index + offsets[batch]
    bounds = jnp.cumsum(nums)
    assign1 = jnp.searchsorted(bounds, jnp.arange(TMAX, dtype=nums.dtype), side='right').astype(nums.dtype)
    e_empty = jnp.zeros((2, 0), dtype=edge_index.dtype)
    x0 = jax.nn.relu(x @ W_in + b_in)
    x1 = jnp.zeros((TMAX, H), jnp.float32)
    x2 = jnp.zeros((Bsz, H), jnp.float32)
    h0 = encoder(x0, edge_index, enc_Wself[0], enc_Wnei[0], enc_b[0])
    h1 = encoder(x1, e_empty, enc_Wself[1], enc_Wnei[1], enc_b[1])
    h2 = encoder(x2, e_empty, enc_Wself[2], enc_Wnei[2], enc_b[2])
    for _ in range(2):
        h0, h1, h2 = inter_block(h0, h1, h2, assign0, assign1, inter_Wc, inter_Ws, inter_b)
        h0 = encoder(h0, edge_index, enc_Wself[3], enc_Wnei[3], enc_b[3])
        h1 = encoder(h1, e_empty, enc_Wself[4], enc_Wnei[4], enc_b[4])
        h2 = encoder(h2, e_empty, enc_Wself[5], enc_Wnei[5], enc_b[5])
    g0 = segment_mean(h0, batch, Bsz)
    g1 = segment_mean(h1, assign1, Bsz)
    g = jnp.concatenate([g0, g1, h2], axis=-1)
    hid = jax.nn.relu(g @ head_W1 + head_b1)
    return hid @ head_W2 + head_b2

if __name__ == "__main__":
    import jax
    _d = setup_inputs()
    print(jax.jit(kernel)(*tuple(_d.values())))

</pallas_src>

<mosaic_0001>
#map = affine_map<(d0, d1) -> (0, 0)>
#map1 = affine_map<(d0, d1) -> (0, 0, 0, 0)>
#map2 = affine_map<(d0, d1) -> (0, 0, 0)>
module attributes {stable_mosaic.version = 14 : i64} {
  func.func @body(%arg0: i32, %arg1: i32, %arg2: memref<10000x128xf32, #tpu.memory_space<hbm>>, %arg3: memref<32x100x2x100xi32, #tpu.memory_space<hbm>>, %arg4: memref<2x10240x128xf32, #tpu.memory_space<hbm>>, %arg5: memref<10240x128xf32, #tpu.memory_space<vmem_shared>>, %arg6: memref<2x100xi32, #tpu.memory_space<vmem>>, %arg7: memref<2x100xi32, #tpu.memory_space<vmem>>, %arg8: memref<100x128xf32, #tpu.memory_space<vmem>>, %arg9: memref<100x128xf32, #tpu.memory_space<vmem>>, %arg10: memref<!tpu.dma_semaphore, #tpu.memory_space<semaphore_mem>>, %arg11: memref<!tpu.dma_semaphore, #tpu.memory_space<semaphore_mem>>) attributes {dimension_semantics = [#tpu.dimension_semantics<core_parallel>, #tpu.dimension_semantics<subcore_parallel>], iteration_bounds = array<i64: 2, 16>, scalar_prefetch = 0 : i64, scratch_operands = 7 : i64, tpu.core_type = #tpu.core_type<sc_vector_subcore>, window_params = [{transform_indices = #map}, {transform_indices = #map1}, {transform_indices = #map2}]} {
    %mul3A = arith.constant 16 : i32
    %mul3A_0 = arith.muli %arg0, %mul3A : i32
    %add3A = arith.addi %mul3A_0, %arg1 : i32
    %run_scoped3A = arith.constant 0 : i32
    "tpu.trace_start"() <{level = 10 : i32, message = "agg_zero"}> : () -> ()
    "tpu.region"() ({
      %run_scoped3A_58 = tpu.sem_alloc : memref<!tpu.dma_semaphore, #tpu.memory_space<semaphore_mem>>
      %dma_start3A_59 = arith.constant 0 : i32
      %dma_start3A_60 = arith.constant 0 : i32
      %dma_start3A_61 = tpu.memref_slice %arg3[%add3A, %run_scoped3A, %dma_start3A_59, %dma_start3A_60] : memref<32x100x2x100xi32, #tpu.memory_space<hbm>> -> memref<1x1x2x100xi32, #tpu.memory_space<hbm>>
      %dma_start3A_62 = tpu.memref_squeeze %dma_start3A_61 : memref<1x1x2x100xi32, #tpu.memory_space<hbm>> -> memref<2x100xi32, #tpu.memory_space<hbm>>
      %dma_start3A_63 = arith.constant 0 : i32
      %dma_start3A_64 = arith.constant 0 : i32
      %dma_start3A_65 = tpu.memref_slice %arg3[%add3A, %run_scoped3A, %dma_start3A_63, %dma_start3A_64] : memref<32x100x2x100xi32, #tpu.memory_space<hbm>> -> memref<1x1x2x100xi32, #tpu.memory_space<hbm>>
      %dma_start3A_66 = tpu.memref_squeeze %dma_start3A_65 : memref<1x1x2x100xi32, #tpu.memory_space<hbm>> -> memref<2x100xi32, #tpu.memory_space<hbm>>
      tpu.enqueue_dma source(%dma_start3A_66 : memref<2x100xi32, #tpu.memory_space<hbm>>) target(%arg6 : memref<2x100xi32, #tpu.memory_space<vmem>>) target_semaphore(%run_scoped3A_58 : memref<!tpu.dma_semaphore, #tpu.memory_space<semaphore_mem>>)
      %dma_wait3A_67 = arith.constant 0 : i32
      %dma_wait3A_68 = arith.constant 0 : i32
      %dma_wait3A_69 = tpu.memref_slice %arg3[%add3A, %run_scoped3A, %dma_wait3A_67, %dma_wait3A_68] : memref<32x100x2x100xi32, #tpu.memory_space<hbm>> -> memref<1x1x2x100xi32, #tpu.memory_space<hbm>>
      %dma_wait3A_70 = tpu.memref_squeeze %dma_wait3A_69 : memref<1x1x2x100xi32, #tpu.memory_space<hbm>> -> memref<2x100xi32, #tpu.memory_space<hbm>>
      %dma_wait3A_71 = arith.constant 0 : i32
      %dma_wait3A_72 = arith.constant 0 : i32
      %dma_wait3A_73 = tpu.memref_slice %arg3[%add3A, %run_scoped3A, %dma_wait3A_71, %dma_wait3A_72] : memref<32x100x2x100xi32, #tpu.memory_space<hbm>> -> memref<1x1x2x100xi32, #tpu.memory_space<hbm>>
      %dma_wait3A_74 = tpu.memref_squeeze %dma_wait3A_73 : memref<1x1x2x100xi32, #tpu.memory_space<hbm>> -> memref<2x100xi32, #tpu.memory_space<hbm>>
      tpu.wait_dma2 semaphore(%run_scoped3A_58 : memref<!tpu.dma_semaphore, #tpu.memory_space<semaphore_mem>>) src(%dma_wait3A_74 : memref<2x100xi32, #tpu.memory_space<hbm>>) dst(%arg6 : memref<2x100xi32, #tpu.memory_space<vmem>>)
      tpu.yield
    }) : () -> ()
    %dma_start3A = arith.constant 0 : i32
    %dma_start3A_1 = arith.constant 0 : i32
    %dma_start3A_2 = tpu.memref_slice %arg6[%dma_start3A, %dma_start3A_1] : memref<2x100xi32, #tpu.memory_space<vmem>> -> memref<1x100xi32, #tpu.memory_space<vmem>>
    %dma_start3A_3 = tpu.memref_squeeze %dma_start3A_2 : memref<1x100xi32, #tpu.memory_space<vmem>> -> memref<100xi32, #tpu.memory_space<vmem>>
    %dma_start3A_4 = arith.constant 0 : i32
    %dma_start3A_5 = arith.constant 0 : i32
    %dma_start3A_6 = tpu.memref_slice %arg2[%dma_start3A_4, %dma_start3A_5] : memref<10000x128xf32, #tpu.memory_space<hbm>> -> memref<10000x128xf32, #tpu.memory_space<hbm>>
    tpu.enqueue_indirect_dma source(%dma_start3A_6 : memref<10000x128xf32, #tpu.memory_space<hbm>>) target(%arg8 : memref<100x128xf32, #tpu.memory_space<vmem>>) offsets(%dma_start3A_3 : memref<100xi32, #tpu.memory_space<vmem>>) semaphore(%arg10 : memref<!tpu.dma_semaphore, #tpu.memory_space<semaphore_mem>>)
    %broadcast_in_dim3A = arith.constant 0.000000e+00 : f32
    %broadcast_in_dim3A_7 = vector.broadcast %broadcast_in_dim3A : f32 to vector<16xf32>
    %scan3A = arith.constant 0 : i32
    %scan3A_8 = arith.constant 0 : i32
    %scan3A_9 = arith.constant 100 : i32
    %scan3A_10 = arith.addi %scan3A_8, %scan3A_9 : i32
    %scan3A_11 = arith.constant 1 : i32
    scf.for %scan3A_58 = %scan3A_8 to %scan3A_10 step %scan3A_11  : i32 {
      %swap3A = arith.index_cast %scan3A_58 : i32 to index
      %swap3A_59 = arith.constant 0 : index
      %swap3A_60 = tpu.vector_load %arg9[%swap3A, %swap3A_59] {strides = array<i32>} : memref<100x128xf32, #tpu.memory_space<vmem>>, vector<1x16xf32>,
      %swap3A_61 = vector.shape_cast %swap3A_60 : vector<1x16xf32> to vector<16xf32>
      %swap3A_62 = vector.shape_cast %broadcast_in_dim3A_7 : vector<16xf32> to vector<1x16xf32>
      tpu.vector_store %arg9[%swap3A, %swap3A_59], %swap3A_62 {strides = array<i32>} : memref<100x128xf32, #tpu.memory_space<vmem>>, vector<1x16xf32>,
      %swap3A_63 = arith.index_cast %scan3A_58 : i32 to index
      %swap3A_64 = arith.constant 16 : index
      %swap3A_65 = tpu.vector_load %arg9[%swap3A_63, %swap3A_64] {strides = array<i32>} : memref<100x128xf32, #tpu.memory_space<vmem>>, vector<1x16xf32>,
      %swap3A_66 = vector.shape_cast %swap3A_65 : vector<1x16xf32> to vector<16xf32>
      %swap3A_67 = vector.shape_cast %broadcast_in_dim3A_7 : vector<16xf32> to vector<1x16xf32>
      tpu.vector_store %arg9[%swap3A_63, %swap3A_64], %swap3A_67 {strides = array<i32>} : memref<100x128xf32, #tpu.memory_space<vmem>>, vector<1x16xf32>,
      %swap3A_68 = arith.index_cast %scan3A_58 : i32 to index
      %swap3A_69 = arith.constant 32 : index
      %swap3A_70 = tpu.vector_load %arg9[%swap3A_68, %swap3A_69] {strides = array<i32>} : memref<100x128xf32, #tpu.memory_space<vmem>>, vector<1x16xf32>,
      %swap3A_71 = vector.shape_cast %swap3A_70 : vector<1x16xf32> to vector<16xf32>
      %swap3A_72 = vector.shape_cast %broadcast_in_dim3A_7 : vector<16xf32> to vector<1x16xf32>
      tpu.vector_store %arg9[%swap3A_68, %swap3A_69], %swap3A_72 {strides = array<i32>} : memref<100x128xf32, #tpu.memory_space<vmem>>, vector<1x16xf32>,
      %swap3A_73 = arith.index_cast %scan3A_58 : i32 to index
      %swap3A_74 = arith.constant 48 : index
      %swap3A_75 = tpu.vector_load %arg9[%swap3A_73, %swap3A_74] {strides = array<i32>} : memref<100x128xf32, #tpu.memory_space<vmem>>, vector<1x16xf32>,
      %swap3A_76 = vector.shape_cast %swap3A_75 : vector<1x16xf32> to vector<16xf32>
      %swap3A_77 = vector.shape_cast %broadcast_in_dim3A_7 : vector<16xf32> to vector<1x16xf32>
      tpu.vector_store %arg9[%swap3A_73, %swap3A_74], %swap3A_77 {strides = array<i32>} : memref<100x128xf32, #tpu.memory_space<vmem>>, vector<1x16xf32>,
      %swap3A_78 = arith.index_cast %scan3A_58 : i32 to index
      %swap3A_79 = arith.constant 64 : index
      %swap3A_80 = tpu.vector_load %arg9[%swap3A_78, %swap3A_79] {strides = array<i32>} : memref<100x128xf32, #tpu.memory_space<vmem>>, vector<1x16xf32>,
      %swap3A_81 = vector.shape_cast %swap3A_80 : vector<1x16xf32> to vector<16xf32>
      %swap3A_82 = vector.shape_cast %broadcast_in_dim3A_7 : vector<16xf32> to vector<1x16xf32>
      tpu.vector_store %arg9[%swap3A_78, %swap3A_79], %swap3A_82 {strides = array<i32>} : memref<100x128xf32, #tpu.memory_space<vmem>>, vector<1x16xf32>,
      %swap3A_83 = arith.index_cast %scan3A_58 : i32 to index
      %swap3A_84 = arith.constant 80 : index
      %swap3A_85 = tpu.vector_load %arg9[%swap3A_83, %swap3A_84] {strides = array<i32>} : memref<100x128xf32, #tpu.memory_space<vmem>>, vector<1x16xf32>,
      %swap3A_86 = vector.shape_cast %swap3A_85 : vector<1x16xf32> to vector<16xf32>
      %swap3A_87 = vector.shape_cast %broadcast_in_dim3A_7 : vector<16xf32> to vector<1x16xf32>
      tpu.vector_store %arg9[%swap3A_83, %swap3A_84], %swap3A_87 {strides = array<i32>} : memref<100x128xf32, #tpu.memory_space<vmem>>, vector<1x16xf32>,
      %swap3A_88 = arith.index_cast %scan3A_58 : i32 to index
      %swap3A_89 = arith.constant 96 : index
      %swap3A_90 = tpu.vector_load %arg9[%swap3A_88, %swap3A_89] {strides = array<i32>} : memref<100x128xf32, #tpu.memory_space<vmem>>, vector<1x16xf32>,
      %swap3A_91 = vector.shape_cast %swap3A_90 : vector<1x16xf32> to vector<16xf32>
      %swap3A_92 = vector.shape_cast %broadcast_in_dim3A_7 : vector<16xf32> to vector<1x16xf32>
      tpu.vector_store %arg9[%swap3A_88, %swap3A_89], %swap3A_92 {strides = array<i32>} : memref<100x128xf32, #tpu.memory_space<vmem>>, vector<1x16xf32>,
      %swap3A_93 = arith.index_cast %scan3A_58 : i32 to index
      %swap3A_94 = arith.constant 112 : index
      %swap3A_95 = tpu.vector_load %arg9[%swap3A_93, %swap3A_94] {strides = array<i32>} : memref<100x128xf32, #tpu.memory_space<vmem>>, vector<1x16xf32>,
      %swap3A_96 = vector.shape_cast %swap3A_95 : vector<1x16xf32> to vector<16xf32>
      %swap3A_97 = vector.shape_cast %broadcast_in_dim3A_7 : vector<16xf32> to vector<1x16xf32>
      tpu.vector_store %arg9[%swap3A_93, %swap3A_94], %swap3A_97 {strides = array<i32>} : memref<100x128xf32, #tpu.memory_space<vmem>>, vector<1x16xf32>,
    }
    %scan3A_12 = arith.constant 100 : i32
    %mul3A_13 = arith.constant 640 : i32
    %mul3A_14 = arith.muli %arg1, %mul3A_13 : i32
    %add3A_15 = arith.constant 0 : i32
    %add3A_16 = arith.addi %mul3A_14, %add3A_15 : i32
    "tpu.region"() ({
      %run_scoped3A_58 = tpu.sem_alloc : memref<!tpu.dma_semaphore, #tpu.memory_space<semaphore_mem>>
      %dma_start3A_59 = arith.constant 0 : i32
      %dma_start3A_60 = tpu.memref_slice %arg5[%add3A_16, %dma_start3A_59] : memref<10240x128xf32, #tpu.memory_space<vmem_shared>> -> memref<100x128xf32, #tpu.memory_space<vmem_shared>>
      %dma_start3A_61 = arith.constant 0 : i32
      %dma_start3A_62 = tpu.memref_slice %arg5[%add3A_16, %dma_start3A_61] : memref<10240x128xf32, #tpu.memory_space<vmem_shared>> -> memref<100x128xf32, #tpu.memory_space<vmem_shared>>
      tpu.enqueue_dma source(%arg9 : memref<100x128xf32, #tpu.memory_space<vmem>>) target(%dma_start3A_62 : memref<100x128xf32, #tpu.memory_space<vmem_shared>>) target_semaphore(%run_scoped3A_58 : memref<!tpu.dma_semaphore, #tpu.memory_space<semaphore_mem>>)
      %dma_wait3A_63 = arith.constant 0 : i32
      %dma_wait3A_64 = tpu.memref_slice %arg5[%add3A_16, %dma_wait3A_63] : memref<10240x128xf32, #tpu.memory_space<vmem_shared>> -> memref<100x128xf32, #tpu.memory_space<vmem_shared>>
      %dma_wait3A_65 = arith.constant 0 : i32
      %dma_wait3A_66 = tpu.memref_slice %arg5[%add3A_16, %dma_wait3A_65] : memref<10240x128xf32, #tpu.memory_space<vmem_shared>> -> memref<100x128xf32, #tpu.memory_space<vmem_shared>>
      tpu.wait_dma2 semaphore(%run_scoped3A_58 : memref<!tpu.dma_semaphore, #tpu.memory_space<semaphore_mem>>) src(%arg9 : memref<100x128xf32, #tpu.memory_space<vmem>>) dst(%dma_wait3A_66 : memref<100x128xf32, #tpu.memory_space<vmem_shared>>)
      tpu.yield
    }) : () -> ()
    %mul3A_17 = arith.constant 640 : i32
    %mul3A_18 = arith.muli %arg1, %mul3A_17 : i32
    %add3A_19 = arith.constant 100 : i32
    %add3A_20 = arith.addi %mul3A_18, %add3A_19 : i32
    "tpu.region"() ({
      %run_scoped3A_58 = tpu.sem_alloc : memref<!tpu.dma_semaphore, #tpu.memory_space<semaphore_mem>>
      %dma_start3A_59 = arith.constant 0 : i32
      %dma_start3A_60 = tpu.memref_slice %arg5[%add3A_20, %dma_start3A_59] : memref<10240x128xf32, #tpu.memory_space<vmem_shared>> -> memref<100x128xf32, #tpu.memory_space<vmem_shared>>
      %dma_start3A_61 = arith.constant 0 : i32
      %dma_start3A_62 = tpu.memref_slice %arg5[%add3A_20, %dma_start3A_61] : memref<10240x128xf32, #tpu.memory_space<vmem_shared>> -> memref<100x128xf32, #tpu.memory_space<vmem_shared>>
      tpu.enqueue_dma source(%arg9 : memref<100x128xf32, #tpu.memory_space<vmem>>) target(%dma_start3A_62 : memref<100x128xf32, #tpu.memory_space<vmem_shared>>) target_semaphore(%run_scoped3A_58 : memref<!tpu.dma_semaphore, #tpu.memory_space<semaphore_mem>>)
      %dma_wait3A_63 = arith.constant 0 : i32
      %dma_wait3A_64 = tpu.memref_slice %arg5[%add3A_20, %dma_wait3A_63] : memref<10240x128xf32, #tpu.memory_space<vmem_shared>> -> memref<100x128xf32, #tpu.memory_space<vmem_shared>>
      %dma_wait3A_65 = arith.constant 0 : i32
      %dma_wait3A_66 = tpu.memref_slice %arg5[%add3A_20, %dma_wait3A_65] : memref<10240x128xf32, #tpu.memory_space<vmem_shared>> -> memref<100x128xf32, #tpu.memory_space<vmem_shared>>
      tpu.wait_dma2 semaphore(%run_scoped3A_58 : memref<!tpu.dma_semaphore, #tpu.memory_space<semaphore_mem>>) src(%arg9 : memref<100x128xf32, #tpu.memory_space<vmem>>) dst(%dma_wait3A_66 : memref<100x128xf32, #tpu.memory_space<vmem_shared>>)
      tpu.yield
    }) : () -> ()
    %mul3A_21 = arith.constant 640 : i32
    %mul3A_22 = arith.muli %arg1, %mul3A_21 : i32
    %add3A_23 = arith.constant 200 : i32
    %add3A_24 = arith.addi %mul3A_22, %add3A_23 : i32
    "tpu.region"() ({
      %run_scoped3A_58 = tpu.sem_alloc : memref<!tpu.dma_semaphore, #tpu.memory_space<semaphore_mem>>
      %dma_start3A_59 = arith.constant 0 : i32
      %dma_start3A_60 = tpu.memref_slice %arg5[%add3A_24, %dma_start3A_59] : memref<10240x128xf32, #tpu.memory_space<vmem_shared>> -> memref<100x128xf32, #tpu.memory_space<vmem_shared>>
      %dma_start3A_61 = arith.constant 0 : i32
      %dma_start3A_62 = tpu.memref_slice %arg5[%add3A_24, %dma_start3A_61] : memref<10240x128xf32, #tpu.memory_space<vmem_shared>> -> memref<100x128xf32, #tpu.memory_space<vmem_shared>>
      tpu.enqueue_dma source(%arg9 : memref<100x128xf32, #tpu.memory_space<vmem>>) target(%dma_start3A_62 : memref<100x128xf32, #tpu.memory_space<vmem_shared>>) target_semaphore(%run_scoped3A_58 : memref<!tpu.dma_semaphore, #tpu.memory_space<semaphore_mem>>)
      %dma_wait3A_63 = arith.constant 0 : i32
      %dma_wait3A_64 = tpu.memref_slice %arg5[%add3A_24, %dma_wait3A_63] : memref<10240x128xf32, #tpu.memory_space<vmem_shared>> -> memref<100x128xf32, #tpu.memory_space<vmem_shared>>
      %dma_wait3A_65 = arith.constant 0 : i32
      %dma_wait3A_66 = tpu.memref_slice %arg5[%add3A_24, %dma_wait3A_65] : memref<10240x128xf32, #tpu.memory_space<vmem_shared>> -> memref<100x128xf32, #tpu.memory_space<vmem_shared>>
      tpu.wait_dma2 semaphore(%run_scoped3A_58 : memref<!tpu.dma_semaphore, #tpu.memory_space<semaphore_mem>>) src(%arg9 : memref<100x128xf32, #tpu.memory_space<vmem>>) dst(%dma_wait3A_66 : memref<100x128xf32, #tpu.memory_space<vmem_shared>>)
      tpu.yield
    }) : () -> ()
    %mul3A_25 = arith.constant 640 : i32
    %mul3A_26 = arith.muli %arg1, %mul3A_25 : i32
    %add3A_27 = arith.constant 300 : i32
    %add3A_28 = arith.addi %mul3A_26, %add3A_27 : i32
    "tpu.region"() ({
      %run_scoped3A_58 = tpu.sem_alloc : memref<!tpu.dma_semaphore, #tpu.memory_space<semaphore_mem>>
      %dma_start3A_59 = arith.constant 0 : i32
      %dma_start3A_60 = tpu.memref_slice %arg5[%add3A_28, %dma_start3A_59] : memref<10240x128xf32, #tpu.memory_space<vmem_shared>> -> memref<100x128xf32, #tpu.memory_space<vmem_shared>>
      %dma_start3A_61 = arith.constant 0 : i32
      %dma_start3A_62 = tpu.memref_slice %arg5[%add3A_28, %dma_start3A_61] : memref<10240x128xf32, #tpu.memory_space<vmem_shared>> -> memref<100x128xf32, #tpu.memory_space<vmem_shared>>
      tpu.enqueue_dma source(%arg9 : memref<100x128xf32, #tpu.memory_space<vmem>>) target(%dma_start3A_62 : memref<100x128xf32, #tpu.memory_space<vmem_shared>>) target_semaphore(%run_scoped3A_58 : memref<!tpu.dma_semaphore, #tpu.memory_space<semaphore_mem>>)
      %dma_wait3A_63 = arith.constant 0 : i32
      %dma_wait3A_64 = tpu.memref_slice %arg5[%add3A_28, %dma_wait3A_63] : memref<10240x128xf32, #tpu.memory_space<vmem_shared>> -> memref<100x128xf32, #tpu.memory_space<vmem_shared>>
      %dma_wait3A_65 = arith.constant 0 : i32
      %dma_wait3A_66 = tpu.memref_slice %arg5[%add3A_28, %dma_wait3A_65] : memref<10240x128xf32, #tpu.memory_space<vmem_shared>> -> memref<100x128xf32, #tpu.memory_space<vmem_shared>>
      tpu.wait_dma2 semaphore(%run_scoped3A_58 : memref<!tpu.dma_semaphore, #tpu.memory_space<semaphore_mem>>) src(%arg9 : memref<100x128xf32, #tpu.memory_space<vmem>>) dst(%dma_wait3A_66 : memref<100x128xf32, #tpu.memory_space<vmem_shared>>)
      tpu.yield
    }) : () -> ()
    %mul3A_29 = arith.constant 640 : i32
    %mul3A_30 = arith.muli %arg1, %mul3A_29 : i32
    %add3A_31 = arith.constant 400 : i32
    %add3A_32 = arith.addi %mul3A_30, %add3A_31 : i32
    "tpu.region"() ({
      %run_scoped3A_58 = tpu.sem_alloc : memref<!tpu.dma_semaphore, #tpu.memory_space<semaphore_mem>>
      %dma_start3A_59 = arith.constant 0 : i32
      %dma_start3A_60 = tpu.memref_slice %arg5[%add3A_32, %dma_start3A_59] : memref<10240x128xf32, #tpu.memory_space<vmem_shared>> -> memref<100x128xf32, #tpu.memory_space<vmem_shared>>
      %dma_start3A_61 = arith.constant 0 : i32
      %dma_start3A_62 = tpu.memref_slice %arg5[%add3A_32, %dma_start3A_61] : memref<10240x128xf32, #tpu.memory_space<vmem_shared>> -> memref<100x128xf32, #tpu.memory_space<vmem_shared>>
      tpu.enqueue_dma source(%arg9 : memref<100x128xf32, #tpu.memory_space<vmem>>) target(%dma_start3A_62 : memref<100x128xf32, #tpu.memory_space<vmem_shared>>) target_semaphore(%run_scoped3A_58 : memref<!tpu.dma_semaphore, #tpu.memory_space<semaphore_mem>>)
      %dma_wait3A_63 = arith.constant 0 : i32
      %dma_wait3A_64 = tpu.memref_slice %arg5[%add3A_32, %dma_wait3A_63] : memref<10240x128xf32, #tpu.memory_space<vmem_shared>> -> memref<100x128xf32, #tpu.memory_space<vmem_shared>>
      %dma_wait3A_65 = arith.constant 0 : i32
      %dma_wait3A_66 = tpu.memref_slice %arg5[%add3A_32, %dma_wait3A_65] : memref<10240x128xf32, #tpu.memory_space<vmem_shared>> -> memref<100x128xf32, #tpu.memory_space<vmem_shared>>
      tpu.wait_dma2 semaphore(%run_scoped3A_58 : memref<!tpu.dma_semaphore, #tpu.memory_space<semaphore_mem>>) src(%arg9 : memref<100x128xf32, #tpu.memory_space<vmem>>) dst(%dma_wait3A_66 : memref<100x128xf32, #tpu.memory_space<vmem_shared>>)
      tpu.yield
    }) : () -> ()
    %mul3A_33 = arith.constant 640 : i32
    %mul3A_34 = arith.muli %arg1, %mul3A_33 : i32
    %add3A_35 = arith.constant 500 : i32
    %add3A_36 = arith.addi %mul3A_34, %add3A_35 : i32
    "tpu.region"() ({
      %run_scoped3A_58 = tpu.sem_alloc : memref<!tpu.dma_semaphore, #tpu.memory_space<semaphore_mem>>
      %dma_start3A_59 = arith.constant 0 : i32
      %dma_start3A_60 = tpu.memref_slice %arg5[%add3A_36, %dma_start3A_59] : memref<10240x128xf32, #tpu.memory_space<vmem_shared>> -> memref<100x128xf32, #tpu.memory_space<vmem_shared>>
      %dma_start3A_61 = arith.constant 0 : i32
      %dma_start3A_62 = tpu.memref_slice %arg5[%add3A_36, %dma_start3A_61] : memref<10240x128xf32, #tpu.memory_space<vmem_shared>> -> memref<100x128xf32, #tpu.memory_space<vmem_shared>>
      tpu.enqueue_dma source(%arg9 : memref<100x128xf32, #tpu.memory_space<vmem>>) target(%dma_start3A_62 : memref<100x128xf32, #tpu.memory_space<vmem_shared>>) target_semaphore(%run_scoped3A_58 : memref<!tpu.dma_semaphore, #tpu.memory_space<semaphore_mem>>)
      %dma_wait3A_63 = arith.constant 0 : i32
      %dma_wait3A_64 = tpu.memref_slice %arg5[%add3A_36, %dma_wait3A_63] : memref<10240x128xf32, #tpu.memory_space<vmem_shared>> -> memref<100x128xf32, #tpu.memory_space<vmem_shared>>
      %dma_wait3A_65 = arith.constant 0 : i32
      %dma_wait3A_66 = tpu.memref_slice %arg5[%add3A_36, %dma_wait3A_65] : memref<10240x128xf32, #tpu.memory_space<vmem_shared>> -> memref<100x128xf32, #tpu.memory_space<vmem_shared>>
      tpu.wait_dma2 semaphore(%run_scoped3A_58 : memref<!tpu.dma_semaphore, #tpu.memory_space<semaphore_mem>>) src(%arg9 : memref<100x128xf32, #tpu.memory_space<vmem>>) dst(%dma_wait3A_66 : memref<100x128xf32, #tpu.memory_space<vmem_shared>>)
      tpu.yield
    }) : () -> ()
    %mul3A_37 = arith.constant 640 : i32
    %mul3A_38 = arith.muli %arg1, %mul3A_37 : i32
    %add3A_39 = arith.constant 600 : i32
    %add3A_40 = arith.addi %mul3A_38, %add3A_39 : i32
    "tpu.region"() ({
      %run_scoped3A_58 = tpu.sem_alloc : memref<!tpu.dma_semaphore, #tpu.memory_space<semaphore_mem>>
      %dma_start3A_59 = arith.constant 0 : i32
      %dma_start3A_60 = arith.constant 0 : i32
      %dma_start3A_61 = tpu.memref_slice %arg9[%dma_start3A_59, %dma_start3A_60] : memref<100x128xf32, #tpu.memory_space<vmem>> -> memref<40x128xf32, #tpu.memory_space<vmem>>
      %dma_start3A_62 = arith.constant 0 : i32
      %dma_start3A_63 = tpu.memref_slice %arg5[%add3A_40, %dma_start3A_62] : memref<10240x128xf32, #tpu.memory_space<vmem_shared>> -> memref<40x128xf32, #tpu.memory_space<vmem_shared>>
      %dma_start3A_64 = arith.constant 0 : i32
      %dma_start3A_65 = tpu.memref_slice %arg5[%add3A_40, %dma_start3A_64] : memref<10240x128xf32, #tpu.memory_space<vmem_shared>> -> memref<40x128xf32, #tpu.memory_space<vmem_shared>>
      %dma_start3A_66 = arith.constant 0 : i32
      %dma_start3A_67 = arith.constant 0 : i32
      %dma_start3A_68 = tpu.memref_slice %arg9[%dma_start3A_66, %dma_start3A_67] : memref<100x128xf32, #tpu.memory_space<vmem>> -> memref<40x128xf32, #tpu.memory_space<vmem>>
      tpu.enqueue_dma source(%dma_start3A_68 : memref<40x128xf32, #tpu.memory_space<vmem>>) target(%dma_start3A_65 : memref<40x128xf32, #tpu.memory_space<vmem_shared>>) target_semaphore(%run_scoped3A_58 : memref<!tpu.dma_semaphore, #tpu.memory_space<semaphore_mem>>)
      %dma_wait3A_69 = arith.constant 0 : i32
      %dma_wait3A_70 = arith.constant 0 : i32
      %dma_wait3A_71 = tpu.memref_slice %arg9[%dma_wait3A_69, %dma_wait3A_70] : memref<100x128xf32, #tpu.memory_space<vmem>> -> memref<40x128xf32, #tpu.memory_space<vmem>>
      %dma_wait3A_72 = arith.constant 0 : i32
      %dma_wait3A_73 = tpu.memref_slice %arg5[%add3A_40, %dma_wait3A_72] : memref<10240x128xf32, #tpu.memory_space<vmem_shared>> -> memref<40x128xf32, #tpu.memory_space<vmem_shared>>
      %dma_wait3A_74 = arith.constant 0 : i32
      %dma_wait3A_75 = tpu.memref_slice %arg5[%add3A_40, %dma_wait3A_74] : memref<10240x128xf32, #tpu.memory_space<vmem_shared>> -> memref<40x128xf32, #tpu.memory_space<vmem_shared>>
      %dma_wait3A_76 = arith.constant 0 : i32
      %dma_wait3A_77 = arith.constant 0 : i32
      %dma_wait3A_78 = tpu.memref_slice %arg9[%dma_wait3A_76, %dma_wait3A_77] : memref<100x128xf32, #tpu.memory_space<vmem>> -> memref<40x128xf32, #tpu.memory_space<vmem>>
      tpu.wait_dma2 semaphore(%run_scoped3A_58 : memref<!tpu.dma_semaphore, #tpu.memory_space<semaphore_mem>>) src(%dma_wait3A_78 : memref<40x128xf32, #tpu.memory_space<vmem>>) dst(%dma_wait3A_75 : memref<40x128xf32, #tpu.memory_space<vmem_shared>>)
      tpu.yield
    }) : () -> ()
    %barrier3A = arith.constant 0 : index
    tpu.barrier barrier_id(%barrier3A)
    "tpu.trace_stop"() : () -> ()
    "tpu.trace_start"() <{level = 10 : i32, message = "agg_loop"}> : () -> ()
    %scan3A_41 = arith.constant 0 : i32
    %scan3A_42 = arith.constant 0 : i32
    %scan3A_43 = arith.constant 50 : i32
    %scan3A_44 = arith.addi %scan3A_42, %scan3A_43 : i32
    %scan3A_45 = arith.constant 1 : i32
    scf.for %scan3A_58 = %scan3A_42 to %scan3A_44 step %scan3A_45  : i32 {
      %mul3A_59 = arith.constant 2 : i32
      %mul3A_60 = arith.muli %mul3A_59, %scan3A_58 : i32
      %add3A_61 = arith.constant 1 : i32
      %add3A_62 = arith.addi %mul3A_60, %add3A_61 : i32
      %rem3A = arith.constant 100 : i32
      %rem3A_63 = arith.remsi %add3A_62, %rem3A : i32
      "tpu.region"() ({
        %run_scoped3A_102 = tpu.sem_alloc : memref<!tpu.dma_semaphore, #tpu.memory_space<semaphore_mem>>
        %dma_start3A_103 = arith.constant 0 : i32
        %dma_start3A_104 = arith.constant 0 : i32
        %dma_start3A_105 = tpu.memref_slice %arg3[%add3A, %rem3A_63, %dma_start3A_103, %dma_start3A_104] : memref<32x100x2x100xi32, #tpu.memory_space<hbm>> -> memref<1x1x2x100xi32, #tpu.memory_space<hbm>>
        %dma_start3A_106 = tpu.memref_squeeze %dma_start3A_105 : memref<1x1x2x100xi32, #tpu.memory_space<hbm>> -> memref<2x100xi32, #tpu.memory_space<hbm>>
        %dma_start3A_107 = arith.constant 0 : i32
        %dma_start3A_108 = arith.constant 0 : i32
        %dma_start3A_109 = tpu.memref_slice %arg3[%add3A, %rem3A_63, %dma_start3A_107, %dma_start3A_108] : memref<32x100x2x100xi32, #tpu.memory_space<hbm>> -> memref<1x1x2x100xi32, #tpu.memory_space<hbm>>
        %dma_start3A_110 = tpu.memref_squeeze %dma_start3A_109 : memref<1x1x2x100xi32, #tpu.memory_space<hbm>> -> memref<2x100xi32, #tpu.memory_space<hbm>>
        tpu.enqueue_dma source(%dma_start3A_110 : memref<2x100xi32, #tpu.memory_space<hbm>>) target(%arg7 : memref<2x100xi32, #tpu.memory_space<vmem>>) target_semaphore(%run_scoped3A_102 : memref<!tpu.dma_semaphore, #tpu.memory_space<semaphore_mem>>)
        %dma_wait3A_111 = arith.constant 0 : i32
        %dma_wait3A_112 = arith.constant 0 : i32
        %dma_wait3A_113 = tpu.memref_slice %arg3[%add3A, %rem3A_63, %dma_wait3A_111, %dma_wait3A_112] : memref<32x100x2x100xi32, #tpu.memory_space<hbm>> -> memref<1x1x2x100xi32, #tpu.memory_space<hbm>>
        %dma_wait3A_114 = tpu.memref_squeeze %dma_wait3A_113 : memref<1x1x2x100xi32, #tpu.memory_space<hbm>> -> memref<2x100xi32, #tpu.memory_space<hbm>>
        %dma_wait3A_115 = arith.constant 0 : i32
        %dma_wait3A_116 = arith.constant 0 : i32
        %dma_wait3A_117 = tpu.memref_slice %arg3[%add3A, %rem3A_63, %dma_wait3A_115, %dma_wait3A_116] : memref<32x100x2x100xi32, #tpu.memory_space<hbm>> -> memref<1x1x2x100xi32, #tpu.memory_space<hbm>>
        %dma_wait3A_118 = tpu.memref_squeeze %dma_wait3A_117 : memref<1x1x2x100xi32, #tpu.memory_space<hbm>> -> memref<2x100xi32, #tpu.memory_space<hbm>>
        tpu.wait_dma2 semaphore(%run_scoped3A_102 : memref<!tpu.dma_semaphore, #tpu.memory_space<semaphore_mem>>) src(%dma_wait3A_118 : memref<2x100xi32, #tpu.memory_space<hbm>>) dst(%arg7 : memref<2x100xi32, #tpu.memory_space<vmem>>)
        tpu.yield
      }) : () -> ()
      %dma_wait3A_64 = arith.constant 0 : i32
      %dma_wait3A_65 = arith.constant 0 : i32
      %dma_wait3A_66 = tpu.memref_slice %arg6[%dma_wait3A_64, %dma_wait3A_65] : memref<2x100xi32, #tpu.memory_space<vmem>> -> memref<1x100xi32, #tpu.memory_space<vmem>>
      %dma_wait3A_67 = tpu.memref_squeeze %dma_wait3A_66 : memref<1x100xi32, #tpu.memory_space<vmem>> -> memref<100xi32, #tpu.memory_space<vmem>>
      %dma_wait3A_68 = arith.constant 0 : i32
      %dma_wait3A_69 = arith.constant 0 : i32
      %dma_wait3A_70 = tpu.memref_slice %arg2[%dma_wait3A_68, %dma_wait3A_69] : memref<10000x128xf32, #tpu.memory_space<hbm>> -> memref<10000x128xf32, #tpu.memory_space<hbm>>
      tpu.wait_indirect_dma semaphore(%arg10 : memref<!tpu.dma_semaphore, #tpu.memory_space<semaphore_mem>>) src(%dma_wait3A_70 : memref<10000x128xf32, #tpu.memory_space<hbm>>) dst(%arg8 : memref<100x128xf32, #tpu.memory_space<vmem>>)
      %dma_start3A_71 = arith.constant 0 : i32
      %dma_start3A_72 = arith.constant 0 : i32
      %dma_start3A_73 = tpu.memref_slice %arg7[%dma_start3A_71, %dma_start3A_72] : memref<2x100xi32, #tpu.memory_space<vmem>> -> memref<1x100xi32, #tpu.memory_space<vmem>>
      %dma_start3A_74 = tpu.memref_squeeze %dma_start3A_73 : memref<1x100xi32, #tpu.memory_space<vmem>> -> memref<100xi32, #tpu.memory_space<vmem>>
      %dma_start3A_75 = arith.constant 0 : i32
      %dma_start3A_76 = arith.constant 0 : i32
      %dma_start3A_77 = tpu.memref_slice %arg2[%dma_start3A_75, %dma_start3A_76] : memref<10000x128xf32, #tpu.memory_space<hbm>> -> memref<10000x128xf32, #tpu.memory_space<hbm>>
      tpu.enqueue_indirect_dma source(%dma_start3A_77 : memref<10000x128xf32, #tpu.memory_space<hbm>>) target(%arg9 : memref<100x128xf32, #tpu.memory_space<vmem>>) offsets(%dma_start3A_74 : memref<100xi32, #tpu.memory_space<vmem>>) semaphore(%arg11 : memref<!tpu.dma_semaphore, #tpu.memory_space<semaphore_mem>>)
      %run_scoped3A_78 = arith.constant 1 : i32
      "tpu.region"() ({
        %run_scoped3A_102 = tpu.sem_alloc : memref<!tpu.dma_semaphore, #tpu.memory_space<semaphore_mem>>
        %dma_start3A_103 = arith.constant 0 : i32
        %dma_start3A_104 = tpu.memref_slice %arg6[%run_scoped3A_78, %dma_start3A_103] : memref<2x100xi32, #tpu.memory_space<vmem>> -> memref<1x100xi32, #tpu.memory_space<vmem>>
        %dma_start3A_105 = tpu.memref_squeeze %dma_start3A_104 : memref<1x100xi32, #tpu.memory_space<vmem>> -> memref<100xi32, #tpu.memory_space<vmem>>
        %dma_start3A_106 = arith.constant 0 : i32
        %dma_start3A_107 = arith.constant 0 : i32
        %dma_start3A_108 = tpu.memref_slice %arg5[%dma_start3A_106, %dma_start3A_107] : memref<10240x128xf32, #tpu.memory_space<vmem_shared>> -> memref<10240x128xf32, #tpu.memory_space<vmem_shared>>
        tpu.enqueue_indirect_dma source(%arg8 : memref<100x128xf32, #tpu.memory_space<vmem>>) target(%dma_start3A_108 : memref<10240x128xf32, #tpu.memory_space<vmem_shared>>) offsets(%dma_start3A_105 : memref<100xi32, #tpu.memory_space<vmem>>) semaphore(%run_scoped3A_102 : memref<!tpu.dma_semaphore, #tpu.memory_space<semaphore_mem>>) {add = true}
        %dma_wait3A_109 = arith.constant 0 : i32
        %dma_wait3A_110 = tpu.memref_slice %arg6[%run_scoped3A_78, %dma_wait3A_109] : memref<2x100xi32, #tpu.memory_space<vmem>> -> memref<1x100xi32, #tpu.memory_space<vmem>>
        %dma_wait3A_111 = tpu.memref_squeeze %dma_wait3A_110 : memref<1x100xi32, #tpu.memory_space<vmem>> -> memref<100xi32, #tpu.memory_space<vmem>>
        %dma_wait3A_112 = arith.constant 0 : i32
        %dma_wait3A_113 = arith.constant 0 : i32
        %dma_wait3A_114 = tpu.memref_slice %arg5[%dma_wait3A_112, %dma_wait3A_113] : memref<10240x128xf32, #tpu.memory_space<vmem_shared>> -> memref<10240x128xf32, #tpu.memory_space<vmem_shared>>
        tpu.wait_indirect_dma semaphore(%run_scoped3A_102 : memref<!tpu.dma_semaphore, #tpu.memory_space<semaphore_mem>>) src(%arg8 : memref<100x128xf32, #tpu.memory_space<vmem>>) dst(%dma_wait3A_114 : memref<10240x128xf32, #tpu.memory_space<vmem_shared>>)
        tpu.yield
      }) : () -> ()
      %mul3A_79 = arith.constant 2 : i32
      %mul3A_80 = arith.muli %mul3A_79, %scan3A_58 : i32
      %add3A_81 = arith.constant 1 : i32
      %add3A_82 = arith.addi %mul3A_80, %add3A_81 : i32
      %add3A_83 = arith.constant 1 : i32
      %add3A_84 = arith.addi %add3A_82, %add3A_83 : i32
      %rem3A_85 = arith.constant 100 : i32
      %rem3A_86 = arith.remsi %add3A_84, %rem3A_85 : i32
      "tpu.region"() ({
        %run_scoped3A_102 = tpu.sem_alloc : memref<!tpu.dma_semaphore, #tpu.memory_space<semaphore_mem>>
        %dma_start3A_103 = arith.constant 0 : i32
        %dma_start3A_104 = arith.constant 0 : i32
        %dma_start3A_105 = tpu.memref_slice %arg3[%add3A, %rem3A_86, %dma_start3A_103, %dma_start3A_104] : memref<32x100x2x100xi32, #tpu.memory_space<hbm>> -> memref<1x1x2x100xi32, #tpu.memory_space<hbm>>
        %dma_start3A_106 = tpu.memref_squeeze %dma_start3A_105 : memref<1x1x2x100xi32, #tpu.memory_space<hbm>> -> memref<2x100xi32, #tpu.memory_space<hbm>>
        %dma_start3A_107 = arith.constant 0 : i32
        %dma_start3A_108 = arith.constant 0 : i32
        %dma_start3A_109 = tpu.memref_slice %arg3[%add3A, %rem3A_86, %dma_start3A_107, %dma_start3A_108] : memref<32x100x2x100xi32, #tpu.memory_space<hbm>> -> memref<1x1x2x100xi32, #tpu.memory_space<hbm>>
        %dma_start3A_110 = tpu.memref_squeeze %dma_start3A_109 : memref<1x1x2x100xi32, #tpu.memory_space<hbm>> -> memref<2x100xi32, #tpu.memory_space<hbm>>
        tpu.enqueue_dma source(%dma_start3A_110 : memref<2x100xi32, #tpu.memory_space<hbm>>) target(%arg6 : memref<2x100xi32, #tpu.memory_space<vmem>>) target_semaphore(%run_scoped3A_102 : memref<!tpu.dma_semaphore, #tpu.memory_space<semaphore_mem>>)
        %dma_wait3A_111 = arith.constant 0 : i32
        %dma_wait3A_112 = arith.constant 0 : i32
        %dma_wait3A_113 = tpu.memref_slice %arg3[%add3A, %rem3A_86, %dma_wait3A_111, %dma_wait3A_112] : memref<32x100x2x100xi32, #tpu.memory_space<hbm>> -> memref<1x1x2x100xi32, #tpu.memory_space<hbm>>
        %dma_wait3A_114 = tpu.memref_squeeze %dma_wait3A_113 : memref<1x1x2x100xi32, #tpu.memory_space<hbm>> -> memref<2x100xi32, #tpu.memory_space<hbm>>
        %dma_wait3A_115 = arith.constant 0 : i32
        %dma_wait3A_116 = arith.constant 0 : i32
        %dma_wait3A_117 = tpu.memref_slice %arg3[%add3A, %rem3A_86, %dma_wait3A_115, %dma_wait3A_116] : memref<32x100x2x100xi32, #tpu.memory_space<hbm>> -> memref<1x1x2x100xi32, #tpu.memory_space<hbm>>
        %dma_wait3A_118 = tpu.memref_squeeze %dma_wait3A_117 : memref<1x1x2x100xi32, #tpu.memory_space<hbm>> -> memref<2x100xi32, #tpu.memory_space<hbm>>
        tpu.wait_dma2 semaphore(%run_scoped3A_102 : memref<!tpu.dma_semaphore, #tpu.memory_space<semaphore_mem>>) src(%dma_wait3A_118 : memref<2x100xi32, #tpu.memory_space<hbm>>) dst(%arg6 : memref<2x100xi32, #tpu.memory_space<vmem>>)
        tpu.yield
      }) : () -> ()
      %dma_wait3A_87 = arith.constant 0 : i32
      %dma_wait3A_88 = arith.constant 0 : i32
      %dma_wait3A_89 = tpu.memref_slice %arg7[%dma_wait3A_87, %dma_wait3A_88] : memref<2x100xi32, #tpu.memory_space<vmem>> -> memref<1x100xi32, #tpu.memory_space<vmem>>
      %dma_wait3A_90 = tpu.memref_squeeze %dma_wait3A_89 : memref<1x100xi32, #tpu.memory_space<vmem>> -> memref<100xi32, #tpu.memory_space<vmem>>
      %dma_wait3A_91 = arith.constant 0 : i32
      %dma_wait3A_92 = arith.constant 0 : i32
      %dma_wait3A_93 = tpu.memref_slice %arg2[%dma_wait3A_91, %dma_wait3A_92] : memref<10000x128xf32, #tpu.memory_space<hbm>> -> memref<10000x128xf32, #tpu.memory_space<hbm>>
      tpu.wait_indirect_dma semaphore(%arg11 : memref<!tpu.dma_semaphore, #tpu.memory_space<semaphore_mem>>) src(%dma_wait3A_93 : memref<10000x128xf32, #tpu.memory_space<hbm>>) dst(%arg9 : memref<100x128xf32, #tpu.memory_space<vmem>>)
      %dma_start3A_94 = arith.constant 0 : i32
      %dma_start3A_95 = arith.constant 0 : i32
      %dma_start3A_96 = tpu.memref_slice %arg6[%dma_start3A_94, %dma_start3A_95] : memref<2x100xi32, #tpu.memory_space<vmem>> -> memref<1x100xi32, #tpu.memory_space<vmem>>
      %dma_start3A_97 = tpu.memref_squeeze %dma_start3A_96 : memref<1x100xi32, #tpu.memory_space<vmem>> -> memref<100xi32, #tpu.memory_space<vmem>>
      %dma_start3A_98 = arith.constant 0 : i32
      %dma_start3A_99 = arith.constant 0 : i32
      %dma_start3A_100 = tpu.memref_slice %arg2[%dma_start3A_98, %dma_start3A_99] : memref<10000x128xf32, #tpu.memory_space<hbm>> -> memref<10000x128xf32, #tpu.memory_space<hbm>>
      tpu.enqueue_indirect_dma source(%dma_start3A_100 : memref<10000x128xf32, #tpu.memory_space<hbm>>) target(%arg8 : memref<100x128xf32, #tpu.memory_space<vmem>>) offsets(%dma_start3A_97 : memref<100xi32, #tpu.memory_space<vmem>>) semaphore(%arg10 : memref<!tpu.dma_semaphore, #tpu.memory_space<semaphore_mem>>)
      %run_scoped3A_101 = arith.constant 1 : i32
      "tpu.region"() ({
        %run_scoped3A_102 = tpu.sem_alloc : memref<!tpu.dma_semaphore, #tpu.memory_space<semaphore_mem>>
        %dma_start3A_103 = arith.constant 0 : i32
        %dma_start3A_104 = tpu.memref_slice %arg7[%run_scoped3A_101, %dma_start3A_103] : memref<2x100xi32, #tpu.memory_space<vmem>> -> memref<1x100xi32, #tpu.memory_space<vmem>>
        %dma_start3A_105 = tpu.memref_squeeze %dma_start3A_104 : memref<1x100xi32, #tpu.memory_space<vmem>> -> memref<100xi32, #tpu.memory_space<vmem>>
        %dma_start3A_106 = arith.constant 0 : i32
        %dma_start3A_107 = arith.constant 0 : i32
        %dma_start3A_108 = tpu.memref_slice %arg5[%dma_start3A_106, %dma_start3A_107] : memref<10240x128xf32, #tpu.memory_space<vmem_shared>> -> memref<10240x128xf32, #tpu.memory_space<vmem_shared>>
        tpu.enqueue_indirect_dma source(%arg9 : memref<100x128xf32, #tpu.memory_space<vmem>>) target(%dma_start3A_108 : memref<10240x128xf32, #tpu.memory_space<vmem_shared>>) offsets(%dma_start3A_105 : memref<100xi32, #tpu.memory_space<vmem>>) semaphore(%run_scoped3A_102 : memref<!tpu.dma_semaphore, #tpu.memory_space<semaphore_mem>>) {add = true}
        %dma_wait3A_109 = arith.constant 0 : i32
        %dma_wait3A_110 = tpu.memref_slice %arg7[%run_scoped3A_101, %dma_wait3A_109] : memref<2x100xi32, #tpu.memory_space<vmem>> -> memref<1x100xi32, #tpu.memory_space<vmem>>
        %dma_wait3A_111 = tpu.memref_squeeze %dma_wait3A_110 : memref<1x100xi32, #tpu.memory_space<vmem>> -> memref<100xi32, #tpu.memory_space<vmem>>
        %dma_wait3A_112 = arith.constant 0 : i32
        %dma_wait3A_113 = arith.constant 0 : i32
        %dma_wait3A_114 = tpu.memref_slice %arg5[%dma_wait3A_112, %dma_wait3A_113] : memref<10240x128xf32, #tpu.memory_space<vmem_shared>> -> memref<10240x128xf32, #tpu.memory_space<vmem_shared>>
        tpu.wait_indirect_dma semaphore(%run_scoped3A_102 : memref<!tpu.dma_semaphore, #tpu.memory_space<semaphore_mem>>) src(%arg9 : memref<100x128xf32, #tpu.memory_space<vmem>>) dst(%dma_wait3A_114 : memref<10240x128xf32, #tpu.memory_space<vmem_shared>>)
        tpu.yield
      }) : () -> ()
    }
    %scan3A_46 = arith.constant 50 : i32
    %dma_wait3A = arith.constant 0 : i32
    %dma_wait3A_47 = arith.constant 0 : i32
    %dma_wait3A_48 = tpu.memref_slice %arg6[%dma_wait3A, %dma_wait3A_47] : memref<2x100xi32, #tpu.memory_space<vmem>> -> memref<1x100xi32, #tpu.memory_space<vmem>>
    %dma_wait3A_49 = tpu.memref_squeeze %dma_wait3A_48 : memref<1x100xi32, #tpu.memory_space<vmem>> -> memref<100xi32, #tpu.memory_space<vmem>>
    %dma_wait3A_50 = arith.constant 0 : i32
    %dma_wait3A_51 = arith.constant 0 : i32
    %dma_wait3A_52 = tpu.memref_slice %arg2[%dma_wait3A_50, %dma_wait3A_51] : memref<10000x128xf32, #tpu.memory_space<hbm>> -> memref<10000x128xf32, #tpu.memory_space<hbm>>
    tpu.wait_indirect_dma semaphore(%arg10 : memref<!tpu.dma_semaphore, #tpu.memory_space<semaphore_mem>>) src(%dma_wait3A_52 : memref<10000x128xf32, #tpu.memory_space<hbm>>) dst(%arg8 : memref<100x128xf32, #tpu.memory_space<vmem>>)
    "tpu.trace_stop"() : () -> ()
    "tpu.trace_start"() <{level = 10 : i32, message = "agg_out"}> : () -> ()
    %barrier3A_53 = arith.constant 0 : index
    tpu.barrier barrier_id(%barrier3A_53)
    %mul3A_54 = arith.constant 640 : i32
    %mul3A_55 = arith.muli %arg1, %mul3A_54 : i32
    %mul3A_56 = arith.constant 640 : i32
    %mul3A_57 = arith.muli %arg1, %mul3A_56 : i32
    "tpu.region"() ({
      %run_scoped3A_58 = tpu.sem_alloc : memref<!tpu.dma_semaphore, #tpu.memory_space<semaphore_mem>>
      %dma_start3A_59 = arith.constant 0 : i32
      %dma_start3A_60 = tpu.memref_slice %arg4[%arg0, %mul3A_57, %dma_start3A_59] : memref<2x10240x128xf32, #tpu.memory_space<hbm>> -> memref<1x640x128xf32, #tpu.memory_space<hbm>>
      %dma_start3A_61 = tpu.memref_squeeze %dma_start3A_60 : memref<1x640x128xf32, #tpu.memory_space<hbm>> -> memref<640x128xf32, #tpu.memory_space<hbm>>
      %dma_start3A_62 = arith.constant 0 : i32
      %dma_start3A_63 = tpu.memref_slice %arg5[%mul3A_55, %dma_start3A_62] : memref<10240x128xf32, #tpu.memory_space<vmem_shared>> -> memref<640x128xf32, #tpu.memory_space<vmem_shared>>
      tpu.enqueue_dma source(%dma_start3A_63 : memref<640x128xf32, #tpu.memory_space<vmem_shared>>) target(%dma_start3A_61 : memref<640x128xf32, #tpu.memory_space<hbm>>) target_semaphore(%run_scoped3A_58 : memref<!tpu.dma_semaphore, #tpu.memory_space<semaphore_mem>>)
      %dma_wait3A_64 = arith.constant 0 : i32
      %dma_wait3A_65 = tpu.memref_slice %arg4[%arg0, %mul3A_57, %dma_wait3A_64] : memref<2x10240x128xf32, #tpu.memory_space<hbm>> -> memref<1x640x128xf32, #tpu.memory_space<hbm>>
      %dma_wait3A_66 = tpu.memref_squeeze %dma_wait3A_65 : memref<1x640x128xf32, #tpu.memory_space<hbm>> -> memref<640x128xf32, #tpu.memory_space<hbm>>
      %dma_wait3A_67 = arith.constant 0 : i32
      %dma_wait3A_68 = tpu.memref_slice %arg5[%mul3A_55, %dma_wait3A_67] : memref<10240x128xf32, #tpu.memory_space<vmem_shared>> -> memref<640x128xf32, #tpu.memory_space<vmem_shared>>
      tpu.wait_dma2 semaphore(%run_scoped3A_58 : memref<!tpu.dma_semaphore, #tpu.memory_space<semaphore_mem>>) src(%dma_wait3A_68 : memref<640x128xf32, #tpu.memory_space<vmem_shared>>) dst(%dma_wait3A_66 : memref<640x128xf32, #tpu.memory_space<hbm>>)
      tpu.yield
    }) : () -> ()
    "tpu.trace_stop"() : () -> ()
    return
  }
}

#map = affine_map<(d0, d1) -> (0, 0)>
#map1 = affine_map<(d0, d1) -> (0, 0, 0, 0)>
#map2 = affine_map<(d0, d1) -> (0, 0, 0)>
module attributes {stable_mosaic.version = 14 : i64} {
  func.func @body(%arg0: i32, %arg1: i32, %arg2: memref<10000x128xf32, #tpu.memory_space<hbm>>, %arg3: memref<32x100x2x100xi32, #tpu.memory_space<hbm>>, %arg4: memref<2x10240x128xf32, #tpu.memory_space<hbm>>, %arg5: memref<10240x128xf32, #tpu.memory_space<vmem_shared>>, %arg6: memref<2x100xi32, #tpu.memory_space<vmem>>, %arg7: memref<2x100xi32, #tpu.memory_space<vmem>>, %arg8: memref<100x128xf32, #tpu.memory_space<vmem>>, %arg9: memref<100x128xf32, #tpu.memory_space<vmem>>, %arg10: memref<!tpu.dma_semaphore, #tpu.memory_space<semaphore_mem>>, %arg11: memref<!tpu.dma_semaphore, #tpu.memory_space<semaphore_mem>>) attributes {dimension_semantics = [#tpu.dimension_semantics<core_parallel>, #tpu.dimension_semantics<subcore_parallel>], iteration_bounds = array<i64: 2, 16>, scalar_prefetch = 0 : i64, scratch_operands = 7 : i64, tpu.core_type = #tpu.core_type<sc_vector_subcore>, window_params = [{transform_indices = #map}, {transform_indices = #map1}, {transform_indices = #map2}]} {
    %mul3A = arith.constant 16 : i32
    %mul3A_0 = arith.muli %arg0, %mul3A : i32
    %add3A = arith.addi %mul3A_0, %arg1 : i32
    %run_scoped3A = arith.constant 0 : i32
    "tpu.trace_start"() <{level = 10 : i32, message = "agg_zero"}> : () -> ()
    "tpu.region"() ({
      %run_scoped3A_58 = tpu.sem_alloc : memref<!tpu.dma_semaphore, #tpu.memory_space<semaphore_mem>>
      %dma_start3A_59 = arith.constant 0 : i32
      %dma_start3A_60 = arith.constant 0 : i32
      %dma_start3A_61 = tpu.memref_slice %arg3[%add3A, %run_scoped3A, %dma_start3A_59, %dma_start3A_60] : memref<32x100x2x100xi32, #tpu.memory_space<hbm>> -> memref<1x1x2x100xi32, #tpu.memory_space<hbm>>
      %dma_start3A_62 = tpu.memref_squeeze %dma_start3A_61 : memref<1x1x2x100xi32, #tpu.memory_space<hbm>> -> memref<2x100xi32, #tpu.memory_space<hbm>>
      %dma_start3A_63 = arith.constant 0 : i32
      %dma_start3A_64 = arith.constant 0 : i32
      %dma_start3A_65 = tpu.memref_slice %arg3[%add3A, %run_scoped3A, %dma_start3A_63, %dma_start3A_64] : memref<32x100x2x100xi32, #tpu.memory_space<hbm>> -> memref<1x1x2x100xi32, #tpu.memory_space<hbm>>
      %dma_start3A_66 = tpu.memref_squeeze %dma_start3A_65 : memref<1x1x2x100xi32, #tpu.memory_space<hbm>> -> memref<2x100xi32, #tpu.memory_space<hbm>>
      tpu.enqueue_dma source(%dma_start3A_66 : memref<2x100xi32, #tpu.memory_space<hbm>>) target(%arg6 : memref<2x100xi32, #tpu.memory_space<vmem>>) target_semaphore(%run_scoped3A_58 : memref<!tpu.dma_semaphore, #tpu.memory_space<semaphore_mem>>)
      %dma_wait3A_67 = arith.constant 0 : i32
      %dma_wait3A_68 = arith.constant 0 : i32
      %dma_wait3A_69 = tpu.memref_slice %arg3[%add3A, %run_scoped3A, %dma_wait3A_67, %dma_wait3A_68] : memref<32x100x2x100xi32, #tpu.memory_space<hbm>> -> memref<1x1x2x100xi32, #tpu.memory_space<hbm>>
      %dma_wait3A_70 = tpu.memref_squeeze %dma_wait3A_69 : memref<1x1x2x100xi32, #tpu.memory_space<hbm>> -> memref<2x100xi32, #tpu.memory_space<hbm>>
      %dma_wait3A_71 = arith.constant 0 : i32
      %dma_wait3A_72 = arith.constant 0 : i32
      %dma_wait3A_73 = tpu.memref_slice %arg3[%add3A, %run_scoped3A, %dma_wait3A_71, %dma_wait3A_72] : memref<32x100x2x100xi32, #tpu.memory_space<hbm>> -> memref<1x1x2x100xi32, #tpu.memory_space<hbm>>
      %dma_wait3A_74 = tpu.memref_squeeze %dma_wait3A_73 : memref<1x1x2x100xi32, #tpu.memory_space<hbm>> -> memref<2x100xi32, #tpu.memory_space<hbm>>
      tpu.wait_dma2 semaphore(%run_scoped3A_58 : memref<!tpu.dma_semaphore, #tpu.memory_space<semaphore_mem>>) src(%dma_wait3A_74 : memref<2x100xi32, #tpu.memory_space<hbm>>) dst(%arg6 : memref<2x100xi32, #tpu.memory_space<vmem>>)
      tpu.yield
    }) : () -> ()
    %dma_start3A = arith.constant 0 : i32
    %dma_start3A_1 = arith.constant 0 : i32
    %dma_start3A_2 = tpu.memref_slice %arg6[%dma_start3A, %dma_start3A_1] : memref<2x100xi32, #tpu.memory_space<vmem>> -> memref<1x100xi32, #tpu.memory_space<vmem>>
    %dma_start3A_3 = tpu.memref_squeeze %dma_start3A_2 : memref<1x100xi32, #tpu.memory_space<vmem>> -> memref<100xi32, #tpu.memory_space<vmem>>
    %dma_start3A_4 = arith.constant 0 : i32
    %dma_start3A_5 = arith.constant 0 : i32
    %dma_start3A_6 = tpu.memref_slice %arg2[%dma_start3A_4, %dma_start3A_5] : memref<10000x128xf32, #tpu.memory_space<hbm>> -> memref<10000x128xf32, #tpu.memory_space<hbm>>
    tpu.enqueue_indirect_dma source(%dma_start3A_6 : memref<10000x128xf32, #tpu.memory_space<hbm>>) target(%arg8 : memref<100x128xf32, #tpu.memory_space<vmem>>) offsets(%dma_start3A_3 : memref<100xi32, #tpu.memory_space<vmem>>) semaphore(%arg10 : memref<!tpu.dma_semaphore, #tpu.memory_space<semaphore_mem>>)
    %broadcast_in_dim3A = arith.constant 0.000000e+00 : f32
    %broadcast_in_dim3A_7 = vector.broadcast %broadcast_in_dim3A : f32 to vector<16xf32>
    %scan3A = arith.constant 0 : i32
    %scan3A_8 = arith.constant 0 : i32
    %scan3A_9 = arith.constant 100 : i32
    %scan3A_10 = arith.addi %scan3A_8, %scan3A_9 : i32
    %scan3A_11 = arith.constant 1 : i32
    scf.for %scan3A_58 = %scan3A_8 to %scan3A_10 step %scan3A_11  : i32 {
      %swap3A = arith.index_cast %scan3A_58 : i32 to index
      %swap3A_59 = arith.constant 0 : index
      %swap3A_60 = tpu.vector_load %arg9[%swap3A, %swap3A_59] {strides = array<i32>} : memref<100x128xf32, #tpu.memory_space<vmem>>, vector<1x16xf32>,
      %swap3A_61 = vector.shape_cast %swap3A_60 : vector<1x16xf32> to vector<16xf32>
      %swap3A_62 = vector.shape_cast %broadcast_in_dim3A_7 : vector<16xf32> to vector<1x16xf32>
      tpu.vector_store %arg9[%swap3A, %swap3A_59], %swap3A_62 {strides = array<i32>} : memref<100x128xf32, #tpu.memory_space<vmem>>, vector<1x16xf32>,
      %swap3A_63 = arith.index_cast %scan3A_58 : i32 to index
      %swap3A_64 = arith.constant 16 : index
      %swap3A_65 = tpu.vector_load %arg9[%swap3A_63, %swap3A_64] {strides = array<i32>} : memref<100x128xf32, #tpu.memory_space<vmem>>, vector<1x16xf32>,
      %swap3A_66 = vector.shape_cast %swap3A_65 : vector<1x16xf32> to vector<16xf32>
      %swap3A_67 = vector.shape_cast %broadcast_in_dim3A_7 : vector<16xf32> to vector<1x16xf32>
      tpu.vector_store %arg9[%swap3A_63, %swap3A_64], %swap3A_67 {strides = array<i32>} : memref<100x128xf32, #tpu.memory_space<vmem>>, vector<1x16xf32>,
      %swap3A_68 = arith.index_cast %scan3A_58 : i32 to index
      %swap3A_69 = arith.constant 32 : index
      %swap3A_70 = tpu.vector_load %arg9[%swap3A_68, %swap3A_69] {strides = array<i32>} : memref<100x128xf32, #tpu.memory_space<vmem>>, vector<1x16xf32>,
      %swap3A_71 = vector.shape_cast %swap3A_70 : vector<1x16xf32> to vector<16xf32>
      %swap3A_72 = vector.shape_cast %broadcast_in_dim3A_7 : vector<16xf32> to vector<1x16xf32>
      tpu.vector_store %arg9[%swap3A_68, %swap3A_69], %swap3A_72 {strides = array<i32>} : memref<100x128xf32, #tpu.memory_space<vmem>>, vector<1x16xf32>,
      %swap3A_73 = arith.index_cast %scan3A_58 : i32 to index
      %swap3A_74 = arith.constant 48 : index
      %swap3A_75 = tpu.vector_load %arg9[%swap3A_73, %swap3A_74] {strides = array<i32>} : memref<100x128xf32, #tpu.memory_space<vmem>>, vector<1x16xf32>,
      %swap3A_76 = vector.shape_cast %swap3A_75 : vector<1x16xf32> to vector<16xf32>
      %swap3A_77 = vector.shape_cast %broadcast_in_dim3A_7 : vector<16xf32> to vector<1x16xf32>
      tpu.vector_store %arg9[%swap3A_73, %swap3A_74], %swap3A_77 {strides = array<i32>} : memref<100x128xf32, #tpu.memory_space<vmem>>, vector<1x16xf32>,
      %swap3A_78 = arith.index_cast %scan3A_58 : i32 to index
      %swap3A_79 = arith.constant 64 : index
      %swap3A_80 = tpu.vector_load %arg9[%swap3A_78, %swap3A_79] {strides = array<i32>} : memref<100x128xf32, #tpu.memory_space<vmem>>, vector<1x16xf32>,
      %swap3A_81 = vector.shape_cast %swap3A_80 : vector<1x16xf32> to vector<16xf32>
      %swap3A_82 = vector.shape_cast %broadcast_in_dim3A_7 : vector<16xf32> to vector<1x16xf32>
      tpu.vector_store %arg9[%swap3A_78, %swap3A_79], %swap3A_82 {strides = array<i32>} : memref<100x128xf32, #tpu.memory_space<vmem>>, vector<1x16xf32>,
      %swap3A_83 = arith.index_cast %scan3A_58 : i32 to index
      %swap3A_84 = arith.constant 80 : index
      %swap3A_85 = tpu.vector_load %arg9[%swap3A_83, %swap3A_84] {strides = array<i32>} : memref<100x128xf32, #tpu.memory_space<vmem>>, vector<1x16xf32>,
      %swap3A_86 = vector.shape_cast %swap3A_85 : vector<1x16xf32> to vector<16xf32>
      %swap3A_87 = vector.shape_cast %broadcast_in_dim3A_7 : vector<16xf32> to vector<1x16xf32>
      tpu.vector_store %arg9[%swap3A_83, %swap3A_84], %swap3A_87 {strides = array<i32>} : memref<100x128xf32, #tpu.memory_space<vmem>>, vector<1x16xf32>,
      %swap3A_88 = arith.index_cast %scan3A_58 : i32 to index
      %swap3A_89 = arith.constant 96 : index
      %swap3A_90 = tpu.vector_load %arg9[%swap3A_88, %swap3A_89] {strides = array<i32>} : memref<100x128xf32, #tpu.memory_space<vmem>>, vector<1x16xf32>,
      %swap3A_91 = vector.shape_cast %swap3A_90 : vector<1x16xf32> to vector<16xf32>
      %swap3A_92 = vector.shape_cast %broadcast_in_dim3A_7 : vector<16xf32> to vector<1x16xf32>
      tpu.vector_store %arg9[%swap3A_88, %swap3A_89], %swap3A_92 {strides = array<i32>} : memref<100x128xf32, #tpu.memory_space<vmem>>, vector<1x16xf32>,
      %swap3A_93 = arith.index_cast %scan3A_58 : i32 to index
      %swap3A_94 = arith.constant 112 : index
      %swap3A_95 = tpu.vector_load %arg9[%swap3A_93, %swap3A_94] {strides = array<i32>} : memref<100x128xf32, #tpu.memory_space<vmem>>, vector<1x16xf32>,
      %swap3A_96 = vector.shape_cast %swap3A_95 : vector<1x16xf32> to vector<16xf32>
      %swap3A_97 = vector.shape_cast %broadcast_in_dim3A_7 : vector<16xf32> to vector<1x16xf32>
      tpu.vector_store %arg9[%swap3A_93, %swap3A_94], %swap3A_97 {strides = array<i32>} : memref<100x128xf32, #tpu.memory_space<vmem>>, vector<1x16xf32>,
    }
    %scan3A_12 = arith.constant 100 : i32
    %mul3A_13 = arith.constant 640 : i32
    %mul3A_14 = arith.muli %arg1, %mul3A_13 : i32
    %add3A_15 = arith.constant 0 : i32
    %add3A_16 = arith.addi %mul3A_14, %add3A_15 : i32
    "tpu.region"() ({
      %run_scoped3A_58 = tpu.sem_alloc : memref<!tpu.dma_semaphore, #tpu.memory_space<semaphore_mem>>
      %dma_start3A_59 = arith.constant 0 : i32
      %dma_start3A_60 = tpu.memref_slice %arg5[%add3A_16, %dma_start3A_59] : memref<10240x128xf32, #tpu.memory_space<vmem_shared>> -> memref<100x128xf32, #tpu.memory_space<vmem_shared>>
      %dma_start3A_61 = arith.constant 0 : i32
      %dma_start3A_62 = tpu.memref_slice %arg5[%add3A_16, %dma_start3A_61] : memref<10240x128xf32, #tpu.memory_space<vmem_shared>> -> memref<100x128xf32, #tpu.memory_space<vmem_shared>>
      tpu.enqueue_dma source(%arg9 : memref<100x128xf32, #tpu.memory_space<vmem>>) target(%dma_start3A_62 : memref<100x128xf32, #tpu.memory_space<vmem_shared>>) target_semaphore(%run_scoped3A_58 : memref<!tpu.dma_semaphore, #tpu.memory_space<semaphore_mem>>)
      %dma_wait3A_63 = arith.constant 0 : i32
      %dma_wait3A_64 = tpu.memref_slice %arg5[%add3A_16, %dma_wait3A_63] : memref<10240x128xf32, #tpu.memory_space<vmem_shared>> -> memref<100x128xf32, #tpu.memory_space<vmem_shared>>
      %dma_wait3A_65 = arith.constant 0 : i32
      %dma_wait3A_66 = tpu.memref_slice %arg5[%add3A_16, %dma_wait3A_65] : memref<10240x128xf32, #tpu.memory_space<vmem_shared>> -> memref<100x128xf32, #tpu.memory_space<vmem_shared>>
      tpu.wait_dma2 semaphore(%run_scoped3A_58 : memref<!tpu.dma_semaphore, #tpu.memory_space<semaphore_mem>>) src(%arg9 : memref<100x128xf32, #tpu.memory_space<vmem>>) dst(%dma_wait3A_66 : memref<100x128xf32, #tpu.memory_space<vmem_shared>>)
      tpu.yield
    }) : () -> ()
    %mul3A_17 = arith.constant 640 : i32
    %mul3A_18 = arith.muli %arg1, %mul3A_17 : i32
    %add3A_19 = arith.constant 100 : i32
    %add3A_20 = arith.addi %mul3A_18, %add3A_19 : i32
    "tpu.region"() ({
      %run_scoped3A_58 = tpu.sem_alloc : memref<!tpu.dma_semaphore, #tpu.memory_space<semaphore_mem>>
      %dma_start3A_59 = arith.constant 0 : i32
      %dma_start3A_60 = tpu.memref_slice %arg5[%add3A_20, %dma_start3A_59] : memref<10240x128xf32, #tpu.memory_space<vmem_shared>> -> memref<100x128xf32, #tpu.memory_space<vmem_shared>>
      %dma_start3A_61 = arith.constant 0 : i32
      %dma_start3A_62 = tpu.memref_slice %arg5[%add3A_20, %dma_start3A_61] : memref<10240x128xf32, #tpu.memory_space<vmem_shared>> -> memref<100x128xf32, #tpu.memory_space<vmem_shared>>
      tpu.enqueue_dma source(%arg9 : memref<100x128xf32, #tpu.memory_space<vmem>>) target(%dma_start3A_62 : memref<100x128xf32, #tpu.memory_space<vmem_shared>>) target_semaphore(%run_scoped3A_58 : memref<!tpu.dma_semaphore, #tpu.memory_space<semaphore_mem>>)
      %dma_wait3A_63 = arith.constant 0 : i32
      %dma_wait3A_64 = tpu.memref_slice %arg5[%add3A_20, %dma_wait3A_63] : memref<10240x128xf32, #tpu.memory_space<vmem_shared>> -> memref<100x128xf32, #tpu.memory_space<vmem_shared>>
      %dma_wait3A_65 = arith.constant 0 : i32
      %dma_wait3A_66 = tpu.memref_slice %arg5[%add3A_20, %dma_wait3A_65] : memref<10240x128xf32, #tpu.memory_space<vmem_shared>> -> memref<100x128xf32, #tpu.memory_space<vmem_shared>>
      tpu.wait_dma2 semaphore(%run_scoped3A_58 : memref<!tpu.dma_semaphore, #tpu.memory_space<semaphore_mem>>) src(%arg9 : memref<100x128xf32, #tpu.memory_space<vmem>>) dst(%dma_wait3A_66 : memref<100x128xf32, #tpu.memory_space<vmem_shared>>)
      tpu.yield
    }) : () -> ()
    %mul3A_21 = arith.constant 640 : i32
    %mul3A_22 = arith.muli %arg1, %mul3A_21 : i32
    %add3A_23 = arith.constant 200 : i32
    %add3A_24 = arith.addi %mul3A_22, %add3A_23 : i32
    "tpu.region"() ({
      %run_scoped3A_58 = tpu.sem_alloc : memref<!tpu.dma_semaphore, #tpu.memory_space<semaphore_mem>>
      %dma_start3A_59 = arith.constant 0 : i32
      %dma_start3A_60 = tpu.memref_slice %arg5[%add3A_24, %dma_start3A_59] : memref<10240x128xf32, #tpu.memory_space<vmem_shared>> -> memref<100x128xf32, #tpu.memory_space<vmem_shared>>
      %dma_start3A_61 = arith.constant 0 : i32
      %dma_start3A_62 = tpu.memref_slice %arg5[%add3A_24, %dma_start3A_61] : memref<10240x128xf32, #tpu.memory_space<vmem_shared>> -> memref<100x128xf32, #tpu.memory_space<vmem_shared>>
      tpu.enqueue_dma source(%arg9 : memref<100x128xf32, #tpu.memory_space<vmem>>) target(%dma_start3A_62 : memref<100x128xf32, #tpu.memory_space<vmem_shared>>) target_semaphore(%run_scoped3A_58 : memref<!tpu.dma_semaphore, #tpu.memory_space<semaphore_mem>>)
      %dma_wait3A_63 = arith.constant 0 : i32
      %dma_wait3A_64 = tpu.memref_slice %arg5[%add3A_24, %dma_wait3A_63] : memref<10240x128xf32, #tpu.memory_space<vmem_shared>> -> memref<100x128xf32, #tpu.memory_space<vmem_shared>>
      %dma_wait3A_65 = arith.constant 0 : i32
      %dma_wait3A_66 = tpu.memref_slice %arg5[%add3A_24, %dma_wait3A_65] : memref<10240x128xf32, #tpu.memory_space<vmem_shared>> -> memref<100x128xf32, #tpu.memory_space<vmem_shared>>
      tpu.wait_dma2 semaphore(%run_scoped3A_58 : memref<!tpu.dma_semaphore, #tpu.memory_space<semaphore_mem>>) src(%arg9 : memref<100x128xf32, #tpu.memory_space<vmem>>) dst(%dma_wait3A_66 : memref<100x128xf32, #tpu.memory_space<vmem_shared>>)
      tpu.yield
    }) : () -> ()
    %mul3A_25 = arith.constant 640 : i32
    %mul3A_26 = arith.muli %arg1, %mul3A_25 : i32
    %add3A_27 = arith.constant 300 : i32
    %add3A_28 = arith.addi %mul3A_26, %add3A_27 : i32
    "tpu.region"() ({
      %run_scoped3A_58 = tpu.sem_alloc : memref<!tpu.dma_semaphore, #tpu.memory_space<semaphore_mem>>
      %dma_start3A_59 = arith.constant 0 : i32
      %dma_start3A_60 = tpu.memref_slice %arg5[%add3A_28, %dma_start3A_59] : memref<10240x128xf32, #tpu.memory_space<vmem_shared>> -> memref<100x128xf32, #tpu.memory_space<vmem_shared>>
      %dma_start3A_61 = arith.constant 0 : i32
      %dma_start3A_62 = tpu.memref_slice %arg5[%add3A_28, %dma_start3A_61] : memref<10240x128xf32, #tpu.memory_space<vmem_shared>> -> memref<100x128xf32, #tpu.memory_space<vmem_shared>>
      tpu.enqueue_dma source(%arg9 : memref<100x128xf32, #tpu.memory_space<vmem>>) target(%dma_start3A_62 : memref<100x128xf32, #tpu.memory_space<vmem_shared>>) target_semaphore(%run_scoped3A_58 : memref<!tpu.dma_semaphore, #tpu.memory_space<semaphore_mem>>)
      %dma_wait3A_63 = arith.constant 0 : i32
      %dma_wait3A_64 = tpu.memref_slice %arg5[%add3A_28, %dma_wait3A_63] : memref<10240x128xf32, #tpu.memory_space<vmem_shared>> -> memref<100x128xf32, #tpu.memory_space<vmem_shared>>
      %dma_wait3A_65 = arith.constant 0 : i32
      %dma_wait3A_66 = tpu.memref_slice %arg5[%add3A_28, %dma_wait3A_65] : memref<10240x128xf32, #tpu.memory_space<vmem_shared>> -> memref<100x128xf32, #tpu.memory_space<vmem_shared>>
      tpu.wait_dma2 semaphore(%run_scoped3A_58 : memref<!tpu.dma_semaphore, #tpu.memory_space<semaphore_mem>>) src(%arg9 : memref<100x128xf32, #tpu.memory_space<vmem>>) dst(%dma_wait3A_66 : memref<100x128xf32, #tpu.memory_space<vmem_shared>>)
      tpu.yield
    }) : () -> ()
    %mul3A_29 = arith.constant 640 : i32
    %mul3A_30 = arith.muli %arg1, %mul3A_29 : i32
    %add3A_31 = arith.constant 400 : i32
    %add3A_32 = arith.addi %mul3A_30, %add3A_31 : i32
    "tpu.region"() ({
      %run_scoped3A_58 = tpu.sem_alloc : memref<!tpu.dma_semaphore, #tpu.memory_space<semaphore_mem>>
      %dma_start3A_59 = arith.constant 0 : i32
      %dma_start3A_60 = tpu.memref_slice %arg5[%add3A_32, %dma_start3A_59] : memref<10240x128xf32, #tpu.memory_space<vmem_shared>> -> memref<100x128xf32, #tpu.memory_space<vmem_shared>>
      %dma_start3A_61 = arith.constant 0 : i32
      %dma_start3A_62 = tpu.memref_slice %arg5[%add3A_32, %dma_start3A_61] : memref<10240x128xf32, #tpu.memory_space<vmem_shared>> -> memref<100x128xf32, #tpu.memory_space<vmem_shared>>
      tpu.enqueue_dma source(%arg9 : memref<100x128xf32, #tpu.memory_space<vmem>>) target(%dma_start3A_62 : memref<100x128xf32, #tpu.memory_space<vmem_shared>>) target_semaphore(%run_scoped3A_58 : memref<!tpu.dma_semaphore, #tpu.memory_space<semaphore_mem>>)
      %dma_wait3A_63 = arith.constant 0 : i32
      %dma_wait3A_64 = tpu.memref_slice %arg5[%add3A_32, %dma_wait3A_63] : memref<10240x128xf32, #tpu.memory_space<vmem_shared>> -> memref<100x128xf32, #tpu.memory_space<vmem_shared>>
      %dma_wait3A_65 = arith.constant 0 : i32
      %dma_wait3A_66 = tpu.memref_slice %arg5[%add3A_32, %dma_wait3A_65] : memref<10240x128xf32, #tpu.memory_space<vmem_shared>> -> memref<100x128xf32, #tpu.memory_space<vmem_shared>>
      tpu.wait_dma2 semaphore(%run_scoped3A_58 : memref<!tpu.dma_semaphore, #tpu.memory_space<semaphore_mem>>) src(%arg9 : memref<100x128xf32, #tpu.memory_space<vmem>>) dst(%dma_wait3A_66 : memref<100x128xf32, #tpu.memory_space<vmem_shared>>)
      tpu.yield
    }) : () -> ()
    %mul3A_33 = arith.constant 640 : i32
    %mul3A_34 = arith.muli %arg1, %mul3A_33 : i32
    %add3A_35 = arith.constant 500 : i32
    %add3A_36 = arith.addi %mul3A_34, %add3A_35 : i32
    "tpu.region"() ({
      %run_scoped3A_58 = tpu.sem_alloc : memref<!tpu.dma_semaphore, #tpu.memory_space<semaphore_mem>>
      %dma_start3A_59 = arith.constant 0 : i32
      %dma_start3A_60 = tpu.memref_slice %arg5[%add3A_36, %dma_start3A_59] : memref<10240x128xf32, #tpu.memory_space<vmem_shared>> -> memref<100x128xf32, #tpu.memory_space<vmem_shared>>
      %dma_start3A_61 = arith.constant 0 : i32
      %dma_start3A_62 = tpu.memref_slice %arg5[%add3A_36, %dma_start3A_61] : memref<10240x128xf32, #tpu.memory_space<vmem_shared>> -> memref<100x128xf32, #tpu.memory_space<vmem_shared>>
      tpu.enqueue_dma source(%arg9 : memref<100x128xf32, #tpu.memory_space<vmem>>) target(%dma_start3A_62 : memref<100x128xf32, #tpu.memory_space<vmem_shared>>) target_semaphore(%run_scoped3A_58 : memref<!tpu.dma_semaphore, #tpu.memory_space<semaphore_mem>>)
      %dma_wait3A_63 = arith.constant 0 : i32
      %dma_wait3A_64 = tpu.memref_slice %arg5[%add3A_36, %dma_wait3A_63] : memref<10240x128xf32, #tpu.memory_space<vmem_shared>> -> memref<100x128xf32, #tpu.memory_space<vmem_shared>>
      %dma_wait3A_65 = arith.constant 0 : i32
      %dma_wait3A_66 = tpu.memref_slice %arg5[%add3A_36, %dma_wait3A_65] : memref<10240x128xf32, #tpu.memory_space<vmem_shared>> -> memref<100x128xf32, #tpu.memory_space<vmem_shared>>
      tpu.wait_dma2 semaphore(%run_scoped3A_58 : memref<!tpu.dma_semaphore, #tpu.memory_space<semaphore_mem>>) src(%arg9 : memref<100x128xf32, #tpu.memory_space<vmem>>) dst(%dma_wait3A_66 : memref<100x128xf32, #tpu.memory_space<vmem_shared>>)
      tpu.yield
    }) : () -> ()
    %mul3A_37 = arith.constant 640 : i32
    %mul3A_38 = arith.muli %arg1, %mul3A_37 : i32
    %add3A_39 = arith.constant 600 : i32
    %add3A_40 = arith.addi %mul3A_38, %add3A_39 : i32
    "tpu.region"() ({
      %run_scoped3A_58 = tpu.sem_alloc : memref<!tpu.dma_semaphore, #tpu.memory_space<semaphore_mem>>
      %dma_start3A_59 = arith.constant 0 : i32
      %dma_start3A_60 = arith.constant 0 : i32
      %dma_start3A_61 = tpu.memref_slice %arg9[%dma_start3A_59, %dma_start3A_60] : memref<100x128xf32, #tpu.memory_space<vmem>> -> memref<40x128xf32, #tpu.memory_space<vmem>>
      %dma_start3A_62 = arith.constant 0 : i32
      %dma_start3A_63 = tpu.memref_slice %arg5[%add3A_40, %dma_start3A_62] : memref<10240x128xf32, #tpu.memory_space<vmem_shared>> -> memref<40x128xf32, #tpu.memory_space<vmem_shared>>
      %dma_start3A_64 = arith.constant 0 : i32
      %dma_start3A_65 = tpu.memref_slice %arg5[%add3A_40, %dma_start3A_64] : memref<10240x128xf32, #tpu.memory_space<vmem_shared>> -> memref<40x128xf32, #tpu.memory_space<vmem_shared>>
      %dma_start3A_66 = arith.constant 0 : i32
      %dma_start3A_67 = arith.constant 0 : i32
      %dma_start3A_68 = tpu.memref_slice %arg9[%dma_start3A_66, %dma_start3A_67] : memref<100x128xf32, #tpu.memory_space<vmem>> -> memref<40x128xf32, #tpu.memory_space<vmem>>
      tpu.enqueue_dma source(%dma_start3A_68 : memref<40x128xf32, #tpu.memory_space<vmem>>) target(%dma_start3A_65 : memref<40x128xf32, #tpu.memory_space<vmem_shared>>) target_semaphore(%run_scoped3A_58 : memref<!tpu.dma_semaphore, #tpu.memory_space<semaphore_mem>>)
      %dma_wait3A_69 = arith.constant 0 : i32
      %dma_wait3A_70 = arith.constant 0 : i32
      %dma_wait3A_71 = tpu.memref_slice %arg9[%dma_wait3A_69, %dma_wait3A_70] : memref<100x128xf32, #tpu.memory_space<vmem>> -> memref<40x128xf32, #tpu.memory_space<vmem>>
      %dma_wait3A_72 = arith.constant 0 : i32
      %dma_wait3A_73 = tpu.memref_slice %arg5[%add3A_40, %dma_wait3A_72] : memref<10240x128xf32, #tpu.memory_space<vmem_shared>> -> memref<40x128xf32, #tpu.memory_space<vmem_shared>>
      %dma_wait3A_74 = arith.constant 0 : i32
      %dma_wait3A_75 = tpu.memref_slice %arg5[%add3A_40, %dma_wait3A_74] : memref<10240x128xf32, #tpu.memory_space<vmem_shared>> -> memref<40x128xf32, #tpu.memory_space<vmem_shared>>
      %dma_wait3A_76 = arith.constant 0 : i32
      %dma_wait3A_77 = arith.constant 0 : i32
      %dma_wait3A_78 = tpu.memref_slice %arg9[%dma_wait3A_76, %dma_wait3A_77] : memref<100x128xf32, #tpu.memory_space<vmem>> -> memref<40x128xf32, #tpu.memory_space<vmem>>
      tpu.wait_dma2 semaphore(%run_scoped3A_58 : memref<!tpu.dma_semaphore, #tpu.memory_space<semaphore_mem>>) src(%dma_wait3A_78 : memref<40x128xf32, #tpu.memory_space<vmem>>) dst(%dma_wait3A_75 : memref<40x128xf32, #tpu.memory_space<vmem_shared>>)
      tpu.yield
    }) : () -> ()
    %barrier3A = arith.constant 0 : index
    tpu.barrier barrier_id(%barrier3A)
    "tpu.trace_stop"() : () -> ()
    "tpu.trace_start"() <{level = 10 : i32, message = "agg_loop"}> : () -> ()
    %scan3A_41 = arith.constant 0 : i32
    %scan3A_42 = arith.constant 0 : i32
    %scan3A_43 = arith.constant 50 : i32
    %scan3A_44 = arith.addi %scan3A_42, %scan3A_43 : i32
    %scan3A_45 = arith.constant 1 : i32
    scf.for %scan3A_58 = %scan3A_42 to %scan3A_44 step %scan3A_45  : i32 {
      %mul3A_59 = arith.constant 2 : i32
      %mul3A_60 = arith.muli %mul3A_59, %scan3A_58 : i32
      %add3A_61 = arith.constant 1 : i32
      %add3A_62 = arith.addi %mul3A_60, %add3A_61 : i32
      %rem3A = arith.constant 100 : i32
      %rem3A_63 = arith.remsi %add3A_62, %rem3A : i32
      "tpu.region"() ({
        %run_scoped3A_102 = tpu.sem_alloc : memref<!tpu.dma_semaphore, #tpu.memory_space<semaphore_mem>>
        %dma_start3A_103 = arith.constant 0 : i32
        %dma_start3A_104 = arith.constant 0 : i32
        %dma_start3A_105 = tpu.memref_slice %arg3[%add3A, %rem3A_63, %dma_start3A_103, %dma_start3A_104] : memref<32x100x2x100xi32, #tpu.memory_space<hbm>> -> memref<1x1x2x100xi32, #tpu.memory_space<hbm>>
        %dma_start3A_106 = tpu.memref_squeeze %dma_start3A_105 : memref<1x1x2x100xi32, #tpu.memory_space<hbm>> -> memref<2x100xi32, #tpu.memory_space<hbm>>
        %dma_start3A_107 = arith.constant 0 : i32
        %dma_start3A_108 = arith.constant 0 : i32
        %dma_start3A_109 = tpu.memref_slice %arg3[%add3A, %rem3A_63, %dma_start3A_107, %dma_start3A_108] : memref<32x100x2x100xi32, #tpu.memory_space<hbm>> -> memref<1x1x2x100xi32, #tpu.memory_space<hbm>>
        %dma_start3A_110 = tpu.memref_squeeze %dma_start3A_109 : memref<1x1x2x100xi32, #tpu.memory_space<hbm>> -> memref<2x100xi32, #tpu.memory_space<hbm>>
        tpu.enqueue_dma source(%dma_start3A_110 : memref<2x100xi32, #tpu.memory_space<hbm>>) target(%arg7 : memref<2x100xi32, #tpu.memory_space<vmem>>) target_semaphore(%run_scoped3A_102 : memref<!tpu.dma_semaphore, #tpu.memory_space<semaphore_mem>>)
        %dma_wait3A_111 = arith.constant 0 : i32
        %dma_wait3A_112 = arith.constant 0 : i32
        %dma_wait3A_113 = tpu.memref_slice %arg3[%add3A, %rem3A_63, %dma_wait3A_111, %dma_wait3A_112] : memref<32x100x2x100xi32, #tpu.memory_space<hbm>> -> memref<1x1x2x100xi32, #tpu.memory_space<hbm>>
        %dma_wait3A_114 = tpu.memref_squeeze %dma_wait3A_113 : memref<1x1x2x100xi32, #tpu.memory_space<hbm>> -> memref<2x100xi32, #tpu.memory_space<hbm>>
        %dma_wait3A_115 = arith.constant 0 : i32
        %dma_wait3A_116 = arith.constant 0 : i32
        %dma_wait3A_117 = tpu.memref_slice %arg3[%add3A, %rem3A_63, %dma_wait3A_115, %dma_wait3A_116] : memref<32x100x2x100xi32, #tpu.memory_space<hbm>> -> memref<1x1x2x100xi32, #tpu.memory_space<hbm>>
        %dma_wait3A_118 = tpu.memref_squeeze %dma_wait3A_117 : memref<1x1x2x100xi32, #tpu.memory_space<hbm>> -> memref<2x100xi32, #tpu.memory_space<hbm>>
        tpu.wait_dma2 semaphore(%run_scoped3A_102 : memref<!tpu.dma_semaphore, #tpu.memory_space<semaphore_mem>>) src(%dma_wait3A_118 : memref<2x100xi32, #tpu.memory_space<hbm>>) dst(%arg7 : memref<2x100xi32, #tpu.memory_space<vmem>>)
        tpu.yield
      }) : () -> ()
      %dma_wait3A_64 = arith.constant 0 : i32
      %dma_wait3A_65 = arith.constant 0 : i32
      %dma_wait3A_66 = tpu.memref_slice %arg6[%dma_wait3A_64, %dma_wait3A_65] : memref<2x100xi32, #tpu.memory_space<vmem>> -> memref<1x100xi32, #tpu.memory_space<vmem>>
      %dma_wait3A_67 = tpu.memref_squeeze %dma_wait3A_66 : memref<1x100xi32, #tpu.memory_space<vmem>> -> memref<100xi32, #tpu.memory_space<vmem>>
      %dma_wait3A_68 = arith.constant 0 : i32
      %dma_wait3A_69 = arith.constant 0 : i32
      %dma_wait3A_70 = tpu.memref_slice %arg2[%dma_wait3A_68, %dma_wait3A_69] : memref<10000x128xf32, #tpu.memory_space<hbm>> -> memref<10000x128xf32, #tpu.memory_space<hbm>>
      tpu.wait_indirect_dma semaphore(%arg10 : memref<!tpu.dma_semaphore, #tpu.memory_space<semaphore_mem>>) src(%dma_wait3A_70 : memref<10000x128xf32, #tpu.memory_space<hbm>>) dst(%arg8 : memref<100x128xf32, #tpu.memory_space<vmem>>)
      %dma_start3A_71 = arith.constant 0 : i32
      %dma_start3A_72 = arith.constant 0 : i32
      %dma_start3A_73 = tpu.memref_slice %arg7[%dma_start3A_71, %dma_start3A_72] : memref<2x100xi32, #tpu.memory_space<vmem>> -> memref<1x100xi32, #tpu.memory_space<vmem>>
      %dma_start3A_74 = tpu.memref_squeeze %dma_start3A_73 : memref<1x100xi32, #tpu.memory_space<vmem>> -> memref<100xi32, #tpu.memory_space<vmem>>
      %dma_start3A_75 = arith.constant 0 : i32
      %dma_start3A_76 = arith.constant 0 : i32
      %dma_start3A_77 = tpu.memref_slice %arg2[%dma_start3A_75, %dma_start3A_76] : memref<10000x128xf32, #tpu.memory_space<hbm>> -> memref<10000x128xf32, #tpu.memory_space<hbm>>
      tpu.enqueue_indirect_dma source(%dma_start3A_77 : memref<10000x128xf32, #tpu.memory_space<hbm>>) target(%arg9 : memref<100x128xf32, #tpu.memory_space<vmem>>) offsets(%dma_start3A_74 : memref<100xi32, #tpu.memory_space<vmem>>) semaphore(%arg11 : memref<!tpu.dma_semaphore, #tpu.memory_space<semaphore_mem>>)
      %run_scoped3A_78 = arith.constant 1 : i32
      "tpu.region"() ({
        %run_scoped3A_102 = tpu.sem_alloc : memref<!tpu.dma_semaphore, #tpu.memory_space<semaphore_mem>>
        %dma_start3A_103 = arith.constant 0 : i32
        %dma_start3A_104 = tpu.memref_slice %arg6[%run_scoped3A_78, %dma_start3A_103] : memref<2x100xi32, #tpu.memory_space<vmem>> -> memref<1x100xi32, #tpu.memory_space<vmem>>
        %dma_start3A_105 = tpu.memref_squeeze %dma_start3A_104 : memref<1x100xi32, #tpu.memory_space<vmem>> -> memref<100xi32, #tpu.memory_space<vmem>>
        %dma_start3A_106 = arith.constant 0 : i32
        %dma_start3A_107 = arith.constant 0 : i32
        %dma_start3A_108 = tpu.memref_slice %arg5[%dma_start3A_106, %dma_start3A_107] : memref<10240x128xf32, #tpu.memory_space<vmem_shared>> -> memref<10240x128xf32, #tpu.memory_space<vmem_shared>>
        tpu.enqueue_indirect_dma source(%arg8 : memref<100x128xf32, #tpu.memory_space<vmem>>) target(%dma_start3A_108 : memref<10240x128xf32, #tpu.memory_space<vmem_shared>>) offsets(%dma_start3A_105 : memref<100xi32, #tpu.memory_space<vmem>>) semaphore(%run_scoped3A_102 : memref<!tpu.dma_semaphore, #tpu.memory_space<semaphore_mem>>) {add = true}
        %dma_wait3A_109 = arith.constant 0 : i32
        %dma_wait3A_110 = tpu.memref_slice %arg6[%run_scoped3A_78, %dma_wait3A_109] : memref<2x100xi32, #tpu.memory_space<vmem>> -> memref<1x100xi32, #tpu.memory_space<vmem>>
        %dma_wait3A_111 = tpu.memref_squeeze %dma_wait3A_110 : memref<1x100xi32, #tpu.memory_space<vmem>> -> memref<100xi32, #tpu.memory_space<vmem>>
        %dma_wait3A_112 = arith.constant 0 : i32
        %dma_wait3A_113 = arith.constant 0 : i32
        %dma_wait3A_114 = tpu.memref_slice %arg5[%dma_wait3A_112, %dma_wait3A_113] : memref<10240x128xf32, #tpu.memory_space<vmem_shared>> -> memref<10240x128xf32, #tpu.memory_space<vmem_shared>>
        tpu.wait_indirect_dma semaphore(%run_scoped3A_102 : memref<!tpu.dma_semaphore, #tpu.memory_space<semaphore_mem>>) src(%arg8 : memref<100x128xf32, #tpu.memory_space<vmem>>) dst(%dma_wait3A_114 : memref<10240x128xf32, #tpu.memory_space<vmem_shared>>)
        tpu.yield
      }) : () -> ()
      %mul3A_79 = arith.constant 2 : i32
      %mul3A_80 = arith.muli %mul3A_79, %scan3A_58 : i32
      %add3A_81 = arith.constant 1 : i32
      %add3A_82 = arith.addi %mul3A_80, %add3A_81 : i32
      %add3A_83 = arith.constant 1 : i32
      %add3A_84 = arith.addi %add3A_82, %add3A_83 : i32
      %rem3A_85 = arith.constant 100 : i32
      %rem3A_86 = arith.remsi %add3A_84, %rem3A_85 : i32
      "tpu.region"() ({
        %run_scoped3A_102 = tpu.sem_alloc : memref<!tpu.dma_semaphore, #tpu.memory_space<semaphore_mem>>
        %dma_start3A_103 = arith.constant 0 : i32
        %dma_start3A_104 = arith.constant 0 : i32
        %dma_start3A_105 = tpu.memref_slice %arg3[%add3A, %rem3A_86, %dma_start3A_103, %dma_start3A_104] : memref<32x100x2x100xi32, #tpu.memory_space<hbm>> -> memref<1x1x2x100xi32, #tpu.memory_space<hbm>>
        %dma_start3A_106 = tpu.memref_squeeze %dma_start3A_105 : memref<1x1x2x100xi32, #tpu.memory_space<hbm>> -> memref<2x100xi32, #tpu.memory_space<hbm>>
        %dma_start3A_107 = arith.constant 0 : i32
        %dma_start3A_108 = arith.constant 0 : i32
        %dma_start3A_109 = tpu.memref_slice %arg3[%add3A, %rem3A_86, %dma_start3A_107, %dma_start3A_108] : memref<32x100x2x100xi32, #tpu.memory_space<hbm>> -> memref<1x1x2x100xi32, #tpu.memory_space<hbm>>
        %dma_start3A_110 = tpu.memref_squeeze %dma_start3A_109 : memref<1x1x2x100xi32, #tpu.memory_space<hbm>> -> memref<2x100xi32, #tpu.memory_space<hbm>>
        tpu.enqueue_dma source(%dma_start3A_110 : memref<2x100xi32, #tpu.memory_space<hbm>>) target(%arg6 : memref<2x100xi32, #tpu.memory_space<vmem>>) target_semaphore(%run_scoped3A_102 : memref<!tpu.dma_semaphore, #tpu.memory_space<semaphore_mem>>)
        %dma_wait3A_111 = arith.constant 0 : i32
        %dma_wait3A_112 = arith.constant 0 : i32
        %dma_wait3A_113 = tpu.memref_slice %arg3[%add3A, %rem3A_86, %dma_wait3A_111, %dma_wait3A_112] : memref<32x100x2x100xi32, #tpu.memory_space<hbm>> -> memref<1x1x2x100xi32, #tpu.memory_space<hbm>>
        %dma_wait3A_114 = tpu.memref_squeeze %dma_wait3A_113 : memref<1x1x2x100xi32, #tpu.memory_space<hbm>> -> memref<2x100xi32, #tpu.memory_space<hbm>>
        %dma_wait3A_115 = arith.constant 0 : i32
        %dma_wait3A_116 = arith.constant 0 : i32
        %dma_wait3A_117 = tpu.memref_slice %arg3[%add3A, %rem3A_86, %dma_wait3A_115, %dma_wait3A_116] : memref<32x100x2x100xi32, #tpu.memory_space<hbm>> -> memref<1x1x2x100xi32, #tpu.memory_space<hbm>>
        %dma_wait3A_118 = tpu.memref_squeeze %dma_wait3A_117 : memref<1x1x2x100xi32, #tpu.memory_space<hbm>> -> memref<2x100xi32, #tpu.memory_space<hbm>>
        tpu.wait_dma2 semaphore(%run_scoped3A_102 : memref<!tpu.dma_semaphore, #tpu.memory_space<semaphore_mem>>) src(%dma_wait3A_118 : memref<2x100xi32, #tpu.memory_space<hbm>>) dst(%arg6 : memref<2x100xi32, #tpu.memory_space<vmem>>)
        tpu.yield
      }) : () -> ()
      %dma_wait3A_87 = arith.constant 0 : i32
      %dma_wait3A_88 = arith.constant 0 : i32
      %dma_wait3A_89 = tpu.memref_slice %arg7[%dma_wait3A_87, %dma_wait3A_88] : memref<2x100xi32, #tpu.memory_space<vmem>> -> memref<1x100xi32, #tpu.memory_space<vmem>>
      %dma_wait3A_90 = tpu.memref_squeeze %dma_wait3A_89 : memref<1x100xi32, #tpu.memory_space<vmem>> -> memref<100xi32, #tpu.memory_space<vmem>>
      %dma_wait3A_91 = arith.constant 0 : i32
      %dma_wait3A_92 = arith.constant 0 : i32
      %dma_wait3A_93 = tpu.memref_slice %arg2[%dma_wait3A_91, %dma_wait3A_92] : memref<10000x128xf32, #tpu.memory_space<hbm>> -> memref<10000x128xf32, #tpu.memory_space<hbm>>
      tpu.wait_indirect_dma semaphore(%arg11 : memref<!tpu.dma_semaphore, #tpu.memory_space<semaphore_mem>>) src(%dma_wait3A_93 : memref<10000x128xf32, #tpu.memory_space<hbm>>) dst(%arg9 : memref<100x128xf32, #tpu.memory_space<vmem>>)
      %dma_start3A_94 = arith.constant 0 : i32
      %dma_start3A_95 = arith.constant 0 : i32
      %dma_start3A_96 = tpu.memref_slice %arg6[%dma_start3A_94, %dma_start3A_95] : memref<2x100xi32, #tpu.memory_space<vmem>> -> memref<1x100xi32, #tpu.memory_space<vmem>>
      %dma_start3A_97 = tpu.memref_squeeze %dma_start3A_96 : memref<1x100xi32, #tpu.memory_space<vmem>> -> memref<100xi32, #tpu.memory_space<vmem>>
      %dma_start3A_98 = arith.constant 0 : i32
      %dma_start3A_99 = arith.constant 0 : i32
      %dma_start3A_100 = tpu.memref_slice %arg2[%dma_start3A_98, %dma_start3A_99] : memref<10000x128xf32, #tpu.memory_space<hbm>> -> memref<10000x128xf32, #tpu.memory_space<hbm>>
      tpu.enqueue_indirect_dma source(%dma_start3A_100 : memref<10000x128xf32, #tpu.memory_space<hbm>>) target(%arg8 : memref<100x128xf32, #tpu.memory_space<vmem>>) offsets(%dma_start3A_97 : memref<100xi32, #tpu.memory_space<vmem>>) semaphore(%arg10 : memref<!tpu.dma_semaphore, #tpu.memory_space<semaphore_mem>>)
      %run_scoped3A_101 = arith.constant 1 : i32
      "tpu.region"() ({
        %run_scoped3A_102 = tpu.sem_alloc : memref<!tpu.dma_semaphore, #tpu.memory_space<semaphore_mem>>
        %dma_start3A_103 = arith.constant 0 : i32
        %dma_start3A_104 = tpu.memref_slice %arg7[%run_scoped3A_101, %dma_start3A_103] : memref<2x100xi32, #tpu.memory_space<vmem>> -> memref<1x100xi32, #tpu.memory_space<vmem>>
        %dma_start3A_105 = tpu.memref_squeeze %dma_start3A_104 : memref<1x100xi32, #tpu.memory_space<vmem>> -> memref<100xi32, #tpu.memory_space<vmem>>
        %dma_start3A_106 = arith.constant 0 : i32
        %dma_start3A_107 = arith.constant 0 : i32
        %dma_start3A_108 = tpu.memref_slice %arg5[%dma_start3A_106, %dma_start3A_107] : memref<10240x128xf32, #tpu.memory_space<vmem_shared>> -> memref<10240x128xf32, #tpu.memory_space<vmem_shared>>
        tpu.enqueue_indirect_dma source(%arg9 : memref<100x128xf32, #tpu.memory_space<vmem>>) target(%dma_start3A_108 : memref<10240x128xf32, #tpu.memory_space<vmem_shared>>) offsets(%dma_start3A_105 : memref<100xi32, #tpu.memory_space<vmem>>) semaphore(%run_scoped3A_102 : memref<!tpu.dma_semaphore, #tpu.memory_space<semaphore_mem>>) {add = true}
        %dma_wait3A_109 = arith.constant 0 : i32
        %dma_wait3A_110 = tpu.memref_slice %arg7[%run_scoped3A_101, %dma_wait3A_109] : memref<2x100xi32, #tpu.memory_space<vmem>> -> memref<1x100xi32, #tpu.memory_space<vmem>>
        %dma_wait3A_111 = tpu.memref_squeeze %dma_wait3A_110 : memref<1x100xi32, #tpu.memory_space<vmem>> -> memref<100xi32, #tpu.memory_space<vmem>>
        %dma_wait3A_112 = arith.constant 0 : i32
        %dma_wait3A_113 = arith.constant 0 : i32
        %dma_wait3A_114 = tpu.memref_slice %arg5[%dma_wait3A_112, %dma_wait3A_113] : memref<10240x128xf32, #tpu.memory_space<vmem_shared>> -> memref<10240x128xf32, #tpu.memory_space<vmem_shared>>
        tpu.wait_indirect_dma semaphore(%run_scoped3A_102 : memref<!tpu.dma_semaphore, #tpu.memory_space<semaphore_mem>>) src(%arg9 : memref<100x128xf32, #tpu.memory_space<vmem>>) dst(%dma_wait3A_114 : memref<10240x128xf32, #tpu.memory_space<vmem_shared>>)
        tpu.yield
      }) : () -> ()
    }
    %scan3A_46 = arith.constant 50 : i32
    %dma_wait3A = arith.constant 0 : i32
    %dma_wait3A_47 = arith.constant 0 : i32
    %dma_wait3A_48 = tpu.memref_slice %arg6[%dma_wait3A, %dma_wait3A_47] : memref<2x100xi32, #tpu.memory_space<vmem>> -> memref<1x100xi32, #tpu.memory_space<vmem>>
    %dma_wait3A_49 = tpu.memref_squeeze %dma_wait3A_48 : memref<1x100xi32, #tpu.memory_space<vmem>> -> memref<100xi32, #tpu.memory_space<vmem>>
    %dma_wait3A_50 = arith.constant 0 : i32
    %dma_wait3A_51 = arith.constant 0 : i32
    %dma_wait3A_52 = tpu.memref_slice %arg2[%dma_wait3A_50, %dma_wait3A_51] : memref<10000x128xf32, #tpu.memory_space<hbm>> -> memref<10000x128xf32, #tpu.memory_space<hbm>>
    tpu.wait_indirect_dma semaphore(%arg10 : memref<!tpu.dma_semaphore, #tpu.memory_space<semaphore_mem>>) src(%dma_wait3A_52 : memref<10000x128xf32, #tpu.memory_space<hbm>>) dst(%arg8 : memref<100x128xf32, #tpu.memory_space<vmem>>)
    "tpu.trace_stop"() : () -> ()
    "tpu.trace_start"() <{level = 10 : i32, message = "agg_out"}> : () -> ()
    %barrier3A_53 = arith.constant 0 : index
    tpu.barrier barrier_id(%barrier3A_53)
    %mul3A_54 = arith.constant 640 : i32
    %mul3A_55 = arith.muli %arg1, %mul3A_54 : i32
    %mul3A_56 = arith.constant 640 : i32
    %mul3A_57 = arith.muli %arg1, %mul3A_56 : i32
    "tpu.region"() ({
      %run_scoped3A_58 = tpu.sem_alloc : memref<!tpu.dma_semaphore, #tpu.memory_space<semaphore_mem>>
      %dma_start3A_59 = arith.constant 0 : i32
      %dma_start3A_60 = tpu.memref_slice %arg4[%arg0, %mul3A_57, %dma_start3A_59] : memref<2x10240x128xf32, #tpu.memory_space<hbm>> -> memref<1x640x128xf32, #tpu.memory_space<hbm>>
      %dma_start3A_61 = tpu.memref_squeeze %dma_start3A_60 : memref<1x640x128xf32, #tpu.memory_space<hbm>> -> memref<640x128xf32, #tpu.memory_space<hbm>>
      %dma_start3A_62 = arith.constant 0 : i32
      %dma_start3A_63 = tpu.memref_slice %arg5[%mul3A_55, %dma_start3A_62] : memref<10240x128xf32, #tpu.memory_space<vmem_shared>> -> memref<640x128xf32, #tpu.memory_space<vmem_shared>>
      tpu.enqueue_dma source(%dma_start3A_63 : memref<640x128xf32, #tpu.memory_space<vmem_shared>>) target(%dma_start3A_61 : memref<640x128xf32, #tpu.memory_space<hbm>>) target_semaphore(%run_scoped3A_58 : memref<!tpu.dma_semaphore, #tpu.memory_space<semaphore_mem>>)
      %dma_wait3A_64 = arith.constant 0 : i32
      %dma_wait3A_65 = tpu.memref_slice %arg4[%arg0, %mul3A_57, %dma_wait3A_64] : memref<2x10240x128xf32, #tpu.memory_space<hbm>> -> memref<1x640x128xf32, #tpu.memory_space<hbm>>
      %dma_wait3A_66 = tpu.memref_squeeze %dma_wait3A_65 : memref<1x640x128xf32, #tpu.memory_space<hbm>> -> memref<640x128xf32, #tpu.memory_space<hbm>>
      %dma_wait3A_67 = arith.constant 0 : i32
      %dma_wait3A_68 = tpu.memref_slice %arg5[%mul3A_55, %dma_wait3A_67] : memref<10240x128xf32, #tpu.memory_space<vmem_shared>> -> memref<640x128xf32, #tpu.memory_space<vmem_shared>>
      tpu.wait_dma2 semaphore(%run_scoped3A_58 : memref<!tpu.dma_semaphore, #tpu.memory_space<semaphore_mem>>) src(%dma_wait3A_68 : memref<640x128xf32, #tpu.memory_space<vmem_shared>>) dst(%dma_wait3A_66 : memref<640x128xf32, #tpu.memory_space<hbm>>)
      tpu.yield
    }) : () -> ()
    "tpu.trace_stop"() : () -> ()
    return
  }
}

#map = affine_map<(d0, d1) -> (0, 0)>
#map1 = affine_map<(d0, d1) -> (0, 0, 0, 0)>
#map2 = affine_map<(d0, d1) -> (0, 0, 0)>
module attributes {stable_mosaic.version = 14 : i64} {
  func.func @body(%arg0: i32, %arg1: i32, %arg2: memref<10000x128xf32, #tpu.memory_space<hbm>>, %arg3: memref<32x100x2x100xi32, #tpu.memory_space<hbm>>, %arg4: memref<2x10240x128xf32, #tpu.memory_space<hbm>>, %arg5: memref<10240x128xf32, #tpu.memory_space<vmem_shared>>, %arg6: memref<2x100xi32, #tpu.memory_space<vmem>>, %arg7: memref<2x100xi32, #tpu.memory_space<vmem>>, %arg8: memref<100x128xf32, #tpu.memory_space<vmem>>, %arg9: memref<100x128xf32, #tpu.memory_space<vmem>>, %arg10: memref<!tpu.dma_semaphore, #tpu.memory_space<semaphore_mem>>, %arg11: memref<!tpu.dma_semaphore, #tpu.memory_space<semaphore_mem>>) attributes {dimension_semantics = [#tpu.dimension_semantics<core_parallel>, #tpu.dimension_semantics<subcore_parallel>], iteration_bounds = array<i64: 2, 16>, scalar_prefetch = 0 : i64, scratch_operands = 7 : i64, tpu.core_type = #tpu.core_type<sc_vector_subcore>, window_params = [{transform_indices = #map}, {transform_indices = #map1}, {transform_indices = #map2}]} {
    %mul3A = arith.constant 16 : i32
    %mul3A_0 = arith.muli %arg0, %mul3A : i32
    %add3A = arith.addi %mul3A_0, %arg1 : i32
    %run_scoped3A = arith.constant 0 : i32
    "tpu.trace_start"() <{level = 10 : i32, message = "agg_zero"}> : () -> ()
    "tpu.region"() ({
      %run_scoped3A_58 = tpu.sem_alloc : memref<!tpu.dma_semaphore, #tpu.memory_space<semaphore_mem>>
      %dma_start3A_59 = arith.constant 0 : i32
      %dma_start3A_60 = arith.constant 0 : i32
      %dma_start3A_61 = tpu.memref_slice %arg3[%add3A, %run_scoped3A, %dma_start3A_59, %dma_start3A_60] : memref<32x100x2x100xi32, #tpu.memory_space<hbm>> -> memref<1x1x2x100xi32, #tpu.memory_space<hbm>>
      %dma_start3A_62 = tpu.memref_squeeze %dma_start3A_61 : memref<1x1x2x100xi32, #tpu.memory_space<hbm>> -> memref<2x100xi32, #tpu.memory_space<hbm>>
      %dma_start3A_63 = arith.constant 0 : i32
      %dma_start3A_64 = arith.constant 0 : i32
      %dma_start3A_65 = tpu.memref_slice %arg3[%add3A, %run_scoped3A, %dma_start3A_63, %dma_start3A_64] : memref<32x100x2x100xi32, #tpu.memory_space<hbm>> -> memref<1x1x2x100xi32, #tpu.memory_space<hbm>>
      %dma_start3A_66 = tpu.memref_squeeze %dma_start3A_65 : memref<1x1x2x100xi32, #tpu.memory_space<hbm>> -> memref<2x100xi32, #tpu.memory_space<hbm>>
      tpu.enqueue_dma source(%dma_start3A_66 : memref<2x100xi32, #tpu.memory_space<hbm>>) target(%arg6 : memref<2x100xi32, #tpu.memory_space<vmem>>) target_semaphore(%run_scoped3A_58 : memref<!tpu.dma_semaphore, #tpu.memory_space<semaphore_mem>>)
      %dma_wait3A_67 = arith.constant 0 : i32
      %dma_wait3A_68 = arith.constant 0 : i32
      %dma_wait3A_69 = tpu.memref_slice %arg3[%add3A, %run_scoped3A, %dma_wait3A_67, %dma_wait3A_68] : memref<32x100x2x100xi32, #tpu.memory_space<hbm>> -> memref<1x1x2x100xi32, #tpu.memory_space<hbm>>
      %dma_wait3A_70 = tpu.memref_squeeze %dma_wait3A_69 : memref<1x1x2x100xi32, #tpu.memory_space<hbm>> -> memref<2x100xi32, #tpu.memory_space<hbm>>
      %dma_wait3A_71 = arith.constant 0 : i32
      %dma_wait3A_72 = arith.constant 0 : i32
      %dma_wait3A_73 = tpu.memref_slice %arg3[%add3A, %run_scoped3A, %dma_wait3A_71, %dma_wait3A_72] : memref<32x100x2x100xi32, #tpu.memory_space<hbm>> -> memref<1x1x2x100xi32, #tpu.memory_space<hbm>>
      %dma_wait3A_74 = tpu.memref_squeeze %dma_wait3A_73 : memref<1x1x2x100xi32, #tpu.memory_space<hbm>> -> memref<2x100xi32, #tpu.memory_space<hbm>>
      tpu.wait_dma2 semaphore(%run_scoped3A_58 : memref<!tpu.dma_semaphore, #tpu.memory_space<semaphore_mem>>) src(%dma_wait3A_74 : memref<2x100xi32, #tpu.memory_space<hbm>>) dst(%arg6 : memref<2x100xi32, #tpu.memory_space<vmem>>)
      tpu.yield
    }) : () -> ()
    %dma_start3A = arith.constant 0 : i32
    %dma_start3A_1 = arith.constant 0 : i32
    %dma_start3A_2 = tpu.memref_slice %arg6[%dma_start3A, %dma_start3A_1] : memref<2x100xi32, #tpu.memory_space<vmem>> -> memref<1x100xi32, #tpu.memory_space<vmem>>
    %dma_start3A_3 = tpu.memref_squeeze %dma_start3A_2 : memref<1x100xi32, #tpu.memory_space<vmem>> -> memref<100xi32, #tpu.memory_space<vmem>>
    %dma_start3A_4 = arith.constant 0 : i32
    %dma_start3A_5 = arith.constant 0 : i32
    %dma_start3A_6 = tpu.memref_slice %arg2[%dma_start3A_4, %dma_start3A_5] : memref<10000x128xf32, #tpu.memory_space<hbm>> -> memref<10000x128xf32, #tpu.memory_space<hbm>>
    tpu.enqueue_indirect_dma source(%dma_start3A_6 : memref<10000x128xf32, #tpu.memory_space<hbm>>) target(%arg8 : memref<100x128xf32, #tpu.memory_space<vmem>>) offsets(%dma_start3A_3 : memref<100xi32, #tpu.memory_space<vmem>>) semaphore(%arg10 : memref<!tpu.dma_semaphore, #tpu.memory_space<semaphore_mem>>)
    %broadcast_in_dim3A = arith.constant 0.000000e+00 : f32
    %broadcast_in_dim3A_7 = vector.broadcast %broadcast_in_dim3A : f32 to vector<16xf32>
    %scan3A = arith.constant 0 : i32
    %scan3A_8 = arith.constant 0 : i32
    %scan3A_9 = arith.constant 100 : i32
    %scan3A_10 = arith.addi %scan3A_8, %scan3A_9 : i32
    %scan3A_11 = arith.constant 1 : i32
    scf.for %scan3A_58 = %scan3A_8 to %scan3A_10 step %scan3A_11  : i32 {
      %swap3A = arith.index_cast %scan3A_58 : i32 to index
      %swap3A_59 = arith.constant 0 : index
      %swap3A_60 = tpu.vector_load %arg9[%swap3A, %swap3A_59] {strides = array<i32>} : memref<100x128xf32, #tpu.memory_space<vmem>>, vector<1x16xf32>,
      %swap3A_61 = vector.shape_cast %swap3A_60 : vector<1x16xf32> to vector<16xf32>
      %swap3A_62 = vector.shape_cast %broadcast_in_dim3A_7 : vector<16xf32> to vector<1x16xf32>
      tpu.vector_store %arg9[%swap3A, %swap3A_59], %swap3A_62 {strides = array<i32>} : memref<100x128xf32, #tpu.memory_space<vmem>>, vector<1x16xf32>,
      %swap3A_63 = arith.index_cast %scan3A_58 : i32 to index
      %swap3A_64 = arith.constant 16 : index
      %swap3A_65 = tpu.vector_load %arg9[%swap3A_63, %swap3A_64] {strides = array<i32>} : memref<100x128xf32, #tpu.memory_space<vmem>>, vector<1x16xf32>,
      %swap3A_66 = vector.shape_cast %swap3A_65 : vector<1x16xf32> to vector<16xf32>
      %swap3A_67 = vector.shape_cast %broadcast_in_dim3A_7 : vector<16xf32> to vector<1x16xf32>
      tpu.vector_store %arg9[%swap3A_63, %swap3A_64], %swap3A_67 {strides = array<i32>} : memref<100x128xf32, #tpu.memory_space<vmem>>, vector<1x16xf32>,
      %swap3A_68 = arith.index_cast %scan3A_58 : i32 to index
      %swap3A_69 = arith.constant 32 : index
      %swap3A_70 = tpu.vector_load %arg9[%swap3A_68, %swap3A_69] {strides = array<i32>} : memref<100x128xf32, #tpu.memory_space<vmem>>, vector<1x16xf32>,
      %swap3A_71 = vector.shape_cast %swap3A_70 : vector<1x16xf32> to vector<16xf32>
      %swap3A_72 = vector.shape_cast %broadcast_in_dim3A_7 : vector<16xf32> to vector<1x16xf32>
      tpu.vector_store %arg9[%swap3A_68, %swap3A_69], %swap3A_72 {strides = array<i32>} : memref<100x128xf32, #tpu.memory_space<vmem>>, vector<1x16xf32>,
      %swap3A_73 = arith.index_cast %scan3A_58 : i32 to index
      %swap3A_74 = arith.constant 48 : index
      %swap3A_75 = tpu.vector_load %arg9[%swap3A_73, %swap3A_74] {strides = array<i32>} : memref<100x128xf32, #tpu.memory_space<vmem>>, vector<1x16xf32>,
      %swap3A_76 = vector.shape_cast %swap3A_75 : vector<1x16xf32> to vector<16xf32>
      %swap3A_77 = vector.shape_cast %broadcast_in_dim3A_7 : vector<16xf32> to vector<1x16xf32>
      tpu.vector_store %arg9[%swap3A_73, %swap3A_74], %swap3A_77 {strides = array<i32>} : memref<100x128xf32, #tpu.memory_space<vmem>>, vector<1x16xf32>,
      %swap3A_78 = arith.index_cast %scan3A_58 : i32 to index
      %swap3A_79 = arith.constant 64 : index
      %swap3A_80 = tpu.vector_load %arg9[%swap3A_78, %swap3A_79] {strides = array<i32>} : memref<100x128xf32, #tpu.memory_space<vmem>>, vector<1x16xf32>,
      %swap3A_81 = vector.shape_cast %swap3A_80 : vector<1x16xf32> to vector<16xf32>
      %swap3A_82 = vector.shape_cast %broadcast_in_dim3A_7 : vector<16xf32> to vector<1x16xf32>
      tpu.vector_store %arg9[%swap3A_78, %swap3A_79], %swap3A_82 {strides = array<i32>} : memref<100x128xf32, #tpu.memory_space<vmem>>, vector<1x16xf32>,
      %swap3A_83 = arith.index_cast %scan3A_58 : i32 to index
      %swap3A_84 = arith.constant 80 : index
      %swap3A_85 = tpu.vector_load %arg9[%swap3A_83, %swap3A_84] {strides = array<i32>} : memref<100x128xf32, #tpu.memory_space<vmem>>, vector<1x16xf32>,
      %swap3A_86 = vector.shape_cast %swap3A_85 : vector<1x16xf32> to vector<16xf32>
      %swap3A_87 = vector.shape_cast %broadcast_in_dim3A_7 : vector<16xf32> to vector<1x16xf32>
      tpu.vector_store %arg9[%swap3A_83, %swap3A_84], %swap3A_87 {strides = array<i32>} : memref<100x128xf32, #tpu.memory_space<vmem>>, vector<1x16xf32>,
      %swap3A_88 = arith.index_cast %scan3A_58 : i32 to index
      %swap3A_89 = arith.constant 96 : index
      %swap3A_90 = tpu.vector_load %arg9[%swap3A_88, %swap3A_89] {strides = array<i32>} : memref<100x128xf32, #tpu.memory_space<vmem>>, vector<1x16xf32>,
      %swap3A_91 = vector.shape_cast %swap3A_90 : vector<1x16xf32> to vector<16xf32>
      %swap3A_92 = vector.shape_cast %broadcast_in_dim3A_7 : vector<16xf32> to vector<1x16xf32>
      tpu.vector_store %arg9[%swap3A_88, %swap3A_89], %swap3A_92 {strides = array<i32>} : memref<100x128xf32, #tpu.memory_space<vmem>>, vector<1x16xf32>,
      %swap3A_93 = arith.index_cast %scan3A_58 : i32 to index
      %swap3A_94 = arith.constant 112 : index
      %swap3A_95 = tpu.vector_load %arg9[%swap3A_93, %swap3A_94] {strides = array<i32>} : memref<100x128xf32, #tpu.memory_space<vmem>>, vector<1x16xf32>,
      %swap3A_96 = vector.shape_cast %swap3A_95 : vector<1x16xf32> to vector<16xf32>
      %swap3A_97 = vector.shape_cast %broadcast_in_dim3A_7 : vector<16xf32> to vector<1x16xf32>
      tpu.vector_store %arg9[%swap3A_93, %swap3A_94], %swap3A_97 {strides = array<i32>} : memref<100x128xf32, #tpu.memory_space<vmem>>, vector<1x16xf32>,
    }
    %scan3A_12 = arith.constant 100 : i32
    %mul3A_13 = arith.constant 640 : i32
    %mul3A_14 = arith.muli %arg1, %mul3A_13 : i32
    %add3A_15 = arith.constant 0 : i32
    %add3A_16 = arith.addi %mul3A_14, %add3A_15 : i32
    "tpu.region"() ({
      %run_scoped3A_58 = tpu.sem_alloc : memref<!tpu.dma_semaphore, #tpu.memory_space<semaphore_mem>>
      %dma_start3A_59 = arith.constant 0 : i32
      %dma_start3A_60 = tpu.memref_slice %arg5[%add3A_16, %dma_start3A_59] : memref<10240x128xf32, #tpu.memory_space<vmem_shared>> -> memref<100x128xf32, #tpu.memory_space<vmem_shared>>
      %dma_start3A_61 = arith.constant 0 : i32
      %dma_start3A_62 = tpu.memref_slice %arg5[%add3A_16, %dma_start3A_61] : memref<10240x128xf32, #tpu.memory_space<vmem_shared>> -> memref<100x128xf32, #tpu.memory_space<vmem_shared>>
      tpu.enqueue_dma source(%arg9 : memref<100x128xf32, #tpu.memory_space<vmem>>) target(%dma_start3A_62 : memref<100x128xf32, #tpu.memory_space<vmem_shared>>) target_semaphore(%run_scoped3A_58 : memref<!tpu.dma_semaphore, #tpu.memory_space<semaphore_mem>>)
      %dma_wait3A_63 = arith.constant 0 : i32
      %dma_wait3A_64 = tpu.memref_slice %arg5[%add3A_16, %dma_wait3A_63] : memref<10240x128xf32, #tpu.memory_space<vmem_shared>> -> memref<100x128xf32, #tpu.memory_space<vmem_shared>>
      %dma_wait3A_65 = arith.constant 0 : i32
      %dma_wait3A_66 = tpu.memref_slice %arg5[%add3A_16, %dma_wait3A_65] : memref<10240x128xf32, #tpu.memory_space<vmem_shared>> -> memref<100x128xf32, #tpu.memory_space<vmem_shared>>
      tpu.wait_dma2 semaphore(%run_scoped3A_58 : memref<!tpu.dma_semaphore, #tpu.memory_space<semaphore_mem>>) src(%arg9 : memref<100x128xf32, #tpu.memory_space<vmem>>) dst(%dma_wait3A_66 : memref<100x128xf32, #tpu.memory_space<vmem_shared>>)
      tpu.yield
    }) : () -> ()
    %mul3A_17 = arith.constant 640 : i32
    %mul3A_18 = arith.muli %arg1, %mul3A_17 : i32
    %add3A_19 = arith.constant 100 : i32
    %add3A_20 = arith.addi %mul3A_18, %add3A_19 : i32
    "tpu.region"() ({
      %run_scoped3A_58 = tpu.sem_alloc : memref<!tpu.dma_semaphore, #tpu.memory_space<semaphore_mem>>
      %dma_start3A_59 = arith.constant 0 : i32
      %dma_start3A_60 = tpu.memref_slice %arg5[%add3A_20, %dma_start3A_59] : memref<10240x128xf32, #tpu.memory_space<vmem_shared>> -> memref<100x128xf32, #tpu.memory_space<vmem_shared>>
      %dma_start3A_61 = arith.constant 0 : i32
      %dma_start3A_62 = tpu.memref_slice %arg5[%add3A_20, %dma_start3A_61] : memref<10240x128xf32, #tpu.memory_space<vmem_shared>> -> memref<100x128xf32, #tpu.memory_space<vmem_shared>>
      tpu.enqueue_dma source(%arg9 : memref<100x128xf32, #tpu.memory_space<vmem>>) target(%dma_start3A_62 : memref<100x128xf32, #tpu.memory_space<vmem_shared>>) target_semaphore(%run_scoped3A_58 : memref<!tpu.dma_semaphore, #tpu.memory_space<semaphore_mem>>)
      %dma_wait3A_63 = arith.constant 0 : i32
      %dma_wait3A_64 = tpu.memref_slice %arg5[%add3A_20, %dma_wait3A_63] : memref<10240x128xf32, #tpu.memory_space<vmem_shared>> -> memref<100x128xf32, #tpu.memory_space<vmem_shared>>
      %dma_wait3A_65 = arith.constant 0 : i32
      %dma_wait3A_66 = tpu.memref_slice %arg5[%add3A_20, %dma_wait3A_65] : memref<10240x128xf32, #tpu.memory_space<vmem_shared>> -> memref<100x128xf32, #tpu.memory_space<vmem_shared>>
      tpu.wait_dma2 semaphore(%run_scoped3A_58 : memref<!tpu.dma_semaphore, #tpu.memory_space<semaphore_mem>>) src(%arg9 : memref<100x128xf32, #tpu.memory_space<vmem>>) dst(%dma_wait3A_66 : memref<100x128xf32, #tpu.memory_space<vmem_shared>>)
      tpu.yield
    }) : () -> ()
    %mul3A_21 = arith.constant 640 : i32
    %mul3A_22 = arith.muli %arg1, %mul3A_21 : i32
    %add3A_23 = arith.constant 200 : i32
    %add3A_24 = arith.addi %mul3A_22, %add3A_23 : i32
    "tpu.region"() ({
      %run_scoped3A_58 = tpu.sem_alloc : memref<!tpu.dma_semaphore, #tpu.memory_space<semaphore_mem>>
      %dma_start3A_59 = arith.constant 0 : i32
      %dma_start3A_60 = tpu.memref_slice %arg5[%add3A_24, %dma_start3A_59] : memref<10240x128xf32, #tpu.memory_space<vmem_shared>> -> memref<100x128xf32, #tpu.memory_space<vmem_shared>>
      %dma_start3A_61 = arith.constant 0 : i32
      %dma_start3A_62 = tpu.memref_slice %arg5[%add3A_24, %dma_start3A_61] : memref<10240x128xf32, #tpu.memory_space<vmem_shared>> -> memref<100x128xf32, #tpu.memory_space<vmem_shared>>
      tpu.enqueue_dma source(%arg9 : memref<100x128xf32, #tpu.memory_space<vmem>>) target(%dma_start3A_62 : memref<100x128xf32, #tpu.memory_space<vmem_shared>>) target_semaphore(%run_scoped3A_58 : memref<!tpu.dma_semaphore, #tpu.memory_space<semaphore_mem>>)
      %dma_wait3A_63 = arith.constant 0 : i32
      %dma_wait3A_64 = tpu.memref_slice %arg5[%add3A_24, %dma_wait3A_63] : memref<10240x128xf32, #tpu.memory_space<vmem_shared>> -> memref<100x128xf32, #tpu.memory_space<vmem_shared>>
      %dma_wait3A_65 = arith.constant 0 : i32
      %dma_wait3A_66 = tpu.memref_slice %arg5[%add3A_24, %dma_wait3A_65] : memref<10240x128xf32, #tpu.memory_space<vmem_shared>> -> memref<100x128xf32, #tpu.memory_space<vmem_shared>>
      tpu.wait_dma2 semaphore(%run_scoped3A_58 : memref<!tpu.dma_semaphore, #tpu.memory_space<semaphore_mem>>) src(%arg9 : memref<100x128xf32, #tpu.memory_space<vmem>>) dst(%dma_wait3A_66 : memref<100x128xf32, #tpu.memory_space<vmem_shared>>)
      tpu.yield
    }) : () -> ()
    %mul3A_25 = arith.constant 640 : i32
    %mul3A_26 = arith.muli %arg1, %mul3A_25 : i32
    %add3A_27 = arith.constant 300 : i32
    %add3A_28 = arith.addi %mul3A_26, %add3A_27 : i32
    "tpu.region"() ({
      %run_scoped3A_58 = tpu.sem_alloc : memref<!tpu.dma_semaphore, #tpu.memory_space<semaphore_mem>>
      %dma_start3A_59 = arith.constant 0 : i32
      %dma_start3A_60 = tpu.memref_slice %arg5[%add3A_28, %dma_start3A_59] : memref<10240x128xf32, #tpu.memory_space<vmem_shared>> -> memref<100x128xf32, #tpu.memory_space<vmem_shared>>
      %dma_start3A_61 = arith.constant 0 : i32
      %dma_start3A_62 = tpu.memref_slice %arg5[%add3A_28, %dma_start3A_61] : memref<10240x128xf32, #tpu.memory_space<vmem_shared>> -> memref<100x128xf32, #tpu.memory_space<vmem_shared>>
      tpu.enqueue_dma source(%arg9 : memref<100x128xf32, #tpu.memory_space<vmem>>) target(%dma_start3A_62 : memref<100x128xf32, #tpu.memory_space<vmem_shared>>) target_semaphore(%run_scoped3A_58 : memref<!tpu.dma_semaphore, #tpu.memory_space<semaphore_mem>>)
      %dma_wait3A_63 = arith.constant 0 : i32
      %dma_wait3A_64 = tpu.memref_slice %arg5[%add3A_28, %dma_wait3A_63] : memref<10240x128xf32, #tpu.memory_space<vmem_shared>> -> memref<100x128xf32, #tpu.memory_space<vmem_shared>>
      %dma_wait3A_65 = arith.constant 0 : i32
      %dma_wait3A_66 = tpu.memref_slice %arg5[%add3A_28, %dma_wait3A_65] : memref<10240x128xf32, #tpu.memory_space<vmem_shared>> -> memref<100x128xf32, #tpu.memory_space<vmem_shared>>
      tpu.wait_dma2 semaphore(%run_scoped3A_58 : memref<!tpu.dma_semaphore, #tpu.memory_space<semaphore_mem>>) src(%arg9 : memref<100x128xf32, #tpu.memory_space<vmem>>) dst(%dma_wait3A_66 : memref<100x128xf32, #tpu.memory_space<vmem_shared>>)
      tpu.yield
    }) : () -> ()
    %mul3A_29 = arith.constant 640 : i32
    %mul3A_30 = arith.muli %arg1, %mul3A_29 : i32
    %add3A_31 = arith.constant 400 : i32
    %add3A_32 = arith.addi %mul3A_30, %add3A_31 : i32
    "tpu.region"() ({
      %run_scoped3A_58 = tpu.sem_alloc : memref<!tpu.dma_semaphore, #tpu.memory_space<semaphore_mem>>
      %dma_start3A_59 = arith.constant 0 : i32
      %dma_start3A_60 = tpu.memref_slice %arg5[%add3A_32, %dma_start3A_59] : memref<10240x128xf32, #tpu.memory_space<vmem_shared>> -> memref<100x128xf32, #tpu.memory_space<vmem_shared>>
      %dma_start3A_61 = arith.constant 0 : i32
      %dma_start3A_62 = tpu.memref_slice %arg5[%add3A_32, %dma_start3A_61] : memref<10240x128xf32, #tpu.memory_space<vmem_shared>> -> memref<100x128xf32, #tpu.memory_space<vmem_shared>>
      tpu.enqueue_dma source(%arg9 : memref<100x128xf32, #tpu.memory_space<vmem>>) target(%dma_start3A_62 : memref<100x128xf32, #tpu.memory_space<vmem_shared>>) target_semaphore(%run_scoped3A_58 : memref<!tpu.dma_semaphore, #tpu.memory_space<semaphore_mem>>)
      %dma_wait3A_63 = arith.constant 0 : i32
      %dma_wait3A_64 = tpu.memref_slice %arg5[%add3A_32, %dma_wait3A_63] : memref<10240x128xf32, #tpu.memory_space<vmem_shared>> -> memref<100x128xf32, #tpu.memory_space<vmem_shared>>
      %dma_wait3A_65 = arith.constant 0 : i32
      %dma_wait3A_66 = tpu.memref_slice %arg5[%add3A_32, %dma_wait3A_65] : memref<10240x128xf32, #tpu.memory_space<vmem_shared>> -> memref<100x128xf32, #tpu.memory_space<vmem_shared>>
      tpu.wait_dma2 semaphore(%run_scoped3A_58 : memref<!tpu.dma_semaphore, #tpu.memory_space<semaphore_mem>>) src(%arg9 : memref<100x128xf32, #tpu.memory_space<vmem>>) dst(%dma_wait3A_66 : memref<100x128xf32, #tpu.memory_space<vmem_shared>>)
      tpu.yield
    }) : () -> ()
    %mul3A_33 = arith.constant 640 : i32
    %mul3A_34 = arith.muli %arg1, %mul3A_33 : i32
    %add3A_35 = arith.constant 500 : i32
    %add3A_36 = arith.addi %mul3A_34, %add3A_35 : i32
    "tpu.region"() ({
      %run_scoped3A_58 = tpu.sem_alloc : memref<!tpu.dma_semaphore, #tpu.memory_space<semaphore_mem>>
      %dma_start3A_59 = arith.constant 0 : i32
      %dma_start3A_60 = tpu.memref_slice %arg5[%add3A_36, %dma_start3A_59] : memref<10240x128xf32, #tpu.memory_space<vmem_shared>> -> memref<100x128xf32, #tpu.memory_space<vmem_shared>>
      %dma_start3A_61 = arith.constant 0 : i32
      %dma_start3A_62 = tpu.memref_slice %arg5[%add3A_36, %dma_start3A_61] : memref<10240x128xf32, #tpu.memory_space<vmem_shared>> -> memref<100x128xf32, #tpu.memory_space<vmem_shared>>
      tpu.enqueue_dma source(%arg9 : memref<100x128xf32, #tpu.memory_space<vmem>>) target(%dma_start3A_62 : memref<100x128xf32, #tpu.memory_space<vmem_shared>>) target_semaphore(%run_scoped3A_58 : memref<!tpu.dma_semaphore, #tpu.memory_space<semaphore_mem>>)
      %dma_wait3A_63 = arith.constant 0 : i32
      %dma_wait3A_64 = tpu.memref_slice %arg5[%add3A_36, %dma_wait3A_63] : memref<10240x128xf32, #tpu.memory_space<vmem_shared>> -> memref<100x128xf32, #tpu.memory_space<vmem_shared>>
      %dma_wait3A_65 = arith.constant 0 : i32
      %dma_wait3A_66 = tpu.memref_slice %arg5[%add3A_36, %dma_wait3A_65] : memref<10240x128xf32, #tpu.memory_space<vmem_shared>> -> memref<100x128xf32, #tpu.memory_space<vmem_shared>>
      tpu.wait_dma2 semaphore(%run_scoped3A_58 : memref<!tpu.dma_semaphore, #tpu.memory_space<semaphore_mem>>) src(%arg9 : memref<100x128xf32, #tpu.memory_space<vmem>>) dst(%dma_wait3A_66 : memref<100x128xf32, #tpu.memory_space<vmem_shared>>)
      tpu.yield
    }) : () -> ()
    %mul3A_37 = arith.constant 640 : i32
    %mul3A_38 = arith.muli %arg1, %mul3A_37 : i32
    %add3A_39 = arith.constant 600 : i32
    %add3A_40 = arith.addi %mul3A_38, %add3A_39 : i32
    "tpu.region"() ({
      %run_scoped3A_58 = tpu.sem_alloc : memref<!tpu.dma_semaphore, #tpu.memory_space<semaphore_mem>>
      %dma_start3A_59 = arith.constant 0 : i32
      %dma_start3A_60 = arith.constant 0 : i32
      %dma_start3A_61 = tpu.memref_slice %arg9[%dma_start3A_59, %dma_start3A_60] : memref<100x128xf32, #tpu.memory_space<vmem>> -> memref<40x128xf32, #tpu.memory_space<vmem>>
      %dma_start3A_62 = arith.constant 0 : i32
      %dma_start3A_63 = tpu.memref_slice %arg5[%add3A_40, %dma_start3A_62] : memref<10240x128xf32, #tpu.memory_space<vmem_shared>> -> memref<40x128xf32, #tpu.memory_space<vmem_shared>>
      %dma_start3A_64 = arith.constant 0 : i32
      %dma_start3A_65 = tpu.memref_slice %arg5[%add3A_40, %dma_start3A_64] : memref<10240x128xf32, #tpu.memory_space<vmem_shared>> -> memref<40x128xf32, #tpu.memory_space<vmem_shared>>
      %dma_start3A_66 = arith.constant 0 : i32
      %dma_start3A_67 = arith.constant 0 : i32
      %dma_start3A_68 = tpu.memref_slice %arg9[%dma_start3A_66, %dma_start3A_67] : memref<100x128xf32, #tpu.memory_space<vmem>> -> memref<40x128xf32, #tpu.memory_space<vmem>>
      tpu.enqueue_dma source(%dma_start3A_68 : memref<40x128xf32, #tpu.memory_space<vmem>>) target(%dma_start3A_65 : memref<40x128xf32, #tpu.memory_space<vmem_shared>>) target_semaphore(%run_scoped3A_58 : memref<!tpu.dma_semaphore, #tpu.memory_space<semaphore_mem>>)
      %dma_wait3A_69 = arith.constant 0 : i32
      %dma_wait3A_70 = arith.constant 0 : i32
      %dma_wait3A_71 = tpu.memref_slice %arg9[%dma_wait3A_69, %dma_wait3A_70] : memref<100x128xf32, #tpu.memory_space<vmem>> -> memref<40x128xf32, #tpu.memory_space<vmem>>
      %dma_wait3A_72 = arith.constant 0 : i32
      %dma_wait3A_73 = tpu.memref_slice %arg5[%add3A_40, %dma_wait3A_72] : memref<10240x128xf32, #tpu.memory_space<vmem_shared>> -> memref<40x128xf32, #tpu.memory_space<vmem_shared>>
      %dma_wait3A_74 = arith.constant 0 : i32
      %dma_wait3A_75 = tpu.memref_slice %arg5[%add3A_40, %dma_wait3A_74] : memref<10240x128xf32, #tpu.memory_space<vmem_shared>> -> memref<40x128xf32, #tpu.memory_space<vmem_shared>>
      %dma_wait3A_76 = arith.constant 0 : i32
      %dma_wait3A_77 = arith.constant 0 : i32
      %dma_wait3A_78 = tpu.memref_slice %arg9[%dma_wait3A_76, %dma_wait3A_77] : memref<100x128xf32, #tpu.memory_space<vmem>> -> memref<40x128xf32, #tpu.memory_space<vmem>>
      tpu.wait_dma2 semaphore(%run_scoped3A_58 : memref<!tpu.dma_semaphore, #tpu.memory_space<semaphore_mem>>) src(%dma_wait3A_78 : memref<40x128xf32, #tpu.memory_space<vmem>>) dst(%dma_wait3A_75 : memref<40x128xf32, #tpu.memory_space<vmem_shared>>)
      tpu.yield
    }) : () -> ()
    %barrier3A = arith.constant 0 : index
    tpu.barrier barrier_id(%barrier3A)
    "tpu.trace_stop"() : () -> ()
    "tpu.trace_start"() <{level = 10 : i32, message = "agg_loop"}> : () -> ()
    %scan3A_41 = arith.constant 0 : i32
    %scan3A_42 = arith.constant 0 : i32
    %scan3A_43 = arith.constant 50 : i32
    %scan3A_44 = arith.addi %scan3A_42, %scan3A_43 : i32
    %scan3A_45 = arith.constant 1 : i32
    scf.for %scan3A_58 = %scan3A_42 to %scan3A_44 step %scan3A_45  : i32 {
      %mul3A_59 = arith.constant 2 : i32
      %mul3A_60 = arith.muli %mul3A_59, %scan3A_58 : i32
      %add3A_61 = arith.constant 1 : i32
      %add3A_62 = arith.addi %mul3A_60, %add3A_61 : i32
      %rem3A = arith.constant 100 : i32
      %rem3A_63 = arith.remsi %add3A_62, %rem3A : i32
      "tpu.region"() ({
        %run_scoped3A_102 = tpu.sem_alloc : memref<!tpu.dma_semaphore, #tpu.memory_space<semaphore_mem>>
        %dma_start3A_103 = arith.constant 0 : i32
        %dma_start3A_104 = arith.constant 0 : i32
        %dma_start3A_105 = tpu.memref_slice %arg3[%add3A, %rem3A_63, %dma_start3A_103, %dma_start3A_104] : memref<32x100x2x100xi32, #tpu.memory_space<hbm>> -> memref<1x1x2x100xi32, #tpu.memory_space<hbm>>
        %dma_start3A_106 = tpu.memref_squeeze %dma_start3A_105 : memref<1x1x2x100xi32, #tpu.memory_space<hbm>> -> memref<2x100xi32, #tpu.memory_space<hbm>>
        %dma_start3A_107 = arith.constant 0 : i32
        %dma_start3A_108 = arith.constant 0 : i32
        %dma_start3A_109 = tpu.memref_slice %arg3[%add3A, %rem3A_63, %dma_start3A_107, %dma_start3A_108] : memref<32x100x2x100xi32, #tpu.memory_space<hbm>> -> memref<1x1x2x100xi32, #tpu.memory_space<hbm>>
        %dma_start3A_110 = tpu.memref_squeeze %dma_start3A_109 : memref<1x1x2x100xi32, #tpu.memory_space<hbm>> -> memref<2x100xi32, #tpu.memory_space<hbm>>
        tpu.enqueue_dma source(%dma_start3A_110 : memref<2x100xi32, #tpu.memory_space<hbm>>) target(%arg7 : memref<2x100xi32, #tpu.memory_space<vmem>>) target_semaphore(%run_scoped3A_102 : memref<!tpu.dma_semaphore, #tpu.memory_space<semaphore_mem>>)
        %dma_wait3A_111 = arith.constant 0 : i32
        %dma_wait3A_112 = arith.constant 0 : i32
        %dma_wait3A_113 = tpu.memref_slice %arg3[%add3A, %rem3A_63, %dma_wait3A_111, %dma_wait3A_112] : memref<32x100x2x100xi32, #tpu.memory_space<hbm>> -> memref<1x1x2x100xi32, #tpu.memory_space<hbm>>
        %dma_wait3A_114 = tpu.memref_squeeze %dma_wait3A_113 : memref<1x1x2x100xi32, #tpu.memory_space<hbm>> -> memref<2x100xi32, #tpu.memory_space<hbm>>
        %dma_wait3A_115 = arith.constant 0 : i32
        %dma_wait3A_116 = arith.constant 0 : i32
        %dma_wait3A_117 = tpu.memref_slice %arg3[%add3A, %rem3A_63, %dma_wait3A_115, %dma_wait3A_116] : memref<32x100x2x100xi32, #tpu.memory_space<hbm>> -> memref<1x1x2x100xi32, #tpu.memory_space<hbm>>
        %dma_wait3A_118 = tpu.memref_squeeze %dma_wait3A_117 : memref<1x1x2x100xi32, #tpu.memory_space<hbm>> -> memref<2x100xi32, #tpu.memory_space<hbm>>
        tpu.wait_dma2 semaphore(%run_scoped3A_102 : memref<!tpu.dma_semaphore, #tpu.memory_space<semaphore_mem>>) src(%dma_wait3A_118 : memref<2x100xi32, #tpu.memory_space<hbm>>) dst(%arg7 : memref<2x100xi32, #tpu.memory_space<vmem>>)
        tpu.yield
      }) : () -> ()
      %dma_wait3A_64 = arith.constant 0 : i32
      %dma_wait3A_65 = arith.constant 0 : i32
      %dma_wait3A_66 = tpu.memref_slice %arg6[%dma_wait3A_64, %dma_wait3A_65] : memref<2x100xi32, #tpu.memory_space<vmem>> -> memref<1x100xi32, #tpu.memory_space<vmem>>
      %dma_wait3A_67 = tpu.memref_squeeze %dma_wait3A_66 : memref<1x100xi32, #tpu.memory_space<vmem>> -> memref<100xi32, #tpu.memory_space<vmem>>
      %dma_wait3A_68 = arith.constant 0 : i32
      %dma_wait3A_69 = arith.constant 0 : i32
      %dma_wait3A_70 = tpu.memref_slice %arg2[%dma_wait3A_68, %dma_wait3A_69] : memref<10000x128xf32, #tpu.memory_space<hbm>> -> memref<10000x128xf32, #tpu.memory_space<hbm>>
      tpu.wait_indirect_dma semaphore(%arg10 : memref<!tpu.dma_semaphore, #tpu.memory_space<semaphore_mem>>) src(%dma_wait3A_70 : memref<10000x128xf32, #tpu.memory_space<hbm>>) dst(%arg8 : memref<100x128xf32, #tpu.memory_space<vmem>>)
      %dma_start3A_71 = arith.constant 0 : i32
      %dma_start3A_72 = arith.constant 0 : i32
      %dma_start3A_73 = tpu.memref_slice %arg7[%dma_start3A_71, %dma_start3A_72] : memref<2x100xi32, #tpu.memory_space<vmem>> -> memref<1x100xi32, #tpu.memory_space<vmem>>
      %dma_start3A_74 = tpu.memref_squeeze %dma_start3A_73 : memref<1x100xi32, #tpu.memory_space<vmem>> -> memref<100xi32, #tpu.memory_space<vmem>>
      %dma_start3A_75 = arith.constant 0 : i32
      %dma_start3A_76 = arith.constant 0 : i32
      %dma_start3A_77 = tpu.memref_slice %arg2[%dma_start3A_75, %dma_start3A_76] : memref<10000x128xf32, #tpu.memory_space<hbm>> -> memref<10000x128xf32, #tpu.memory_space<hbm>>
      tpu.enqueue_indirect_dma source(%dma_start3A_77 : memref<10000x128xf32, #tpu.memory_space<hbm>>) target(%arg9 : memref<100x128xf32, #tpu.memory_space<vmem>>) offsets(%dma_start3A_74 : memref<100xi32, #tpu.memory_space<vmem>>) semaphore(%arg11 : memref<!tpu.dma_semaphore, #tpu.memory_space<semaphore_mem>>)
      %run_scoped3A_78 = arith.constant 1 : i32
      "tpu.region"() ({
        %run_scoped3A_102 = tpu.sem_alloc : memref<!tpu.dma_semaphore, #tpu.memory_space<semaphore_mem>>
        %dma_start3A_103 = arith.constant 0 : i32
        %dma_start3A_104 = tpu.memref_slice %arg6[%run_scoped3A_78, %dma_start3A_103] : memref<2x100xi32, #tpu.memory_space<vmem>> -> memref<1x100xi32, #tpu.memory_space<vmem>>
        %dma_start3A_105 = tpu.memref_squeeze %dma_start3A_104 : memref<1x100xi32, #tpu.memory_space<vmem>> -> memref<100xi32, #tpu.memory_space<vmem>>
        %dma_start3A_106 = arith.constant 0 : i32
        %dma_start3A_107 = arith.constant 0 : i32
        %dma_start3A_108 = tpu.memref_slice %arg5[%dma_start3A_106, %dma_start3A_107] : memref<10240x128xf32, #tpu.memory_space<vmem_shared>> -> memref<10240x128xf32, #tpu.memory_space<vmem_shared>>
        tpu.enqueue_indirect_dma source(%arg8 : memref<100x128xf32, #tpu.memory_space<vmem>>) target(%dma_start3A_108 : memref<10240x128xf32, #tpu.memory_space<vmem_shared>>) offsets(%dma_start3A_105 : memref<100xi32, #tpu.memory_space<vmem>>) semaphore(%run_scoped3A_102 : memref<!tpu.dma_semaphore, #tpu.memory_space<semaphore_mem>>) {add = true}
        %dma_wait3A_109 = arith.constant 0 : i32
        %dma_wait3A_110 = tpu.memref_slice %arg6[%run_scoped3A_78, %dma_wait3A_109] : memref<2x100xi32, #tpu.memory_space<vmem>> -> memref<1x100xi32, #tpu.memory_space<vmem>>
        %dma_wait3A_111 = tpu.memref_squeeze %dma_wait3A_110 : memref<1x100xi32, #tpu.memory_space<vmem>> -> memref<100xi32, #tpu.memory_space<vmem>>
        %dma_wait3A_112 = arith.constant 0 : i32
        %dma_wait3A_113 = arith.constant 0 : i32
        %dma_wait3A_114 = tpu.memref_slice %arg5[%dma_wait3A_112, %dma_wait3A_113] : memref<10240x128xf32, #tpu.memory_space<vmem_shared>> -> memref<10240x128xf32, #tpu.memory_space<vmem_shared>>
        tpu.wait_indirect_dma semaphore(%run_scoped3A_102 : memref<!tpu.dma_semaphore, #tpu.memory_space<semaphore_mem>>) src(%arg8 : memref<100x128xf32, #tpu.memory_space<vmem>>) dst(%dma_wait3A_114 : memref<10240x128xf32, #tpu.memory_space<vmem_shared>>)
        tpu.yield
      }) : () -> ()
      %mul3A_79 = arith.constant 2 : i32
      %mul3A_80 = arith.muli %mul3A_79, %scan3A_58 : i32
      %add3A_81 = arith.constant 1 : i32
      %add3A_82 = arith.addi %mul3A_80, %add3A_81 : i32
      %add3A_83 = arith.constant 1 : i32
      %add3A_84 = arith.addi %add3A_82, %add3A_83 : i32
      %rem3A_85 = arith.constant 100 : i32
      %rem3A_86 = arith.remsi %add3A_84, %rem3A_85 : i32
      "tpu.region"() ({
        %run_scoped3A_102 = tpu.sem_alloc : memref<!tpu.dma_semaphore, #tpu.memory_space<semaphore_mem>>
        %dma_start3A_103 = arith.constant 0 : i32
        %dma_start3A_104 = arith.constant 0 : i32
        %dma_start3A_105 = tpu.memref_slice %arg3[%add3A, %rem3A_86, %dma_start3A_103, %dma_start3A_104] : memref<32x100x2x100xi32, #tpu.memory_space<hbm>> -> memref<1x1x2x100xi32, #tpu.memory_space<hbm>>
        %dma_start3A_106 = tpu.memref_squeeze %dma_start3A_105 : memref<1x1x2x100xi32, #tpu.memory_space<hbm>> -> memref<2x100xi32, #tpu.memory_space<hbm>>
        %dma_start3A_107 = arith.constant 0 : i32
        %dma_start3A_108 = arith.constant 0 : i32
        %dma_start3A_109 = tpu.memref_slice %arg3[%add3A, %rem3A_86, %dma_start3A_107, %dma_start3A_108] : memref<32x100x2x100xi32, #tpu.memory_space<hbm>> -> memref<1x1x2x100xi32, #tpu.memory_space<hbm>>
        %dma_start3A_110 = tpu.memref_squeeze %dma_start3A_109 : memref<1x1x2x100xi32, #tpu.memory_space<hbm>> -> memref<2x100xi32, #tpu.memory_space<hbm>>
        tpu.enqueue_dma source(%dma_start3A_110 : memref<2x100xi32, #tpu.memory_space<hbm>>) target(%arg6 : memref<2x100xi32, #tpu.memory_space<vmem>>) target_semaphore(%run_scoped3A_102 : memref<!tpu.dma_semaphore, #tpu.memory_space<semaphore_mem>>)
        %dma_wait3A_111 = arith.constant 0 : i32
        %dma_wait3A_112 = arith.constant 0 : i32
        %dma_wait3A_113 = tpu.memref_slice %arg3[%add3A, %rem3A_86, %dma_wait3A_111, %dma_wait3A_112] : memref<32x100x2x100xi32, #tpu.memory_space<hbm>> -> memref<1x1x2x100xi32, #tpu.memory_space<hbm>>
        %dma_wait3A_114 = tpu.memref_squeeze %dma_wait3A_113 : memref<1x1x2x100xi32, #tpu.memory_space<hbm>> -> memref<2x100xi32, #tpu.memory_space<hbm>>
        %dma_wait3A_115 = arith.constant 0 : i32
        %dma_wait3A_116 = arith.constant 0 : i32
        %dma_wait3A_117 = tpu.memref_slice %arg3[%add3A, %rem3A_86, %dma_wait3A_115, %dma_wait3A_116] : memref<32x100x2x100xi32, #tpu.memory_space<hbm>> -> memref<1x1x2x100xi32, #tpu.memory_space<hbm>>
        %dma_wait3A_118 = tpu.memref_squeeze %dma_wait3A_117 : memref<1x1x2x100xi32, #tpu.memory_space<hbm>> -> memref<2x100xi32, #tpu.memory_space<hbm>>
        tpu.wait_dma2 semaphore(%run_scoped3A_102 : memref<!tpu.dma_semaphore, #tpu.memory_space<semaphore_mem>>) src(%dma_wait3A_118 : memref<2x100xi32, #tpu.memory_space<hbm>>) dst(%arg6 : memref<2x100xi32, #tpu.memory_space<vmem>>)
        tpu.yield
      }) : () -> ()
      %dma_wait3A_87 = arith.constant 0 : i32
      %dma_wait3A_88 = arith.constant 0 : i32
      %dma_wait3A_89 = tpu.memref_slice %arg7[%dma_wait3A_87, %dma_wait3A_88] : memref<2x100xi32, #tpu.memory_space<vmem>> -> memref<1x100xi32, #tpu.memory_space<vmem>>
      %dma_wait3A_90 = tpu.memref_squeeze %dma_wait3A_89 : memref<1x100xi32, #tpu.memory_space<vmem>> -> memref<100xi32, #tpu.memory_space<vmem>>
      %dma_wait3A_91 = arith.constant 0 : i32
      %dma_wait3A_92 = arith.constant 0 : i32
      %dma_wait3A_93 = tpu.memref_slice %arg2[%dma_wait3A_91, %dma_wait3A_92] : memref<10000x128xf32, #tpu.memory_space<hbm>> -> memref<10000x128xf32, #tpu.memory_space<hbm>>
      tpu.wait_indirect_dma semaphore(%arg11 : memref<!tpu.dma_semaphore, #tpu.memory_space<semaphore_mem>>) src(%dma_wait3A_93 : memref<10000x128xf32, #tpu.memory_space<hbm>>) dst(%arg9 : memref<100x128xf32, #tpu.memory_space<vmem>>)
      %dma_start3A_94 = arith.constant 0 : i32
      %dma_start3A_95 = arith.constant 0 : i32
      %dma_start3A_96 = tpu.memref_slice %arg6[%dma_start3A_94, %dma_start3A_95] : memref<2x100xi32, #tpu.memory_space<vmem>> -> memref<1x100xi32, #tpu.memory_space<vmem>>
      %dma_start3A_97 = tpu.memref_squeeze %dma_start3A_96 : memref<1x100xi32, #tpu.memory_space<vmem>> -> memref<100xi32, #tpu.memory_space<vmem>>
      %dma_start3A_98 = arith.constant 0 : i32
      %dma_start3A_99 = arith.constant 0 : i32
      %dma_start3A_100 = tpu.memref_slice %arg2[%dma_start3A_98, %dma_start3A_99] : memref<10000x128xf32, #tpu.memory_space<hbm>> -> memref<10000x128xf32, #tpu.memory_space<hbm>>
      tpu.enqueue_indirect_dma source(%dma_start3A_100 : memref<10000x128xf32, #tpu.memory_space<hbm>>) target(%arg8 : memref<100x128xf32, #tpu.memory_space<vmem>>) offsets(%dma_start3A_97 : memref<100xi32, #tpu.memory_space<vmem>>) semaphore(%arg10 : memref<!tpu.dma_semaphore, #tpu.memory_space<semaphore_mem>>)
      %run_scoped3A_101 = arith.constant 1 : i32
      "tpu.region"() ({
        %run_scoped3A_102 = tpu.sem_alloc : memref<!tpu.dma_semaphore, #tpu.memory_space<semaphore_mem>>
        %dma_start3A_103 = arith.constant 0 : i32
        %dma_start3A_104 = tpu.memref_slice %arg7[%run_scoped3A_101, %dma_start3A_103] : memref<2x100xi32, #tpu.memory_space<vmem>> -> memref<1x100xi32, #tpu.memory_space<vmem>>
        %dma_start3A_105 = tpu.memref_squeeze %dma_start3A_104 : memref<1x100xi32, #tpu.memory_space<vmem>> -> memref<100xi32, #tpu.memory_space<vmem>>
        %dma_start3A_106 = arith.constant 0 : i32
        %dma_start3A_107 = arith.constant 0 : i32
        %dma_start3A_108 = tpu.memref_slice %arg5[%dma_start3A_106, %dma_start3A_107] : memref<10240x128xf32, #tpu.memory_space<vmem_shared>> -> memref<10240x128xf32, #tpu.memory_space<vmem_shared>>
        tpu.enqueue_indirect_dma source(%arg9 : memref<100x128xf32, #tpu.memory_space<vmem>>) target(%dma_start3A_108 : memref<10240x128xf32, #tpu.memory_space<vmem_shared>>) offsets(%dma_start3A_105 : memref<100xi32, #tpu.memory_space<vmem>>) semaphore(%run_scoped3A_102 : memref<!tpu.dma_semaphore, #tpu.memory_space<semaphore_mem>>) {add = true}
        %dma_wait3A_109 = arith.constant 0 : i32
        %dma_wait3A_110 = tpu.memref_slice %arg7[%run_scoped3A_101, %dma_wait3A_109] : memref<2x100xi32, #tpu.memory_space<vmem>> -> memref<1x100xi32, #tpu.memory_space<vmem>>
        %dma_wait3A_111 = tpu.memref_squeeze %dma_wait3A_110 : memref<1x100xi32, #tpu.memory_space<vmem>> -> memref<100xi32, #tpu.memory_space<vmem>>
        %dma_wait3A_112 = arith.constant 0 : i32
        %dma_wait3A_113 = arith.constant 0 : i32
        %dma_wait3A_114 = tpu.memref_slice %arg5[%dma_wait3A_112, %dma_wait3A_113] : memref<10240x128xf32, #tpu.memory_space<vmem_shared>> -> memref<10240x128xf32, #tpu.memory_space<vmem_shared>>
        tpu.wait_indirect_dma semaphore(%run_scoped3A_102 : memref<!tpu.dma_semaphore, #tpu.memory_space<semaphore_mem>>) src(%arg9 : memref<100x128xf32, #tpu.memory_space<vmem>>) dst(%dma_wait3A_114 : memref<10240x128xf32, #tpu.memory_space<vmem_shared>>)
        tpu.yield
      }) : () -> ()
    }
    %scan3A_46 = arith.constant 50 : i32
    %dma_wait3A = arith.constant 0 : i32
    %dma_wait3A_47 = arith.constant 0 : i32
    %dma_wait3A_48 = tpu.memref_slice %arg6[%dma_wait3A, %dma_wait3A_47] : memref<2x100xi32, #tpu.memory_space<vmem>> -> memref<1x100xi32, #tpu.memory_space<vmem>>
    %dma_wait3A_49 = tpu.memref_squeeze %dma_wait3A_48 : memref<1x100xi32, #tpu.memory_space<vmem>> -> memref<100xi32, #tpu.memory_space<vmem>>
    %dma_wait3A_50 = arith.constant 0 : i32
    %dma_wait3A_51 = arith.constant 0 : i32
    %dma_wait3A_52 = tpu.memref_slice %arg2[%dma_wait3A_50, %dma_wait3A_51] : memref<10000x128xf32, #tpu.memory_space<hbm>> -> memref<10000x128xf32, #tpu.memory_space<hbm>>
    tpu.wait_indirect_dma semaphore(%arg10 : memref<!tpu.dma_semaphore, #tpu.memory_space<semaphore_mem>>) src(%dma_wait3A_52 : memref<10000x128xf32, #tpu.memory_space<hbm>>) dst(%arg8 : memref<100x128xf32, #tpu.memory_space<vmem>>)
    "tpu.trace_stop"() : () -> ()
    "tpu.trace_start"() <{level = 10 : i32, message = "agg_out"}> : () -> ()
    %barrier3A_53 = arith.constant 0 : index
    tpu.barrier barrier_id(%barrier3A_53)
    %mul3A_54 = arith.constant 640 : i32
    %mul3A_55 = arith.muli %arg1, %mul3A_54 : i32
    %mul3A_56 = arith.constant 640 : i32
    %mul3A_57 = arith.muli %arg1, %mul3A_56 : i32
    "tpu.region"() ({
      %run_scoped3A_58 = tpu.sem_alloc : memref<!tpu.dma_semaphore, #tpu.memory_space<semaphore_mem>>
      %dma_start3A_59 = arith.constant 0 : i32
      %dma_start3A_60 = tpu.memref_slice %arg4[%arg0, %mul3A_57, %dma_start3A_59] : memref<2x10240x128xf32, #tpu.memory_space<hbm>> -> memref<1x640x128xf32, #tpu.memory_space<hbm>>
      %dma_start3A_61 = tpu.memref_squeeze %dma_start3A_60 : memref<1x640x128xf32, #tpu.memory_space<hbm>> -> memref<640x128xf32, #tpu.memory_space<hbm>>
      %dma_start3A_62 = arith.constant 0 : i32
      %dma_start3A_63 = tpu.memref_slice %arg5[%mul3A_55, %dma_start3A_62] : memref<10240x128xf32, #tpu.memory_space<vmem_shared>> -> memref<640x128xf32, #tpu.memory_space<vmem_shared>>
      tpu.enqueue_dma source(%dma_start3A_63 : memref<640x128xf32, #tpu.memory_space<vmem_shared>>) target(%dma_start3A_61 : memref<640x128xf32, #tpu.memory_space<hbm>>) target_semaphore(%run_scoped3A_58 : memref<!tpu.dma_semaphore, #tpu.memory_space<semaphore_mem>>)
      %dma_wait3A_64 = arith.constant 0 : i32
      %dma_wait3A_65 = tpu.memref_slice %arg4[%arg0, %mul3A_57, %dma_wait3A_64] : memref<2x10240x128xf32, #tpu.memory_space<hbm>> -> memref<1x640x128xf32, #tpu.memory_space<hbm>>
      %dma_wait3A_66 = tpu.memref_squeeze %dma_wait3A_65 : memref<1x640x128xf32, #tpu.memory_space<hbm>> -> memref<640x128xf32, #tpu.memory_space<hbm>>
      %dma_wait3A_67 = arith.constant 0 : i32
      %dma_wait3A_68 = tpu.memref_slice %arg5[%mul3A_55, %dma_wait3A_67] : memref<10240x128xf32, #tpu.memory_space<vmem_shared>> -> memref<640x128xf32, #tpu.memory_space<vmem_shared>>
      tpu.wait_dma2 semaphore(%run_scoped3A_58 : memref<!tpu.dma_semaphore, #tpu.memory_space<semaphore_mem>>) src(%dma_wait3A_68 : memref<640x128xf32, #tpu.memory_space<vmem_shared>>) dst(%dma_wait3A_66 : memref<640x128xf32, #tpu.memory_space<hbm>>)
      tpu.yield
    }) : () -> ()
    "tpu.trace_stop"() : () -> ()
    return
  }
}

#map = affine_map<(d0, d1) -> (0, 0)>
#map1 = affine_map<(d0, d1) -> (0, 0, 0, 0)>
#map2 = affine_map<(d0, d1) -> (0, 0, 0)>
module attributes {stable_mosaic.version = 14 : i64} {
  func.func @body(%arg0: i32, %arg1: i32, %arg2: memref<10000x128xf32, #tpu.memory_space<hbm>>, %arg3: memref<32x100x2x100xi32, #tpu.memory_space<hbm>>, %arg4: memref<2x10240x128xf32, #tpu.memory_space<hbm>>, %arg5: memref<10240x128xf32, #tpu.memory_space<vmem_shared>>, %arg6: memref<2x100xi32, #tpu.memory_space<vmem>>, %arg7: memref<2x100xi32, #tpu.memory_space<vmem>>, %arg8: memref<100x128xf32, #tpu.memory_space<vmem>>, %arg9: memref<100x128xf32, #tpu.memory_space<vmem>>, %arg10: memref<!tpu.dma_semaphore, #tpu.memory_space<semaphore_mem>>, %arg11: memref<!tpu.dma_semaphore, #tpu.memory_space<semaphore_mem>>) attributes {dimension_semantics = [#tpu.dimension_semantics<core_parallel>, #tpu.dimension_semantics<subcore_parallel>], iteration_bounds = array<i64: 2, 16>, scalar_prefetch = 0 : i64, scratch_operands = 7 : i64, tpu.core_type = #tpu.core_type<sc_vector_subcore>, window_params = [{transform_indices = #map}, {transform_indices = #map1}, {transform_indices = #map2}]} {
    %mul3A = arith.constant 16 : i32
    %mul3A_0 = arith.muli %arg0, %mul3A : i32
    %add3A = arith.addi %mul3A_0, %arg1 : i32
    %run_scoped3A = arith.constant 0 : i32
    "tpu.trace_start"() <{level = 10 : i32, message = "agg_zero"}> : () -> ()
    "tpu.region"() ({
      %run_scoped3A_58 = tpu.sem_alloc : memref<!tpu.dma_semaphore, #tpu.memory_space<semaphore_mem>>
      %dma_start3A_59 = arith.constant 0 : i32
      %dma_start3A_60 = arith.constant 0 : i32
      %dma_start3A_61 = tpu.memref_slice %arg3[%add3A, %run_scoped3A, %dma_start3A_59, %dma_start3A_60] : memref<32x100x2x100xi32, #tpu.memory_space<hbm>> -> memref<1x1x2x100xi32, #tpu.memory_space<hbm>>
      %dma_start3A_62 = tpu.memref_squeeze %dma_start3A_61 : memref<1x1x2x100xi32, #tpu.memory_space<hbm>> -> memref<2x100xi32, #tpu.memory_space<hbm>>
      %dma_start3A_63 = arith.constant 0 : i32
      %dma_start3A_64 = arith.constant 0 : i32
      %dma_start3A_65 = tpu.memref_slice %arg3[%add3A, %run_scoped3A, %dma_start3A_63, %dma_start3A_64] : memref<32x100x2x100xi32, #tpu.memory_space<hbm>> -> memref<1x1x2x100xi32, #tpu.memory_space<hbm>>
      %dma_start3A_66 = tpu.memref_squeeze %dma_start3A_65 : memref<1x1x2x100xi32, #tpu.memory_space<hbm>> -> memref<2x100xi32, #tpu.memory_space<hbm>>
      tpu.enqueue_dma source(%dma_start3A_66 : memref<2x100xi32, #tpu.memory_space<hbm>>) target(%arg6 : memref<2x100xi32, #tpu.memory_space<vmem>>) target_semaphore(%run_scoped3A_58 : memref<!tpu.dma_semaphore, #tpu.memory_space<semaphore_mem>>)
      %dma_wait3A_67 = arith.constant 0 : i32
      %dma_wait3A_68 = arith.constant 0 : i32
      %dma_wait3A_69 = tpu.memref_slice %arg3[%add3A, %run_scoped3A, %dma_wait3A_67, %dma_wait3A_68] : memref<32x100x2x100xi32, #tpu.memory_space<hbm>> -> memref<1x1x2x100xi32, #tpu.memory_space<hbm>>
      %dma_wait3A_70 = tpu.memref_squeeze %dma_wait3A_69 : memref<1x1x2x100xi32, #tpu.memory_space<hbm>> -> memref<2x100xi32, #tpu.memory_space<hbm>>
      %dma_wait3A_71 = arith.constant 0 : i32
      %dma_wait3A_72 = arith.constant 0 : i32
      %dma_wait3A_73 = tpu.memref_slice %arg3[%add3A, %run_scoped3A, %dma_wait3A_71, %dma_wait3A_72] : memref<32x100x2x100xi32, #tpu.memory_space<hbm>> -> memref<1x1x2x100xi32, #tpu.memory_space<hbm>>
      %dma_wait3A_74 = tpu.memref_squeeze %dma_wait3A_73 : memref<1x1x2x100xi32, #tpu.memory_space<hbm>> -> memref<2x100xi32, #tpu.memory_space<hbm>>
      tpu.wait_dma2 semaphore(%run_scoped3A_58 : memref<!tpu.dma_semaphore, #tpu.memory_space<semaphore_mem>>) src(%dma_wait3A_74 : memref<2x100xi32, #tpu.memory_space<hbm>>) dst(%arg6 : memref<2x100xi32, #tpu.memory_space<vmem>>)
      tpu.yield
    }) : () -> ()
    %dma_start3A = arith.constant 0 : i32
    %dma_start3A_1 = arith.constant 0 : i32
    %dma_start3A_2 = tpu.memref_slice %arg6[%dma_start3A, %dma_start3A_1] : memref<2x100xi32, #tpu.memory_space<vmem>> -> memref<1x100xi32, #tpu.memory_space<vmem>>
    %dma_start3A_3 = tpu.memref_squeeze %dma_start3A_2 : memref<1x100xi32, #tpu.memory_space<vmem>> -> memref<100xi32, #tpu.memory_space<vmem>>
    %dma_start3A_4 = arith.constant 0 : i32
    %dma_start3A_5 = arith.constant 0 : i32
    %dma_start3A_6 = tpu.memref_slice %arg2[%dma_start3A_4, %dma_start3A_5] : memref<10000x128xf32, #tpu.memory_space<hbm>> -> memref<10000x128xf32, #tpu.memory_space<hbm>>
    tpu.enqueue_indirect_dma source(%dma_start3A_6 : memref<10000x128xf32, #tpu.memory_space<hbm>>) target(%arg8 : memref<100x128xf32, #tpu.memory_space<vmem>>) offsets(%dma_start3A_3 : memref<100xi32, #tpu.memory_space<vmem>>) semaphore(%arg10 : memref<!tpu.dma_semaphore, #tpu.memory_space<semaphore_mem>>)
    %broadcast_in_dim3A = arith.constant 0.000000e+00 : f32
    %broadcast_in_dim3A_7 = vector.broadcast %broadcast_in_dim3A : f32 to vector<16xf32>
    %scan3A = arith.constant 0 : i32
    %scan3A_8 = arith.constant 0 : i32
    %scan3A_9 = arith.constant 100 : i32
    %scan3A_10 = arith.addi %scan3A_8, %scan3A_9 : i32
    %scan3A_11 = arith.constant 1 : i32
    scf.for %scan3A_58 = %scan3A_8 to %scan3A_10 step %scan3A_11  : i32 {
      %swap3A = arith.index_cast %scan3A_58 : i32 to index
      %swap3A_59 = arith.constant 0 : index
      %swap3A_60 = tpu.vector_load %arg9[%swap3A, %swap3A_59] {strides = array<i32>} : memref<100x128xf32, #tpu.memory_space<vmem>>, vector<1x16xf32>,
      %swap3A_61 = vector.shape_cast %swap3A_60 : vector<1x16xf32> to vector<16xf32>
      %swap3A_62 = vector.shape_cast %broadcast_in_dim3A_7 : vector<16xf32> to vector<1x16xf32>
      tpu.vector_store %arg9[%swap3A, %swap3A_59], %swap3A_62 {strides = array<i32>} : memref<100x128xf32, #tpu.memory_space<vmem>>, vector<1x16xf32>,
      %swap3A_63 = arith.index_cast %scan3A_58 : i32 to index
      %swap3A_64 = arith.constant 16 : index
      %swap3A_65 = tpu.vector_load %arg9[%swap3A_63, %swap3A_64] {strides = array<i32>} : memref<100x128xf32, #tpu.memory_space<vmem>>, vector<1x16xf32>,
      %swap3A_66 = vector.shape_cast %swap3A_65 : vector<1x16xf32> to vector<16xf32>
      %swap3A_67 = vector.shape_cast %broadcast_in_dim3A_7 : vector<16xf32> to vector<1x16xf32>
      tpu.vector_store %arg9[%swap3A_63, %swap3A_64], %swap3A_67 {strides = array<i32>} : memref<100x128xf32, #tpu.memory_space<vmem>>, vector<1x16xf32>,
      %swap3A_68 = arith.index_cast %scan3A_58 : i32 to index
      %swap3A_69 = arith.constant 32 : index
      %swap3A_70 = tpu.vector_load %arg9[%swap3A_68, %swap3A_69] {strides = array<i32>} : memref<100x128xf32, #tpu.memory_space<vmem>>, vector<1x16xf32>,
      %swap3A_71 = vector.shape_cast %swap3A_70 : vector<1x16xf32> to vector<16xf32>
      %swap3A_72 = vector.shape_cast %broadcast_in_dim3A_7 : vector<16xf32> to vector<1x16xf32>
      tpu.vector_store %arg9[%swap3A_68, %swap3A_69], %swap3A_72 {strides = array<i32>} : memref<100x128xf32, #tpu.memory_space<vmem>>, vector<1x16xf32>,
      %swap3A_73 = arith.index_cast %scan3A_58 : i32 to index
      %swap3A_74 = arith.constant 48 : index
      %swap3A_75 = tpu.vector_load %arg9[%swap3A_73, %swap3A_74] {strides = array<i32>} : memref<100x128xf32, #tpu.memory_space<vmem>>, vector<1x16xf32>,
      %swap3A_76 = vector.shape_cast %swap3A_75 : vector<1x16xf32> to vector<16xf32>
      %swap3A_77 = vector.shape_cast %broadcast_in_dim3A_7 : vector<16xf32> to vector<1x16xf32>
      tpu.vector_store %arg9[%swap3A_73, %swap3A_74], %swap3A_77 {strides = array<i32>} : memref<100x128xf32, #tpu.memory_space<vmem>>, vector<1x16xf32>,
      %swap3A_78 = arith.index_cast %scan3A_58 : i32 to index
      %swap3A_79 = arith.constant 64 : index
      %swap3A_80 = tpu.vector_load %arg9[%swap3A_78, %swap3A_79] {strides = array<i32>} : memref<100x128xf32, #tpu.memory_space<vmem>>, vector<1x16xf32>,
      %swap3A_81 = vector.shape_cast %swap3A_80 : vector<1x16xf32> to vector<16xf32>
      %swap3A_82 = vector.shape_cast %broadcast_in_dim3A_7 : vector<16xf32> to vector<1x16xf32>
      tpu.vector_store %arg9[%swap3A_78, %swap3A_79], %swap3A_82 {strides = array<i32>} : memref<100x128xf32, #tpu.memory_space<vmem>>, vector<1x16xf32>,
      %swap3A_83 = arith.index_cast %scan3A_58 : i32 to index
      %swap3A_84 = arith.constant 80 : index
      %swap3A_85 = tpu.vector_load %arg9[%swap3A_83, %swap3A_84] {strides = array<i32>} : memref<100x128xf32, #tpu.memory_space<vmem>>, vector<1x16xf32>,
      %swap3A_86 = vector.shape_cast %swap3A_85 : vector<1x16xf32> to vector<16xf32>
      %swap3A_87 = vector.shape_cast %broadcast_in_dim3A_7 : vector<16xf32> to vector<1x16xf32>
      tpu.vector_store %arg9[%swap3A_83, %swap3A_84], %swap3A_87 {strides = array<i32>} : memref<100x128xf32, #tpu.memory_space<vmem>>, vector<1x16xf32>,
      %swap3A_88 = arith.index_cast %scan3A_58 : i32 to index
      %swap3A_89 = arith.constant 96 : index
      %swap3A_90 = tpu.vector_load %arg9[%swap3A_88, %swap3A_89] {strides = array<i32>} : memref<100x128xf32, #tpu.memory_space<vmem>>, vector<1x16xf32>,
      %swap3A_91 = vector.shape_cast %swap3A_90 : vector<1x16xf32> to vector<16xf32>
      %swap3A_92 = vector.shape_cast %broadcast_in_dim3A_7 : vector<16xf32> to vector<1x16xf32>
      tpu.vector_store %arg9[%swap3A_88, %swap3A_89], %swap3A_92 {strides = array<i32>} : memref<100x128xf32, #tpu.memory_space<vmem>>, vector<1x16xf32>,
      %swap3A_93 = arith.index_cast %scan3A_58 : i32 to index
      %swap3A_94 = arith.constant 112 : index
      %swap3A_95 = tpu.vector_load %arg9[%swap3A_93, %swap3A_94] {strides = array<i32>} : memref<100x128xf32, #tpu.memory_space<vmem>>, vector<1x16xf32>,
      %swap3A_96 = vector.shape_cast %swap3A_95 : vector<1x16xf32> to vector<16xf32>
      %swap3A_97 = vector.shape_cast %broadcast_in_dim3A_7 : vector<16xf32> to vector<1x16xf32>
      tpu.vector_store %arg9[%swap3A_93, %swap3A_94], %swap3A_97 {strides = array<i32>} : memref<100x128xf32, #tpu.memory_space<vmem>>, vector<1x16xf32>,
    }
    %scan3A_12 = arith.constant 100 : i32
    %mul3A_13 = arith.constant 640 : i32
    %mul3A_14 = arith.muli %arg1, %mul3A_13 : i32
    %add3A_15 = arith.constant 0 : i32
    %add3A_16 = arith.addi %mul3A_14, %add3A_15 : i32
    "tpu.region"() ({
      %run_scoped3A_58 = tpu.sem_alloc : memref<!tpu.dma_semaphore, #tpu.memory_space<semaphore_mem>>
      %dma_start3A_59 = arith.constant 0 : i32
      %dma_start3A_60 = tpu.memref_slice %arg5[%add3A_16, %dma_start3A_59] : memref<10240x128xf32, #tpu.memory_space<vmem_shared>> -> memref<100x128xf32, #tpu.memory_space<vmem_shared>>
      %dma_start3A_61 = arith.constant 0 : i32
      %dma_start3A_62 = tpu.memref_slice %arg5[%add3A_16, %dma_start3A_61] : memref<10240x128xf32, #tpu.memory_space<vmem_shared>> -> memref<100x128xf32, #tpu.memory_space<vmem_shared>>
      tpu.enqueue_dma source(%arg9 : memref<100x128xf32, #tpu.memory_space<vmem>>) target(%dma_start3A_62 : memref<100x128xf32, #tpu.memory_space<vmem_shared>>) target_semaphore(%run_scoped3A_58 : memref<!tpu.dma_semaphore, #tpu.memory_space<semaphore_mem>>)
      %dma_wait3A_63 = arith.constant 0 : i32
      %dma_wait3A_64 = tpu.memref_slice %arg5[%add3A_16, %dma_wait3A_63] : memref<10240x128xf32, #tpu.memory_space<vmem_shared>> -> memref<100x128xf32, #tpu.memory_space<vmem_shared>>
      %dma_wait3A_65 = arith.constant 0 : i32
      %dma_wait3A_66 = tpu.memref_slice %arg5[%add3A_16, %dma_wait3A_65] : memref<10240x128xf32, #tpu.memory_space<vmem_shared>> -> memref<100x128xf32, #tpu.memory_space<vmem_shared>>
      tpu.wait_dma2 semaphore(%run_scoped3A_58 : memref<!tpu.dma_semaphore, #tpu.memory_space<semaphore_mem>>) src(%arg9 : memref<100x128xf32, #tpu.memory_space<vmem>>) dst(%dma_wait3A_66 : memref<100x128xf32, #tpu.memory_space<vmem_shared>>)
      tpu.yield
    }) : () -> ()
    %mul3A_17 = arith.constant 640 : i32
    %mul3A_18 = arith.muli %arg1, %mul3A_17 : i32
    %add3A_19 = arith.constant 100 : i32
    %add3A_20 = arith.addi %mul3A_18, %add3A_19 : i32
    "tpu.region"() ({
      %run_scoped3A_58 = tpu.sem_alloc : memref<!tpu.dma_semaphore, #tpu.memory_space<semaphore_mem>>
      %dma_start3A_59 = arith.constant 0 : i32
      %dma_start3A_60 = tpu.memref_slice %arg5[%add3A_20, %dma_start3A_59] : memref<10240x128xf32, #tpu.memory_space<vmem_shared>> -> memref<100x128xf32, #tpu.memory_space<vmem_shared>>
      %dma_start3A_61 = arith.constant 0 : i32
      %dma_start3A_62 = tpu.memref_slice %arg5[%add3A_20, %dma_start3A_61] : memref<10240x128xf32, #tpu.memory_space<vmem_shared>> -> memref<100x128xf32, #tpu.memory_space<vmem_shared>>
      tpu.enqueue_dma source(%arg9 : memref<100x128xf32, #tpu.memory_space<vmem>>) target(%dma_start3A_62 : memref<100x128xf32, #tpu.memory_space<vmem_shared>>) target_semaphore(%run_scoped3A_58 : memref<!tpu.dma_semaphore, #tpu.memory_space<semaphore_mem>>)
      %dma_wait3A_63 = arith.constant 0 : i32
      %dma_wait3A_64 = tpu.memref_slice %arg5[%add3A_20, %dma_wait3A_63] : memref<10240x128xf32, #tpu.memory_space<vmem_shared>> -> memref<100x128xf32, #tpu.memory_space<vmem_shared>>
      %dma_wait3A_65 = arith.constant 0 : i32
      %dma_wait3A_66 = tpu.memref_slice %arg5[%add3A_20, %dma_wait3A_65] : memref<10240x128xf32, #tpu.memory_space<vmem_shared>> -> memref<100x128xf32, #tpu.memory_space<vmem_shared>>
      tpu.wait_dma2 semaphore(%run_scoped3A_58 : memref<!tpu.dma_semaphore, #tpu.memory_space<semaphore_mem>>) src(%arg9 : memref<100x128xf32, #tpu.memory_space<vmem>>) dst(%dma_wait3A_66 : memref<100x128xf32, #tpu.memory_space<vmem_shared>>)
      tpu.yield
    }) : () -> ()
    %mul3A_21 = arith.constant 640 : i32
    %mul3A_22 = arith.muli %arg1, %mul3A_21 : i32
    %add3A_23 = arith.constant 200 : i32
    %add3A_24 = arith.addi %mul3A_22, %add3A_23 : i32
    "tpu.region"() ({
      %run_scoped3A_58 = tpu.sem_alloc : memref<!tpu.dma_semaphore, #tpu.memory_space<semaphore_mem>>
      %dma_start3A_59 = arith.constant 0 : i32
      %dma_start3A_60 = tpu.memref_slice %arg5[%add3A_24, %dma_start3A_59] : memref<10240x128xf32, #tpu.memory_space<vmem_shared>> -> memref<100x128xf32, #tpu.memory_space<vmem_shared>>
      %dma_start3A_61 = arith.constant 0 : i32
      %dma_start3A_62 = tpu.memref_slice %arg5[%add3A_24, %dma_start3A_61] : memref<10240x128xf32, #tpu.memory_space<vmem_shared>> -> memref<100x128xf32, #tpu.memory_space<vmem_shared>>
      tpu.enqueue_dma source(%arg9 : memref<100x128xf32, #tpu.memory_space<vmem>>) target(%dma_start3A_62 : memref<100x128xf32, #tpu.memory_space<vmem_shared>>) target_semaphore(%run_scoped3A_58 : memref<!tpu.dma_semaphore, #tpu.memory_space<semaphore_mem>>)
      %dma_wait3A_63 = arith.constant 0 : i32
      %dma_wait3A_64 = tpu.memref_slice %arg5[%add3A_24, %dma_wait3A_63] : memref<10240x128xf32, #tpu.memory_space<vmem_shared>> -> memref<100x128xf32, #tpu.memory_space<vmem_shared>>
      %dma_wait3A_65 = arith.constant 0 : i32
      %dma_wait3A_66 = tpu.memref_slice %arg5[%add3A_24, %dma_wait3A_65] : memref<10240x128xf32, #tpu.memory_space<vmem_shared>> -> memref<100x128xf32, #tpu.memory_space<vmem_shared>>
      tpu.wait_dma2 semaphore(%run_scoped3A_58 : memref<!tpu.dma_semaphore, #tpu.memory_space<semaphore_mem>>) src(%arg9 : memref<100x128xf32, #tpu.memory_space<vmem>>) dst(%dma_wait3A_66 : memref<100x128xf32, #tpu.memory_space<vmem_shared>>)
      tpu.yield
    }) : () -> ()
    %mul3A_25 = arith.constant 640 : i32
    %mul3A_26 = arith.muli %arg1, %mul3A_25 : i32
    %add3A_27 = arith.constant 300 : i32
    %add3A_28 = arith.addi %mul3A_26, %add3A_27 : i32
    "tpu.region"() ({
      %run_scoped3A_58 = tpu.sem_alloc : memref<!tpu.dma_semaphore, #tpu.memory_space<semaphore_mem>>
      %dma_start3A_59 = arith.constant 0 : i32
      %dma_start3A_60 = tpu.memref_slice %arg5[%add3A_28, %dma_start3A_59] : memref<10240x128xf32, #tpu.memory_space<vmem_shared>> -> memref<100x128xf32, #tpu.memory_space<vmem_shared>>
      %dma_start3A_61 = arith.constant 0 : i32
      %dma_start3A_62 = tpu.memref_slice %arg5[%add3A_28, %dma_start3A_61] : memref<10240x128xf32, #tpu.memory_space<vmem_shared>> -> memref<100x128xf32, #tpu.memory_space<vmem_shared>>
      tpu.enqueue_dma source(%arg9 : memref<100x128xf32, #tpu.memory_space<vmem>>) target(%dma_start3A_62 : memref<100x128xf32, #tpu.memory_space<vmem_shared>>) target_semaphore(%run_scoped3A_58 : memref<!tpu.dma_semaphore, #tpu.memory_space<semaphore_mem>>)
      %dma_wait3A_63 = arith.constant 0 : i32
      %dma_wait3A_64 = tpu.memref_slice %arg5[%add3A_28, %dma_wait3A_63] : memref<10240x128xf32, #tpu.memory_space<vmem_shared>> -> memref<100x128xf32, #tpu.memory_space<vmem_shared>>
      %dma_wait3A_65 = arith.constant 0 : i32
      %dma_wait3A_66 = tpu.memref_slice %arg5[%add3A_28, %dma_wait3A_65] : memref<10240x128xf32, #tpu.memory_space<vmem_shared>> -> memref<100x128xf32, #tpu.memory_space<vmem_shared>>
      tpu.wait_dma2 semaphore(%run_scoped3A_58 : memref<!tpu.dma_semaphore, #tpu.memory_space<semaphore_mem>>) src(%arg9 : memref<100x128xf32, #tpu.memory_space<vmem>>) dst(%dma_wait3A_66 : memref<100x128xf32, #tpu.memory_space<vmem_shared>>)
      tpu.yield
    }) : () -> ()
    %mul3A_29 = arith.constant 640 : i32
    %mul3A_30 = arith.muli %arg1, %mul3A_29 : i32
    %add3A_31 = arith.constant 400 : i32
    %add3A_32 = arith.addi %mul3A_30, %add3A_31 : i32
    "tpu.region"() ({
      %run_scoped3A_58 = tpu.sem_alloc : memref<!tpu.dma_semaphore, #tpu.memory_space<semaphore_mem>>
      %dma_start3A_59 = arith.constant 0 : i32
      %dma_start3A_60 = tpu.memref_slice %arg5[%add3A_32, %dma_start3A_59] : memref<10240x128xf32, #tpu.memory_space<vmem_shared>> -> memref<100x128xf32, #tpu.memory_space<vmem_shared>>
      %dma_start3A_61 = arith.constant 0 : i32
      %dma_start3A_62 = tpu.memref_slice %arg5[%add3A_32, %dma_start3A_61] : memref<10240x128xf32, #tpu.memory_space<vmem_shared>> -> memref<100x128xf32, #tpu.memory_space<vmem_shared>>
      tpu.enqueue_dma source(%arg9 : memref<100x128xf32, #tpu.memory_space<vmem>>) target(%dma_start3A_62 : memref<100x128xf32, #tpu.memory_space<vmem_shared>>) target_semaphore(%run_scoped3A_58 : memref<!tpu.dma_semaphore, #tpu.memory_space<semaphore_mem>>)
      %dma_wait3A_63 = arith.constant 0 : i32
      %dma_wait3A_64 = tpu.memref_slice %arg5[%add3A_32, %dma_wait3A_63] : memref<10240x128xf32, #tpu.memory_space<vmem_shared>> -> memref<100x128xf32, #tpu.memory_space<vmem_shared>>
      %dma_wait3A_65 = arith.constant 0 : i32
      %dma_wait3A_66 = tpu.memref_slice %arg5[%add3A_32, %dma_wait3A_65] : memref<10240x128xf32, #tpu.memory_space<vmem_shared>> -> memref<100x128xf32, #tpu.memory_space<vmem_shared>>
      tpu.wait_dma2 semaphore(%run_scoped3A_58 : memref<!tpu.dma_semaphore, #tpu.memory_space<semaphore_mem>>) src(%arg9 : memref<100x128xf32, #tpu.memory_space<vmem>>) dst(%dma_wait3A_66 : memref<100x128xf32, #tpu.memory_space<vmem_shared>>)
      tpu.yield
    }) : () -> ()
    %mul3A_33 = arith.constant 640 : i32
    %mul3A_34 = arith.muli %arg1, %mul3A_33 : i32
    %add3A_35 = arith.constant 500 : i32
    %add3A_36 = arith.addi %mul3A_34, %add3A_35 : i32
    "tpu.region"() ({
      %run_scoped3A_58 = tpu.sem_alloc : memref<!tpu.dma_semaphore, #tpu.memory_space<semaphore_mem>>
      %dma_start3A_59 = arith.constant 0 : i32
      %dma_start3A_60 = tpu.memref_slice %arg5[%add3A_36, %dma_start3A_59] : memref<10240x128xf32, #tpu.memory_space<vmem_shared>> -> memref<100x128xf32, #tpu.memory_space<vmem_shared>>
      %dma_start3A_61 = arith.constant 0 : i32
      %dma_start3A_62 = tpu.memref_slice %arg5[%add3A_36, %dma_start3A_61] : memref<10240x128xf32, #tpu.memory_space<vmem_shared>> -> memref<100x128xf32, #tpu.memory_space<vmem_shared>>
      tpu.enqueue_dma source(%arg9 : memref<100x128xf32, #tpu.memory_space<vmem>>) target(%dma_start3A_62 : memref<100x128xf32, #tpu.memory_space<vmem_shared>>) target_semaphore(%run_scoped3A_58 : memref<!tpu.dma_semaphore, #tpu.memory_space<semaphore_mem>>)
      %dma_wait3A_63 = arith.constant 0 : i32
      %dma_wait3A_64 = tpu.memref_slice %arg5[%add3A_36, %dma_wait3A_63] : memref<10240x128xf32, #tpu.memory_space<vmem_shared>> -> memref<100x128xf32, #tpu.memory_space<vmem_shared>>
      %dma_wait3A_65 = arith.constant 0 : i32
      %dma_wait3A_66 = tpu.memref_slice %arg5[%add3A_36, %dma_wait3A_65] : memref<10240x128xf32, #tpu.memory_space<vmem_shared>> -> memref<100x128xf32, #tpu.memory_space<vmem_shared>>
      tpu.wait_dma2 semaphore(%run_scoped3A_58 : memref<!tpu.dma_semaphore, #tpu.memory_space<semaphore_mem>>) src(%arg9 : memref<100x128xf32, #tpu.memory_space<vmem>>) dst(%dma_wait3A_66 : memref<100x128xf32, #tpu.memory_space<vmem_shared>>)
      tpu.yield
    }) : () -> ()
    %mul3A_37 = arith.constant 640 : i32
    %mul3A_38 = arith.muli %arg1, %mul3A_37 : i32
    %add3A_39 = arith.constant 600 : i32
    %add3A_40 = arith.addi %mul3A_38, %add3A_39 : i32
    "tpu.region"() ({
      %run_scoped3A_58 = tpu.sem_alloc : memref<!tpu.dma_semaphore, #tpu.memory_space<semaphore_mem>>
      %dma_start3A_59 = arith.constant 0 : i32
      %dma_start3A_60 = arith.constant 0 : i32
      %dma_start3A_61 = tpu.memref_slice %arg9[%dma_start3A_59, %dma_start3A_60] : memref<100x128xf32, #tpu.memory_space<vmem>> -> memref<40x128xf32, #tpu.memory_space<vmem>>
      %dma_start3A_62 = arith.constant 0 : i32
      %dma_start3A_63 = tpu.memref_slice %arg5[%add3A_40, %dma_start3A_62] : memref<10240x128xf32, #tpu.memory_space<vmem_shared>> -> memref<40x128xf32, #tpu.memory_space<vmem_shared>>
      %dma_start3A_64 = arith.constant 0 : i32
      %dma_start3A_65 = tpu.memref_slice %arg5[%add3A_40, %dma_start3A_64] : memref<10240x128xf32, #tpu.memory_space<vmem_shared>> -> memref<40x128xf32, #tpu.memory_space<vmem_shared>>
      %dma_start3A_66 = arith.constant 0 : i32
      %dma_start3A_67 = arith.constant 0 : i32
      %dma_start3A_68 = tpu.memref_slice %arg9[%dma_start3A_66, %dma_start3A_67] : memref<100x128xf32, #tpu.memory_space<vmem>> -> memref<40x128xf32, #tpu.memory_space<vmem>>
      tpu.enqueue_dma source(%dma_start3A_68 : memref<40x128xf32, #tpu.memory_space<vmem>>) target(%dma_start3A_65 : memref<40x128xf32, #tpu.memory_space<vmem_shared>>) target_semaphore(%run_scoped3A_58 : memref<!tpu.dma_semaphore, #tpu.memory_space<semaphore_mem>>)
      %dma_wait3A_69 = arith.constant 0 : i32
      %dma_wait3A_70 = arith.constant 0 : i32
      %dma_wait3A_71 = tpu.memref_slice %arg9[%dma_wait3A_69, %dma_wait3A_70] : memref<100x128xf32, #tpu.memory_space<vmem>> -> memref<40x128xf32, #tpu.memory_space<vmem>>
      %dma_wait3A_72 = arith.constant 0 : i32
      %dma_wait3A_73 = tpu.memref_slice %arg5[%add3A_40, %dma_wait3A_72] : memref<10240x128xf32, #tpu.memory_space<vmem_shared>> -> memref<40x128xf32, #tpu.memory_space<vmem_shared>>
      %dma_wait3A_74 = arith.constant 0 : i32
      %dma_wait3A_75 = tpu.memref_slice %arg5[%add3A_40, %dma_wait3A_74] : memref<10240x128xf32, #tpu.memory_space<vmem_shared>> -> memref<40x128xf32, #tpu.memory_space<vmem_shared>>
      %dma_wait3A_76 = arith.constant 0 : i32
      %dma_wait3A_77 = arith.constant 0 : i32
      %dma_wait3A_78 = tpu.memref_slice %arg9[%dma_wait3A_76, %dma_wait3A_77] : memref<100x128xf32, #tpu.memory_space<vmem>> -> memref<40x128xf32, #tpu.memory_space<vmem>>
      tpu.wait_dma2 semaphore(%run_scoped3A_58 : memref<!tpu.dma_semaphore, #tpu.memory_space<semaphore_mem>>) src(%dma_wait3A_78 : memref<40x128xf32, #tpu.memory_space<vmem>>) dst(%dma_wait3A_75 : memref<40x128xf32, #tpu.memory_space<vmem_shared>>)
      tpu.yield
    }) : () -> ()
    %barrier3A = arith.constant 0 : index
    tpu.barrier barrier_id(%barrier3A)
    "tpu.trace_stop"() : () -> ()
    "tpu.trace_start"() <{level = 10 : i32, message = "agg_loop"}> : () -> ()
    %scan3A_41 = arith.constant 0 : i32
    %scan3A_42 = arith.constant 0 : i32
    %scan3A_43 = arith.constant 50 : i32
    %scan3A_44 = arith.addi %scan3A_42, %scan3A_43 : i32
    %scan3A_45 = arith.constant 1 : i32
    scf.for %scan3A_58 = %scan3A_42 to %scan3A_44 step %scan3A_45  : i32 {
      %mul3A_59 = arith.constant 2 : i32
      %mul3A_60 = arith.muli %mul3A_59, %scan3A_58 : i32
      %add3A_61 = arith.constant 1 : i32
      %add3A_62 = arith.addi %mul3A_60, %add3A_61 : i32
      %rem3A = arith.constant 100 : i32
      %rem3A_63 = arith.remsi %add3A_62, %rem3A : i32
      "tpu.region"() ({
        %run_scoped3A_102 = tpu.sem_alloc : memref<!tpu.dma_semaphore, #tpu.memory_space<semaphore_mem>>
        %dma_start3A_103 = arith.constant 0 : i32
        %dma_start3A_104 = arith.constant 0 : i32
        %dma_start3A_105 = tpu.memref_slice %arg3[%add3A, %rem3A_63, %dma_start3A_103, %dma_start3A_104] : memref<32x100x2x100xi32, #tpu.memory_space<hbm>> -> memref<1x1x2x100xi32, #tpu.memory_space<hbm>>
        %dma_start3A_106 = tpu.memref_squeeze %dma_start3A_105 : memref<1x1x2x100xi32, #tpu.memory_space<hbm>> -> memref<2x100xi32, #tpu.memory_space<hbm>>
        %dma_start3A_107 = arith.constant 0 : i32
        %dma_start3A_108 = arith.constant 0 : i32
        %dma_start3A_109 = tpu.memref_slice %arg3[%add3A, %rem3A_63, %dma_start3A_107, %dma_start3A_108] : memref<32x100x2x100xi32, #tpu.memory_space<hbm>> -> memref<1x1x2x100xi32, #tpu.memory_space<hbm>>
        %dma_start3A_110 = tpu.memref_squeeze %dma_start3A_109 : memref<1x1x2x100xi32, #tpu.memory_space<hbm>> -> memref<2x100xi32, #tpu.memory_space<hbm>>
        tpu.enqueue_dma source(%dma_start3A_110 : memref<2x100xi32, #tpu.memory_space<hbm>>) target(%arg7 : memref<2x100xi32, #tpu.memory_space<vmem>>) target_semaphore(%run_scoped3A_102 : memref<!tpu.dma_semaphore, #tpu.memory_space<semaphore_mem>>)
        %dma_wait3A_111 = arith.constant 0 : i32
        %dma_wait3A_112 = arith.constant 0 : i32
        %dma_wait3A_113 = tpu.memref_slice %arg3[%add3A, %rem3A_63, %dma_wait3A_111, %dma_wait3A_112] : memref<32x100x2x100xi32, #tpu.memory_space<hbm>> -> memref<1x1x2x100xi32, #tpu.memory_space<hbm>>
        %dma_wait3A_114 = tpu.memref_squeeze %dma_wait3A_113 : memref<1x1x2x100xi32, #tpu.memory_space<hbm>> -> memref<2x100xi32, #tpu.memory_space<hbm>>
        %dma_wait3A_115 = arith.constant 0 : i32
        %dma_wait3A_116 = arith.constant 0 : i32
        %dma_wait3A_117 = tpu.memref_slice %arg3[%add3A, %rem3A_63, %dma_wait3A_115, %dma_wait3A_116] : memref<32x100x2x100xi32, #tpu.memory_space<hbm>> -> memref<1x1x2x100xi32, #tpu.memory_space<hbm>>
        %dma_wait3A_118 = tpu.memref_squeeze %dma_wait3A_117 : memref<1x1x2x100xi32, #tpu.memory_space<hbm>> -> memref<2x100xi32, #tpu.memory_space<hbm>>
        tpu.wait_dma2 semaphore(%run_scoped3A_102 : memref<!tpu.dma_semaphore, #tpu.memory_space<semaphore_mem>>) src(%dma_wait3A_118 : memref<2x100xi32, #tpu.memory_space<hbm>>) dst(%arg7 : memref<2x100xi32, #tpu.memory_space<vmem>>)
        tpu.yield
      }) : () -> ()
      %dma_wait3A_64 = arith.constant 0 : i32
      %dma_wait3A_65 = arith.constant 0 : i32
      %dma_wait3A_66 = tpu.memref_slice %arg6[%dma_wait3A_64, %dma_wait3A_65] : memref<2x100xi32, #tpu.memory_space<vmem>> -> memref<1x100xi32, #tpu.memory_space<vmem>>
      %dma_wait3A_67 = tpu.memref_squeeze %dma_wait3A_66 : memref<1x100xi32, #tpu.memory_space<vmem>> -> memref<100xi32, #tpu.memory_space<vmem>>
      %dma_wait3A_68 = arith.constant 0 : i32
      %dma_wait3A_69 = arith.constant 0 : i32
      %dma_wait3A_70 = tpu.memref_slice %arg2[%dma_wait3A_68, %dma_wait3A_69] : memref<10000x128xf32, #tpu.memory_space<hbm>> -> memref<10000x128xf32, #tpu.memory_space<hbm>>
      tpu.wait_indirect_dma semaphore(%arg10 : memref<!tpu.dma_semaphore, #tpu.memory_space<semaphore_mem>>) src(%dma_wait3A_70 : memref<10000x128xf32, #tpu.memory_space<hbm>>) dst(%arg8 : memref<100x128xf32, #tpu.memory_space<vmem>>)
      %dma_start3A_71 = arith.constant 0 : i32
      %dma_start3A_72 = arith.constant 0 : i32
      %dma_start3A_73 = tpu.memref_slice %arg7[%dma_start3A_71, %dma_start3A_72] : memref<2x100xi32, #tpu.memory_space<vmem>> -> memref<1x100xi32, #tpu.memory_space<vmem>>
      %dma_start3A_74 = tpu.memref_squeeze %dma_start3A_73 : memref<1x100xi32, #tpu.memory_space<vmem>> -> memref<100xi32, #tpu.memory_space<vmem>>
      %dma_start3A_75 = arith.constant 0 : i32
      %dma_start3A_76 = arith.constant 0 : i32
      %dma_start3A_77 = tpu.memref_slice %arg2[%dma_start3A_75, %dma_start3A_76] : memref<10000x128xf32, #tpu.memory_space<hbm>> -> memref<10000x128xf32, #tpu.memory_space<hbm>>
      tpu.enqueue_indirect_dma source(%dma_start3A_77 : memref<10000x128xf32, #tpu.memory_space<hbm>>) target(%arg9 : memref<100x128xf32, #tpu.memory_space<vmem>>) offsets(%dma_start3A_74 : memref<100xi32, #tpu.memory_space<vmem>>) semaphore(%arg11 : memref<!tpu.dma_semaphore, #tpu.memory_space<semaphore_mem>>)
      %run_scoped3A_78 = arith.constant 1 : i32
      "tpu.region"() ({
        %run_scoped3A_102 = tpu.sem_alloc : memref<!tpu.dma_semaphore, #tpu.memory_space<semaphore_mem>>
        %dma_start3A_103 = arith.constant 0 : i32
        %dma_start3A_104 = tpu.memref_slice %arg6[%run_scoped3A_78, %dma_start3A_103] : memref<2x100xi32, #tpu.memory_space<vmem>> -> memref<1x100xi32, #tpu.memory_space<vmem>>
        %dma_start3A_105 = tpu.memref_squeeze %dma_start3A_104 : memref<1x100xi32, #tpu.memory_space<vmem>> -> memref<100xi32, #tpu.memory_space<vmem>>
        %dma_start3A_106 = arith.constant 0 : i32
        %dma_start3A_107 = arith.constant 0 : i32
        %dma_start3A_108 = tpu.memref_slice %arg5[%dma_start3A_106, %dma_start3A_107] : memref<10240x128xf32, #tpu.memory_space<vmem_shared>> -> memref<10240x128xf32, #tpu.memory_space<vmem_shared>>
        tpu.enqueue_indirect_dma source(%arg8 : memref<100x128xf32, #tpu.memory_space<vmem>>) target(%dma_start3A_108 : memref<10240x128xf32, #tpu.memory_space<vmem_shared>>) offsets(%dma_start3A_105 : memref<100xi32, #tpu.memory_space<vmem>>) semaphore(%run_scoped3A_102 : memref<!tpu.dma_semaphore, #tpu.memory_space<semaphore_mem>>) {add = true}
        %dma_wait3A_109 = arith.constant 0 : i32
        %dma_wait3A_110 = tpu.memref_slice %arg6[%run_scoped3A_78, %dma_wait3A_109] : memref<2x100xi32, #tpu.memory_space<vmem>> -> memref<1x100xi32, #tpu.memory_space<vmem>>
        %dma_wait3A_111 = tpu.memref_squeeze %dma_wait3A_110 : memref<1x100xi32, #tpu.memory_space<vmem>> -> memref<100xi32, #tpu.memory_space<vmem>>
        %dma_wait3A_112 = arith.constant 0 : i32
        %dma_wait3A_113 = arith.constant 0 : i32
        %dma_wait3A_114 = tpu.memref_slice %arg5[%dma_wait3A_112, %dma_wait3A_113] : memref<10240x128xf32, #tpu.memory_space<vmem_shared>> -> memref<10240x128xf32, #tpu.memory_space<vmem_shared>>
        tpu.wait_indirect_dma semaphore(%run_scoped3A_102 : memref<!tpu.dma_semaphore, #tpu.memory_space<semaphore_mem>>) src(%arg8 : memref<100x128xf32, #tpu.memory_space<vmem>>) dst(%dma_wait3A_114 : memref<10240x128xf32, #tpu.memory_space<vmem_shared>>)
        tpu.yield
      }) : () -> ()
      %mul3A_79 = arith.constant 2 : i32
      %mul3A_80 = arith.muli %mul3A_79, %scan3A_58 : i32
      %add3A_81 = arith.constant 1 : i32
      %add3A_82 = arith.addi %mul3A_80, %add3A_81 : i32
      %add3A_83 = arith.constant 1 : i32
      %add3A_84 = arith.addi %add3A_82, %add3A_83 : i32
      %rem3A_85 = arith.constant 100 : i32
      %rem3A_86 = arith.remsi %add3A_84, %rem3A_85 : i32
      "tpu.region"() ({
        %run_scoped3A_102 = tpu.sem_alloc : memref<!tpu.dma_semaphore, #tpu.memory_space<semaphore_mem>>
        %dma_start3A_103 = arith.constant 0 : i32
        %dma_start3A_104 = arith.constant 0 : i32
        %dma_start3A_105 = tpu.memref_slice %arg3[%add3A, %rem3A_86, %dma_start3A_103, %dma_start3A_104] : memref<32x100x2x100xi32, #tpu.memory_space<hbm>> -> memref<1x1x2x100xi32, #tpu.memory_space<hbm>>
        %dma_start3A_106 = tpu.memref_squeeze %dma_start3A_105 : memref<1x1x2x100xi32, #tpu.memory_space<hbm>> -> memref<2x100xi32, #tpu.memory_space<hbm>>
        %dma_start3A_107 = arith.constant 0 : i32
        %dma_start3A_108 = arith.constant 0 : i32
        %dma_start3A_109 = tpu.memref_slice %arg3[%add3A, %rem3A_86, %dma_start3A_107, %dma_start3A_108] : memref<32x100x2x100xi32, #tpu.memory_space<hbm>> -> memref<1x1x2x100xi32, #tpu.memory_space<hbm>>
        %dma_start3A_110 = tpu.memref_squeeze %dma_start3A_109 : memref<1x1x2x100xi32, #tpu.memory_space<hbm>> -> memref<2x100xi32, #tpu.memory_space<hbm>>
        tpu.enqueue_dma source(%dma_start3A_110 : memref<2x100xi32, #tpu.memory_space<hbm>>) target(%arg6 : memref<2x100xi32, #tpu.memory_space<vmem>>) target_semaphore(%run_scoped3A_102 : memref<!tpu.dma_semaphore, #tpu.memory_space<semaphore_mem>>)
        %dma_wait3A_111 = arith.constant 0 : i32
        %dma_wait3A_112 = arith.constant 0 : i32
        %dma_wait3A_113 = tpu.memref_slice %arg3[%add3A, %rem3A_86, %dma_wait3A_111, %dma_wait3A_112] : memref<32x100x2x100xi32, #tpu.memory_space<hbm>> -> memref<1x1x2x100xi32, #tpu.memory_space<hbm>>
        %dma_wait3A_114 = tpu.memref_squeeze %dma_wait3A_113 : memref<1x1x2x100xi32, #tpu.memory_space<hbm>> -> memref<2x100xi32, #tpu.memory_space<hbm>>
        %dma_wait3A_115 = arith.constant 0 : i32
        %dma_wait3A_116 = arith.constant 0 : i32
        %dma_wait3A_117 = tpu.memref_slice %arg3[%add3A, %rem3A_86, %dma_wait3A_115, %dma_wait3A_116] : memref<32x100x2x100xi32, #tpu.memory_space<hbm>> -> memref<1x1x2x100xi32, #tpu.memory_space<hbm>>
        %dma_wait3A_118 = tpu.memref_squeeze %dma_wait3A_117 : memref<1x1x2x100xi32, #tpu.memory_space<hbm>> -> memref<2x100xi32, #tpu.memory_space<hbm>>
        tpu.wait_dma2 semaphore(%run_scoped3A_102 : memref<!tpu.dma_semaphore, #tpu.memory_space<semaphore_mem>>) src(%dma_wait3A_118 : memref<2x100xi32, #tpu.memory_space<hbm>>) dst(%arg6 : memref<2x100xi32, #tpu.memory_space<vmem>>)
        tpu.yield
      }) : () -> ()
      %dma_wait3A_87 = arith.constant 0 : i32
      %dma_wait3A_88 = arith.constant 0 : i32
      %dma_wait3A_89 = tpu.memref_slice %arg7[%dma_wait3A_87, %dma_wait3A_88] : memref<2x100xi32, #tpu.memory_space<vmem>> -> memref<1x100xi32, #tpu.memory_space<vmem>>
      %dma_wait3A_90 = tpu.memref_squeeze %dma_wait3A_89 : memref<1x100xi32, #tpu.memory_space<vmem>> -> memref<100xi32, #tpu.memory_space<vmem>>
      %dma_wait3A_91 = arith.constant 0 : i32
      %dma_wait3A_92 = arith.constant 0 : i32
      %dma_wait3A_93 = tpu.memref_slice %arg2[%dma_wait3A_91, %dma_wait3A_92] : memref<10000x128xf32, #tpu.memory_space<hbm>> -> memref<10000x128xf32, #tpu.memory_space<hbm>>
      tpu.wait_indirect_dma semaphore(%arg11 : memref<!tpu.dma_semaphore, #tpu.memory_space<semaphore_mem>>) src(%dma_wait3A_93 : memref<10000x128xf32, #tpu.memory_space<hbm>>) dst(%arg9 : memref<100x128xf32, #tpu.memory_space<vmem>>)
      %dma_start3A_94 = arith.constant 0 : i32
      %dma_start3A_95 = arith.constant 0 : i32
      %dma_start3A_96 = tpu.memref_slice %arg6[%dma_start3A_94, %dma_start3A_95] : memref<2x100xi32, #tpu.memory_space<vmem>> -> memref<1x100xi32, #tpu.memory_space<vmem>>
      %dma_start3A_97 = tpu.memref_squeeze %dma_start3A_96 : memref<1x100xi32, #tpu.memory_space<vmem>> -> memref<100xi32, #tpu.memory_space<vmem>>
      %dma_start3A_98 = arith.constant 0 : i32
      %dma_start3A_99 = arith.constant 0 : i32
      %dma_start3A_100 = tpu.memref_slice %arg2[%dma_start3A_98, %dma_start3A_99] : memref<10000x128xf32, #tpu.memory_space<hbm>> -> memref<10000x128xf32, #tpu.memory_space<hbm>>
      tpu.enqueue_indirect_dma source(%dma_start3A_100 : memref<10000x128xf32, #tpu.memory_space<hbm>>) target(%arg8 : memref<100x128xf32, #tpu.memory_space<vmem>>) offsets(%dma_start3A_97 : memref<100xi32, #tpu.memory_space<vmem>>) semaphore(%arg10 : memref<!tpu.dma_semaphore, #tpu.memory_space<semaphore_mem>>)
      %run_scoped3A_101 = arith.constant 1 : i32
      "tpu.region"() ({
        %run_scoped3A_102 = tpu.sem_alloc : memref<!tpu.dma_semaphore, #tpu.memory_space<semaphore_mem>>
        %dma_start3A_103 = arith.constant 0 : i32
        %dma_start3A_104 = tpu.memref_slice %arg7[%run_scoped3A_101, %dma_start3A_103] : memref<2x100xi32, #tpu.memory_space<vmem>> -> memref<1x100xi32, #tpu.memory_space<vmem>>
        %dma_start3A_105 = tpu.memref_squeeze %dma_start3A_104 : memref<1x100xi32, #tpu.memory_space<vmem>> -> memref<100xi32, #tpu.memory_space<vmem>>
        %dma_start3A_106 = arith.constant 0 : i32
        %dma_start3A_107 = arith.constant 0 : i32
        %dma_start3A_108 = tpu.memref_slice %arg5[%dma_start3A_106, %dma_start3A_107] : memref<10240x128xf32, #tpu.memory_space<vmem_shared>> -> memref<10240x128xf32, #tpu.memory_space<vmem_shared>>
        tpu.enqueue_indirect_dma source(%arg9 : memref<100x128xf32, #tpu.memory_space<vmem>>) target(%dma_start3A_108 : memref<10240x128xf32, #tpu.memory_space<vmem_shared>>) offsets(%dma_start3A_105 : memref<100xi32, #tpu.memory_space<vmem>>) semaphore(%run_scoped3A_102 : memref<!tpu.dma_semaphore, #tpu.memory_space<semaphore_mem>>) {add = true}
        %dma_wait3A_109 = arith.constant 0 : i32
        %dma_wait3A_110 = tpu.memref_slice %arg7[%run_scoped3A_101, %dma_wait3A_109] : memref<2x100xi32, #tpu.memory_space<vmem>> -> memref<1x100xi32, #tpu.memory_space<vmem>>
        %dma_wait3A_111 = tpu.memref_squeeze %dma_wait3A_110 : memref<1x100xi32, #tpu.memory_space<vmem>> -> memref<100xi32, #tpu.memory_space<vmem>>
        %dma_wait3A_112 = arith.constant 0 : i32
        %dma_wait3A_113 = arith.constant 0 : i32
        %dma_wait3A_114 = tpu.memref_slice %arg5[%dma_wait3A_112, %dma_wait3A_113] : memref<10240x128xf32, #tpu.memory_space<vmem_shared>> -> memref<10240x128xf32, #tpu.memory_space<vmem_shared>>
        tpu.wait_indirect_dma semaphore(%run_scoped3A_102 : memref<!tpu.dma_semaphore, #tpu.memory_space<semaphore_mem>>) src(%arg9 : memref<100x128xf32, #tpu.memory_space<vmem>>) dst(%dma_wait3A_114 : memref<10240x128xf32, #tpu.memory_space<vmem_shared>>)
        tpu.yield
      }) : () -> ()
    }
    %scan3A_46 = arith.constant 50 : i32
    %dma_wait3A = arith.constant 0 : i32
    %dma_wait3A_47 = arith.constant 0 : i32
    %dma_wait3A_48 = tpu.memref_slice %arg6[%dma_wait3A, %dma_wait3A_47] : memref<2x100xi32, #tpu.memory_space<vmem>> -> memref<1x100xi32, #tpu.memory_space<vmem>>
    %dma_wait3A_49 = tpu.memref_squeeze %dma_wait3A_48 : memref<1x100xi32, #tpu.memory_space<vmem>> -> memref<100xi32, #tpu.memory_space<vmem>>
    %dma_wait3A_50 = arith.constant 0 : i32
    %dma_wait3A_51 = arith.constant 0 : i32
    %dma_wait3A_52 = tpu.memref_slice %arg2[%dma_wait3A_50, %dma_wait3A_51] : memref<10000x128xf32, #tpu.memory_space<hbm>> -> memref<10000x128xf32, #tpu.memory_space<hbm>>
    tpu.wait_indirect_dma semaphore(%arg10 : memref<!tpu.dma_semaphore, #tpu.memory_space<semaphore_mem>>) src(%dma_wait3A_52 : memref<10000x128xf32, #tpu.memory_space<hbm>>) dst(%arg8 : memref<100x128xf32, #tpu.memory_space<vmem>>)
    "tpu.trace_stop"() : () -> ()
    "tpu.trace_start"() <{level = 10 : i32, message = "agg_out"}> : () -> ()
    %barrier3A_53 = arith.constant 0 : index
    tpu.barrier barrier_id(%barrier3A_53)
    %mul3A_54 = arith.constant 640 : i32
    %mul3A_55 = arith.muli %arg1, %mul3A_54 : i32
    %mul3A_56 = arith.constant 640 : i32
    %mul3A_57 = arith.muli %arg1, %mul3A_56 : i32
    "tpu.region"() ({
      %run_scoped3A_58 = tpu.sem_alloc : memref<!tpu.dma_semaphore, #tpu.memory_space<semaphore_mem>>
      %dma_start3A_59 = arith.constant 0 : i32
      %dma_start3A_60 = tpu.memref_slice %arg4[%arg0, %mul3A_57, %dma_start3A_59] : memref<2x10240x128xf32, #tpu.memory_space<hbm>> -> memref<1x640x128xf32, #tpu.memory_space<hbm>>
      %dma_start3A_61 = tpu.memref_squeeze %dma_start3A_60 : memref<1x640x128xf32, #tpu.memory_space<hbm>> -> memref<640x128xf32, #tpu.memory_space<hbm>>
      %dma_start3A_62 = arith.constant 0 : i32
      %dma_start3A_63 = tpu.memref_slice %arg5[%mul3A_55, %dma_start3A_62] : memref<10240x128xf32, #tpu.memory_space<vmem_shared>> -> memref<640x128xf32, #tpu.memory_space<vmem_shared>>
      tpu.enqueue_dma source(%dma_start3A_63 : memref<640x128xf32, #tpu.memory_space<vmem_shared>>) target(%dma_start3A_61 : memref<640x128xf32, #tpu.memory_space<hbm>>) target_semaphore(%run_scoped3A_58 : memref<!tpu.dma_semaphore, #tpu.memory_space<semaphore_mem>>)
      %dma_wait3A_64 = arith.constant 0 : i32
      %dma_wait3A_65 = tpu.memref_slice %arg4[%arg0, %mul3A_57, %dma_wait3A_64] : memref<2x10240x128xf32, #tpu.memory_space<hbm>> -> memref<1x640x128xf32, #tpu.memory_space<hbm>>
      %dma_wait3A_66 = tpu.memref_squeeze %dma_wait3A_65 : memref<1x640x128xf32, #tpu.memory_space<hbm>> -> memref<640x128xf32, #tpu.memory_space<hbm>>
      %dma_wait3A_67 = arith.constant 0 : i32
      %dma_wait3A_68 = tpu.memref_slice %arg5[%mul3A_55, %dma_wait3A_67] : memref<10240x128xf32, #tpu.memory_space<vmem_shared>> -> memref<640x128xf32, #tpu.memory_space<vmem_shared>>
      tpu.wait_dma2 semaphore(%run_scoped3A_58 : memref<!tpu.dma_semaphore, #tpu.memory_space<semaphore_mem>>) src(%dma_wait3A_68 : memref<640x128xf32, #tpu.memory_space<vmem_shared>>) dst(%dma_wait3A_66 : memref<640x128xf32, #tpu.memory_space<hbm>>)
      tpu.yield
    }) : () -> ()
    "tpu.trace_stop"() : () -> ()
    return
  }
}

#map = affine_map<(d0, d1) -> (0, 0)>
#map1 = affine_map<(d0, d1) -> (0, 0, 0, 0)>
#map2 = affine_map<(d0, d1) -> (0, 0, 0)>
module attributes {stable_mosaic.version = 14 : i64} {
  func.func @body(%arg0: i32, %arg1: i32, %arg2: memref<10000x128xf32, #tpu.memory_space<hbm>>, %arg3: memref<32x100x2x100xi32, #tpu.memory_space<hbm>>, %arg4: memref<2x10240x128xf32, #tpu.memory_space<hbm>>, %arg5: memref<10240x128xf32, #tpu.memory_space<vmem_shared>>, %arg6: memref<2x100xi32, #tpu.memory_space<vmem>>, %arg7: memref<2x100xi32, #tpu.memory_space<vmem>>, %arg8: memref<100x128xf32, #tpu.memory_space<vmem>>, %arg9: memref<100x128xf32, #tpu.memory_space<vmem>>, %arg10: memref<!tpu.dma_semaphore, #tpu.memory_space<semaphore_mem>>, %arg11: memref<!tpu.dma_semaphore, #tpu.memory_space<semaphore_mem>>) attributes {dimension_semantics = [#tpu.dimension_semantics<core_parallel>, #tpu.dimension_semantics<subcore_parallel>], iteration_bounds = array<i64: 2, 16>, scalar_prefetch = 0 : i64, scratch_operands = 7 : i64, tpu.core_type = #tpu.core_type<sc_vector_subcore>, window_params = [{transform_indices = #map}, {transform_indices = #map1}, {transform_indices = #map2}]} {
    %mul3A = arith.constant 16 : i32
    %mul3A_0 = arith.muli %arg0, %mul3A : i32
    %add3A = arith.addi %mul3A_0, %arg1 : i32
    %run_scoped3A = arith.constant 0 : i32
    "tpu.trace_start"() <{level = 10 : i32, message = "agg_zero"}> : () -> ()
    "tpu.region"() ({
      %run_scoped3A_58 = tpu.sem_alloc : memref<!tpu.dma_semaphore, #tpu.memory_space<semaphore_mem>>
      %dma_start3A_59 = arith.constant 0 : i32
      %dma_start3A_60 = arith.constant 0 : i32
      %dma_start3A_61 = tpu.memref_slice %arg3[%add3A, %run_scoped3A, %dma_start3A_59, %dma_start3A_60] : memref<32x100x2x100xi32, #tpu.memory_space<hbm>> -> memref<1x1x2x100xi32, #tpu.memory_space<hbm>>
      %dma_start3A_62 = tpu.memref_squeeze %dma_start3A_61 : memref<1x1x2x100xi32, #tpu.memory_space<hbm>> -> memref<2x100xi32, #tpu.memory_space<hbm>>
      %dma_start3A_63 = arith.constant 0 : i32
      %dma_start3A_64 = arith.constant 0 : i32
      %dma_start3A_65 = tpu.memref_slice %arg3[%add3A, %run_scoped3A, %dma_start3A_63, %dma_start3A_64] : memref<32x100x2x100xi32, #tpu.memory_space<hbm>> -> memref<1x1x2x100xi32, #tpu.memory_space<hbm>>
      %dma_start3A_66 = tpu.memref_squeeze %dma_start3A_65 : memref<1x1x2x100xi32, #tpu.memory_space<hbm>> -> memref<2x100xi32, #tpu.memory_space<hbm>>
      tpu.enqueue_dma source(%dma_start3A_66 : memref<2x100xi32, #tpu.memory_space<hbm>>) target(%arg6 : memref<2x100xi32, #tpu.memory_space<vmem>>) target_semaphore(%run_scoped3A_58 : memref<!tpu.dma_semaphore, #tpu.memory_space<semaphore_mem>>)
      %dma_wait3A_67 = arith.constant 0 : i32
      %dma_wait3A_68 = arith.constant 0 : i32
      %dma_wait3A_69 = tpu.memref_slice %arg3[%add3A, %run_scoped3A, %dma_wait3A_67, %dma_wait3A_68] : memref<32x100x2x100xi32, #tpu.memory_space<hbm>> -> memref<1x1x2x100xi32, #tpu.memory_space<hbm>>
      %dma_wait3A_70 = tpu.memref_squeeze %dma_wait3A_69 : memref<1x1x2x100xi32, #tpu.memory_space<hbm>> -> memref<2x100xi32, #tpu.memory_space<hbm>>
      %dma_wait3A_71 = arith.constant 0 : i32
      %dma_wait3A_72 = arith.constant 0 : i32
      %dma_wait3A_73 = tpu.memref_slice %arg3[%add3A, %run_scoped3A, %dma_wait3A_71, %dma_wait3A_72] : memref<32x100x2x100xi32, #tpu.memory_space<hbm>> -> memref<1x1x2x100xi32, #tpu.memory_space<hbm>>
      %dma_wait3A_74 = tpu.memref_squeeze %dma_wait3A_73 : memref<1x1x2x100xi32, #tpu.memory_space<hbm>> -> memref<2x100xi32, #tpu.memory_space<hbm>>
      tpu.wait_dma2 semaphore(%run_scoped3A_58 : memref<!tpu.dma_semaphore, #tpu.memory_space<semaphore_mem>>) src(%dma_wait3A_74 : memref<2x100xi32, #tpu.memory_space<hbm>>) dst(%arg6 : memref<2x100xi32, #tpu.memory_space<vmem>>)
      tpu.yield
    }) : () -> ()
    %dma_start3A = arith.constant 0 : i32
    %dma_start3A_1 = arith.constant 0 : i32
    %dma_start3A_2 = tpu.memref_slice %arg6[%dma_start3A, %dma_start3A_1] : memref<2x100xi32, #tpu.memory_space<vmem>> -> memref<1x100xi32, #tpu.memory_space<vmem>>
    %dma_start3A_3 = tpu.memref_squeeze %dma_start3A_2 : memref<1x100xi32, #tpu.memory_space<vmem>> -> memref<100xi32, #tpu.memory_space<vmem>>
    %dma_start3A_4 = arith.constant 0 : i32
    %dma_start3A_5 = arith.constant 0 : i32
    %dma_start3A_6 = tpu.memref_slice %arg2[%dma_start3A_4, %dma_start3A_5] : memref<10000x128xf32, #tpu.memory_space<hbm>> -> memref<10000x128xf32, #tpu.memory_space<hbm>>
    tpu.enqueue_indirect_dma source(%dma_start3A_6 : memref<10000x128xf32, #tpu.memory_space<hbm>>) target(%arg8 : memref<100x128xf32, #tpu.memory_space<vmem>>) offsets(%dma_start3A_3 : memref<100xi32, #tpu.memory_space<vmem>>) semaphore(%arg10 : memref<!tpu.dma_semaphore, #tpu.memory_space<semaphore_mem>>)
    %broadcast_in_dim3A = arith.constant 0.000000e+00 : f32
    %broadcast_in_dim3A_7 = vector.broadcast %broadcast_in_dim3A : f32 to vector<16xf32>
    %scan3A = arith.constant 0 : i32
    %scan3A_8 = arith.constant 0 : i32
    %scan3A_9 = arith.constant 100 : i32
    %scan3A_10 = arith.addi %scan3A_8, %scan3A_9 : i32
    %scan3A_11 = arith.constant 1 : i32
    scf.for %scan3A_58 = %scan3A_8 to %scan3A_10 step %scan3A_11  : i32 {
      %swap3A = arith.index_cast %scan3A_58 : i32 to index
      %swap3A_59 = arith.constant 0 : index
      %swap3A_60 = tpu.vector_load %arg9[%swap3A, %swap3A_59] {strides = array<i32>} : memref<100x128xf32, #tpu.memory_space<vmem>>, vector<1x16xf32>,
      %swap3A_61 = vector.shape_cast %swap3A_60 : vector<1x16xf32> to vector<16xf32>
      %swap3A_62 = vector.shape_cast %broadcast_in_dim3A_7 : vector<16xf32> to vector<1x16xf32>
      tpu.vector_store %arg9[%swap3A, %swap3A_59], %swap3A_62 {strides = array<i32>} : memref<100x128xf32, #tpu.memory_space<vmem>>, vector<1x16xf32>,
      %swap3A_63 = arith.index_cast %scan3A_58 : i32 to index
      %swap3A_64 = arith.constant 16 : index
      %swap3A_65 = tpu.vector_load %arg9[%swap3A_63, %swap3A_64] {strides = array<i32>} : memref<100x128xf32, #tpu.memory_space<vmem>>, vector<1x16xf32>,
      %swap3A_66 = vector.shape_cast %swap3A_65 : vector<1x16xf32> to vector<16xf32>
      %swap3A_67 = vector.shape_cast %broadcast_in_dim3A_7 : vector<16xf32> to vector<1x16xf32>
      tpu.vector_store %arg9[%swap3A_63, %swap3A_64], %swap3A_67 {strides = array<i32>} : memref<100x128xf32, #tpu.memory_space<vmem>>, vector<1x16xf32>,
      %swap3A_68 = arith.index_cast %scan3A_58 : i32 to index
      %swap3A_69 = arith.constant 32 : index
      %swap3A_70 = tpu.vector_load %arg9[%swap3A_68, %swap3A_69] {strides = array<i32>} : memref<100x128xf32, #tpu.memory_space<vmem>>, vector<1x16xf32>,
      %swap3A_71 = vector.shape_cast %swap3A_70 : vector<1x16xf32> to vector<16xf32>
      %swap3A_72 = vector.shape_cast %broadcast_in_dim3A_7 : vector<16xf32> to vector<1x16xf32>
      tpu.vector_store %arg9[%swap3A_68, %swap3A_69], %swap3A_72 {strides = array<i32>} : memref<100x128xf32, #tpu.memory_space<vmem>>, vector<1x16xf32>,
      %swap3A_73 = arith.index_cast %scan3A_58 : i32 to index
      %swap3A_74 = arith.constant 48 : index
      %swap3A_75 = tpu.vector_load %arg9[%swap3A_73, %swap3A_74] {strides = array<i32>} : memref<100x128xf32, #tpu.memory_space<vmem>>, vector<1x16xf32>,
      %swap3A_76 = vector.shape_cast %swap3A_75 : vector<1x16xf32> to vector<16xf32>
      %swap3A_77 = vector.shape_cast %broadcast_in_dim3A_7 : vector<16xf32> to vector<1x16xf32>
      tpu.vector_store %arg9[%swap3A_73, %swap3A_74], %swap3A_77 {strides = array<i32>} : memref<100x128xf32, #tpu.memory_space<vmem>>, vector<1x16xf32>,
      %swap3A_78 = arith.index_cast %scan3A_58 : i32 to index
      %swap3A_79 = arith.constant 64 : index
      %swap3A_80 = tpu.vector_load %arg9[%swap3A_78, %swap3A_79] {strides = array<i32>} : memref<100x128xf32, #tpu.memory_space<vmem>>, vector<1x16xf32>,
      %swap3A_81 = vector.shape_cast %swap3A_80 : vector<1x16xf32> to vector<16xf32>
      %swap3A_82 = vector.shape_cast %broadcast_in_dim3A_7 : vector<16xf32> to vector<1x16xf32>
      tpu.vector_store %arg9[%swap3A_78, %swap3A_79], %swap3A_82 {strides = array<i32>} : memref<100x128xf32, #tpu.memory_space<vmem>>, vector<1x16xf32>,
      %swap3A_83 = arith.index_cast %scan3A_58 : i32 to index
      %swap3A_84 = arith.constant 80 : index
      %swap3A_85 = tpu.vector_load %arg9[%swap3A_83, %swap3A_84] {strides = array<i32>} : memref<100x128xf32, #tpu.memory_space<vmem>>, vector<1x16xf32>,
      %swap3A_86 = vector.shape_cast %swap3A_85 : vector<1x16xf32> to vector<16xf32>
      %swap3A_87 = vector.shape_cast %broadcast_in_dim3A_7 : vector<16xf32> to vector<1x16xf32>
      tpu.vector_store %arg9[%swap3A_83, %swap3A_84], %swap3A_87 {strides = array<i32>} : memref<100x128xf32, #tpu.memory_space<vmem>>, vector<1x16xf32>,
      %swap3A_88 = arith.index_cast %scan3A_58 : i32 to index
      %swap3A_89 = arith.constant 96 : index
      %swap3A_90 = tpu.vector_load %arg9[%swap3A_88, %swap3A_89] {strides = array<i32>} : memref<100x128xf32, #tpu.memory_space<vmem>>, vector<1x16xf32>,
      %swap3A_91 = vector.shape_cast %swap3A_90 : vector<1x16xf32> to vector<16xf32>
      %swap3A_92 = vector.shape_cast %broadcast_in_dim3A_7 : vector<16xf32> to vector<1x16xf32>
      tpu.vector_store %arg9[%swap3A_88, %swap3A_89], %swap3A_92 {strides = array<i32>} : memref<100x128xf32, #tpu.memory_space<vmem>>, vector<1x16xf32>,
      %swap3A_93 = arith.index_cast %scan3A_58 : i32 to index
      %swap3A_94 = arith.constant 112 : index
      %swap3A_95 = tpu.vector_load %arg9[%swap3A_93, %swap3A_94] {strides = array<i32>} : memref<100x128xf32, #tpu.memory_space<vmem>>, vector<1x16xf32>,
      %swap3A_96 = vector.shape_cast %swap3A_95 : vector<1x16xf32> to vector<16xf32>
      %swap3A_97 = vector.shape_cast %broadcast_in_dim3A_7 : vector<16xf32> to vector<1x16xf32>
      tpu.vector_store %arg9[%swap3A_93, %swap3A_94], %swap3A_97 {strides = array<i32>} : memref<100x128xf32, #tpu.memory_space<vmem>>, vector<1x16xf32>,
    }
    %scan3A_12 = arith.constant 100 : i32
    %mul3A_13 = arith.constant 640 : i32
    %mul3A_14 = arith.muli %arg1, %mul3A_13 : i32
    %add3A_15 = arith.constant 0 : i32
    %add3A_16 = arith.addi %mul3A_14, %add3A_15 : i32
    "tpu.region"() ({
      %run_scoped3A_58 = tpu.sem_alloc : memref<!tpu.dma_semaphore, #tpu.memory_space<semaphore_mem>>
      %dma_start3A_59 = arith.constant 0 : i32
      %dma_start3A_60 = tpu.memref_slice %arg5[%add3A_16, %dma_start3A_59] : memref<10240x128xf32, #tpu.memory_space<vmem_shared>> -> memref<100x128xf32, #tpu.memory_space<vmem_shared>>
      %dma_start3A_61 = arith.constant 0 : i32
      %dma_start3A_62 = tpu.memref_slice %arg5[%add3A_16, %dma_start3A_61] : memref<10240x128xf32, #tpu.memory_space<vmem_shared>> -> memref<100x128xf32, #tpu.memory_space<vmem_shared>>
      tpu.enqueue_dma source(%arg9 : memref<100x128xf32, #tpu.memory_space<vmem>>) target(%dma_start3A_62 : memref<100x128xf32, #tpu.memory_space<vmem_shared>>) target_semaphore(%run_scoped3A_58 : memref<!tpu.dma_semaphore, #tpu.memory_space<semaphore_mem>>)
      %dma_wait3A_63 = arith.constant 0 : i32
      %dma_wait3A_64 = tpu.memref_slice %arg5[%add3A_16, %dma_wait3A_63] : memref<10240x128xf32, #tpu.memory_space<vmem_shared>> -> memref<100x128xf32, #tpu.memory_space<vmem_shared>>
      %dma_wait3A_65 = arith.constant 0 : i32
      %dma_wait3A_66 = tpu.memref_slice %arg5[%add3A_16, %dma_wait3A_65] : memref<10240x128xf32, #tpu.memory_space<vmem_shared>> -> memref<100x128xf32, #tpu.memory_space<vmem_shared>>
      tpu.wait_dma2 semaphore(%run_scoped3A_58 : memref<!tpu.dma_semaphore, #tpu.memory_space<semaphore_mem>>) src(%arg9 : memref<100x128xf32, #tpu.memory_space<vmem>>) dst(%dma_wait3A_66 : memref<100x128xf32, #tpu.memory_space<vmem_shared>>)
      tpu.yield
    }) : () -> ()
    %mul3A_17 = arith.constant 640 : i32
    %mul3A_18 = arith.muli %arg1, %mul3A_17 : i32
    %add3A_19 = arith.constant 100 : i32
    %add3A_20 = arith.addi %mul3A_18, %add3A_19 : i32
    "tpu.region"() ({
      %run_scoped3A_58 = tpu.sem_alloc : memref<!tpu.dma_semaphore, #tpu.memory_space<semaphore_mem>>
      %dma_start3A_59 = arith.constant 0 : i32
      %dma_start3A_60 = tpu.memref_slice %arg5[%add3A_20, %dma_start3A_59] : memref<10240x128xf32, #tpu.memory_space<vmem_shared>> -> memref<100x128xf32, #tpu.memory_space<vmem_shared>>
      %dma_start3A_61 = arith.constant 0 : i32
      %dma_start3A_62 = tpu.memref_slice %arg5[%add3A_20, %dma_start3A_61] : memref<10240x128xf32, #tpu.memory_space<vmem_shared>> -> memref<100x128xf32, #tpu.memory_space<vmem_shared>>
      tpu.enqueue_dma source(%arg9 : memref<100x128xf32, #tpu.memory_space<vmem>>) target(%dma_start3A_62 : memref<100x128xf32, #tpu.memory_space<vmem_shared>>) target_semaphore(%run_scoped3A_58 : memref<!tpu.dma_semaphore, #tpu.memory_space<semaphore_mem>>)
      %dma_wait3A_63 = arith.constant 0 : i32
      %dma_wait3A_64 = tpu.memref_slice %arg5[%add3A_20, %dma_wait3A_63] : memref<10240x128xf32, #tpu.memory_space<vmem_shared>> -> memref<100x128xf32, #tpu.memory_space<vmem_shared>>
      %dma_wait3A_65 = arith.constant 0 : i32
      %dma_wait3A_66 = tpu.memref_slice %arg5[%add3A_20, %dma_wait3A_65] : memref<10240x128xf32, #tpu.memory_space<vmem_shared>> -> memref<100x128xf32, #tpu.memory_space<vmem_shared>>
      tpu.wait_dma2 semaphore(%run_scoped3A_58 : memref<!tpu.dma_semaphore, #tpu.memory_space<semaphore_mem>>) src(%arg9 : memref<100x128xf32, #tpu.memory_space<vmem>>) dst(%dma_wait3A_66 : memref<100x128xf32, #tpu.memory_space<vmem_shared>>)
      tpu.yield
    }) : () -> ()
    %mul3A_21 = arith.constant 640 : i32
    %mul3A_22 = arith.muli %arg1, %mul3A_21 : i32
    %add3A_23 = arith.constant 200 : i32
    %add3A_24 = arith.addi %mul3A_22, %add3A_23 : i32
    "tpu.region"() ({
      %run_scoped3A_58 = tpu.sem_alloc : memref<!tpu.dma_semaphore, #tpu.memory_space<semaphore_mem>>
      %dma_start3A_59 = arith.constant 0 : i32
      %dma_start3A_60 = tpu.memref_slice %arg5[%add3A_24, %dma_start3A_59] : memref<10240x128xf32, #tpu.memory_space<vmem_shared>> -> memref<100x128xf32, #tpu.memory_space<vmem_shared>>
      %dma_start3A_61 = arith.constant 0 : i32
      %dma_start3A_62 = tpu.memref_slice %arg5[%add3A_24, %dma_start3A_61] : memref<10240x128xf32, #tpu.memory_space<vmem_shared>> -> memref<100x128xf32, #tpu.memory_space<vmem_shared>>
      tpu.enqueue_dma source(%arg9 : memref<100x128xf32, #tpu.memory_space<vmem>>) target(%dma_start3A_62 : memref<100x128xf32, #tpu.memory_space<vmem_shared>>) target_semaphore(%run_scoped3A_58 : memref<!tpu.dma_semaphore, #tpu.memory_space<semaphore_mem>>)
      %dma_wait3A_63 = arith.constant 0 : i32
      %dma_wait3A_64 = tpu.memref_slice %arg5[%add3A_24, %dma_wait3A_63] : memref<10240x128xf32, #tpu.memory_space<vmem_shared>> -> memref<100x128xf32, #tpu.memory_space<vmem_shared>>
      %dma_wait3A_65 = arith.constant 0 : i32
      %dma_wait3A_66 = tpu.memref_slice %arg5[%add3A_24, %dma_wait3A_65] : memref<10240x128xf32, #tpu.memory_space<vmem_shared>> -> memref<100x128xf32, #tpu.memory_space<vmem_shared>>
      tpu.wait_dma2 semaphore(%run_scoped3A_58 : memref<!tpu.dma_semaphore, #tpu.memory_space<semaphore_mem>>) src(%arg9 : memref<100x128xf32, #tpu.memory_space<vmem>>) dst(%dma_wait3A_66 : memref<100x128xf32, #tpu.memory_space<vmem_shared>>)
      tpu.yield
    }) : () -> ()
    %mul3A_25 = arith.constant 640 : i32
    %mul3A_26 = arith.muli %arg1, %mul3A_25 : i32
    %add3A_27 = arith.constant 300 : i32
    %add3A_28 = arith.addi %mul3A_26, %add3A_27 : i32
    "tpu.region"() ({
      %run_scoped3A_58 = tpu.sem_alloc : memref<!tpu.dma_semaphore, #tpu.memory_space<semaphore_mem>>
      %dma_start3A_59 = arith.constant 0 : i32
      %dma_start3A_60 = tpu.memref_slice %arg5[%add3A_28, %dma_start3A_59] : memref<10240x128xf32, #tpu.memory_space<vmem_shared>> -> memref<100x128xf32, #tpu.memory_space<vmem_shared>>
      %dma_start3A_61 = arith.constant 0 : i32
      %dma_start3A_62 = tpu.memref_slice %arg5[%add3A_28, %dma_start3A_61] : memref<10240x128xf32, #tpu.memory_space<vmem_shared>> -> memref<100x128xf32, #tpu.memory_space<vmem_shared>>
      tpu.enqueue_dma source(%arg9 : memref<100x128xf32, #tpu.memory_space<vmem>>) target(%dma_start3A_62 : memref<100x128xf32, #tpu.memory_space<vmem_shared>>) target_semaphore(%run_scoped3A_58 : memref<!tpu.dma_semaphore, #tpu.memory_space<semaphore_mem>>)
      %dma_wait3A_63 = arith.constant 0 : i32
      %dma_wait3A_64 = tpu.memref_slice %arg5[%add3A_28, %dma_wait3A_63] : memref<10240x128xf32, #tpu.memory_space<vmem_shared>> -> memref<100x128xf32, #tpu.memory_space<vmem_shared>>
      %dma_wait3A_65 = arith.constant 0 : i32
      %dma_wait3A_66 = tpu.memref_slice %arg5[%add3A_28, %dma_wait3A_65] : memref<10240x128xf32, #tpu.memory_space<vmem_shared>> -> memref<100x128xf32, #tpu.memory_space<vmem_shared>>
      tpu.wait_dma2 semaphore(%run_scoped3A_58 : memref<!tpu.dma_semaphore, #tpu.memory_space<semaphore_mem>>) src(%arg9 : memref<100x128xf32, #tpu.memory_space<vmem>>) dst(%dma_wait3A_66 : memref<100x128xf32, #tpu.memory_space<vmem_shared>>)
      tpu.yield
    }) : () -> ()
    %mul3A_29 = arith.constant 640 : i32
    %mul3A_30 = arith.muli %arg1, %mul3A_29 : i32
    %add3A_31 = arith.constant 400 : i32
    %add3A_32 = arith.addi %mul3A_30, %add3A_31 : i32
    "tpu.region"() ({
      %run_scoped3A_58 = tpu.sem_alloc : memref<!tpu.dma_semaphore, #tpu.memory_space<semaphore_mem>>
      %dma_start3A_59 = arith.constant 0 : i32
      %dma_start3A_60 = tpu.memref_slice %arg5[%add3A_32, %dma_start3A_59] : memref<10240x128xf32, #tpu.memory_space<vmem_shared>> -> memref<100x128xf32, #tpu.memory_space<vmem_shared>>
      %dma_start3A_61 = arith.constant 0 : i32
      %dma_start3A_62 = tpu.memref_slice %arg5[%add3A_32, %dma_start3A_61] : memref<10240x128xf32, #tpu.memory_space<vmem_shared>> -> memref<100x128xf32, #tpu.memory_space<vmem_shared>>
      tpu.enqueue_dma source(%arg9 : memref<100x128xf32, #tpu.memory_space<vmem>>) target(%dma_start3A_62 : memref<100x128xf32, #tpu.memory_space<vmem_shared>>) target_semaphore(%run_scoped3A_58 : memref<!tpu.dma_semaphore, #tpu.memory_space<semaphore_mem>>)
      %dma_wait3A_63 = arith.constant 0 : i32
      %dma_wait3A_64 = tpu.memref_slice %arg5[%add3A_32, %dma_wait3A_63] : memref<10240x128xf32, #tpu.memory_space<vmem_shared>> -> memref<100x128xf32, #tpu.memory_space<vmem_shared>>
      %dma_wait3A_65 = arith.constant 0 : i32
      %dma_wait3A_66 = tpu.memref_slice %arg5[%add3A_32, %dma_wait3A_65] : memref<10240x128xf32, #tpu.memory_space<vmem_shared>> -> memref<100x128xf32, #tpu.memory_space<vmem_shared>>
      tpu.wait_dma2 semaphore(%run_scoped3A_58 : memref<!tpu.dma_semaphore, #tpu.memory_space<semaphore_mem>>) src(%arg9 : memref<100x128xf32, #tpu.memory_space<vmem>>) dst(%dma_wait3A_66 : memref<100x128xf32, #tpu.memory_space<vmem_shared>>)
      tpu.yield
    }) : () -> ()
    %mul3A_33 = arith.constant 640 : i32
    %mul3A_34 = arith.muli %arg1, %mul3A_33 : i32
    %add3A_35 = arith.constant 500 : i32
    %add3A_36 = arith.addi %mul3A_34, %add3A_35 : i32
    "tpu.region"() ({
      %run_scoped3A_58 = tpu.sem_alloc : memref<!tpu.dma_semaphore, #tpu.memory_space<semaphore_mem>>
      %dma_start3A_59 = arith.constant 0 : i32
      %dma_start3A_60 = tpu.memref_slice %arg5[%add3A_36, %dma_start3A_59] : memref<10240x128xf32, #tpu.memory_space<vmem_shared>> -> memref<100x128xf32, #tpu.memory_space<vmem_shared>>
      %dma_start3A_61 = arith.constant 0 : i32
      %dma_start3A_62 = tpu.memref_slice %arg5[%add3A_36, %dma_start3A_61] : memref<10240x128xf32, #tpu.memory_space<vmem_shared>> -> memref<100x128xf32, #tpu.memory_space<vmem_shared>>
      tpu.enqueue_dma source(%arg9 : memref<100x128xf32, #tpu.memory_space<vmem>>) target(%dma_start3A_62 : memref<100x128xf32, #tpu.memory_space<vmem_shared>>) target_semaphore(%run_scoped3A_58 : memref<!tpu.dma_semaphore, #tpu.memory_space<semaphore_mem>>)
      %dma_wait3A_63 = arith.constant 0 : i32
      %dma_wait3A_64 = tpu.memref_slice %arg5[%add3A_36, %dma_wait3A_63] : memref<10240x128xf32, #tpu.memory_space<vmem_shared>> -> memref<100x128xf32, #tpu.memory_space<vmem_shared>>
      %dma_wait3A_65 = arith.constant 0 : i32
      %dma_wait3A_66 = tpu.memref_slice %arg5[%add3A_36, %dma_wait3A_65] : memref<10240x128xf32, #tpu.memory_space<vmem_shared>> -> memref<100x128xf32, #tpu.memory_space<vmem_shared>>
      tpu.wait_dma2 semaphore(%run_scoped3A_58 : memref<!tpu.dma_semaphore, #tpu.memory_space<semaphore_mem>>) src(%arg9 : memref<100x128xf32, #tpu.memory_space<vmem>>) dst(%dma_wait3A_66 : memref<100x128xf32, #tpu.memory_space<vmem_shared>>)
      tpu.yield
    }) : () -> ()
    %mul3A_37 = arith.constant 640 : i32
    %mul3A_38 = arith.muli %arg1, %mul3A_37 : i32
    %add3A_39 = arith.constant 600 : i32
    %add3A_40 = arith.addi %mul3A_38, %add3A_39 : i32
    "tpu.region"() ({
      %run_scoped3A_58 = tpu.sem_alloc : memref<!tpu.dma_semaphore, #tpu.memory_space<semaphore_mem>>
      %dma_start3A_59 = arith.constant 0 : i32
      %dma_start3A_60 = arith.constant 0 : i32
      %dma_start3A_61 = tpu.memref_slice %arg9[%dma_start3A_59, %dma_start3A_60] : memref<100x128xf32, #tpu.memory_space<vmem>> -> memref<40x128xf32, #tpu.memory_space<vmem>>
      %dma_start3A_62 = arith.constant 0 : i32
      %dma_start3A_63 = tpu.memref_slice %arg5[%add3A_40, %dma_start3A_62] : memref<10240x128xf32, #tpu.memory_space<vmem_shared>> -> memref<40x128xf32, #tpu.memory_space<vmem_shared>>
      %dma_start3A_64 = arith.constant 0 : i32
      %dma_start3A_65 = tpu.memref_slice %arg5[%add3A_40, %dma_start3A_64] : memref<10240x128xf32, #tpu.memory_space<vmem_shared>> -> memref<40x128xf32, #tpu.memory_space<vmem_shared>>
      %dma_start3A_66 = arith.constant 0 : i32
      %dma_start3A_67 = arith.constant 0 : i32
      %dma_start3A_68 = tpu.memref_slice %arg9[%dma_start3A_66, %dma_start3A_67] : memref<100x128xf32, #tpu.memory_space<vmem>> -> memref<40x128xf32, #tpu.memory_space<vmem>>
      tpu.enqueue_dma source(%dma_start3A_68 : memref<40x128xf32, #tpu.memory_space<vmem>>) target(%dma_start3A_65 : memref<40x128xf32, #tpu.memory_space<vmem_shared>>) target_semaphore(%run_scoped3A_58 : memref<!tpu.dma_semaphore, #tpu.memory_space<semaphore_mem>>)
      %dma_wait3A_69 = arith.constant 0 : i32
      %dma_wait3A_70 = arith.constant 0 : i32
      %dma_wait3A_71 = tpu.memref_slice %arg9[%dma_wait3A_69, %dma_wait3A_70] : memref<100x128xf32, #tpu.memory_space<vmem>> -> memref<40x128xf32, #tpu.memory_space<vmem>>
      %dma_wait3A_72 = arith.constant 0 : i32
      %dma_wait3A_73 = tpu.memref_slice %arg5[%add3A_40, %dma_wait3A_72] : memref<10240x128xf32, #tpu.memory_space<vmem_shared>> -> memref<40x128xf32, #tpu.memory_space<vmem_shared>>
      %dma_wait3A_74 = arith.constant 0 : i32
      %dma_wait3A_75 = tpu.memref_slice %arg5[%add3A_40, %dma_wait3A_74] : memref<10240x128xf32, #tpu.memory_space<vmem_shared>> -> memref<40x128xf32, #tpu.memory_space<vmem_shared>>
      %dma_wait3A_76 = arith.constant 0 : i32
      %dma_wait3A_77 = arith.constant 0 : i32
      %dma_wait3A_78 = tpu.memref_slice %arg9[%dma_wait3A_76, %dma_wait3A_77] : memref<100x128xf32, #tpu.memory_space<vmem>> -> memref<40x128xf32, #tpu.memory_space<vmem>>
      tpu.wait_dma2 semaphore(%run_scoped3A_58 : memref<!tpu.dma_semaphore, #tpu.memory_space<semaphore_mem>>) src(%dma_wait3A_78 : memref<40x128xf32, #tpu.memory_space<vmem>>) dst(%dma_wait3A_75 : memref<40x128xf32, #tpu.memory_space<vmem_shared>>)
      tpu.yield
    }) : () -> ()
    %barrier3A = arith.constant 0 : index
    tpu.barrier barrier_id(%barrier3A)
    "tpu.trace_stop"() : () -> ()
    "tpu.trace_start"() <{level = 10 : i32, message = "agg_loop"}> : () -> ()
    %scan3A_41 = arith.constant 0 : i32
    %scan3A_42 = arith.constant 0 : i32
    %scan3A_43 = arith.constant 50 : i32
    %scan3A_44 = arith.addi %scan3A_42, %scan3A_43 : i32
    %scan3A_45 = arith.constant 1 : i32
    scf.for %scan3A_58 = %scan3A_42 to %scan3A_44 step %scan3A_45  : i32 {
      %mul3A_59 = arith.constant 2 : i32
      %mul3A_60 = arith.muli %mul3A_59, %scan3A_58 : i32
      %add3A_61 = arith.constant 1 : i32
      %add3A_62 = arith.addi %mul3A_60, %add3A_61 : i32
      %rem3A = arith.constant 100 : i32
      %rem3A_63 = arith.remsi %add3A_62, %rem3A : i32
      "tpu.region"() ({
        %run_scoped3A_102 = tpu.sem_alloc : memref<!tpu.dma_semaphore, #tpu.memory_space<semaphore_mem>>
        %dma_start3A_103 = arith.constant 0 : i32
        %dma_start3A_104 = arith.constant 0 : i32
        %dma_start3A_105 = tpu.memref_slice %arg3[%add3A, %rem3A_63, %dma_start3A_103, %dma_start3A_104] : memref<32x100x2x100xi32, #tpu.memory_space<hbm>> -> memref<1x1x2x100xi32, #tpu.memory_space<hbm>>
        %dma_start3A_106 = tpu.memref_squeeze %dma_start3A_105 : memref<1x1x2x100xi32, #tpu.memory_space<hbm>> -> memref<2x100xi32, #tpu.memory_space<hbm>>
        %dma_start3A_107 = arith.constant 0 : i32
        %dma_start3A_108 = arith.constant 0 : i32
        %dma_start3A_109 = tpu.memref_slice %arg3[%add3A, %rem3A_63, %dma_start3A_107, %dma_start3A_108] : memref<32x100x2x100xi32, #tpu.memory_space<hbm>> -> memref<1x1x2x100xi32, #tpu.memory_space<hbm>>
        %dma_start3A_110 = tpu.memref_squeeze %dma_start3A_109 : memref<1x1x2x100xi32, #tpu.memory_space<hbm>> -> memref<2x100xi32, #tpu.memory_space<hbm>>
        tpu.enqueue_dma source(%dma_start3A_110 : memref<2x100xi32, #tpu.memory_space<hbm>>) target(%arg7 : memref<2x100xi32, #tpu.memory_space<vmem>>) target_semaphore(%run_scoped3A_102 : memref<!tpu.dma_semaphore, #tpu.memory_space<semaphore_mem>>)
        %dma_wait3A_111 = arith.constant 0 : i32
        %dma_wait3A_112 = arith.constant 0 : i32
        %dma_wait3A_113 = tpu.memref_slice %arg3[%add3A, %rem3A_63, %dma_wait3A_111, %dma_wait3A_112] : memref<32x100x2x100xi32, #tpu.memory_space<hbm>> -> memref<1x1x2x100xi32, #tpu.memory_space<hbm>>
        %dma_wait3A_114 = tpu.memref_squeeze %dma_wait3A_113 : memref<1x1x2x100xi32, #tpu.memory_space<hbm>> -> memref<2x100xi32, #tpu.memory_space<hbm>>
        %dma_wait3A_115 = arith.constant 0 : i32
        %dma_wait3A_116 = arith.constant 0 : i32
        %dma_wait3A_117 = tpu.memref_slice %arg3[%add3A, %rem3A_63, %dma_wait3A_115, %dma_wait3A_116] : memref<32x100x2x100xi32, #tpu.memory_space<hbm>> -> memref<1x1x2x100xi32, #tpu.memory_space<hbm>>
        %dma_wait3A_118 = tpu.memref_squeeze %dma_wait3A_117 : memref<1x1x2x100xi32, #tpu.memory_space<hbm>> -> memref<2x100xi32, #tpu.memory_space<hbm>>
        tpu.wait_dma2 semaphore(%run_scoped3A_102 : memref<!tpu.dma_semaphore, #tpu.memory_space<semaphore_mem>>) src(%dma_wait3A_118 : memref<2x100xi32, #tpu.memory_space<hbm>>) dst(%arg7 : memref<2x100xi32, #tpu.memory_space<vmem>>)
        tpu.yield
      }) : () -> ()
      %dma_wait3A_64 = arith.constant 0 : i32
      %dma_wait3A_65 = arith.constant 0 : i32
      %dma_wait3A_66 = tpu.memref_slice %arg6[%dma_wait3A_64, %dma_wait3A_65] : memref<2x100xi32, #tpu.memory_space<vmem>> -> memref<1x100xi32, #tpu.memory_space<vmem>>
      %dma_wait3A_67 = tpu.memref_squeeze %dma_wait3A_66 : memref<1x100xi32, #tpu.memory_space<vmem>> -> memref<100xi32, #tpu.memory_space<vmem>>
      %dma_wait3A_68 = arith.constant 0 : i32
      %dma_wait3A_69 = arith.constant 0 : i32
      %dma_wait3A_70 = tpu.memref_slice %arg2[%dma_wait3A_68, %dma_wait3A_69] : memref<10000x128xf32, #tpu.memory_space<hbm>> -> memref<10000x128xf32, #tpu.memory_space<hbm>>
      tpu.wait_indirect_dma semaphore(%arg10 : memref<!tpu.dma_semaphore, #tpu.memory_space<semaphore_mem>>) src(%dma_wait3A_70 : memref<10000x128xf32, #tpu.memory_space<hbm>>) dst(%arg8 : memref<100x128xf32, #tpu.memory_space<vmem>>)
      %dma_start3A_71 = arith.constant 0 : i32
      %dma_start3A_72 = arith.constant 0 : i32
      %dma_start3A_73 = tpu.memref_slice %arg7[%dma_start3A_71, %dma_start3A_72] : memref<2x100xi32, #tpu.memory_space<vmem>> -> memref<1x100xi32, #tpu.memory_space<vmem>>
      %dma_start3A_74 = tpu.memref_squeeze %dma_start3A_73 : memref<1x100xi32, #tpu.memory_space<vmem>> -> memref<100xi32, #tpu.memory_space<vmem>>
      %dma_start3A_75 = arith.constant 0 : i32
      %dma_start3A_76 = arith.constant 0 : i32
      %dma_start3A_77 = tpu.memref_slice %arg2[%dma_start3A_75, %dma_start3A_76] : memref<10000x128xf32, #tpu.memory_space<hbm>> -> memref<10000x128xf32, #tpu.memory_space<hbm>>
      tpu.enqueue_indirect_dma source(%dma_start3A_77 : memref<10000x128xf32, #tpu.memory_space<hbm>>) target(%arg9 : memref<100x128xf32, #tpu.memory_space<vmem>>) offsets(%dma_start3A_74 : memref<100xi32, #tpu.memory_space<vmem>>) semaphore(%arg11 : memref<!tpu.dma_semaphore, #tpu.memory_space<semaphore_mem>>)
      %run_scoped3A_78 = arith.constant 1 : i32
      "tpu.region"() ({
        %run_scoped3A_102 = tpu.sem_alloc : memref<!tpu.dma_semaphore, #tpu.memory_space<semaphore_mem>>
        %dma_start3A_103 = arith.constant 0 : i32
        %dma_start3A_104 = tpu.memref_slice %arg6[%run_scoped3A_78, %dma_start3A_103] : memref<2x100xi32, #tpu.memory_space<vmem>> -> memref<1x100xi32, #tpu.memory_space<vmem>>
        %dma_start3A_105 = tpu.memref_squeeze %dma_start3A_104 : memref<1x100xi32, #tpu.memory_space<vmem>> -> memref<100xi32, #tpu.memory_space<vmem>>
        %dma_start3A_106 = arith.constant 0 : i32
        %dma_start3A_107 = arith.constant 0 : i32
        %dma_start3A_108 = tpu.memref_slice %arg5[%dma_start3A_106, %dma_start3A_107] : memref<10240x128xf32, #tpu.memory_space<vmem_shared>> -> memref<10240x128xf32, #tpu.memory_space<vmem_shared>>
        tpu.enqueue_indirect_dma source(%arg8 : memref<100x128xf32, #tpu.memory_space<vmem>>) target(%dma_start3A_108 : memref<10240x128xf32, #tpu.memory_space<vmem_shared>>) offsets(%dma_start3A_105 : memref<100xi32, #tpu.memory_space<vmem>>) semaphore(%run_scoped3A_102 : memref<!tpu.dma_semaphore, #tpu.memory_space<semaphore_mem>>) {add = true}
        %dma_wait3A_109 = arith.constant 0 : i32
        %dma_wait3A_110 = tpu.memref_slice %arg6[%run_scoped3A_78, %dma_wait3A_109] : memref<2x100xi32, #tpu.memory_space<vmem>> -> memref<1x100xi32, #tpu.memory_space<vmem>>
        %dma_wait3A_111 = tpu.memref_squeeze %dma_wait3A_110 : memref<1x100xi32, #tpu.memory_space<vmem>> -> memref<100xi32, #tpu.memory_space<vmem>>
        %dma_wait3A_112 = arith.constant 0 : i32
        %dma_wait3A_113 = arith.constant 0 : i32
        %dma_wait3A_114 = tpu.memref_slice %arg5[%dma_wait3A_112, %dma_wait3A_113] : memref<10240x128xf32, #tpu.memory_space<vmem_shared>> -> memref<10240x128xf32, #tpu.memory_space<vmem_shared>>
        tpu.wait_indirect_dma semaphore(%run_scoped3A_102 : memref<!tpu.dma_semaphore, #tpu.memory_space<semaphore_mem>>) src(%arg8 : memref<100x128xf32, #tpu.memory_space<vmem>>) dst(%dma_wait3A_114 : memref<10240x128xf32, #tpu.memory_space<vmem_shared>>)
        tpu.yield
      }) : () -> ()
      %mul3A_79 = arith.constant 2 : i32
      %mul3A_80 = arith.muli %mul3A_79, %scan3A_58 : i32
      %add3A_81 = arith.constant 1 : i32
      %add3A_82 = arith.addi %mul3A_80, %add3A_81 : i32
      %add3A_83 = arith.constant 1 : i32
      %add3A_84 = arith.addi %add3A_82, %add3A_83 : i32
      %rem3A_85 = arith.constant 100 : i32
      %rem3A_86 = arith.remsi %add3A_84, %rem3A_85 : i32
      "tpu.region"() ({
        %run_scoped3A_102 = tpu.sem_alloc : memref<!tpu.dma_semaphore, #tpu.memory_space<semaphore_mem>>
        %dma_start3A_103 = arith.constant 0 : i32
        %dma_start3A_104 = arith.constant 0 : i32
        %dma_start3A_105 = tpu.memref_slice %arg3[%add3A, %rem3A_86, %dma_start3A_103, %dma_start3A_104] : memref<32x100x2x100xi32, #tpu.memory_space<hbm>> -> memref<1x1x2x100xi32, #tpu.memory_space<hbm>>
        %dma_start3A_106 = tpu.memref_squeeze %dma_start3A_105 : memref<1x1x2x100xi32, #tpu.memory_space<hbm>> -> memref<2x100xi32, #tpu.memory_space<hbm>>
        %dma_start3A_107 = arith.constant 0 : i32
        %dma_start3A_108 = arith.constant 0 : i32
        %dma_start3A_109 = tpu.memref_slice %arg3[%add3A, %rem3A_86, %dma_start3A_107, %dma_start3A_108] : memref<32x100x2x100xi32, #tpu.memory_space<hbm>> -> memref<1x1x2x100xi32, #tpu.memory_space<hbm>>
        %dma_start3A_110 = tpu.memref_squeeze %dma_start3A_109 : memref<1x1x2x100xi32, #tpu.memory_space<hbm>> -> memref<2x100xi32, #tpu.memory_space<hbm>>
        tpu.enqueue_dma source(%dma_start3A_110 : memref<2x100xi32, #tpu.memory_space<hbm>>) target(%arg6 : memref<2x100xi32, #tpu.memory_space<vmem>>) target_semaphore(%run_scoped3A_102 : memref<!tpu.dma_semaphore, #tpu.memory_space<semaphore_mem>>)
        %dma_wait3A_111 = arith.constant 0 : i32
        %dma_wait3A_112 = arith.constant 0 : i32
        %dma_wait3A_113 = tpu.memref_slice %arg3[%add3A, %rem3A_86, %dma_wait3A_111, %dma_wait3A_112] : memref<32x100x2x100xi32, #tpu.memory_space<hbm>> -> memref<1x1x2x100xi32, #tpu.memory_space<hbm>>
        %dma_wait3A_114 = tpu.memref_squeeze %dma_wait3A_113 : memref<1x1x2x100xi32, #tpu.memory_space<hbm>> -> memref<2x100xi32, #tpu.memory_space<hbm>>
        %dma_wait3A_115 = arith.constant 0 : i32
        %dma_wait3A_116 = arith.constant 0 : i32
        %dma_wait3A_117 = tpu.memref_slice %arg3[%add3A, %rem3A_86, %dma_wait3A_115, %dma_wait3A_116] : memref<32x100x2x100xi32, #tpu.memory_space<hbm>> -> memref<1x1x2x100xi32, #tpu.memory_space<hbm>>
        %dma_wait3A_118 = tpu.memref_squeeze %dma_wait3A_117 : memref<1x1x2x100xi32, #tpu.memory_space<hbm>> -> memref<2x100xi32, #tpu.memory_space<hbm>>
        tpu.wait_dma2 semaphore(%run_scoped3A_102 : memref<!tpu.dma_semaphore, #tpu.memory_space<semaphore_mem>>) src(%dma_wait3A_118 : memref<2x100xi32, #tpu.memory_space<hbm>>) dst(%arg6 : memref<2x100xi32, #tpu.memory_space<vmem>>)
        tpu.yield
      }) : () -> ()
      %dma_wait3A_87 = arith.constant 0 : i32
      %dma_wait3A_88 = arith.constant 0 : i32
      %dma_wait3A_89 = tpu.memref_slice %arg7[%dma_wait3A_87, %dma_wait3A_88] : memref<2x100xi32, #tpu.memory_space<vmem>> -> memref<1x100xi32, #tpu.memory_space<vmem>>
      %dma_wait3A_90 = tpu.memref_squeeze %dma_wait3A_89 : memref<1x100xi32, #tpu.memory_space<vmem>> -> memref<100xi32, #tpu.memory_space<vmem>>
      %dma_wait3A_91 = arith.constant 0 : i32
      %dma_wait3A_92 = arith.constant 0 : i32
      %dma_wait3A_93 = tpu.memref_slice %arg2[%dma_wait3A_91, %dma_wait3A_92] : memref<10000x128xf32, #tpu.memory_space<hbm>> -> memref<10000x128xf32, #tpu.memory_space<hbm>>
      tpu.wait_indirect_dma semaphore(%arg11 : memref<!tpu.dma_semaphore, #tpu.memory_space<semaphore_mem>>) src(%dma_wait3A_93 : memref<10000x128xf32, #tpu.memory_space<hbm>>) dst(%arg9 : memref<100x128xf32, #tpu.memory_space<vmem>>)
      %dma_start3A_94 = arith.constant 0 : i32
      %dma_start3A_95 = arith.constant 0 : i32
      %dma_start3A_96 = tpu.memref_slice %arg6[%dma_start3A_94, %dma_start3A_95] : memref<2x100xi32, #tpu.memory_space<vmem>> -> memref<1x100xi32, #tpu.memory_space<vmem>>
      %dma_start3A_97 = tpu.memref_squeeze %dma_start3A_96 : memref<1x100xi32, #tpu.memory_space<vmem>> -> memref<100xi32, #tpu.memory_space<vmem>>
      %dma_start3A_98 = arith.constant 0 : i32
      %dma_start3A_99 = arith.constant 0 : i32
      %dma_start3A_100 = tpu.memref_slice %arg2[%dma_start3A_98, %dma_start3A_99] : memref<10000x128xf32, #tpu.memory_space<hbm>> -> memref<10000x128xf32, #tpu.memory_space<hbm>>
      tpu.enqueue_indirect_dma source(%dma_start3A_100 : memref<10000x128xf32, #tpu.memory_space<hbm>>) target(%arg8 : memref<100x128xf32, #tpu.memory_space<vmem>>) offsets(%dma_start3A_97 : memref<100xi32, #tpu.memory_space<vmem>>) semaphore(%arg10 : memref<!tpu.dma_semaphore, #tpu.memory_space<semaphore_mem>>)
      %run_scoped3A_101 = arith.constant 1 : i32
      "tpu.region"() ({
        %run_scoped3A_102 = tpu.sem_alloc : memref<!tpu.dma_semaphore, #tpu.memory_space<semaphore_mem>>
        %dma_start3A_103 = arith.constant 0 : i32
        %dma_start3A_104 = tpu.memref_slice %arg7[%run_scoped3A_101, %dma_start3A_103] : memref<2x100xi32, #tpu.memory_space<vmem>> -> memref<1x100xi32, #tpu.memory_space<vmem>>
        %dma_start3A_105 = tpu.memref_squeeze %dma_start3A_104 : memref<1x100xi32, #tpu.memory_space<vmem>> -> memref<100xi32, #tpu.memory_space<vmem>>
        %dma_start3A_106 = arith.constant 0 : i32
        %dma_start3A_107 = arith.constant 0 : i32
        %dma_start3A_108 = tpu.memref_slice %arg5[%dma_start3A_106, %dma_start3A_107] : memref<10240x128xf32, #tpu.memory_space<vmem_shared>> -> memref<10240x128xf32, #tpu.memory_space<vmem_shared>>
        tpu.enqueue_indirect_dma source(%arg9 : memref<100x128xf32, #tpu.memory_space<vmem>>) target(%dma_start3A_108 : memref<10240x128xf32, #tpu.memory_space<vmem_shared>>) offsets(%dma_start3A_105 : memref<100xi32, #tpu.memory_space<vmem>>) semaphore(%run_scoped3A_102 : memref<!tpu.dma_semaphore, #tpu.memory_space<semaphore_mem>>) {add = true}
        %dma_wait3A_109 = arith.constant 0 : i32
        %dma_wait3A_110 = tpu.memref_slice %arg7[%run_scoped3A_101, %dma_wait3A_109] : memref<2x100xi32, #tpu.memory_space<vmem>> -> memref<1x100xi32, #tpu.memory_space<vmem>>
        %dma_wait3A_111 = tpu.memref_squeeze %dma_wait3A_110 : memref<1x100xi32, #tpu.memory_space<vmem>> -> memref<100xi32, #tpu.memory_space<vmem>>
        %dma_wait3A_112 = arith.constant 0 : i32
        %dma_wait3A_113 = arith.constant 0 : i32
        %dma_wait3A_114 = tpu.memref_slice %arg5[%dma_wait3A_112, %dma_wait3A_113] : memref<10240x128xf32, #tpu.memory_space<vmem_shared>> -> memref<10240x128xf32, #tpu.memory_space<vmem_shared>>
        tpu.wait_indirect_dma semaphore(%run_scoped3A_102 : memref<!tpu.dma_semaphore, #tpu.memory_space<semaphore_mem>>) src(%arg9 : memref<100x128xf32, #tpu.memory_space<vmem>>) dst(%dma_wait3A_114 : memref<10240x128xf32, #tpu.memory_space<vmem_shared>>)
        tpu.yield
      }) : () -> ()
    }
    %scan3A_46 = arith.constant 50 : i32
    %dma_wait3A = arith.constant 0 : i32
    %dma_wait3A_47 = arith.constant 0 : i32
    %dma_wait3A_48 = tpu.memref_slice %arg6[%dma_wait3A, %dma_wait3A_47] : memref<2x100xi32, #tpu.memory_space<vmem>> -> memref<1x100xi32, #tpu.memory_space<vmem>>
    %dma_wait3A_49 = tpu.memref_squeeze %dma_wait3A_48 : memref<1x100xi32, #tpu.memory_space<vmem>> -> memref<100xi32, #tpu.memory_space<vmem>>
    %dma_wait3A_50 = arith.constant 0 : i32
    %dma_wait3A_51 = arith.constant 0 : i32
    %dma_wait3A_52 = tpu.memref_slice %arg2[%dma_wait3A_50, %dma_wait3A_51] : memref<10000x128xf32, #tpu.memory_space<hbm>> -> memref<10000x128xf32, #tpu.memory_space<hbm>>
    tpu.wait_indirect_dma semaphore(%arg10 : memref<!tpu.dma_semaphore, #tpu.memory_space<semaphore_mem>>) src(%dma_wait3A_52 : memref<10000x128xf32, #tpu.memory_space<hbm>>) dst(%arg8 : memref<100x128xf32, #tpu.memory_space<vmem>>)
    "tpu.trace_stop"() : () -> ()
    "tpu.trace_start"() <{level = 10 : i32, message = "agg_out"}> : () -> ()
    %barrier3A_53 = arith.constant 0 : index
    tpu.barrier barrier_id(%barrier3A_53)
    %mul3A_54 = arith.constant 640 : i32
    %mul3A_55 = arith.muli %arg1, %mul3A_54 : i32
    %mul3A_56 = arith.constant 640 : i32
    %mul3A_57 = arith.muli %arg1, %mul3A_56 : i32
    "tpu.region"() ({
      %run_scoped3A_58 = tpu.sem_alloc : memref<!tpu.dma_semaphore, #tpu.memory_space<semaphore_mem>>
      %dma_start3A_59 = arith.constant 0 : i32
      %dma_start3A_60 = tpu.memref_slice %arg4[%arg0, %mul3A_57, %dma_start3A_59] : memref<2x10240x128xf32, #tpu.memory_space<hbm>> -> memref<1x640x128xf32, #tpu.memory_space<hbm>>
      %dma_start3A_61 = tpu.memref_squeeze %dma_start3A_60 : memref<1x640x128xf32, #tpu.memory_space<hbm>> -> memref<640x128xf32, #tpu.memory_space<hbm>>
      %dma_start3A_62 = arith.constant 0 : i32
      %dma_start3A_63 = tpu.memref_slice %arg5[%mul3A_55, %dma_start3A_62] : memref<10240x128xf32, #tpu.memory_space<vmem_shared>> -> memref<640x128xf32, #tpu.memory_space<vmem_shared>>
      tpu.enqueue_dma source(%dma_start3A_63 : memref<640x128xf32, #tpu.memory_space<vmem_shared>>) target(%dma_start3A_61 : memref<640x128xf32, #tpu.memory_space<hbm>>) target_semaphore(%run_scoped3A_58 : memref<!tpu.dma_semaphore, #tpu.memory_space<semaphore_mem>>)
      %dma_wait3A_64 = arith.constant 0 : i32
      %dma_wait3A_65 = tpu.memref_slice %arg4[%arg0, %mul3A_57, %dma_wait3A_64] : memref<2x10240x128xf32, #tpu.memory_space<hbm>> -> memref<1x640x128xf32, #tpu.memory_space<hbm>>
      %dma_wait3A_66 = tpu.memref_squeeze %dma_wait3A_65 : memref<1x640x128xf32, #tpu.memory_space<hbm>> -> memref<640x128xf32, #tpu.memory_space<hbm>>
      %dma_wait3A_67 = arith.constant 0 : i32
      %dma_wait3A_68 = tpu.memref_slice %arg5[%mul3A_55, %dma_wait3A_67] : memref<10240x128xf32, #tpu.memory_space<vmem_shared>> -> memref<640x128xf32, #tpu.memory_space<vmem_shared>>
      tpu.wait_dma2 semaphore(%run_scoped3A_58 : memref<!tpu.dma_semaphore, #tpu.memory_space<semaphore_mem>>) src(%dma_wait3A_68 : memref<640x128xf32, #tpu.memory_space<vmem_shared>>) dst(%dma_wait3A_66 : memref<640x128xf32, #tpu.memory_space<hbm>>)
      tpu.yield
    }) : () -> ()
    "tpu.trace_stop"() : () -> ()
    return
  }
}

#map = affine_map<(d0, d1) -> (0, 0)>
#map1 = affine_map<(d0, d1) -> (0, 0, 0, 0)>
#map2 = affine_map<(d0, d1) -> (0, 0, 0)>
module attributes {stable_mosaic.version = 14 : i64} {
  func.func @body(%arg0: i32, %arg1: i32, %arg2: memref<10000x128xf32, #tpu.memory_space<hbm>>, %arg3: memref<32x100x2x100xi32, #tpu.memory_space<hbm>>, %arg4: memref<2x10240x128xf32, #tpu.memory_space<hbm>>, %arg5: memref<10240x128xf32, #tpu.memory_space<vmem_shared>>, %arg6: memref<2x100xi32, #tpu.memory_space<vmem>>, %arg7: memref<2x100xi32, #tpu.memory_space<vmem>>, %arg8: memref<100x128xf32, #tpu.memory_space<vmem>>, %arg9: memref<100x128xf32, #tpu.memory_space<vmem>>, %arg10: memref<!tpu.dma_semaphore, #tpu.memory_space<semaphore_mem>>, %arg11: memref<!tpu.dma_semaphore, #tpu.memory_space<semaphore_mem>>) attributes {dimension_semantics = [#tpu.dimension_semantics<core_parallel>, #tpu.dimension_semantics<subcore_parallel>], iteration_bounds = array<i64: 2, 16>, scalar_prefetch = 0 : i64, scratch_operands = 7 : i64, tpu.core_type = #tpu.core_type<sc_vector_subcore>, window_params = [{transform_indices = #map}, {transform_indices = #map1}, {transform_indices = #map2}]} {
    %mul3A = arith.constant 16 : i32
    %mul3A_0 = arith.muli %arg0, %mul3A : i32
    %add3A = arith.addi %mul3A_0, %arg1 : i32
    %run_scoped3A = arith.constant 0 : i32
    "tpu.trace_start"() <{level = 10 : i32, message = "agg_zero"}> : () -> ()
    "tpu.region"() ({
      %run_scoped3A_58 = tpu.sem_alloc : memref<!tpu.dma_semaphore, #tpu.memory_space<semaphore_mem>>
      %dma_start3A_59 = arith.constant 0 : i32
      %dma_start3A_60 = arith.constant 0 : i32
      %dma_start3A_61 = tpu.memref_slice %arg3[%add3A, %run_scoped3A, %dma_start3A_59, %dma_start3A_60] : memref<32x100x2x100xi32, #tpu.memory_space<hbm>> -> memref<1x1x2x100xi32, #tpu.memory_space<hbm>>
      %dma_start3A_62 = tpu.memref_squeeze %dma_start3A_61 : memref<1x1x2x100xi32, #tpu.memory_space<hbm>> -> memref<2x100xi32, #tpu.memory_space<hbm>>
      %dma_start3A_63 = arith.constant 0 : i32
      %dma_start3A_64 = arith.constant 0 : i32
      %dma_start3A_65 = tpu.memref_slice %arg3[%add3A, %run_scoped3A, %dma_start3A_63, %dma_start3A_64] : memref<32x100x2x100xi32, #tpu.memory_space<hbm>> -> memref<1x1x2x100xi32, #tpu.memory_space<hbm>>
      %dma_start3A_66 = tpu.memref_squeeze %dma_start3A_65 : memref<1x1x2x100xi32, #tpu.memory_space<hbm>> -> memref<2x100xi32, #tpu.memory_space<hbm>>
      tpu.enqueue_dma source(%dma_start3A_66 : memref<2x100xi32, #tpu.memory_space<hbm>>) target(%arg6 : memref<2x100xi32, #tpu.memory_space<vmem>>) target_semaphore(%run_scoped3A_58 : memref<!tpu.dma_semaphore, #tpu.memory_space<semaphore_mem>>)
      %dma_wait3A_67 = arith.constant 0 : i32
      %dma_wait3A_68 = arith.constant 0 : i32
      %dma_wait3A_69 = tpu.memref_slice %arg3[%add3A, %run_scoped3A, %dma_wait3A_67, %dma_wait3A_68] : memref<32x100x2x100xi32, #tpu.memory_space<hbm>> -> memref<1x1x2x100xi32, #tpu.memory_space<hbm>>
      %dma_wait3A_70 = tpu.memref_squeeze %dma_wait3A_69 : memref<1x1x2x100xi32, #tpu.memory_space<hbm>> -> memref<2x100xi32, #tpu.memory_space<hbm>>
      %dma_wait3A_71 = arith.constant 0 : i32
      %dma_wait3A_72 = arith.constant 0 : i32
      %dma_wait3A_73 = tpu.memref_slice %arg3[%add3A, %run_scoped3A, %dma_wait3A_71, %dma_wait3A_72] : memref<32x100x2x100xi32, #tpu.memory_space<hbm>> -> memref<1x1x2x100xi32, #tpu.memory_space<hbm>>
      %dma_wait3A_74 = tpu.memref_squeeze %dma_wait3A_73 : memref<1x1x2x100xi32, #tpu.memory_space<hbm>> -> memref<2x100xi32, #tpu.memory_space<hbm>>
      tpu.wait_dma2 semaphore(%run_scoped3A_58 : memref<!tpu.dma_semaphore, #tpu.memory_space<semaphore_mem>>) src(%dma_wait3A_74 : memref<2x100xi32, #tpu.memory_space<hbm>>) dst(%arg6 : memref<2x100xi32, #tpu.memory_space<vmem>>)
      tpu.yield
    }) : () -> ()
    %dma_start3A = arith.constant 0 : i32
    %dma_start3A_1 = arith.constant 0 : i32
    %dma_start3A_2 = tpu.memref_slice %arg6[%dma_start3A, %dma_start3A_1] : memref<2x100xi32, #tpu.memory_space<vmem>> -> memref<1x100xi32, #tpu.memory_space<vmem>>
    %dma_start3A_3 = tpu.memref_squeeze %dma_start3A_2 : memref<1x100xi32, #tpu.memory_space<vmem>> -> memref<100xi32, #tpu.memory_space<vmem>>
    %dma_start3A_4 = arith.constant 0 : i32
    %dma_start3A_5 = arith.constant 0 : i32
    %dma_start3A_6 = tpu.memref_slice %arg2[%dma_start3A_4, %dma_start3A_5] : memref<10000x128xf32, #tpu.memory_space<hbm>> -> memref<10000x128xf32, #tpu.memory_space<hbm>>
    tpu.enqueue_indirect_dma source(%dma_start3A_6 : memref<10000x128xf32, #tpu.memory_space<hbm>>) target(%arg8 : memref<100x128xf32, #tpu.memory_space<vmem>>) offsets(%dma_start3A_3 : memref<100xi32, #tpu.memory_space<vmem>>) semaphore(%arg10 : memref<!tpu.dma_semaphore, #tpu.memory_space<semaphore_mem>>)
    %broadcast_in_dim3A = arith.constant 0.000000e+00 : f32
    %broadcast_in_dim3A_7 = vector.broadcast %broadcast_in_dim3A : f32 to vector<16xf32>
    %scan3A = arith.constant 0 : i32
    %scan3A_8 = arith.constant 0 : i32
    %scan3A_9 = arith.constant 100 : i32
    %scan3A_10 = arith.addi %scan3A_8, %scan3A_9 : i32
    %scan3A_11 = arith.constant 1 : i32
    scf.for %scan3A_58 = %scan3A_8 to %scan3A_10 step %scan3A_11  : i32 {
      %swap3A = arith.index_cast %scan3A_58 : i32 to index
      %swap3A_59 = arith.constant 0 : index
      %swap3A_60 = tpu.vector_load %arg9[%swap3A, %swap3A_59] {strides = array<i32>} : memref<100x128xf32, #tpu.memory_space<vmem>>, vector<1x16xf32>,
      %swap3A_61 = vector.shape_cast %swap3A_60 : vector<1x16xf32> to vector<16xf32>
      %swap3A_62 = vector.shape_cast %broadcast_in_dim3A_7 : vector<16xf32> to vector<1x16xf32>
      tpu.vector_store %arg9[%swap3A, %swap3A_59], %swap3A_62 {strides = array<i32>} : memref<100x128xf32, #tpu.memory_space<vmem>>, vector<1x16xf32>,
      %swap3A_63 = arith.index_cast %scan3A_58 : i32 to index
      %swap3A_64 = arith.constant 16 : index
      %swap3A_65 = tpu.vector_load %arg9[%swap3A_63, %swap3A_64] {strides = array<i32>} : memref<100x128xf32, #tpu.memory_space<vmem>>, vector<1x16xf32>,
      %swap3A_66 = vector.shape_cast %swap3A_65 : vector<1x16xf32> to vector<16xf32>
      %swap3A_67 = vector.shape_cast %broadcast_in_dim3A_7 : vector<16xf32> to vector<1x16xf32>
      tpu.vector_store %arg9[%swap3A_63, %swap3A_64], %swap3A_67 {strides = array<i32>} : memref<100x128xf32, #tpu.memory_space<vmem>>, vector<1x16xf32>,
      %swap3A_68 = arith.index_cast %scan3A_58 : i32 to index
      %swap3A_69 = arith.constant 32 : index
      %swap3A_70 = tpu.vector_load %arg9[%swap3A_68, %swap3A_69] {strides = array<i32>} : memref<100x128xf32, #tpu.memory_space<vmem>>, vector<1x16xf32>,
      %swap3A_71 = vector.shape_cast %swap3A_70 : vector<1x16xf32> to vector<16xf32>
      %swap3A_72 = vector.shape_cast %broadcast_in_dim3A_7 : vector<16xf32> to vector<1x16xf32>
      tpu.vector_store %arg9[%swap3A_68, %swap3A_69], %swap3A_72 {strides = array<i32>} : memref<100x128xf32, #tpu.memory_space<vmem>>, vector<1x16xf32>,
      %swap3A_73 = arith.index_cast %scan3A_58 : i32 to index
      %swap3A_74 = arith.constant 48 : index
      %swap3A_75 = tpu.vector_load %arg9[%swap3A_73, %swap3A_74] {strides = array<i32>} : memref<100x128xf32, #tpu.memory_space<vmem>>, vector<1x16xf32>,
      %swap3A_76 = vector.shape_cast %swap3A_75 : vector<1x16xf32> to vector<16xf32>
      %swap3A_77 = vector.shape_cast %broadcast_in_dim3A_7 : vector<16xf32> to vector<1x16xf32>
      tpu.vector_store %arg9[%swap3A_73, %swap3A_74], %swap3A_77 {strides = array<i32>} : memref<100x128xf32, #tpu.memory_space<vmem>>, vector<1x16xf32>,
      %swap3A_78 = arith.index_cast %scan3A_58 : i32 to index
      %swap3A_79 = arith.constant 64 : index
      %swap3A_80 = tpu.vector_load %arg9[%swap3A_78, %swap3A_79] {strides = array<i32>} : memref<100x128xf32, #tpu.memory_space<vmem>>, vector<1x16xf32>,
      %swap3A_81 = vector.shape_cast %swap3A_80 : vector<1x16xf32> to vector<16xf32>
      %swap3A_82 = vector.shape_cast %broadcast_in_dim3A_7 : vector<16xf32> to vector<1x16xf32>
      tpu.vector_store %arg9[%swap3A_78, %swap3A_79], %swap3A_82 {strides = array<i32>} : memref<100x128xf32, #tpu.memory_space<vmem>>, vector<1x16xf32>,
      %swap3A_83 = arith.index_cast %scan3A_58 : i32 to index
      %swap3A_84 = arith.constant 80 : index
      %swap3A_85 = tpu.vector_load %arg9[%swap3A_83, %swap3A_84] {strides = array<i32>} : memref<100x128xf32, #tpu.memory_space<vmem>>, vector<1x16xf32>,
      %swap3A_86 = vector.shape_cast %swap3A_85 : vector<1x16xf32> to vector<16xf32>
      %swap3A_87 = vector.shape_cast %broadcast_in_dim3A_7 : vector<16xf32> to vector<1x16xf32>
      tpu.vector_store %arg9[%swap3A_83, %swap3A_84], %swap3A_87 {strides = array<i32>} : memref<100x128xf32, #tpu.memory_space<vmem>>, vector<1x16xf32>,
      %swap3A_88 = arith.index_cast %scan3A_58 : i32 to index
      %swap3A_89 = arith.constant 96 : index
      %swap3A_90 = tpu.vector_load %arg9[%swap3A_88, %swap3A_89] {strides = array<i32>} : memref<100x128xf32, #tpu.memory_space<vmem>>, vector<1x16xf32>,
      %swap3A_91 = vector.shape_cast %swap3A_90 : vector<1x16xf32> to vector<16xf32>
      %swap3A_92 = vector.shape_cast %broadcast_in_dim3A_7 : vector<16xf32> to vector<1x16xf32>
      tpu.vector_store %arg9[%swap3A_88, %swap3A_89], %swap3A_92 {strides = array<i32>} : memref<100x128xf32, #tpu.memory_space<vmem>>, vector<1x16xf32>,
      %swap3A_93 = arith.index_cast %scan3A_58 : i32 to index
      %swap3A_94 = arith.constant 112 : index
      %swap3A_95 = tpu.vector_load %arg9[%swap3A_93, %swap3A_94] {strides = array<i32>} : memref<100x128xf32, #tpu.memory_space<vmem>>, vector<1x16xf32>,
      %swap3A_96 = vector.shape_cast %swap3A_95 : vector<1x16xf32> to vector<16xf32>
      %swap3A_97 = vector.shape_cast %broadcast_in_dim3A_7 : vector<16xf32> to vector<1x16xf32>
      tpu.vector_store %arg9[%swap3A_93, %swap3A_94], %swap3A_97 {strides = array<i32>} : memref<100x128xf32, #tpu.memory_space<vmem>>, vector<1x16xf32>,
    }
    %scan3A_12 = arith.constant 100 : i32
    %mul3A_13 = arith.constant 640 : i32
    %mul3A_14 = arith.muli %arg1, %mul3A_13 : i32
    %add3A_15 = arith.constant 0 : i32
    %add3A_16 = arith.addi %mul3A_14, %add3A_15 : i32
    "tpu.region"() ({
      %run_scoped3A_58 = tpu.sem_alloc : memref<!tpu.dma_semaphore, #tpu.memory_space<semaphore_mem>>
      %dma_start3A_59 = arith.constant 0 : i32
      %dma_start3A_60 = tpu.memref_slice %arg5[%add3A_16, %dma_start3A_59] : memref<10240x128xf32, #tpu.memory_space<vmem_shared>> -> memref<100x128xf32, #tpu.memory_space<vmem_shared>>
      %dma_start3A_61 = arith.constant 0 : i32
      %dma_start3A_62 = tpu.memref_slice %arg5[%add3A_16, %dma_start3A_61] : memref<10240x128xf32, #tpu.memory_space<vmem_shared>> -> memref<100x128xf32, #tpu.memory_space<vmem_shared>>
      tpu.enqueue_dma source(%arg9 : memref<100x128xf32, #tpu.memory_space<vmem>>) target(%dma_start3A_62 : memref<100x128xf32, #tpu.memory_space<vmem_shared>>) target_semaphore(%run_scoped3A_58 : memref<!tpu.dma_semaphore, #tpu.memory_space<semaphore_mem>>)
      %dma_wait3A_63 = arith.constant 0 : i32
      %dma_wait3A_64 = tpu.memref_slice %arg5[%add3A_16, %dma_wait3A_63] : memref<10240x128xf32, #tpu.memory_space<vmem_shared>> -> memref<100x128xf32, #tpu.memory_space<vmem_shared>>
      %dma_wait3A_65 = arith.constant 0 : i32
      %dma_wait3A_66 = tpu.memref_slice %arg5[%add3A_16, %dma_wait3A_65] : memref<10240x128xf32, #tpu.memory_space<vmem_shared>> -> memref<100x128xf32, #tpu.memory_space<vmem_shared>>
      tpu.wait_dma2 semaphore(%run_scoped3A_58 : memref<!tpu.dma_semaphore, #tpu.memory_space<semaphore_mem>>) src(%arg9 : memref<100x128xf32, #tpu.memory_space<vmem>>) dst(%dma_wait3A_66 : memref<100x128xf32, #tpu.memory_space<vmem_shared>>)
      tpu.yield
    }) : () -> ()
    %mul3A_17 = arith.constant 640 : i32
    %mul3A_18 = arith.muli %arg1, %mul3A_17 : i32
    %add3A_19 = arith.constant 100 : i32
    %add3A_20 = arith.addi %mul3A_18, %add3A_19 : i32
    "tpu.region"() ({
      %run_scoped3A_58 = tpu.sem_alloc : memref<!tpu.dma_semaphore, #tpu.memory_space<semaphore_mem>>
      %dma_start3A_59 = arith.constant 0 : i32
      %dma_start3A_60 = tpu.memref_slice %arg5[%add3A_20, %dma_start3A_59] : memref<10240x128xf32, #tpu.memory_space<vmem_shared>> -> memref<100x128xf32, #tpu.memory_space<vmem_shared>>
      %dma_start3A_61 = arith.constant 0 : i32
      %dma_start3A_62 = tpu.memref_slice %arg5[%add3A_20, %dma_start3A_61] : memref<10240x128xf32, #tpu.memory_space<vmem_shared>> -> memref<100x128xf32, #tpu.memory_space<vmem_shared>>
      tpu.enqueue_dma source(%arg9 : memref<100x128xf32, #tpu.memory_space<vmem>>) target(%dma_start3A_62 : memref<100x128xf32, #tpu.memory_space<vmem_shared>>) target_semaphore(%run_scoped3A_58 : memref<!tpu.dma_semaphore, #tpu.memory_space<semaphore_mem>>)
      %dma_wait3A_63 = arith.constant 0 : i32
      %dma_wait3A_64 = tpu.memref_slice %arg5[%add3A_20, %dma_wait3A_63] : memref<10240x128xf32, #tpu.memory_space<vmem_shared>> -> memref<100x128xf32, #tpu.memory_space<vmem_shared>>
      %dma_wait3A_65 = arith.constant 0 : i32
      %dma_wait3A_66 = tpu.memref_slice %arg5[%add3A_20, %dma_wait3A_65] : memref<10240x128xf32, #tpu.memory_space<vmem_shared>> -> memref<100x128xf32, #tpu.memory_space<vmem_shared>>
      tpu.wait_dma2 semaphore(%run_scoped3A_58 : memref<!tpu.dma_semaphore, #tpu.memory_space<semaphore_mem>>) src(%arg9 : memref<100x128xf32, #tpu.memory_space<vmem>>) dst(%dma_wait3A_66 : memref<100x128xf32, #tpu.memory_space<vmem_shared>>)
      tpu.yield
    }) : () -> ()
    %mul3A_21 = arith.constant 640 : i32
    %mul3A_22 = arith.muli %arg1, %mul3A_21 : i32
    %add3A_23 = arith.constant 200 : i32
    %add3A_24 = arith.addi %mul3A_22, %add3A_23 : i32
    "tpu.region"() ({
      %run_scoped3A_58 = tpu.sem_alloc : memref<!tpu.dma_semaphore, #tpu.memory_space<semaphore_mem>>
      %dma_start3A_59 = arith.constant 0 : i32
      %dma_start3A_60 = tpu.memref_slice %arg5[%add3A_24, %dma_start3A_59] : memref<10240x128xf32, #tpu.memory_space<vmem_shared>> -> memref<100x128xf32, #tpu.memory_space<vmem_shared>>
      %dma_start3A_61 = arith.constant 0 : i32
      %dma_start3A_62 = tpu.memref_slice %arg5[%add3A_24, %dma_start3A_61] : memref<10240x128xf32, #tpu.memory_space<vmem_shared>> -> memref<100x128xf32, #tpu.memory_space<vmem_shared>>
      tpu.enqueue_dma source(%arg9 : memref<100x128xf32, #tpu.memory_space<vmem>>) target(%dma_start3A_62 : memref<100x128xf32, #tpu.memory_space<vmem_shared>>) target_semaphore(%run_scoped3A_58 : memref<!tpu.dma_semaphore, #tpu.memory_space<semaphore_mem>>)
      %dma_wait3A_63 = arith.constant 0 : i32
      %dma_wait3A_64 = tpu.memref_slice %arg5[%add3A_24, %dma_wait3A_63] : memref<10240x128xf32, #tpu.memory_space<vmem_shared>> -> memref<100x128xf32, #tpu.memory_space<vmem_shared>>
      %dma_wait3A_65 = arith.constant 0 : i32
      %dma_wait3A_66 = tpu.memref_slice %arg5[%add3A_24, %dma_wait3A_65] : memref<10240x128xf32, #tpu.memory_space<vmem_shared>> -> memref<100x128xf32, #tpu.memory_space<vmem_shared>>
      tpu.wait_dma2 semaphore(%run_scoped3A_58 : memref<!tpu.dma_semaphore, #tpu.memory_space<semaphore_mem>>) src(%arg9 : memref<100x128xf32, #tpu.memory_space<vmem>>) dst(%dma_wait3A_66 : memref<100x128xf32, #tpu.memory_space<vmem_shared>>)
      tpu.yield
    }) : () -> ()
    %mul3A_25 = arith.constant 640 : i32
    %mul3A_26 = arith.muli %arg1, %mul3A_25 : i32
    %add3A_27 = arith.constant 300 : i32
    %add3A_28 = arith.addi %mul3A_26, %add3A_27 : i32
    "tpu.region"() ({
      %run_scoped3A_58 = tpu.sem_alloc : memref<!tpu.dma_semaphore, #tpu.memory_space<semaphore_mem>>
      %dma_start3A_59 = arith.constant 0 : i32
      %dma_start3A_60 = tpu.memref_slice %arg5[%add3A_28, %dma_start3A_59] : memref<10240x128xf32, #tpu.memory_space<vmem_shared>> -> memref<100x128xf32, #tpu.memory_space<vmem_shared>>
      %dma_start3A_61 = arith.constant 0 : i32
      %dma_start3A_62 = tpu.memref_slice %arg5[%add3A_28, %dma_start3A_61] : memref<10240x128xf32, #tpu.memory_space<vmem_shared>> -> memref<100x128xf32, #tpu.memory_space<vmem_shared>>
      tpu.enqueue_dma source(%arg9 : memref<100x128xf32, #tpu.memory_space<vmem>>) target(%dma_start3A_62 : memref<100x128xf32, #tpu.memory_space<vmem_shared>>) target_semaphore(%run_scoped3A_58 : memref<!tpu.dma_semaphore, #tpu.memory_space<semaphore_mem>>)
      %dma_wait3A_63 = arith.constant 0 : i32
      %dma_wait3A_64 = tpu.memref_slice %arg5[%add3A_28, %dma_wait3A_63] : memref<10240x128xf32, #tpu.memory_space<vmem_shared>> -> memref<100x128xf32, #tpu.memory_space<vmem_shared>>
      %dma_wait3A_65 = arith.constant 0 : i32
      %dma_wait3A_66 = tpu.memref_slice %arg5[%add3A_28, %dma_wait3A_65] : memref<10240x128xf32, #tpu.memory_space<vmem_shared>> -> memref<100x128xf32, #tpu.memory_space<vmem_shared>>
      tpu.wait_dma2 semaphore(%run_scoped3A_58 : memref<!tpu.dma_semaphore, #tpu.memory_space<semaphore_mem>>) src(%arg9 : memref<100x128xf32, #tpu.memory_space<vmem>>) dst(%dma_wait3A_66 : memref<100x128xf32, #tpu.memory_space<vmem_shared>>)
      tpu.yield
    }) : () -> ()
    %mul3A_29 = arith.constant 640 : i32
    %mul3A_30 = arith.muli %arg1, %mul3A_29 : i32
    %add3A_31 = arith.constant 400 : i32
    %add3A_32 = arith.addi %mul3A_30, %add3A_31 : i32
    "tpu.region"() ({
      %run_scoped3A_58 = tpu.sem_alloc : memref<!tpu.dma_semaphore, #tpu.memory_space<semaphore_mem>>
      %dma_start3A_59 = arith.constant 0 : i32
      %dma_start3A_60 = tpu.memref_slice %arg5[%add3A_32, %dma_start3A_59] : memref<10240x128xf32, #tpu.memory_space<vmem_shared>> -> memref<100x128xf32, #tpu.memory_space<vmem_shared>>
      %dma_start3A_61 = arith.constant 0 : i32
      %dma_start3A_62 = tpu.memref_slice %arg5[%add3A_32, %dma_start3A_61] : memref<10240x128xf32, #tpu.memory_space<vmem_shared>> -> memref<100x128xf32, #tpu.memory_space<vmem_shared>>
      tpu.enqueue_dma source(%arg9 : memref<100x128xf32, #tpu.memory_space<vmem>>) target(%dma_start3A_62 : memref<100x128xf32, #tpu.memory_space<vmem_shared>>) target_semaphore(%run_scoped3A_58 : memref<!tpu.dma_semaphore, #tpu.memory_space<semaphore_mem>>)
      %dma_wait3A_63 = arith.constant 0 : i32
      %dma_wait3A_64 = tpu.memref_slice %arg5[%add3A_32, %dma_wait3A_63] : memref<10240x128xf32, #tpu.memory_space<vmem_shared>> -> memref<100x128xf32, #tpu.memory_space<vmem_shared>>
      %dma_wait3A_65 = arith.constant 0 : i32
      %dma_wait3A_66 = tpu.memref_slice %arg5[%add3A_32, %dma_wait3A_65] : memref<10240x128xf32, #tpu.memory_space<vmem_shared>> -> memref<100x128xf32, #tpu.memory_space<vmem_shared>>
      tpu.wait_dma2 semaphore(%run_scoped3A_58 : memref<!tpu.dma_semaphore, #tpu.memory_space<semaphore_mem>>) src(%arg9 : memref<100x128xf32, #tpu.memory_space<vmem>>) dst(%dma_wait3A_66 : memref<100x128xf32, #tpu.memory_space<vmem_shared>>)
      tpu.yield
    }) : () -> ()
    %mul3A_33 = arith.constant 640 : i32
    %mul3A_34 = arith.muli %arg1, %mul3A_33 : i32
    %add3A_35 = arith.constant 500 : i32
    %add3A_36 = arith.addi %mul3A_34, %add3A_35 : i32
    "tpu.region"() ({
      %run_scoped3A_58 = tpu.sem_alloc : memref<!tpu.dma_semaphore, #tpu.memory_space<semaphore_mem>>
      %dma_start3A_59 = arith.constant 0 : i32
      %dma_start3A_60 = tpu.memref_slice %arg5[%add3A_36, %dma_start3A_59] : memref<10240x128xf32, #tpu.memory_space<vmem_shared>> -> memref<100x128xf32, #tpu.memory_space<vmem_shared>>
      %dma_start3A_61 = arith.constant 0 : i32
      %dma_start3A_62 = tpu.memref_slice %arg5[%add3A_36, %dma_start3A_61] : memref<10240x128xf32, #tpu.memory_space<vmem_shared>> -> memref<100x128xf32, #tpu.memory_space<vmem_shared>>
      tpu.enqueue_dma source(%arg9 : memref<100x128xf32, #tpu.memory_space<vmem>>) target(%dma_start3A_62 : memref<100x128xf32, #tpu.memory_space<vmem_shared>>) target_semaphore(%run_scoped3A_58 : memref<!tpu.dma_semaphore, #tpu.memory_space<semaphore_mem>>)
      %dma_wait3A_63 = arith.constant 0 : i32
      %dma_wait3A_64 = tpu.memref_slice %arg5[%add3A_36, %dma_wait3A_63] : memref<10240x128xf32, #tpu.memory_space<vmem_shared>> -> memref<100x128xf32, #tpu.memory_space<vmem_shared>>
      %dma_wait3A_65 = arith.constant 0 : i32
      %dma_wait3A_66 = tpu.memref_slice %arg5[%add3A_36, %dma_wait3A_65] : memref<10240x128xf32, #tpu.memory_space<vmem_shared>> -> memref<100x128xf32, #tpu.memory_space<vmem_shared>>
      tpu.wait_dma2 semaphore(%run_scoped3A_58 : memref<!tpu.dma_semaphore, #tpu.memory_space<semaphore_mem>>) src(%arg9 : memref<100x128xf32, #tpu.memory_space<vmem>>) dst(%dma_wait3A_66 : memref<100x128xf32, #tpu.memory_space<vmem_shared>>)
      tpu.yield
    }) : () -> ()
    %mul3A_37 = arith.constant 640 : i32
    %mul3A_38 = arith.muli %arg1, %mul3A_37 : i32
    %add3A_39 = arith.constant 600 : i32
    %add3A_40 = arith.addi %mul3A_38, %add3A_39 : i32
    "tpu.region"() ({
      %run_scoped3A_58 = tpu.sem_alloc : memref<!tpu.dma_semaphore, #tpu.memory_space<semaphore_mem>>
      %dma_start3A_59 = arith.constant 0 : i32
      %dma_start3A_60 = arith.constant 0 : i32
      %dma_start3A_61 = tpu.memref_slice %arg9[%dma_start3A_59, %dma_start3A_60] : memref<100x128xf32, #tpu.memory_space<vmem>> -> memref<40x128xf32, #tpu.memory_space<vmem>>
      %dma_start3A_62 = arith.constant 0 : i32
      %dma_start3A_63 = tpu.memref_slice %arg5[%add3A_40, %dma_start3A_62] : memref<10240x128xf32, #tpu.memory_space<vmem_shared>> -> memref<40x128xf32, #tpu.memory_space<vmem_shared>>
      %dma_start3A_64 = arith.constant 0 : i32
      %dma_start3A_65 = tpu.memref_slice %arg5[%add3A_40, %dma_start3A_64] : memref<10240x128xf32, #tpu.memory_space<vmem_shared>> -> memref<40x128xf32, #tpu.memory_space<vmem_shared>>
      %dma_start3A_66 = arith.constant 0 : i32
      %dma_start3A_67 = arith.constant 0 : i32
      %dma_start3A_68 = tpu.memref_slice %arg9[%dma_start3A_66, %dma_start3A_67] : memref<100x128xf32, #tpu.memory_space<vmem>> -> memref<40x128xf32, #tpu.memory_space<vmem>>
      tpu.enqueue_dma source(%dma_start3A_68 : memref<40x128xf32, #tpu.memory_space<vmem>>) target(%dma_start3A_65 : memref<40x128xf32, #tpu.memory_space<vmem_shared>>) target_semaphore(%run_scoped3A_58 : memref<!tpu.dma_semaphore, #tpu.memory_space<semaphore_mem>>)
      %dma_wait3A_69 = arith.constant 0 : i32
      %dma_wait3A_70 = arith.constant 0 : i32
      %dma_wait3A_71 = tpu.memref_slice %arg9[%dma_wait3A_69, %dma_wait3A_70] : memref<100x128xf32, #tpu.memory_space<vmem>> -> memref<40x128xf32, #tpu.memory_space<vmem>>
      %dma_wait3A_72 = arith.constant 0 : i32
      %dma_wait3A_73 = tpu.memref_slice %arg5[%add3A_40, %dma_wait3A_72] : memref<10240x128xf32, #tpu.memory_space<vmem_shared>> -> memref<40x128xf32, #tpu.memory_space<vmem_shared>>
      %dma_wait3A_74 = arith.constant 0 : i32
      %dma_wait3A_75 = tpu.memref_slice %arg5[%add3A_40, %dma_wait3A_74] : memref<10240x128xf32, #tpu.memory_space<vmem_shared>> -> memref<40x128xf32, #tpu.memory_space<vmem_shared>>
      %dma_wait3A_76 = arith.constant 0 : i32
      %dma_wait3A_77 = arith.constant 0 : i32
      %dma_wait3A_78 = tpu.memref_slice %arg9[%dma_wait3A_76, %dma_wait3A_77] : memref<100x128xf32, #tpu.memory_space<vmem>> -> memref<40x128xf32, #tpu.memory_space<vmem>>
      tpu.wait_dma2 semaphore(%run_scoped3A_58 : memref<!tpu.dma_semaphore, #tpu.memory_space<semaphore_mem>>) src(%dma_wait3A_78 : memref<40x128xf32, #tpu.memory_space<vmem>>) dst(%dma_wait3A_75 : memref<40x128xf32, #tpu.memory_space<vmem_shared>>)
      tpu.yield
    }) : () -> ()
    %barrier3A = arith.constant 0 : index
    tpu.barrier barrier_id(%barrier3A)
    "tpu.trace_stop"() : () -> ()
    "tpu.trace_start"() <{level = 10 : i32, message = "agg_loop"}> : () -> ()
    %scan3A_41 = arith.constant 0 : i32
    %scan3A_42 = arith.constant 0 : i32
    %scan3A_43 = arith.constant 50 : i32
    %scan3A_44 = arith.addi %scan3A_42, %scan3A_43 : i32
    %scan3A_45 = arith.constant 1 : i32
    scf.for %scan3A_58 = %scan3A_42 to %scan3A_44 step %scan3A_45  : i32 {
      %mul3A_59 = arith.constant 2 : i32
      %mul3A_60 = arith.muli %mul3A_59, %scan3A_58 : i32
      %add3A_61 = arith.constant 1 : i32
      %add3A_62 = arith.addi %mul3A_60, %add3A_61 : i32
      %rem3A = arith.constant 100 : i32
      %rem3A_63 = arith.remsi %add3A_62, %rem3A : i32
      "tpu.region"() ({
        %run_scoped3A_102 = tpu.sem_alloc : memref<!tpu.dma_semaphore, #tpu.memory_space<semaphore_mem>>
        %dma_start3A_103 = arith.constant 0 : i32
        %dma_start3A_104 = arith.constant 0 : i32
        %dma_start3A_105 = tpu.memref_slice %arg3[%add3A, %rem3A_63, %dma_start3A_103, %dma_start3A_104] : memref<32x100x2x100xi32, #tpu.memory_space<hbm>> -> memref<1x1x2x100xi32, #tpu.memory_space<hbm>>
        %dma_start3A_106 = tpu.memref_squeeze %dma_start3A_105 : memref<1x1x2x100xi32, #tpu.memory_space<hbm>> -> memref<2x100xi32, #tpu.memory_space<hbm>>
        %dma_start3A_107 = arith.constant 0 : i32
        %dma_start3A_108 = arith.constant 0 : i32
        %dma_start3A_109 = tpu.memref_slice %arg3[%add3A, %rem3A_63, %dma_start3A_107, %dma_start3A_108] : memref<32x100x2x100xi32, #tpu.memory_space<hbm>> -> memref<1x1x2x100xi32, #tpu.memory_space<hbm>>
        %dma_start3A_110 = tpu.memref_squeeze %dma_start3A_109 : memref<1x1x2x100xi32, #tpu.memory_space<hbm>> -> memref<2x100xi32, #tpu.memory_space<hbm>>
        tpu.enqueue_dma source(%dma_start3A_110 : memref<2x100xi32, #tpu.memory_space<hbm>>) target(%arg7 : memref<2x100xi32, #tpu.memory_space<vmem>>) target_semaphore(%run_scoped3A_102 : memref<!tpu.dma_semaphore, #tpu.memory_space<semaphore_mem>>)
        %dma_wait3A_111 = arith.constant 0 : i32
        %dma_wait3A_112 = arith.constant 0 : i32
        %dma_wait3A_113 = tpu.memref_slice %arg3[%add3A, %rem3A_63, %dma_wait3A_111, %dma_wait3A_112] : memref<32x100x2x100xi32, #tpu.memory_space<hbm>> -> memref<1x1x2x100xi32, #tpu.memory_space<hbm>>
        %dma_wait3A_114 = tpu.memref_squeeze %dma_wait3A_113 : memref<1x1x2x100xi32, #tpu.memory_space<hbm>> -> memref<2x100xi32, #tpu.memory_space<hbm>>
        %dma_wait3A_115 = arith.constant 0 : i32
        %dma_wait3A_116 = arith.constant 0 : i32
        %dma_wait3A_117 = tpu.memref_slice %arg3[%add3A, %rem3A_63, %dma_wait3A_115, %dma_wait3A_116] : memref<32x100x2x100xi32, #tpu.memory_space<hbm>> -> memref<1x1x2x100xi32, #tpu.memory_space<hbm>>
        %dma_wait3A_118 = tpu.memref_squeeze %dma_wait3A_117 : memref<1x1x2x100xi32, #tpu.memory_space<hbm>> -> memref<2x100xi32, #tpu.memory_space<hbm>>
        tpu.wait_dma2 semaphore(%run_scoped3A_102 : memref<!tpu.dma_semaphore, #tpu.memory_space<semaphore_mem>>) src(%dma_wait3A_118 : memref<2x100xi32, #tpu.memory_space<hbm>>) dst(%arg7 : memref<2x100xi32, #tpu.memory_space<vmem>>)
        tpu.yield
      }) : () -> ()
      %dma_wait3A_64 = arith.constant 0 : i32
      %dma_wait3A_65 = arith.constant 0 : i32
      %dma_wait3A_66 = tpu.memref_slice %arg6[%dma_wait3A_64, %dma_wait3A_65] : memref<2x100xi32, #tpu.memory_space<vmem>> -> memref<1x100xi32, #tpu.memory_space<vmem>>
      %dma_wait3A_67 = tpu.memref_squeeze %dma_wait3A_66 : memref<1x100xi32, #tpu.memory_space<vmem>> -> memref<100xi32, #tpu.memory_space<vmem>>
      %dma_wait3A_68 = arith.constant 0 : i32
      %dma_wait3A_69 = arith.constant 0 : i32
      %dma_wait3A_70 = tpu.memref_slice %arg2[%dma_wait3A_68, %dma_wait3A_69] : memref<10000x128xf32, #tpu.memory_space<hbm>> -> memref<10000x128xf32, #tpu.memory_space<hbm>>
      tpu.wait_indirect_dma semaphore(%arg10 : memref<!tpu.dma_semaphore, #tpu.memory_space<semaphore_mem>>) src(%dma_wait3A_70 : memref<10000x128xf32, #tpu.memory_space<hbm>>) dst(%arg8 : memref<100x128xf32, #tpu.memory_space<vmem>>)
      %dma_start3A_71 = arith.constant 0 : i32
      %dma_start3A_72 = arith.constant 0 : i32
      %dma_start3A_73 = tpu.memref_slice %arg7[%dma_start3A_71, %dma_start3A_72] : memref<2x100xi32, #tpu.memory_space<vmem>> -> memref<1x100xi32, #tpu.memory_space<vmem>>
      %dma_start3A_74 = tpu.memref_squeeze %dma_start3A_73 : memref<1x100xi32, #tpu.memory_space<vmem>> -> memref<100xi32, #tpu.memory_space<vmem>>
      %dma_start3A_75 = arith.constant 0 : i32
      %dma_start3A_76 = arith.constant 0 : i32
      %dma_start3A_77 = tpu.memref_slice %arg2[%dma_start3A_75, %dma_start3A_76] : memref<10000x128xf32, #tpu.memory_space<hbm>> -> memref<10000x128xf32, #tpu.memory_space<hbm>>
      tpu.enqueue_indirect_dma source(%dma_start3A_77 : memref<10000x128xf32, #tpu.memory_space<hbm>>) target(%arg9 : memref<100x128xf32, #tpu.memory_space<vmem>>) offsets(%dma_start3A_74 : memref<100xi32, #tpu.memory_space<vmem>>) semaphore(%arg11 : memref<!tpu.dma_semaphore, #tpu.memory_space<semaphore_mem>>)
      %run_scoped3A_78 = arith.constant 1 : i32
      "tpu.region"() ({
        %run_scoped3A_102 = tpu.sem_alloc : memref<!tpu.dma_semaphore, #tpu.memory_space<semaphore_mem>>
        %dma_start3A_103 = arith.constant 0 : i32
        %dma_start3A_104 = tpu.memref_slice %arg6[%run_scoped3A_78, %dma_start3A_103] : memref<2x100xi32, #tpu.memory_space<vmem>> -> memref<1x100xi32, #tpu.memory_space<vmem>>
        %dma_start3A_105 = tpu.memref_squeeze %dma_start3A_104 : memref<1x100xi32, #tpu.memory_space<vmem>> -> memref<100xi32, #tpu.memory_space<vmem>>
        %dma_start3A_106 = arith.constant 0 : i32
        %dma_start3A_107 = arith.constant 0 : i32
        %dma_start3A_108 = tpu.memref_slice %arg5[%dma_start3A_106, %dma_start3A_107] : memref<10240x128xf32, #tpu.memory_space<vmem_shared>> -> memref<10240x128xf32, #tpu.memory_space<vmem_shared>>
        tpu.enqueue_indirect_dma source(%arg8 : memref<100x128xf32, #tpu.memory_space<vmem>>) target(%dma_start3A_108 : memref<10240x128xf32, #tpu.memory_space<vmem_shared>>) offsets(%dma_start3A_105 : memref<100xi32, #tpu.memory_space<vmem>>) semaphore(%run_scoped3A_102 : memref<!tpu.dma_semaphore, #tpu.memory_space<semaphore_mem>>) {add = true}
        %dma_wait3A_109 = arith.constant 0 : i32
        %dma_wait3A_110 = tpu.memref_slice %arg6[%run_scoped3A_78, %dma_wait3A_109] : memref<2x100xi32, #tpu.memory_space<vmem>> -> memref<1x100xi32, #tpu.memory_space<vmem>>
        %dma_wait3A_111 = tpu.memref_squeeze %dma_wait3A_110 : memref<1x100xi32, #tpu.memory_space<vmem>> -> memref<100xi32, #tpu.memory_space<vmem>>
        %dma_wait3A_112 = arith.constant 0 : i32
        %dma_wait3A_113 = arith.constant 0 : i32
        %dma_wait3A_114 = tpu.memref_slice %arg5[%dma_wait3A_112, %dma_wait3A_113] : memref<10240x128xf32, #tpu.memory_space<vmem_shared>> -> memref<10240x128xf32, #tpu.memory_space<vmem_shared>>
        tpu.wait_indirect_dma semaphore(%run_scoped3A_102 : memref<!tpu.dma_semaphore, #tpu.memory_space<semaphore_mem>>) src(%arg8 : memref<100x128xf32, #tpu.memory_space<vmem>>) dst(%dma_wait3A_114 : memref<10240x128xf32, #tpu.memory_space<vmem_shared>>)
        tpu.yield
      }) : () -> ()
      %mul3A_79 = arith.constant 2 : i32
      %mul3A_80 = arith.muli %mul3A_79, %scan3A_58 : i32
      %add3A_81 = arith.constant 1 : i32
      %add3A_82 = arith.addi %mul3A_80, %add3A_81 : i32
      %add3A_83 = arith.constant 1 : i32
      %add3A_84 = arith.addi %add3A_82, %add3A_83 : i32
      %rem3A_85 = arith.constant 100 : i32
      %rem3A_86 = arith.remsi %add3A_84, %rem3A_85 : i32
      "tpu.region"() ({
        %run_scoped3A_102 = tpu.sem_alloc : memref<!tpu.dma_semaphore, #tpu.memory_space<semaphore_mem>>
        %dma_start3A_103 = arith.constant 0 : i32
        %dma_start3A_104 = arith.constant 0 : i32
        %dma_start3A_105 = tpu.memref_slice %arg3[%add3A, %rem3A_86, %dma_start3A_103, %dma_start3A_104] : memref<32x100x2x100xi32, #tpu.memory_space<hbm>> -> memref<1x1x2x100xi32, #tpu.memory_space<hbm>>
        %dma_start3A_106 = tpu.memref_squeeze %dma_start3A_105 : memref<1x1x2x100xi32, #tpu.memory_space<hbm>> -> memref<2x100xi32, #tpu.memory_space<hbm>>
        %dma_start3A_107 = arith.constant 0 : i32
        %dma_start3A_108 = arith.constant 0 : i32
        %dma_start3A_109 = tpu.memref_slice %arg3[%add3A, %rem3A_86, %dma_start3A_107, %dma_start3A_108] : memref<32x100x2x100xi32, #tpu.memory_space<hbm>> -> memref<1x1x2x100xi32, #tpu.memory_space<hbm>>
        %dma_start3A_110 = tpu.memref_squeeze %dma_start3A_109 : memref<1x1x2x100xi32, #tpu.memory_space<hbm>> -> memref<2x100xi32, #tpu.memory_space<hbm>>
        tpu.enqueue_dma source(%dma_start3A_110 : memref<2x100xi32, #tpu.memory_space<hbm>>) target(%arg6 : memref<2x100xi32, #tpu.memory_space<vmem>>) target_semaphore(%run_scoped3A_102 : memref<!tpu.dma_semaphore, #tpu.memory_space<semaphore_mem>>)
        %dma_wait3A_111 = arith.constant 0 : i32
        %dma_wait3A_112 = arith.constant 0 : i32
        %dma_wait3A_113 = tpu.memref_slice %arg3[%add3A, %rem3A_86, %dma_wait3A_111, %dma_wait3A_112] : memref<32x100x2x100xi32, #tpu.memory_space<hbm>> -> memref<1x1x2x100xi32, #tpu.memory_space<hbm>>
        %dma_wait3A_114 = tpu.memref_squeeze %dma_wait3A_113 : memref<1x1x2x100xi32, #tpu.memory_space<hbm>> -> memref<2x100xi32, #tpu.memory_space<hbm>>
        %dma_wait3A_115 = arith.constant 0 : i32
        %dma_wait3A_116 = arith.constant 0 : i32
        %dma_wait3A_117 = tpu.memref_slice %arg3[%add3A, %rem3A_86, %dma_wait3A_115, %dma_wait3A_116] : memref<32x100x2x100xi32, #tpu.memory_space<hbm>> -> memref<1x1x2x100xi32, #tpu.memory_space<hbm>>
        %dma_wait3A_118 = tpu.memref_squeeze %dma_wait3A_117 : memref<1x1x2x100xi32, #tpu.memory_space<hbm>> -> memref<2x100xi32, #tpu.memory_space<hbm>>
        tpu.wait_dma2 semaphore(%run_scoped3A_102 : memref<!tpu.dma_semaphore, #tpu.memory_space<semaphore_mem>>) src(%dma_wait3A_118 : memref<2x100xi32, #tpu.memory_space<hbm>>) dst(%arg6 : memref<2x100xi32, #tpu.memory_space<vmem>>)
        tpu.yield
      }) : () -> ()
      %dma_wait3A_87 = arith.constant 0 : i32
      %dma_wait3A_88 = arith.constant 0 : i32
      %dma_wait3A_89 = tpu.memref_slice %arg7[%dma_wait3A_87, %dma_wait3A_88] : memref<2x100xi32, #tpu.memory_space<vmem>> -> memref<1x100xi32, #tpu.memory_space<vmem>>
      %dma_wait3A_90 = tpu.memref_squeeze %dma_wait3A_89 : memref<1x100xi32, #tpu.memory_space<vmem>> -> memref<100xi32, #tpu.memory_space<vmem>>
      %dma_wait3A_91 = arith.constant 0 : i32
      %dma_wait3A_92 = arith.constant 0 : i32
      %dma_wait3A_93 = tpu.memref_slice %arg2[%dma_wait3A_91, %dma_wait3A_92] : memref<10000x128xf32, #tpu.memory_space<hbm>> -> memref<10000x128xf32, #tpu.memory_space<hbm>>
      tpu.wait_indirect_dma semaphore(%arg11 : memref<!tpu.dma_semaphore, #tpu.memory_space<semaphore_mem>>) src(%dma_wait3A_93 : memref<10000x128xf32, #tpu.memory_space<hbm>>) dst(%arg9 : memref<100x128xf32, #tpu.memory_space<vmem>>)
      %dma_start3A_94 = arith.constant 0 : i32
      %dma_start3A_95 = arith.constant 0 : i32
      %dma_start3A_96 = tpu.memref_slice %arg6[%dma_start3A_94, %dma_start3A_95] : memref<2x100xi32, #tpu.memory_space<vmem>> -> memref<1x100xi32, #tpu.memory_space<vmem>>
      %dma_start3A_97 = tpu.memref_squeeze %dma_start3A_96 : memref<1x100xi32, #tpu.memory_space<vmem>> -> memref<100xi32, #tpu.memory_space<vmem>>
      %dma_start3A_98 = arith.constant 0 : i32
      %dma_start3A_99 = arith.constant 0 : i32
      %dma_start3A_100 = tpu.memref_slice %arg2[%dma_start3A_98, %dma_start3A_99] : memref<10000x128xf32, #tpu.memory_space<hbm>> -> memref<10000x128xf32, #tpu.memory_space<hbm>>
      tpu.enqueue_indirect_dma source(%dma_start3A_100 : memref<10000x128xf32, #tpu.memory_space<hbm>>) target(%arg8 : memref<100x128xf32, #tpu.memory_space<vmem>>) offsets(%dma_start3A_97 : memref<100xi32, #tpu.memory_space<vmem>>) semaphore(%arg10 : memref<!tpu.dma_semaphore, #tpu.memory_space<semaphore_mem>>)
      %run_scoped3A_101 = arith.constant 1 : i32
      "tpu.region"() ({
        %run_scoped3A_102 = tpu.sem_alloc : memref<!tpu.dma_semaphore, #tpu.memory_space<semaphore_mem>>
        %dma_start3A_103 = arith.constant 0 : i32
        %dma_start3A_104 = tpu.memref_slice %arg7[%run_scoped3A_101, %dma_start3A_103] : memref<2x100xi32, #tpu.memory_space<vmem>> -> memref<1x100xi32, #tpu.memory_space<vmem>>
        %dma_start3A_105 = tpu.memref_squeeze %dma_start3A_104 : memref<1x100xi32, #tpu.memory_space<vmem>> -> memref<100xi32, #tpu.memory_space<vmem>>
        %dma_start3A_106 = arith.constant 0 : i32
        %dma_start3A_107 = arith.constant 0 : i32
        %dma_start3A_108 = tpu.memref_slice %arg5[%dma_start3A_106, %dma_start3A_107] : memref<10240x128xf32, #tpu.memory_space<vmem_shared>> -> memref<10240x128xf32, #tpu.memory_space<vmem_shared>>
        tpu.enqueue_indirect_dma source(%arg9 : memref<100x128xf32, #tpu.memory_space<vmem>>) target(%dma_start3A_108 : memref<10240x128xf32, #tpu.memory_space<vmem_shared>>) offsets(%dma_start3A_105 : memref<100xi32, #tpu.memory_space<vmem>>) semaphore(%run_scoped3A_102 : memref<!tpu.dma_semaphore, #tpu.memory_space<semaphore_mem>>) {add = true}
        %dma_wait3A_109 = arith.constant 0 : i32
        %dma_wait3A_110 = tpu.memref_slice %arg7[%run_scoped3A_101, %dma_wait3A_109] : memref<2x100xi32, #tpu.memory_space<vmem>> -> memref<1x100xi32, #tpu.memory_space<vmem>>
        %dma_wait3A_111 = tpu.memref_squeeze %dma_wait3A_110 : memref<1x100xi32, #tpu.memory_space<vmem>> -> memref<100xi32, #tpu.memory_space<vmem>>
        %dma_wait3A_112 = arith.constant 0 : i32
        %dma_wait3A_113 = arith.constant 0 : i32
        %dma_wait3A_114 = tpu.memref_slice %arg5[%dma_wait3A_112, %dma_wait3A_113] : memref<10240x128xf32, #tpu.memory_space<vmem_shared>> -> memref<10240x128xf32, #tpu.memory_space<vmem_shared>>
        tpu.wait_indirect_dma semaphore(%run_scoped3A_102 : memref<!tpu.dma_semaphore, #tpu.memory_space<semaphore_mem>>) src(%arg9 : memref<100x128xf32, #tpu.memory_space<vmem>>) dst(%dma_wait3A_114 : memref<10240x128xf32, #tpu.memory_space<vmem_shared>>)
        tpu.yield
      }) : () -> ()
    }
    %scan3A_46 = arith.constant 50 : i32
    %dma_wait3A = arith.constant 0 : i32
    %dma_wait3A_47 = arith.constant 0 : i32
    %dma_wait3A_48 = tpu.memref_slice %arg6[%dma_wait3A, %dma_wait3A_47] : memref<2x100xi32, #tpu.memory_space<vmem>> -> memref<1x100xi32, #tpu.memory_space<vmem>>
    %dma_wait3A_49 = tpu.memref_squeeze %dma_wait3A_48 : memref<1x100xi32, #tpu.memory_space<vmem>> -> memref<100xi32, #tpu.memory_space<vmem>>
    %dma_wait3A_50 = arith.constant 0 : i32
    %dma_wait3A_51 = arith.constant 0 : i32
    %dma_wait3A_52 = tpu.memref_slice %arg2[%dma_wait3A_50, %dma_wait3A_51] : memref<10000x128xf32, #tpu.memory_space<hbm>> -> memref<10000x128xf32, #tpu.memory_space<hbm>>
    tpu.wait_indirect_dma semaphore(%arg10 : memref<!tpu.dma_semaphore, #tpu.memory_space<semaphore_mem>>) src(%dma_wait3A_52 : memref<10000x128xf32, #tpu.memory_space<hbm>>) dst(%arg8 : memref<100x128xf32, #tpu.memory_space<vmem>>)
    "tpu.trace_stop"() : () -> ()
    "tpu.trace_start"() <{level = 10 : i32, message = "agg_out"}> : () -> ()
    %barrier3A_53 = arith.constant 0 : index
    tpu.barrier barrier_id(%barrier3A_53)
    %mul3A_54 = arith.constant 640 : i32
    %mul3A_55 = arith.muli %arg1, %mul3A_54 : i32
    %mul3A_56 = arith.constant 640 : i32
    %mul3A_57 = arith.muli %arg1, %mul3A_56 : i32
    "tpu.region"() ({
      %run_scoped3A_58 = tpu.sem_alloc : memref<!tpu.dma_semaphore, #tpu.memory_space<semaphore_mem>>
      %dma_start3A_59 = arith.constant 0 : i32
      %dma_start3A_60 = tpu.memref_slice %arg4[%arg0, %mul3A_57, %dma_start3A_59] : memref<2x10240x128xf32, #tpu.memory_space<hbm>> -> memref<1x640x128xf32, #tpu.memory_space<hbm>>
      %dma_start3A_61 = tpu.memref_squeeze %dma_start3A_60 : memref<1x640x128xf32, #tpu.memory_space<hbm>> -> memref<640x128xf32, #tpu.memory_space<hbm>>
      %dma_start3A_62 = arith.constant 0 : i32
      %dma_start3A_63 = tpu.memref_slice %arg5[%mul3A_55, %dma_start3A_62] : memref<10240x128xf32, #tpu.memory_space<vmem_shared>> -> memref<640x128xf32, #tpu.memory_space<vmem_shared>>
      tpu.enqueue_dma source(%dma_start3A_63 : memref<640x128xf32, #tpu.memory_space<vmem_shared>>) target(%dma_start3A_61 : memref<640x128xf32, #tpu.memory_space<hbm>>) target_semaphore(%run_scoped3A_58 : memref<!tpu.dma_semaphore, #tpu.memory_space<semaphore_mem>>)
      %dma_wait3A_64 = arith.constant 0 : i32
      %dma_wait3A_65 = tpu.memref_slice %arg4[%arg0, %mul3A_57, %dma_wait3A_64] : memref<2x10240x128xf32, #tpu.memory_space<hbm>> -> memref<1x640x128xf32, #tpu.memory_space<hbm>>
      %dma_wait3A_66 = tpu.memref_squeeze %dma_wait3A_65 : memref<1x640x128xf32, #tpu.memory_space<hbm>> -> memref<640x128xf32, #tpu.memory_space<hbm>>
      %dma_wait3A_67 = arith.constant 0 : i32
      %dma_wait3A_68 = tpu.memref_slice %arg5[%mul3A_55, %dma_wait3A_67] : memref<10240x128xf32, #tpu.memory_space<vmem_shared>> -> memref<640x128xf32, #tpu.memory_space<vmem_shared>>
      tpu.wait_dma2 semaphore(%run_scoped3A_58 : memref<!tpu.dma_semaphore, #tpu.memory_space<semaphore_mem>>) src(%dma_wait3A_68 : memref<640x128xf32, #tpu.memory_space<vmem_shared>>) dst(%dma_wait3A_66 : memref<640x128xf32, #tpu.memory_space<hbm>>)
      tpu.yield
    }) : () -> ()
    "tpu.trace_stop"() : () -> ()
    return
  }
}

module attributes {stable_mosaic.version = 14 : i64} {
  func.func @_mm_relu_body(%arg0: i32, %arg1: memref<2000x128xf32, #tpu.memory_space<vmem>>, %arg2: memref<128x128xf32, #tpu.memory_space<vmem>>, %arg3: memref<1x128xf32, #tpu.memory_space<vmem>>, %arg4: memref<2000x128xf32, #tpu.memory_space<vmem>>) attributes {dimension_semantics = [#tpu.dimension_semantics<arbitrary>], iteration_bounds = array<i64: 5>, scalar_prefetch = 0 : i64, scratch_operands = 0 : i64, tpu.core_type = #tpu.core_type<tc>, window_params = [{transform_indices = @transform_0, window_bounds = array<i64: 2000, 128>}, {pipeline_mode = #tpu.pipeline_mode<synchronous>, transform_indices = @transform_1, window_bounds = array<i64: 128, 128>}, {pipeline_mode = #tpu.pipeline_mode<synchronous>, transform_indices = @transform_2, window_bounds = array<i64: 1, 128>}, {transform_indices = @transform_3, window_bounds = array<i64: 2000, 128>}]} {
    %get3A = arith.constant 0 : index
    %get3A_0 = arith.constant 0 : index
    %get3A_1 = vector.load %arg1[%get3A, %get3A_0] : memref<2000x128xf32, #tpu.memory_space<vmem>>, vector<2000x128xf32>
    %get3A_2 = arith.constant 0 : index
    %get3A_3 = arith.constant 0 : index
    %get3A_4 = vector.load %arg2[%get3A_2, %get3A_3] : memref<128x128xf32, #tpu.memory_space<vmem>>, vector<128x128xf32>
    %dot_general3A = arith.constant dense<0.000000e+00> : vector<2000x128xf32>
    %dot_general3A_5 = tpu.matmul %get3A_1, %get3A_4, %dot_general3A {dimension_numbers = #tpu.dot_dimension_numbers<[1], [0], [0], [1], [0, 0, 1, 1], [], []>, transpose_lhs_hint = false} : vector<2000x128xf32>, vector<128x128xf32>, vector<2000x128xf32> -> vector<2000x128xf32>
    %get3A_6 = arith.constant 0 : index
    %get3A_7 = arith.constant 0 : index
    %get3A_8 = vector.load %arg3[%get3A_6, %get3A_7] : memref<1x128xf32, #tpu.memory_space<vmem>>, vector<1x128xf32>
    %add3A = vector.broadcast %get3A_8 : vector<1x128xf32> to vector<2000x128xf32>
    %add3A_9 = arith.addf %dot_general3A_5, %add3A : vector<2000x128xf32>
    %max3A = arith.constant 0.000000e+00 : f32
    %max3A_10 = vector.broadcast %max3A : f32 to vector<2000x128xf32>
    %max3A_11 = arith.maximumf %add3A_9, %max3A_10 : vector<2000x128xf32>
    %swap3A = arith.constant 0 : index
    %swap3A_12 = arith.constant 0 : index
    %swap3A_13 = vector.load %arg4[%swap3A, %swap3A_12] : memref<2000x128xf32, #tpu.memory_space<vmem>>, vector<2000x128xf32>
    tpu.vector_store %arg4[%swap3A, %swap3A_12], %max3A_11 {strides = array<i32>} : memref<2000x128xf32, #tpu.memory_space<vmem>>, vector<2000x128xf32>,
    return
  }
  func.func @transform_0(%arg0: i32) -> (i32, i32) {
    %c0_i32 = arith.constant 0 : i32
    %c0_i32_0 = arith.constant 0 : i32
    return %arg0, %c0_i32 : i32, i32
  }
  func.func @transform_1(%arg0: i32) -> (i32, i32) {
    %c0_i32 = arith.constant 0 : i32
    %c0_i32_0 = arith.constant 0 : i32
    %c0_i32_1 = arith.constant 0 : i32
    return %c0_i32, %c0_i32_0 : i32, i32
  }
  func.func @transform_2(%arg0: i32) -> (i32, i32) {
    %c0_i32 = arith.constant 0 : i32
    %c0_i32_0 = arith.constant 0 : i32
    %c0_i32_1 = arith.constant 0 : i32
    return %c0_i32, %c0_i32_0 : i32, i32
  }
  func.func @transform_3(%arg0: i32) -> (i32, i32) {
    %c0_i32 = arith.constant 0 : i32
    %c0_i32_0 = arith.constant 0 : i32
    return %arg0, %c0_i32 : i32, i32
  }
}

module attributes {stable_mosaic.version = 14 : i64} {
  func.func @_layer_body(%arg0: i32, %arg1: memref<2000x128xf32, #tpu.memory_space<vmem>>, %arg2: memref<2x2000x128xf32, #tpu.memory_space<vmem>>, %arg3: memref<2000x128xf32, #tpu.memory_space<vmem>>, %arg4: memref<128x128xf32, #tpu.memory_space<vmem>>, %arg5: memref<128x128xf32, #tpu.memory_space<vmem>>, %arg6: memref<1x128xf32, #tpu.memory_space<vmem>>, %arg7: memref<2000x128xf32, #tpu.memory_space<vmem>>) attributes {dimension_semantics = [#tpu.dimension_semantics<arbitrary>], iteration_bounds = array<i64: 5>, scalar_prefetch = 0 : i64, scratch_operands = 0 : i64, tpu.core_type = #tpu.core_type<tc>, window_params = [{transform_indices = @transform_0, window_bounds = array<i64: 2000, 128>}, {transform_indices = @transform_1, window_bounds = array<i64: 2, 2000, 128>}, {transform_indices = @transform_2, window_bounds = array<i64: 2000, 128>}, {pipeline_mode = #tpu.pipeline_mode<synchronous>, transform_indices = @transform_3, window_bounds = array<i64: 128, 128>}, {pipeline_mode = #tpu.pipeline_mode<synchronous>, transform_indices = @transform_4, window_bounds = array<i64: 128, 128>}, {pipeline_mode = #tpu.pipeline_mode<synchronous>, transform_indices = @transform_5, window_bounds = array<i64: 1, 128>}, {transform_indices = @transform_6, window_bounds = array<i64: 2000, 128>}]} {
    %get3A = arith.constant 0 : index
    %get3A_0 = arith.constant 0 : index
    %get3A_1 = arith.constant 0 : index
    %get3A_2 = vector.load %arg2[%get3A, %get3A_0, %get3A_1] : memref<2x2000x128xf32, #tpu.memory_space<vmem>>, vector<1x2000x128xf32>
    %get3A_3 = vector.shape_cast %get3A_2 : vector<1x2000x128xf32> to vector<2000x128xf32>
    %get3A_4 = arith.constant 1 : index
    %get3A_5 = arith.constant 0 : index
    %get3A_6 = arith.constant 0 : index
    %get3A_7 = vector.load %arg2[%get3A_4, %get3A_5, %get3A_6] : memref<2x2000x128xf32, #tpu.memory_space<vmem>>, vector<1x2000x128xf32>
    %get3A_8 = vector.shape_cast %get3A_7 : vector<1x2000x128xf32> to vector<2000x128xf32>
    %add3A = arith.addf %get3A_3, %get3A_8 : vector<2000x128xf32>
    %get3A_9 = arith.constant 0 : index
    %get3A_10 = arith.constant 0 : index
    %get3A_11 = vector.load %arg3[%get3A_9, %get3A_10] : memref<2000x128xf32, #tpu.memory_space<vmem>>, vector<2000x128xf32>
    %mul3A = arith.mulf %add3A, %get3A_11 : vector<2000x128xf32>
    %get3A_12 = arith.constant 0 : index
    %get3A_13 = arith.constant 0 : index
    %get3A_14 = vector.load %arg1[%get3A_12, %get3A_13] : memref<2000x128xf32, #tpu.memory_space<vmem>>, vector<2000x128xf32>
    %get3A_15 = arith.constant 0 : index
    %get3A_16 = arith.constant 0 : index
    %get3A_17 = vector.load %arg4[%get3A_15, %get3A_16] : memref<128x128xf32, #tpu.memory_space<vmem>>, vector<128x128xf32>
    %dot_general3A = arith.constant dense<0.000000e+00> : vector<2000x128xf32>
    %dot_general3A_18 = tpu.matmul %get3A_14, %get3A_17, %dot_general3A {dimension_numbers = #tpu.dot_dimension_numbers<[1], [0], [0], [1], [0, 0, 1, 1], [], []>, transpose_lhs_hint = false} : vector<2000x128xf32>, vector<128x128xf32>, vector<2000x128xf32> -> vector<2000x128xf32>
    %get3A_19 = arith.constant 0 : index
    %get3A_20 = arith.constant 0 : index
    %get3A_21 = vector.load %arg5[%get3A_19, %get3A_20] : memref<128x128xf32, #tpu.memory_space<vmem>>, vector<128x128xf32>
    %dot_general3A_22 = arith.constant dense<0.000000e+00> : vector<2000x128xf32>
    %dot_general3A_23 = tpu.matmul %mul3A, %get3A_21, %dot_general3A_22 {dimension_numbers = #tpu.dot_dimension_numbers<[1], [0], [0], [1], [0, 0, 1, 1], [], []>, transpose_lhs_hint = false} : vector<2000x128xf32>, vector<128x128xf32>, vector<2000x128xf32> -> vector<2000x128xf32>
    %add3A_24 = arith.addf %dot_general3A_18, %dot_general3A_23 : vector<2000x128xf32>
    %get3A_25 = arith.constant 0 : index
    %get3A_26 = arith.constant 0 : index
    %get3A_27 = vector.load %arg6[%get3A_25, %get3A_26] : memref<1x128xf32, #tpu.memory_space<vmem>>, vector<1x128xf32>
    %add3A_28 = vector.broadcast %get3A_27 : vector<1x128xf32> to vector<2000x128xf32>
    %add3A_29 = arith.addf %add3A_24, %add3A_28 : vector<2000x128xf32>
    %max3A = arith.constant 0.000000e+00 : f32
    %max3A_30 = vector.broadcast %max3A : f32 to vector<2000x128xf32>
    %max3A_31 = arith.maximumf %add3A_29, %max3A_30 : vector<2000x128xf32>
    %swap3A = arith.constant 0 : index
    %swap3A_32 = arith.constant 0 : index
    %swap3A_33 = vector.load %arg7[%swap3A, %swap3A_32] : memref<2000x128xf32, #tpu.memory_space<vmem>>, vector<2000x128xf32>
    tpu.vector_store %arg7[%swap3A, %swap3A_32], %max3A_31 {strides = array<i32>} : memref<2000x128xf32, #tpu.memory_space<vmem>>, vector<2000x128xf32>,
    return
  }
  func.func @transform_0(%arg0: i32) -> (i32, i32) {
    %c0_i32 = arith.constant 0 : i32
    %c0_i32_0 = arith.constant 0 : i32
    return %arg0, %c0_i32 : i32, i32
  }
  func.func @transform_1(%arg0: i32) -> (i32, i32, i32) {
    %c0_i32 = arith.constant 0 : i32
    %c0_i32_0 = arith.constant 0 : i32
    %c0_i32_1 = arith.constant 0 : i32
    return %c0_i32, %arg0, %c0_i32_0 : i32, i32, i32
  }
  func.func @transform_2(%arg0: i32) -> (i32, i32) {
    %c0_i32 = arith.constant 0 : i32
    %c0_i32_0 = arith.constant 0 : i32
    return %arg0, %c0_i32 : i32, i32
  }
  func.func @transform_3(%arg0: i32) -> (i32, i32) {
    %c0_i32 = arith.constant 0 : i32
    %c0_i32_0 = arith.constant 0 : i32
    %c0_i32_1 = arith.constant 0 : i32
    return %c0_i32, %c0_i32_0 : i32, i32
  }
  func.func @transform_4(%arg0: i32) -> (i32, i32) {
    %c0_i32 = arith.constant 0 : i32
    %c0_i32_0 = arith.constant 0 : i32
    %c0_i32_1 = arith.constant 0 : i32
    return %c0_i32, %c0_i32_0 : i32, i32
  }
  func.func @transform_5(%arg0: i32) -> (i32, i32) {
    %c0_i32 = arith.constant 0 : i32
    %c0_i32_0 = arith.constant 0 : i32
    %c0_i32_1 = arith.constant 0 : i32
    return %c0_i32, %c0_i32_0 : i32, i32
  }
  func.func @transform_6(%arg0: i32) -> (i32, i32) {
    %c0_i32 = arith.constant 0 : i32
    %c0_i32_0 = arith.constant 0 : i32
    return %arg0, %c0_i32 : i32, i32
  }
}

module attributes {stable_mosaic.version = 14 : i64} {
  func.func @_mlp2_body(%arg0: i32, %arg1: memref<800x128xf32, #tpu.memory_space<vmem>>, %arg2: memref<2x128x128xf32, #tpu.memory_space<vmem>>, %arg3: memref<2x1x128xf32, #tpu.memory_space<vmem>>, %arg4: memref<800x128xf32, #tpu.memory_space<vmem>>) attributes {dimension_semantics = [#tpu.dimension_semantics<arbitrary>], iteration_bounds = array<i64: 4>, scalar_prefetch = 0 : i64, scratch_operands = 0 : i64, tpu.core_type = #tpu.core_type<tc>, window_params = [{transform_indices = @transform_0, window_bounds = array<i64: 800, 128>}, {pipeline_mode = #tpu.pipeline_mode<synchronous>, transform_indices = @transform_1, window_bounds = array<i64: 2, 128, 128>}, {pipeline_mode = #tpu.pipeline_mode<synchronous>, transform_indices = @transform_2, window_bounds = array<i64: 2, 1, 128>}, {transform_indices = @transform_3, window_bounds = array<i64: 800, 128>}]} {
    %get3A = arith.constant 0 : index
    %get3A_0 = arith.constant 0 : index
    %get3A_1 = vector.load %arg1[%get3A, %get3A_0] : memref<800x128xf32, #tpu.memory_space<vmem>>, vector<800x128xf32>
    %get3A_2 = arith.constant 0 : index
    %get3A_3 = arith.constant 0 : index
    %get3A_4 = arith.constant 0 : index
    %get3A_5 = vector.load %arg2[%get3A_2, %get3A_3, %get3A_4] : memref<2x128x128xf32, #tpu.memory_space<vmem>>, vector<1x128x128xf32>
    %get3A_6 = vector.shape_cast %get3A_5 : vector<1x128x128xf32> to vector<128x128xf32>
    %dot_general3A = arith.constant dense<0.000000e+00> : vector<800x128xf32>
    %dot_general3A_7 = tpu.matmul %get3A_1, %get3A_6, %dot_general3A {dimension_numbers = #tpu.dot_dimension_numbers<[1], [0], [0], [1], [0, 0, 1, 1], [], []>, transpose_lhs_hint = false} : vector<800x128xf32>, vector<128x128xf32>, vector<800x128xf32> -> vector<800x128xf32>
    %get3A_8 = arith.constant 0 : index
    %get3A_9 = arith.constant 0 : index
    %get3A_10 = arith.constant 0 : index
    %get3A_11 = vector.load %arg3[%get3A_8, %get3A_9, %get3A_10] : memref<2x1x128xf32, #tpu.memory_space<vmem>>, vector<1x1x128xf32>
    %get3A_12 = vector.shape_cast %get3A_11 : vector<1x1x128xf32> to vector<1x128xf32>
    %add3A = vector.broadcast %get3A_12 : vector<1x128xf32> to vector<800x128xf32>
    %add3A_13 = arith.addf %dot_general3A_7, %add3A : vector<800x128xf32>
    %max3A = arith.constant 0.000000e+00 : f32
    %max3A_14 = vector.broadcast %max3A : f32 to vector<800x128xf32>
    %max3A_15 = arith.maximumf %add3A_13, %max3A_14 : vector<800x128xf32>
    %get3A_16 = arith.constant 1 : index
    %get3A_17 = arith.constant 0 : index
    %get3A_18 = arith.constant 0 : index
    %get3A_19 = vector.load %arg2[%get3A_16, %get3A_17, %get3A_18] : memref<2x128x128xf32, #tpu.memory_space<vmem>>, vector<1x128x128xf32>
    %get3A_20 = vector.shape_cast %get3A_19 : vector<1x128x128xf32> to vector<128x128xf32>
    %dot_general3A_21 = arith.constant dense<0.000000e+00> : vector<800x128xf32>
    %dot_general3A_22 = tpu.matmul %max3A_15, %get3A_20, %dot_general3A_21 {dimension_numbers = #tpu.dot_dimension_numbers<[1], [0], [0], [1], [0, 0, 1, 1], [], []>, transpose_lhs_hint = false} : vector<800x128xf32>, vector<128x128xf32>, vector<800x128xf32> -> vector<800x128xf32>
    %get3A_23 = arith.constant 1 : index
    %get3A_24 = arith.constant 0 : index
    %get3A_25 = arith.constant 0 : index
    %get3A_26 = vector.load %arg3[%get3A_23, %get3A_24, %get3A_25] : memref<2x1x128xf32, #tpu.memory_space<vmem>>, vector<1x1x128xf32>
    %get3A_27 = vector.shape_cast %get3A_26 : vector<1x1x128xf32> to vector<1x128xf32>
    %add3A_28 = vector.broadcast %get3A_27 : vector<1x128xf32> to vector<800x128xf32>
    %add3A_29 = arith.addf %dot_general3A_22, %add3A_28 : vector<800x128xf32>
    %max3A_30 = arith.constant 0.000000e+00 : f32
    %max3A_31 = vector.broadcast %max3A_30 : f32 to vector<800x128xf32>
    %max3A_32 = arith.maximumf %add3A_29, %max3A_31 : vector<800x128xf32>
    %swap3A = arith.constant 0 : index
    %swap3A_33 = arith.constant 0 : index
    %swap3A_34 = vector.load %arg4[%swap3A, %swap3A_33] : memref<800x128xf32, #tpu.memory_space<vmem>>, vector<800x128xf32>
    tpu.vector_store %arg4[%swap3A, %swap3A_33], %max3A_32 {strides = array<i32>} : memref<800x128xf32, #tpu.memory_space<vmem>>, vector<800x128xf32>,
    return
  }
  func.func @transform_0(%arg0: i32) -> (i32, i32) {
    %c0_i32 = arith.constant 0 : i32
    %c0_i32_0 = arith.constant 0 : i32
    return %arg0, %c0_i32 : i32, i32
  }
  func.func @transform_1(%arg0: i32) -> (i32, i32, i32) {
    %c0_i32 = arith.constant 0 : i32
    %c0_i32_0 = arith.constant 0 : i32
    %c0_i32_1 = arith.constant 0 : i32
    %c0_i32_2 = arith.constant 0 : i32
    return %c0_i32, %c0_i32_0, %c0_i32_1 : i32, i32, i32
  }
  func.func @transform_2(%arg0: i32) -> (i32, i32, i32) {
    %c0_i32 = arith.constant 0 : i32
    %c0_i32_0 = arith.constant 0 : i32
    %c0_i32_1 = arith.constant 0 : i32
    %c0_i32_2 = arith.constant 0 : i32
    return %c0_i32, %c0_i32_0, %c0_i32_1 : i32, i32, i32
  }
  func.func @transform_3(%arg0: i32) -> (i32, i32) {
    %c0_i32 = arith.constant 0 : i32
    %c0_i32_0 = arith.constant 0 : i32
    return %arg0, %c0_i32 : i32, i32
  }
}

module attributes {stable_mosaic.version = 14 : i64} {
  func.func @_up_pool_body(%arg0: i32, %arg1: i32, %arg2: memref<2000x1xi32, #tpu.memory_space<vmem>>, %arg3: memref<2000x128xf32, #tpu.memory_space<vmem>>, %arg4: memref<800x128xf32, #tpu.memory_space<vmem>>, %arg5: memref<128x128xf32, #tpu.memory_space<vmem>>, %arg6: memref<128x128xf32, #tpu.memory_space<vmem>>, %arg7: memref<1x128xf32, #tpu.memory_space<vmem>>, %arg8: memref<800x128xf32, #tpu.memory_space<vmem>>, %arg9: memref<800x128xf32, #tpu.memory_space<vmem>>, %arg10: memref<800x1xf32, #tpu.memory_space<vmem>>) attributes {dimension_semantics = [#tpu.dimension_semantics<arbitrary>, #tpu.dimension_semantics<arbitrary>], iteration_bounds = array<i64: 4, 5>, scalar_prefetch = 0 : i64, scratch_operands = 2 : i64, tpu.core_type = #tpu.core_type<tc>, window_params = [{transform_indices = @transform_0, window_bounds = array<i64: 2000, 1>}, {transform_indices = @transform_1, window_bounds = array<i64: 2000, 128>}, {transform_indices = @transform_2, window_bounds = array<i64: 800, 128>}, {pipeline_mode = #tpu.pipeline_mode<synchronous>, transform_indices = @transform_3, window_bounds = array<i64: 128, 128>}, {pipeline_mode = #tpu.pipeline_mode<synchronous>, transform_indices = @transform_4, window_bounds = array<i64: 128, 128>}, {pipeline_mode = #tpu.pipeline_mode<synchronous>, transform_indices = @transform_5, window_bounds = array<i64: 1, 128>}, {transform_indices = @transform_6, window_bounds = array<i64: 800, 128>}]} {
    %get3A = arith.constant 0 : index
    %get3A_0 = arith.constant 0 : index
    %get3A_1 = vector.load %arg2[%get3A, %get3A_0] : memref<2000x1xi32, #tpu.memory_space<vmem>>, vector<2000x1xi32>
    %mul3A = arith.constant 800 : i32
    %mul3A_2 = arith.muli %arg0, %mul3A : i32
    %iota3A = tpu.iota {dimensions = array<i32: 1>} : vector<2000x800xi32>
    %add3A = vector.broadcast %mul3A_2 : i32 to vector<2000x800xi32>
    %add3A_3 = arith.addi %add3A, %iota3A : vector<2000x800xi32>
    %eq3A = vector.broadcast %get3A_1 : vector<2000x1xi32> to vector<2000x800xi32>
    %eq3A_4 = arith.cmpi eq, %eq3A, %add3A_3 : vector<2000x800xi32>
    %convert_element_type3A = arith.extui %eq3A_4 : vector<2000x800xi1> to vector<2000x800xi32>
    %convert_element_type3A_5 = arith.sitofp %convert_element_type3A : vector<2000x800xi32> to vector<2000x800xf32>
    %get3A_6 = arith.constant 0 : index
    %get3A_7 = arith.constant 0 : index
    %get3A_8 = vector.load %arg3[%get3A_6, %get3A_7] : memref<2000x128xf32, #tpu.memory_space<vmem>>, vector<2000x128xf32>
    %dot_general3A = arith.constant dense<0.000000e+00> : vector<800x128xf32>
    %dot_general3A_9 = tpu.matmul %convert_element_type3A_5, %get3A_8, %dot_general3A {dimension_numbers = #tpu.dot_dimension_numbers<[0], [0], [1], [1], [0, 1, 1, 1], [], []>, transpose_lhs_hint = false} : vector<2000x800xf32>, vector<2000x128xf32>, vector<800x128xf32> -> vector<800x128xf32>
    %broadcast_in_dim3A = arith.constant 1.000000e+00 : f32
    %broadcast_in_dim3A_10 = vector.broadcast %broadcast_in_dim3A : f32 to vector<2000x1xf32>
    %dot_general3A_11 = arith.constant dense<0.000000e+00> : vector<800x1xf32>
    %dot_general3A_12 = tpu.matmul %convert_element_type3A_5, %broadcast_in_dim3A_10, %dot_general3A_11 {dimension_numbers = #tpu.dot_dimension_numbers<[0], [0], [1], [1], [0, 1, 1, 1], [], []>, transpose_lhs_hint = false} : vector<2000x800xf32>, vector<2000x1xf32>, vector<800x1xf32> -> vector<800x1xf32>
    %eq3A_13 = arith.constant 0 : i32
    %eq3A_14 = arith.cmpi eq, %arg1, %eq3A_13 : i32
    %convert_element_type3A_15 = arith.extui %eq3A_14 : i1 to i32
    %cond3A = arith.constant 0 : i32
    %cond3A_16 = arith.cmpi ne, %convert_element_type3A_15, %cond3A : i32
    scf.if %cond3A_16 {
      %broadcast_in_dim3A_35 = arith.constant 0.000000e+00 : f32
      %broadcast_in_dim3A_36 = vector.broadcast %broadcast_in_dim3A_35 : f32 to vector<800x128xf32>
      %swap3A_37 = arith.constant 0 : index
      %swap3A_38 = arith.constant 0 : index
      %swap3A_39 = vector.load %arg9[%swap3A_37, %swap3A_38] : memref<800x128xf32, #tpu.memory_space<vmem>>, vector<800x128xf32>
      tpu.vector_store %arg9[%swap3A_37, %swap3A_38], %broadcast_in_dim3A_36 {strides = array<i32>} : memref<800x128xf32, #tpu.memory_space<vmem>>, vector<800x128xf32>,
      %broadcast_in_dim3A_40 = arith.constant 0.000000e+00 : f32
      %broadcast_in_dim3A_41 = vector.broadcast %broadcast_in_dim3A_40 : f32 to vector<800x1xf32>
      %swap3A_42 = arith.constant 0 : index
      %swap3A_43 = arith.constant 0 : index
      %swap3A_44 = vector.load %arg10[%swap3A_42, %swap3A_43] : memref<800x1xf32, #tpu.memory_space<vmem>>, vector<800x1xf32>
      tpu.vector_store %arg10[%swap3A_42, %swap3A_43], %broadcast_in_dim3A_41 {strides = array<i32>} : memref<800x1xf32, #tpu.memory_space<vmem>>, vector<800x1xf32>,
    } else {
    }
    %get3A_17 = arith.constant 0 : index
    %get3A_18 = arith.constant 0 : index
    %get3A_19 = vector.load %arg9[%get3A_17, %get3A_18] : memref<800x128xf32, #tpu.memory_space<vmem>>, vector<800x128xf32>
    %add3A_20 = arith.addf %get3A_19, %dot_general3A_9 : vector<800x128xf32>
    %swap3A = arith.constant 0 : index
    %swap3A_21 = arith.constant 0 : index
    %swap3A_22 = vector.load %arg9[%swap3A, %swap3A_21] : memref<800x128xf32, #tpu.memory_space<vmem>>, vector<800x128xf32>
    tpu.vector_store %arg9[%swap3A, %swap3A_21], %add3A_20 {strides = array<i32>} : memref<800x128xf32, #tpu.memory_space<vmem>>, vector<800x128xf32>,
    %get3A_23 = arith.constant 0 : index
    %get3A_24 = arith.constant 0 : index
    %get3A_25 = vector.load %arg10[%get3A_23, %get3A_24] : memref<800x1xf32, #tpu.memory_space<vmem>>, vector<800x1xf32>
    %add3A_26 = arith.addf %get3A_25, %dot_general3A_12 : vector<800x1xf32>
    %swap3A_27 = arith.constant 0 : index
    %swap3A_28 = arith.constant 0 : index
    %swap3A_29 = vector.load %arg10[%swap3A_27, %swap3A_28] : memref<800x1xf32, #tpu.memory_space<vmem>>, vector<800x1xf32>
    tpu.vector_store %arg10[%swap3A_27, %swap3A_28], %add3A_26 {strides = array<i32>} : memref<800x1xf32, #tpu.memory_space<vmem>>, vector<800x1xf32>,
    %eq3A_30 = arith.constant 4 : i32
    %eq3A_31 = arith.cmpi eq, %arg1, %eq3A_30 : i32
    %convert_element_type3A_32 = arith.extui %eq3A_31 : i1 to i32
    %cond3A_33 = arith.constant 0 : i32
    %cond3A_34 = arith.cmpi ne, %convert_element_type3A_32, %cond3A_33 : i32
    scf.if %cond3A_34 {
      %get3A_35 = arith.constant 0 : index
      %get3A_36 = arith.constant 0 : index
      %get3A_37 = vector.load %arg9[%get3A_35, %get3A_36] : memref<800x128xf32, #tpu.memory_space<vmem>>, vector<800x128xf32>
      %get3A_38 = arith.constant 0 : index
      %get3A_39 = arith.constant 0 : index
      %get3A_40 = vector.load %arg10[%get3A_38, %get3A_39] : memref<800x1xf32, #tpu.memory_space<vmem>>, vector<800x1xf32>
      %max3A = arith.constant 1.000000e+00 : f32
      %max3A_41 = vector.broadcast %max3A : f32 to vector<800x1xf32>
      %max3A_42 = arith.maximumf %get3A_40, %max3A_41 : vector<800x1xf32>
      %div3A = vector.broadcast %max3A_42 : vector<800x1xf32> to vector<800x128xf32>
      %div3A_43 = arith.divf %get3A_37, %div3A : vector<800x128xf32>
      %get3A_44 = arith.constant 0 : index
      %get3A_45 = arith.constant 0 : index
      %get3A_46 = vector.load %arg5[%get3A_44, %get3A_45] : memref<128x128xf32, #tpu.memory_space<vmem>>, vector<128x128xf32>
      %dot_general3A_47 = arith.constant dense<0.000000e+00> : vector<800x128xf32>
      %dot_general3A_48 = tpu.matmul %div3A_43, %get3A_46, %dot_general3A_47 {dimension_numbers = #tpu.dot_dimension_numbers<[1], [0], [0], [1], [0, 0, 1, 1], [], []>, transpose_lhs_hint = false} : vector<800x128xf32>, vector<128x128xf32>, vector<800x128xf32> -> vector<800x128xf32>
      %get3A_49 = arith.constant 0 : index
      %get3A_50 = arith.constant 0 : index
      %get3A_51 = vector.load %arg4[%get3A_49, %get3A_50] : memref<800x128xf32, #tpu.memory_space<vmem>>, vector<800x128xf32>
      %get3A_52 = arith.constant 0 : index
      %get3A_53 = arith.constant 0 : index
      %get3A_54 = vector.load %arg6[%get3A_52, %get3A_53] : memref<128x128xf32, #tpu.memory_space<vmem>>, vector<128x128xf32>
      %dot_general3A_55 = arith.constant dense<0.000000e+00> : vector<800x128xf32>
      %dot_general3A_56 = tpu.matmul %get3A_51, %get3A_54, %dot_general3A_55 {dimension_numbers = #tpu.dot_dimension_numbers<[1], [0], [0], [1], [0, 0, 1, 1], [], []>, transpose_lhs_hint = false} : vector<800x128xf32>, vector<128x128xf32>, vector<800x128xf32> -> vector<800x128xf32>
      %add3A_57 = arith.addf %dot_general3A_48, %dot_general3A_56 : vector<800x128xf32>
      %get3A_58 = arith.constant 0 : index
      %get3A_59 = arith.constant 0 : index
      %get3A_60 = vector.load %arg7[%get3A_58, %get3A_59] : memref<1x128xf32, #tpu.memory_space<vmem>>, vector<1x128xf32>
      %add3A_61 = vector.broadcast %get3A_60 : vector<1x128xf32> to vector<800x128xf32>
      %add3A_62 = arith.addf %add3A_57, %add3A_61 : vector<800x128xf32>
      %max3A_63 = arith.constant 0.000000e+00 : f32
      %max3A_64 = vector.broadcast %max3A_63 : f32 to vector<800x128xf32>
      %max3A_65 = arith.maximumf %add3A_62, %max3A_64 : vector<800x128xf32>
      %swap3A_66 = arith.constant 0 : index
      %swap3A_67 = arith.constant 0 : index
      %swap3A_68 = vector.load %arg8[%swap3A_66, %swap3A_67] : memref<800x128xf32, #tpu.memory_space<vmem>>, vector<800x128xf32>
      tpu.vector_store %arg8[%swap3A_66, %swap3A_67], %max3A_65 {strides = array<i32>} : memref<800x128xf32, #tpu.memory_space<vmem>>, vector<800x128xf32>,
    } else {
    }
    return
  }
  func.func @transform_0(%arg0: i32, %arg1: i32) -> (i32, i32) {
    %c0_i32 = arith.constant 0 : i32
    %c0_i32_0 = arith.constant 0 : i32
    return %arg1, %c0_i32 : i32, i32
  }
  func.func @transform_1(%arg0: i32, %arg1: i32) -> (i32, i32) {
    %c0_i32 = arith.constant 0 : i32
    %c0_i32_0 = arith.constant 0 : i32
    return %arg1, %c0_i32 : i32, i32
  }
  func.func @transform_2(%arg0: i32, %arg1: i32) -> (i32, i32) {
    %c0_i32 = arith.constant 0 : i32
    %c0_i32_0 = arith.constant 0 : i32
    return %arg0, %c0_i32 : i32, i32
  }
  func.func @transform_3(%arg0: i32, %arg1: i32) -> (i32, i32) {
    %c0_i32 = arith.constant 0 : i32
    %c0_i32_0 = arith.constant 0 : i32
    %c0_i32_1 = arith.constant 0 : i32
    return %c0_i32, %c0_i32_0 : i32, i32
  }
  func.func @transform_4(%arg0: i32, %arg1: i32) -> (i32, i32) {
    %c0_i32 = arith.constant 0 : i32
    %c0_i32_0 = arith.constant 0 : i32
    %c0_i32_1 = arith.constant 0 : i32
    return %c0_i32, %c0_i32_0 : i32, i32
  }
  func.func @transform_5(%arg0: i32, %arg1: i32) -> (i32, i32) {
    %c0_i32 = arith.constant 0 : i32
    %c0_i32_0 = arith.constant 0 : i32
    %c0_i32_1 = arith.constant 0 : i32
    return %c0_i32, %c0_i32_0 : i32, i32
  }
  func.func @transform_6(%arg0: i32, %arg1: i32) -> (i32, i32) {
    %c0_i32 = arith.constant 0 : i32
    %c0_i32_0 = arith.constant 0 : i32
    return %arg0, %c0_i32 : i32, i32
  }
}

module attributes {stable_mosaic.version = 14 : i64} {
  func.func @_down_body(%arg0: i32, %arg1: i32, %arg2: memref<2000x1xi32, #tpu.memory_space<vmem>>, %arg3: memref<800x128xf32, #tpu.memory_space<vmem>>, %arg4: memref<2000x128xf32, #tpu.memory_space<vmem>>, %arg5: memref<128x128xf32, #tpu.memory_space<vmem>>, %arg6: memref<128x128xf32, #tpu.memory_space<vmem>>, %arg7: memref<1x128xf32, #tpu.memory_space<vmem>>, %arg8: memref<2000x128xf32, #tpu.memory_space<vmem>>, %arg9: memref<2000x128xf32, #tpu.memory_space<vmem>>) attributes {dimension_semantics = [#tpu.dimension_semantics<arbitrary>, #tpu.dimension_semantics<arbitrary>], iteration_bounds = array<i64: 5, 4>, scalar_prefetch = 0 : i64, scratch_operands = 1 : i64, tpu.core_type = #tpu.core_type<tc>, window_params = [{transform_indices = @transform_0, window_bounds = array<i64: 2000, 1>}, {transform_indices = @transform_1, window_bounds = array<i64: 800, 128>}, {transform_indices = @transform_2, window_bounds = array<i64: 2000, 128>}, {pipeline_mode = #tpu.pipeline_mode<synchronous>, transform_indices = @transform_3, window_bounds = array<i64: 128, 128>}, {pipeline_mode = #tpu.pipeline_mode<synchronous>, transform_indices = @transform_4, window_bounds = array<i64: 128, 128>}, {pipeline_mode = #tpu.pipeline_mode<synchronous>, transform_indices = @transform_5, window_bounds = array<i64: 1, 128>}, {transform_indices = @transform_6, window_bounds = array<i64: 2000, 128>}]} {
    %get3A = arith.constant 0 : index
    %get3A_0 = arith.constant 0 : index
    %get3A_1 = vector.load %arg2[%get3A, %get3A_0] : memref<2000x1xi32, #tpu.memory_space<vmem>>, vector<2000x1xi32>
    %mul3A = arith.constant 800 : i32
    %mul3A_2 = arith.muli %arg1, %mul3A : i32
    %iota3A = tpu.iota {dimensions = array<i32: 1>} : vector<2000x800xi32>
    %add3A = vector.broadcast %mul3A_2 : i32 to vector<2000x800xi32>
    %add3A_3 = arith.addi %add3A, %iota3A : vector<2000x800xi32>
    %eq3A = vector.broadcast %get3A_1 : vector<2000x1xi32> to vector<2000x800xi32>
    %eq3A_4 = arith.cmpi eq, %eq3A, %add3A_3 : vector<2000x800xi32>
    %convert_element_type3A = arith.extui %eq3A_4 : vector<2000x800xi1> to vector<2000x800xi32>
    %convert_element_type3A_5 = arith.sitofp %convert_element_type3A : vector<2000x800xi32> to vector<2000x800xf32>
    %get3A_6 = arith.constant 0 : index
    %get3A_7 = arith.constant 0 : index
    %get3A_8 = vector.load %arg3[%get3A_6, %get3A_7] : memref<800x128xf32, #tpu.memory_space<vmem>>, vector<800x128xf32>
    %dot_general3A = arith.constant dense<0.000000e+00> : vector<2000x128xf32>
    %dot_general3A_9 = tpu.matmul %convert_element_type3A_5, %get3A_8, %dot_general3A {dimension_numbers = #tpu.dot_dimension_numbers<[1], [0], [0], [1], [0, 0, 1, 1], [], []>, transpose_lhs_hint = false} : vector<2000x800xf32>, vector<800x128xf32>, vector<2000x128xf32> -> vector<2000x128xf32>
    %eq3A_10 = arith.constant 0 : i32
    %eq3A_11 = arith.cmpi eq, %arg1, %eq3A_10 : i32
    %convert_element_type3A_12 = arith.extui %eq3A_11 : i1 to i32
    %cond3A = arith.constant 0 : i32
    %cond3A_13 = arith.cmpi ne, %convert_element_type3A_12, %cond3A : i32
    scf.if %cond3A_13 {
      %broadcast_in_dim3A = arith.constant 0.000000e+00 : f32
      %broadcast_in_dim3A_25 = vector.broadcast %broadcast_in_dim3A : f32 to vector<2000x128xf32>
      %swap3A_26 = arith.constant 0 : index
      %swap3A_27 = arith.constant 0 : index
      %swap3A_28 = vector.load %arg9[%swap3A_26, %swap3A_27] : memref<2000x128xf32, #tpu.memory_space<vmem>>, vector<2000x128xf32>
      tpu.vector_store %arg9[%swap3A_26, %swap3A_27], %broadcast_in_dim3A_25 {strides = array<i32>} : memref<2000x128xf32, #tpu.memory_space<vmem>>, vector<2000x128xf32>,
    } else {
    }
    %get3A_14 = arith.constant 0 : index
    %get3A_15 = arith.constant 0 : index
    %get3A_16 = vector.load %arg9[%get3A_14, %get3A_15] : memref<2000x128xf32, #tpu.memory_space<vmem>>, vector<2000x128xf32>
    %add3A_17 = arith.addf %get3A_16, %dot_general3A_9 : vector<2000x128xf32>
    %swap3A = arith.constant 0 : index
    %swap3A_18 = arith.constant 0 : index
    %swap3A_19 = vector.load %arg9[%swap3A, %swap3A_18] : memref<2000x128xf32, #tpu.memory_space<vmem>>, vector<2000x128xf32>
    tpu.vector_store %arg9[%swap3A, %swap3A_18], %add3A_17 {strides = array<i32>} : memref<2000x128xf32, #tpu.memory_space<vmem>>, vector<2000x128xf32>,
    %eq3A_20 = arith.constant 3 : i32
    %eq3A_21 = arith.cmpi eq, %arg1, %eq3A_20 : i32
    %convert_element_type3A_22 = arith.extui %eq3A_21 : i1 to i32
    %cond3A_23 = arith.constant 0 : i32
    %cond3A_24 = arith.cmpi ne, %convert_element_type3A_22, %cond3A_23 : i32
    scf.if %cond3A_24 {
      %get3A_25 = arith.constant 0 : index
      %get3A_26 = arith.constant 0 : index
      %get3A_27 = vector.load %arg9[%get3A_25, %get3A_26] : memref<2000x128xf32, #tpu.memory_space<vmem>>, vector<2000x128xf32>
      %get3A_28 = arith.constant 0 : index
      %get3A_29 = arith.constant 0 : index
      %get3A_30 = vector.load %arg5[%get3A_28, %get3A_29] : memref<128x128xf32, #tpu.memory_space<vmem>>, vector<128x128xf32>
      %dot_general3A_31 = arith.constant dense<0.000000e+00> : vector<2000x128xf32>
      %dot_general3A_32 = tpu.matmul %get3A_27, %get3A_30, %dot_general3A_31 {dimension_numbers = #tpu.dot_dimension_numbers<[1], [0], [0], [1], [0, 0, 1, 1], [], []>, transpose_lhs_hint = false} : vector<2000x128xf32>, vector<128x128xf32>, vector<2000x128xf32> -> vector<2000x128xf32>
      %get3A_33 = arith.constant 0 : index
      %get3A_34 = arith.constant 0 : index
      %get3A_35 = vector.load %arg4[%get3A_33, %get3A_34] : memref<2000x128xf32, #tpu.memory_space<vmem>>, vector<2000x128xf32>
      %get3A_36 = arith.constant 0 : index
      %get3A_37 = arith.constant 0 : index
      %get3A_38 = vector.load %arg6[%get3A_36, %get3A_37] : memref<128x128xf32, #tpu.memory_space<vmem>>, vector<128x128xf32>
      %dot_general3A_39 = arith.constant dense<0.000000e+00> : vector<2000x128xf32>
      %dot_general3A_40 = tpu.matmul %get3A_35, %get3A_38, %dot_general3A_39 {dimension_numbers = #tpu.dot_dimension_numbers<[1], [0], [0], [1], [0, 0, 1, 1], [], []>, transpose_lhs_hint = false} : vector<2000x128xf32>, vector<128x128xf32>, vector<2000x128xf32> -> vector<2000x128xf32>
      %add3A_41 = arith.addf %dot_general3A_32, %dot_general3A_40 : vector<2000x128xf32>
      %get3A_42 = arith.constant 0 : index
      %get3A_43 = arith.constant 0 : index
      %get3A_44 = vector.load %arg7[%get3A_42, %get3A_43] : memref<1x128xf32, #tpu.memory_space<vmem>>, vector<1x128xf32>
      %add3A_45 = vector.broadcast %get3A_44 : vector<1x128xf32> to vector<2000x128xf32>
      %add3A_46 = arith.addf %add3A_41, %add3A_45 : vector<2000x128xf32>
      %max3A = arith.constant 0.000000e+00 : f32
      %max3A_47 = vector.broadcast %max3A : f32 to vector<2000x128xf32>
      %max3A_48 = arith.maximumf %add3A_46, %max3A_47 : vector<2000x128xf32>
      %swap3A_49 = arith.constant 0 : index
      %swap3A_50 = arith.constant 0 : index
      %swap3A_51 = vector.load %arg8[%swap3A_49, %swap3A_50] : memref<2000x128xf32, #tpu.memory_space<vmem>>, vector<2000x128xf32>
      tpu.vector_store %arg8[%swap3A_49, %swap3A_50], %max3A_48 {strides = array<i32>} : memref<2000x128xf32, #tpu.memory_space<vmem>>, vector<2000x128xf32>,
    } else {
    }
    return
  }
  func.func @transform_0(%arg0: i32, %arg1: i32) -> (i32, i32) {
    %c0_i32 = arith.constant 0 : i32
    %c0_i32_0 = arith.constant 0 : i32
    return %arg0, %c0_i32 : i32, i32
  }
  func.func @transform_1(%arg0: i32, %arg1: i32) -> (i32, i32) {
    %c0_i32 = arith.constant 0 : i32
    %c0_i32_0 = arith.constant 0 : i32
    return %arg1, %c0_i32 : i32, i32
  }
  func.func @transform_2(%arg0: i32, %arg1: i32) -> (i32, i32) {
    %c0_i32 = arith.constant 0 : i32
    %c0_i32_0 = arith.constant 0 : i32
    return %arg0, %c0_i32 : i32, i32
  }
  func.func @transform_3(%arg0: i32, %arg1: i32) -> (i32, i32) {
    %c0_i32 = arith.constant 0 : i32
    %c0_i32_0 = arith.constant 0 : i32
    %c0_i32_1 = arith.constant 0 : i32
    return %c0_i32, %c0_i32_0 : i32, i32
  }
  func.func @transform_4(%arg0: i32, %arg1: i32) -> (i32, i32) {
    %c0_i32 = arith.constant 0 : i32
    %c0_i32_0 = arith.constant 0 : i32
    %c0_i32_1 = arith.constant 0 : i32
    return %c0_i32, %c0_i32_0 : i32, i32
  }
  func.func @transform_5(%arg0: i32, %arg1: i32) -> (i32, i32) {
    %c0_i32 = arith.constant 0 : i32
    %c0_i32_0 = arith.constant 0 : i32
    %c0_i32_1 = arith.constant 0 : i32
    return %c0_i32, %c0_i32_0 : i32, i32
  }
  func.func @transform_6(%arg0: i32, %arg1: i32) -> (i32, i32) {
    %c0_i32 = arith.constant 0 : i32
    %c0_i32_0 = arith.constant 0 : i32
    return %arg0, %c0_i32 : i32, i32
  }
}

module attributes {stable_mosaic.version = 14 : i64} {
  func.func @_mlp2_body(%arg0: i32, %arg1: memref<64x128xf32, #tpu.memory_space<vmem>>, %arg2: memref<2x128x128xf32, #tpu.memory_space<vmem>>, %arg3: memref<2x1x128xf32, #tpu.memory_space<vmem>>, %arg4: memref<64x128xf32, #tpu.memory_space<vmem>>) attributes {dimension_semantics = [#tpu.dimension_semantics<arbitrary>], iteration_bounds = array<i64: 1>, scalar_prefetch = 0 : i64, scratch_operands = 0 : i64, tpu.core_type = #tpu.core_type<tc>, window_params = [{transform_indices = @transform_0, window_bounds = array<i64: 64, 128>}, {pipeline_mode = #tpu.pipeline_mode<synchronous>, transform_indices = @transform_1, window_bounds = array<i64: 2, 128, 128>}, {pipeline_mode = #tpu.pipeline_mode<synchronous>, transform_indices = @transform_2, window_bounds = array<i64: 2, 1, 128>}, {transform_indices = @transform_3, window_bounds = array<i64: 64, 128>}]} {
    %get3A = arith.constant 0 : index
    %get3A_0 = arith.constant 0 : index
    %get3A_1 = vector.load %arg1[%get3A, %get3A_0] : memref<64x128xf32, #tpu.memory_space<vmem>>, vector<64x128xf32>
    %get3A_2 = arith.constant 0 : index
    %get3A_3 = arith.constant 0 : index
    %get3A_4 = arith.constant 0 : index
    %get3A_5 = vector.load %arg2[%get3A_2, %get3A_3, %get3A_4] : memref<2x128x128xf32, #tpu.memory_space<vmem>>, vector<1x128x128xf32>
    %get3A_6 = vector.shape_cast %get3A_5 : vector<1x128x128xf32> to vector<128x128xf32>
    %dot_general3A = arith.constant dense<0.000000e+00> : vector<64x128xf32>
    %dot_general3A_7 = tpu.matmul %get3A_1, %get3A_6, %dot_general3A {dimension_numbers = #tpu.dot_dimension_numbers<[1], [0], [0], [1], [0, 0, 1, 1], [], []>, transpose_lhs_hint = false} : vector<64x128xf32>, vector<128x128xf32>, vector<64x128xf32> -> vector<64x128xf32>
    %get3A_8 = arith.constant 0 : index
    %get3A_9 = arith.constant 0 : index
    %get3A_10 = arith.constant 0 : index
    %get3A_11 = vector.load %arg3[%get3A_8, %get3A_9, %get3A_10] : memref<2x1x128xf32, #tpu.memory_space<vmem>>, vector<1x1x128xf32>
    %get3A_12 = vector.shape_cast %get3A_11 : vector<1x1x128xf32> to vector<1x128xf32>
    %add3A = vector.broadcast %get3A_12 : vector<1x128xf32> to vector<64x128xf32>
    %add3A_13 = arith.addf %dot_general3A_7, %add3A : vector<64x128xf32>
    %max3A = arith.constant 0.000000e+00 : f32
    %max3A_14 = vector.broadcast %max3A : f32 to vector<64x128xf32>
    %max3A_15 = arith.maximumf %add3A_13, %max3A_14 : vector<64x128xf32>
    %get3A_16 = arith.constant 1 : index
    %get3A_17 = arith.constant 0 : index
    %get3A_18 = arith.constant 0 : index
    %get3A_19 = vector.load %arg2[%get3A_16, %get3A_17, %get3A_18] : memref<2x128x128xf32, #tpu.memory_space<vmem>>, vector<1x128x128xf32>
    %get3A_20 = vector.shape_cast %get3A_19 : vector<1x128x128xf32> to vector<128x128xf32>
    %dot_general3A_21 = arith.constant dense<0.000000e+00> : vector<64x128xf32>
    %dot_general3A_22 = tpu.matmul %max3A_15, %get3A_20, %dot_general3A_21 {dimension_numbers = #tpu.dot_dimension_numbers<[1], [0], [0], [1], [0, 0, 1, 1], [], []>, transpose_lhs_hint = false} : vector<64x128xf32>, vector<128x128xf32>, vector<64x128xf32> -> vector<64x128xf32>
    %get3A_23 = arith.constant 1 : index
    %get3A_24 = arith.constant 0 : index
    %get3A_25 = arith.constant 0 : index
    %get3A_26 = vector.load %arg3[%get3A_23, %get3A_24, %get3A_25] : memref<2x1x128xf32, #tpu.memory_space<vmem>>, vector<1x1x128xf32>
    %get3A_27 = vector.shape_cast %get3A_26 : vector<1x1x128xf32> to vector<1x128xf32>
    %add3A_28 = vector.broadcast %get3A_27 : vector<1x128xf32> to vector<64x128xf32>
    %add3A_29 = arith.addf %dot_general3A_22, %add3A_28 : vector<64x128xf32>
    %max3A_30 = arith.constant 0.000000e+00 : f32
    %max3A_31 = vector.broadcast %max3A_30 : f32 to vector<64x128xf32>
    %max3A_32 = arith.maximumf %add3A_29, %max3A_31 : vector<64x128xf32>
    %swap3A = arith.constant 0 : index
    %swap3A_33 = arith.constant 0 : index
    %swap3A_34 = vector.load %arg4[%swap3A, %swap3A_33] : memref<64x128xf32, #tpu.memory_space<vmem>>, vector<64x128xf32>
    tpu.vector_store %arg4[%swap3A, %swap3A_33], %max3A_32 {strides = array<i32>} : memref<64x128xf32, #tpu.memory_space<vmem>>, vector<64x128xf32>,
    return
  }
  func.func @transform_0(%arg0: i32) -> (i32, i32) {
    %c0_i32 = arith.constant 0 : i32
    %c0_i32_0 = arith.constant 0 : i32
    return %arg0, %c0_i32 : i32, i32
  }
  func.func @transform_1(%arg0: i32) -> (i32, i32, i32) {
    %c0_i32 = arith.constant 0 : i32
    %c0_i32_0 = arith.constant 0 : i32
    %c0_i32_1 = arith.constant 0 : i32
    %c0_i32_2 = arith.constant 0 : i32
    return %c0_i32, %c0_i32_0, %c0_i32_1 : i32, i32, i32
  }
  func.func @transform_2(%arg0: i32) -> (i32, i32, i32) {
    %c0_i32 = arith.constant 0 : i32
    %c0_i32_0 = arith.constant 0 : i32
    %c0_i32_1 = arith.constant 0 : i32
    %c0_i32_2 = arith.constant 0 : i32
    return %c0_i32, %c0_i32_0, %c0_i32_1 : i32, i32, i32
  }
  func.func @transform_3(%arg0: i32) -> (i32, i32) {
    %c0_i32 = arith.constant 0 : i32
    %c0_i32_0 = arith.constant 0 : i32
    return %arg0, %c0_i32 : i32, i32
  }
}

module attributes {stable_mosaic.version = 14 : i64} {
  func.func @_pool_body(%arg0: i32, %arg1: memref<800x128xf32, #tpu.memory_space<vmem>>, %arg2: memref<800x1xi32, #tpu.memory_space<vmem>>, %arg3: memref<64x128xf32, #tpu.memory_space<vmem>>, %arg4: memref<64x128xf32, #tpu.memory_space<vmem>>) attributes {dimension_semantics = [#tpu.dimension_semantics<arbitrary>], iteration_bounds = array<i64: 4>, scalar_prefetch = 0 : i64, scratch_operands = 0 : i64, tpu.core_type = #tpu.core_type<tc>, window_params = [{transform_indices = @transform_0, window_bounds = array<i64: 800, 128>}, {transform_indices = @transform_1, window_bounds = array<i64: 800, 1>}, {pipeline_mode = #tpu.pipeline_mode<synchronous>, transform_indices = @transform_2, window_bounds = array<i64: 64, 128>}, {pipeline_mode = #tpu.pipeline_mode<synchronous>, transform_indices = @transform_3, window_bounds = array<i64: 64, 128>}]} {
    %get3A = arith.constant 0 : index
    %get3A_0 = arith.constant 0 : index
    %get3A_1 = vector.load %arg2[%get3A, %get3A_0] : memref<800x1xi32, #tpu.memory_space<vmem>>, vector<800x1xi32>
    %iota3A = tpu.iota {dimensions = array<i32: 1>} : vector<800x64xi32>
    %eq3A = vector.broadcast %get3A_1 : vector<800x1xi32> to vector<800x64xi32>
    %eq3A_2 = arith.cmpi eq, %eq3A, %iota3A : vector<800x64xi32>
    %convert_element_type3A = arith.extui %eq3A_2 : vector<800x64xi1> to vector<800x64xi32>
    %convert_element_type3A_3 = arith.sitofp %convert_element_type3A : vector<800x64xi32> to vector<800x64xf32>
    %get3A_4 = arith.constant 0 : index
    %get3A_5 = arith.constant 0 : index
    %get3A_6 = vector.load %arg1[%get3A_4, %get3A_5] : memref<800x128xf32, #tpu.memory_space<vmem>>, vector<800x128xf32>
    %dot_general3A = arith.constant dense<0.000000e+00> : vector<64x128xf32>
    %dot_general3A_7 = tpu.matmul %convert_element_type3A_3, %get3A_6, %dot_general3A {dimension_numbers = #tpu.dot_dimension_numbers<[0], [0], [1], [1], [0, 1, 1, 1], [], []>, transpose_lhs_hint = false} : vector<800x64xf32>, vector<800x128xf32>, vector<64x128xf32> -> vector<64x128xf32>
    %eq3A_8 = arith.constant 0 : i32
    %eq3A_9 = arith.cmpi eq, %arg0, %eq3A_8 : i32
    %convert_element_type3A_10 = arith.extui %eq3A_9 : i1 to i32
    %cond3A = arith.constant 0 : i32
    %cond3A_11 = arith.cmpi ne, %convert_element_type3A_10, %cond3A : i32
    scf.if %cond3A_11 {
      %broadcast_in_dim3A = arith.constant 0.000000e+00 : f32
      %broadcast_in_dim3A_22 = vector.broadcast %broadcast_in_dim3A : f32 to vector<64x128xf32>
      %swap3A_23 = arith.constant 0 : index
      %swap3A_24 = arith.constant 0 : index
      %swap3A_25 = vector.load %arg4[%swap3A_23, %swap3A_24] : memref<64x128xf32, #tpu.memory_space<vmem>>, vector<64x128xf32>
      tpu.vector_store %arg4[%swap3A_23, %swap3A_24], %broadcast_in_dim3A_22 {strides = array<i32>} : memref<64x128xf32, #tpu.memory_space<vmem>>, vector<64x128xf32>,
    } else {
    }
    %get3A_12 = arith.constant 0 : index
    %get3A_13 = arith.constant 0 : index
    %get3A_14 = vector.load %arg4[%get3A_12, %get3A_13] : memref<64x128xf32, #tpu.memory_space<vmem>>, vector<64x128xf32>
    %add3A = arith.addf %get3A_14, %dot_general3A_7 : vector<64x128xf32>
    %swap3A = arith.constant 0 : index
    %swap3A_15 = arith.constant 0 : index
    %swap3A_16 = vector.load %arg4[%swap3A, %swap3A_15] : memref<64x128xf32, #tpu.memory_space<vmem>>, vector<64x128xf32>
    tpu.vector_store %arg4[%swap3A, %swap3A_15], %add3A {strides = array<i32>} : memref<64x128xf32, #tpu.memory_space<vmem>>, vector<64x128xf32>,
    %eq3A_17 = arith.constant 3 : i32
    %eq3A_18 = arith.cmpi eq, %arg0, %eq3A_17 : i32
    %convert_element_type3A_19 = arith.extui %eq3A_18 : i1 to i32
    %cond3A_20 = arith.constant 0 : i32
    %cond3A_21 = arith.cmpi ne, %convert_element_type3A_19, %cond3A_20 : i32
    scf.if %cond3A_21 {
      %get3A_22 = arith.constant 0 : index
      %get3A_23 = arith.constant 0 : index
      %get3A_24 = vector.load %arg4[%get3A_22, %get3A_23] : memref<64x128xf32, #tpu.memory_space<vmem>>, vector<64x128xf32>
      %get3A_25 = arith.constant 0 : index
      %get3A_26 = arith.constant 0 : index
      %get3A_27 = vector.load %arg3[%get3A_25, %get3A_26] : memref<64x128xf32, #tpu.memory_space<vmem>>, vector<64x128xf32>
      %mul3A = arith.mulf %get3A_24, %get3A_27 : vector<64x128xf32>
      %swap3A_28 = arith.constant 0 : index
      %swap3A_29 = arith.constant 0 : index
      %swap3A_30 = vector.load %arg4[%swap3A_28, %swap3A_29] : memref<64x128xf32, #tpu.memory_space<vmem>>, vector<64x128xf32>
      tpu.vector_store %arg4[%swap3A_28, %swap3A_29], %mul3A {strides = array<i32>} : memref<64x128xf32, #tpu.memory_space<vmem>>, vector<64x128xf32>,
    } else {
    }
    return
  }
  func.func @transform_0(%arg0: i32) -> (i32, i32) {
    %c0_i32 = arith.constant 0 : i32
    %c0_i32_0 = arith.constant 0 : i32
    return %arg0, %c0_i32 : i32, i32
  }
  func.func @transform_1(%arg0: i32) -> (i32, i32) {
    %c0_i32 = arith.constant 0 : i32
    %c0_i32_0 = arith.constant 0 : i32
    return %arg0, %c0_i32 : i32, i32
  }
  func.func @transform_2(%arg0: i32) -> (i32, i32) {
    %c0_i32 = arith.constant 0 : i32
    %c0_i32_0 = arith.constant 0 : i32
    %c0_i32_1 = arith.constant 0 : i32
    return %c0_i32, %c0_i32_0 : i32, i32
  }
  func.func @transform_3(%arg0: i32) -> (i32, i32) {
    %c0_i32 = arith.constant 0 : i32
    %c0_i32_0 = arith.constant 0 : i32
    %c0_i32_1 = arith.constant 0 : i32
    return %c0_i32, %c0_i32_0 : i32, i32
  }
}

module attributes {stable_mosaic.version = 14 : i64} {
  func.func @_dual_body(%arg0: i32, %arg1: memref<64x128xf32, #tpu.memory_space<vmem>>, %arg2: memref<64x128xf32, #tpu.memory_space<vmem>>, %arg3: memref<128x128xf32, #tpu.memory_space<vmem>>, %arg4: memref<128x128xf32, #tpu.memory_space<vmem>>, %arg5: memref<1x128xf32, #tpu.memory_space<vmem>>, %arg6: memref<64x128xf32, #tpu.memory_space<vmem>>) attributes {dimension_semantics = [#tpu.dimension_semantics<arbitrary>], iteration_bounds = array<i64: 1>, scalar_prefetch = 0 : i64, scratch_operands = 0 : i64, tpu.core_type = #tpu.core_type<tc>, window_params = [{transform_indices = @transform_0, window_bounds = array<i64: 64, 128>}, {transform_indices = @transform_1, window_bounds = array<i64: 64, 128>}, {pipeline_mode = #tpu.pipeline_mode<synchronous>, transform_indices = @transform_2, window_bounds = array<i64: 128, 128>}, {pipeline_mode = #tpu.pipeline_mode<synchronous>, transform_indices = @transform_3, window_bounds = array<i64: 128, 128>}, {pipeline_mode = #tpu.pipeline_mode<synchronous>, transform_indices = @transform_4, window_bounds = array<i64: 1, 128>}, {transform_indices = @transform_5, window_bounds = array<i64: 64, 128>}]} {
    %get3A = arith.constant 0 : index
    %get3A_0 = arith.constant 0 : index
    %get3A_1 = vector.load %arg1[%get3A, %get3A_0] : memref<64x128xf32, #tpu.memory_space<vmem>>, vector<64x128xf32>
    %get3A_2 = arith.constant 0 : index
    %get3A_3 = arith.constant 0 : index
    %get3A_4 = vector.load %arg3[%get3A_2, %get3A_3] : memref<128x128xf32, #tpu.memory_space<vmem>>, vector<128x128xf32>
    %dot_general3A = arith.constant dense<0.000000e+00> : vector<64x128xf32>
    %dot_general3A_5 = tpu.matmul %get3A_1, %get3A_4, %dot_general3A {dimension_numbers = #tpu.dot_dimension_numbers<[1], [0], [0], [1], [0, 0, 1, 1], [], []>, transpose_lhs_hint = false} : vector<64x128xf32>, vector<128x128xf32>, vector<64x128xf32> -> vector<64x128xf32>
    %get3A_6 = arith.constant 0 : index
    %get3A_7 = arith.constant 0 : index
    %get3A_8 = vector.load %arg2[%get3A_6, %get3A_7] : memref<64x128xf32, #tpu.memory_space<vmem>>, vector<64x128xf32>
    %get3A_9 = arith.constant 0 : index
    %get3A_10 = arith.constant 0 : index
    %get3A_11 = vector.load %arg4[%get3A_9, %get3A_10] : memref<128x128xf32, #tpu.memory_space<vmem>>, vector<128x128xf32>
    %dot_general3A_12 = arith.constant dense<0.000000e+00> : vector<64x128xf32>
    %dot_general3A_13 = tpu.matmul %get3A_8, %get3A_11, %dot_general3A_12 {dimension_numbers = #tpu.dot_dimension_numbers<[1], [0], [0], [1], [0, 0, 1, 1], [], []>, transpose_lhs_hint = false} : vector<64x128xf32>, vector<128x128xf32>, vector<64x128xf32> -> vector<64x128xf32>
    %add3A = arith.addf %dot_general3A_5, %dot_general3A_13 : vector<64x128xf32>
    %get3A_14 = arith.constant 0 : index
    %get3A_15 = arith.constant 0 : index
    %get3A_16 = vector.load %arg5[%get3A_14, %get3A_15] : memref<1x128xf32, #tpu.memory_space<vmem>>, vector<1x128xf32>
    %add3A_17 = vector.broadcast %get3A_16 : vector<1x128xf32> to vector<64x128xf32>
    %add3A_18 = arith.addf %add3A, %add3A_17 : vector<64x128xf32>
    %max3A = arith.constant 0.000000e+00 : f32
    %max3A_19 = vector.broadcast %max3A : f32 to vector<64x128xf32>
    %max3A_20 = arith.maximumf %add3A_18, %max3A_19 : vector<64x128xf32>
    %swap3A = arith.constant 0 : index
    %swap3A_21 = arith.constant 0 : index
    %swap3A_22 = vector.load %arg6[%swap3A, %swap3A_21] : memref<64x128xf32, #tpu.memory_space<vmem>>, vector<64x128xf32>
    tpu.vector_store %arg6[%swap3A, %swap3A_21], %max3A_20 {strides = array<i32>} : memref<64x128xf32, #tpu.memory_space<vmem>>, vector<64x128xf32>,
    return
  }
  func.func @transform_0(%arg0: i32) -> (i32, i32) {
    %c0_i32 = arith.constant 0 : i32
    %c0_i32_0 = arith.constant 0 : i32
    return %arg0, %c0_i32 : i32, i32
  }
  func.func @transform_1(%arg0: i32) -> (i32, i32) {
    %c0_i32 = arith.constant 0 : i32
    %c0_i32_0 = arith.constant 0 : i32
    return %arg0, %c0_i32 : i32, i32
  }
  func.func @transform_2(%arg0: i32) -> (i32, i32) {
    %c0_i32 = arith.constant 0 : i32
    %c0_i32_0 = arith.constant 0 : i32
    %c0_i32_1 = arith.constant 0 : i32
    return %c0_i32, %c0_i32_0 : i32, i32
  }
  func.func @transform_3(%arg0: i32) -> (i32, i32) {
    %c0_i32 = arith.constant 0 : i32
    %c0_i32_0 = arith.constant 0 : i32
    %c0_i32_1 = arith.constant 0 : i32
    return %c0_i32, %c0_i32_0 : i32, i32
  }
  func.func @transform_4(%arg0: i32) -> (i32, i32) {
    %c0_i32 = arith.constant 0 : i32
    %c0_i32_0 = arith.constant 0 : i32
    %c0_i32_1 = arith.constant 0 : i32
    return %c0_i32, %c0_i32_0 : i32, i32
  }
  func.func @transform_5(%arg0: i32) -> (i32, i32) {
    %c0_i32 = arith.constant 0 : i32
    %c0_i32_0 = arith.constant 0 : i32
    return %arg0, %c0_i32 : i32, i32
  }
}

module attributes {stable_mosaic.version = 14 : i64} {
  func.func @_pool_body(%arg0: i32, %arg1: memref<2000x128xf32, #tpu.memory_space<vmem>>, %arg2: memref<2000x1xi32, #tpu.memory_space<vmem>>, %arg3: memref<64x128xf32, #tpu.memory_space<vmem>>, %arg4: memref<64x128xf32, #tpu.memory_space<vmem>>) attributes {dimension_semantics = [#tpu.dimension_semantics<arbitrary>], iteration_bounds = array<i64: 5>, scalar_prefetch = 0 : i64, scratch_operands = 0 : i64, tpu.core_type = #tpu.core_type<tc>, window_params = [{transform_indices = @transform_0, window_bounds = array<i64: 2000, 128>}, {transform_indices = @transform_1, window_bounds = array<i64: 2000, 1>}, {pipeline_mode = #tpu.pipeline_mode<synchronous>, transform_indices = @transform_2, window_bounds = array<i64: 64, 128>}, {pipeline_mode = #tpu.pipeline_mode<synchronous>, transform_indices = @transform_3, window_bounds = array<i64: 64, 128>}]} {
    %get3A = arith.constant 0 : index
    %get3A_0 = arith.constant 0 : index
    %get3A_1 = vector.load %arg2[%get3A, %get3A_0] : memref<2000x1xi32, #tpu.memory_space<vmem>>, vector<2000x1xi32>
    %iota3A = tpu.iota {dimensions = array<i32: 1>} : vector<2000x64xi32>
    %eq3A = vector.broadcast %get3A_1 : vector<2000x1xi32> to vector<2000x64xi32>
    %eq3A_2 = arith.cmpi eq, %eq3A, %iota3A : vector<2000x64xi32>
    %convert_element_type3A = arith.extui %eq3A_2 : vector<2000x64xi1> to vector<2000x64xi32>
    %convert_element_type3A_3 = arith.sitofp %convert_element_type3A : vector<2000x64xi32> to vector<2000x64xf32>
    %get3A_4 = arith.constant 0 : index
    %get3A_5 = arith.constant 0 : index
    %get3A_6 = vector.load %arg1[%get3A_4, %get3A_5] : memref<2000x128xf32, #tpu.memory_space<vmem>>, vector<2000x128xf32>
    %dot_general3A = arith.constant dense<0.000000e+00> : vector<64x128xf32>
    %dot_general3A_7 = tpu.matmul %convert_element_type3A_3, %get3A_6, %dot_general3A {dimension_numbers = #tpu.dot_dimension_numbers<[0], [0], [1], [1], [0, 1, 1, 1], [], []>, transpose_lhs_hint = false} : vector<2000x64xf32>, vector<2000x128xf32>, vector<64x128xf32> -> vector<64x128xf32>
    %eq3A_8 = arith.constant 0 : i32
    %eq3A_9 = arith.cmpi eq, %arg0, %eq3A_8 : i32
    %convert_element_type3A_10 = arith.extui %eq3A_9 : i1 to i32
    %cond3A = arith.constant 0 : i32
    %cond3A_11 = arith.cmpi ne, %convert_element_type3A_10, %cond3A : i32
    scf.if %cond3A_11 {
      %broadcast_in_dim3A = arith.constant 0.000000e+00 : f32
      %broadcast_in_dim3A_22 = vector.broadcast %broadcast_in_dim3A : f32 to vector<64x128xf32>
      %swap3A_23 = arith.constant 0 : index
      %swap3A_24 = arith.constant 0 : index
      %swap3A_25 = vector.load %arg4[%swap3A_23, %swap3A_24] : memref<64x128xf32, #tpu.memory_space<vmem>>, vector<64x128xf32>
      tpu.vector_store %arg4[%swap3A_23, %swap3A_24], %broadcast_in_dim3A_22 {strides = array<i32>} : memref<64x128xf32, #tpu.memory_space<vmem>>, vector<64x128xf32>,
    } else {
    }
    %get3A_12 = arith.constant 0 : index
    %get3A_13 = arith.constant 0 : index
    %get3A_14 = vector.load %arg4[%get3A_12, %get3A_13] : memref<64x128xf32, #tpu.memory_space<vmem>>, vector<64x128xf32>
    %add3A = arith.addf %get3A_14, %dot_general3A_7 : vector<64x128xf32>
    %swap3A = arith.constant 0 : index
    %swap3A_15 = arith.constant 0 : index
    %swap3A_16 = vector.load %arg4[%swap3A, %swap3A_15] : memref<64x128xf32, #tpu.memory_space<vmem>>, vector<64x128xf32>
    tpu.vector_store %arg4[%swap3A, %swap3A_15], %add3A {strides = array<i32>} : memref<64x128xf32, #tpu.memory_space<vmem>>, vector<64x128xf32>,
    %eq3A_17 = arith.constant 4 : i32
    %eq3A_18 = arith.cmpi eq, %arg0, %eq3A_17 : i32
    %convert_element_type3A_19 = arith.extui %eq3A_18 : i1 to i32
    %cond3A_20 = arith.constant 0 : i32
    %cond3A_21 = arith.cmpi ne, %convert_element_type3A_19, %cond3A_20 : i32
    scf.if %cond3A_21 {
      %get3A_22 = arith.constant 0 : index
      %get3A_23 = arith.constant 0 : index
      %get3A_24 = vector.load %arg4[%get3A_22, %get3A_23] : memref<64x128xf32, #tpu.memory_space<vmem>>, vector<64x128xf32>
      %get3A_25 = arith.constant 0 : index
      %get3A_26 = arith.constant 0 : index
      %get3A_27 = vector.load %arg3[%get3A_25, %get3A_26] : memref<64x128xf32, #tpu.memory_space<vmem>>, vector<64x128xf32>
      %mul3A = arith.mulf %get3A_24, %get3A_27 : vector<64x128xf32>
      %swap3A_28 = arith.constant 0 : index
      %swap3A_29 = arith.constant 0 : index
      %swap3A_30 = vector.load %arg4[%swap3A_28, %swap3A_29] : memref<64x128xf32, #tpu.memory_space<vmem>>, vector<64x128xf32>
      tpu.vector_store %arg4[%swap3A_28, %swap3A_29], %mul3A {strides = array<i32>} : memref<64x128xf32, #tpu.memory_space<vmem>>, vector<64x128xf32>,
    } else {
    }
    return
  }
  func.func @transform_0(%arg0: i32) -> (i32, i32) {
    %c0_i32 = arith.constant 0 : i32
    %c0_i32_0 = arith.constant 0 : i32
    return %arg0, %c0_i32 : i32, i32
  }
  func.func @transform_1(%arg0: i32) -> (i32, i32) {
    %c0_i32 = arith.constant 0 : i32
    %c0_i32_0 = arith.constant 0 : i32
    return %arg0, %c0_i32 : i32, i32
  }
  func.func @transform_2(%arg0: i32) -> (i32, i32) {
    %c0_i32 = arith.constant 0 : i32
    %c0_i32_0 = arith.constant 0 : i32
    %c0_i32_1 = arith.constant 0 : i32
    return %c0_i32, %c0_i32_0 : i32, i32
  }
  func.func @transform_3(%arg0: i32) -> (i32, i32) {
    %c0_i32 = arith.constant 0 : i32
    %c0_i32_0 = arith.constant 0 : i32
    %c0_i32_1 = arith.constant 0 : i32
    return %c0_i32, %c0_i32_0 : i32, i32
  }
}

module attributes {stable_mosaic.version = 14 : i64} {
  func.func @_head_body(%arg0: memref<64x128xf32, #tpu.memory_space<vmem>>, %arg1: memref<64x128xf32, #tpu.memory_space<vmem>>, %arg2: memref<64x128xf32, #tpu.memory_space<vmem>>, %arg3: memref<3x128x128xf32, #tpu.memory_space<vmem>>, %arg4: memref<1x128xf32, #tpu.memory_space<vmem>>, %arg5: memref<128x128xf32, #tpu.memory_space<vmem>>, %arg6: memref<1x128xf32, #tpu.memory_space<vmem>>, %arg7: memref<64x128xf32, #tpu.memory_space<vmem>>) attributes {dimension_semantics = [], scalar_prefetch = 0 : i64, scratch_operands = 0 : i64, tpu.core_type = #tpu.core_type<tc>} {
    %get3A = arith.constant 0 : index
    %get3A_0 = arith.constant 0 : index
    %get3A_1 = vector.load %arg0[%get3A, %get3A_0] : memref<64x128xf32, #tpu.memory_space<vmem>>, vector<64x128xf32>
    %get3A_2 = arith.constant 0 : index
    %get3A_3 = arith.constant 0 : index
    %get3A_4 = arith.constant 0 : index
    %get3A_5 = vector.load %arg3[%get3A_2, %get3A_3, %get3A_4] : memref<3x128x128xf32, #tpu.memory_space<vmem>>, vector<1x128x128xf32>
    %get3A_6 = vector.shape_cast %get3A_5 : vector<1x128x128xf32> to vector<128x128xf32>
    %dot_general3A = arith.constant dense<0.000000e+00> : vector<64x128xf32>
    %dot_general3A_7 = tpu.matmul %get3A_1, %get3A_6, %dot_general3A {dimension_numbers = #tpu.dot_dimension_numbers<[1], [0], [0], [1], [0, 0, 1, 1], [], []>, transpose_lhs_hint = false} : vector<64x128xf32>, vector<128x128xf32>, vector<64x128xf32> -> vector<64x128xf32>
    %get3A_8 = arith.constant 0 : index
    %get3A_9 = arith.constant 0 : index
    %get3A_10 = vector.load %arg1[%get3A_8, %get3A_9] : memref<64x128xf32, #tpu.memory_space<vmem>>, vector<64x128xf32>
    %get3A_11 = arith.constant 1 : index
    %get3A_12 = arith.constant 0 : index
    %get3A_13 = arith.constant 0 : index
    %get3A_14 = vector.load %arg3[%get3A_11, %get3A_12, %get3A_13] : memref<3x128x128xf32, #tpu.memory_space<vmem>>, vector<1x128x128xf32>
    %get3A_15 = vector.shape_cast %get3A_14 : vector<1x128x128xf32> to vector<128x128xf32>
    %dot_general3A_16 = arith.constant dense<0.000000e+00> : vector<64x128xf32>
    %dot_general3A_17 = tpu.matmul %get3A_10, %get3A_15, %dot_general3A_16 {dimension_numbers = #tpu.dot_dimension_numbers<[1], [0], [0], [1], [0, 0, 1, 1], [], []>, transpose_lhs_hint = false} : vector<64x128xf32>, vector<128x128xf32>, vector<64x128xf32> -> vector<64x128xf32>
    %add3A = arith.addf %dot_general3A_7, %dot_general3A_17 : vector<64x128xf32>
    %get3A_18 = arith.constant 0 : index
    %get3A_19 = arith.constant 0 : index
    %get3A_20 = vector.load %arg2[%get3A_18, %get3A_19] : memref<64x128xf32, #tpu.memory_space<vmem>>, vector<64x128xf32>
    %get3A_21 = arith.constant 2 : index
    %get3A_22 = arith.constant 0 : index
    %get3A_23 = arith.constant 0 : index
    %get3A_24 = vector.load %arg3[%get3A_21, %get3A_22, %get3A_23] : memref<3x128x128xf32, #tpu.memory_space<vmem>>, vector<1x128x128xf32>
    %get3A_25 = vector.shape_cast %get3A_24 : vector<1x128x128xf32> to vector<128x128xf32>
    %dot_general3A_26 = arith.constant dense<0.000000e+00> : vector<64x128xf32>
    %dot_general3A_27 = tpu.matmul %get3A_20, %get3A_25, %dot_general3A_26 {dimension_numbers = #tpu.dot_dimension_numbers<[1], [0], [0], [1], [0, 0, 1, 1], [], []>, transpose_lhs_hint = false} : vector<64x128xf32>, vector<128x128xf32>, vector<64x128xf32> -> vector<64x128xf32>
    %add3A_28 = arith.addf %add3A, %dot_general3A_27 : vector<64x128xf32>
    %get3A_29 = arith.constant 0 : index
    %get3A_30 = arith.constant 0 : index
    %get3A_31 = vector.load %arg4[%get3A_29, %get3A_30] : memref<1x128xf32, #tpu.memory_space<vmem>>, vector<1x128xf32>
    %add3A_32 = vector.broadcast %get3A_31 : vector<1x128xf32> to vector<64x128xf32>
    %add3A_33 = arith.addf %add3A_28, %add3A_32 : vector<64x128xf32>
    %max3A = arith.constant 0.000000e+00 : f32
    %max3A_34 = vector.broadcast %max3A : f32 to vector<64x128xf32>
    %max3A_35 = arith.maximumf %add3A_33, %max3A_34 : vector<64x128xf32>
    %get3A_36 = arith.constant 0 : index
    %get3A_37 = arith.constant 0 : index
    %get3A_38 = vector.load %arg5[%get3A_36, %get3A_37] : memref<128x128xf32, #tpu.memory_space<vmem>>, vector<128x128xf32>
    %dot_general3A_39 = arith.constant dense<0.000000e+00> : vector<64x128xf32>
    %dot_general3A_40 = tpu.matmul %max3A_35, %get3A_38, %dot_general3A_39 {dimension_numbers = #tpu.dot_dimension_numbers<[1], [0], [0], [1], [0, 0, 1, 1], [], []>, transpose_lhs_hint = false} : vector<64x128xf32>, vector<128x128xf32>, vector<64x128xf32> -> vector<64x128xf32>
    %get3A_41 = arith.constant 0 : index
    %get3A_42 = arith.constant 0 : index
    %get3A_43 = vector.load %arg6[%get3A_41, %get3A_42] : memref<1x128xf32, #tpu.memory_space<vmem>>, vector<1x128xf32>
    %add3A_44 = vector.broadcast %get3A_43 : vector<1x128xf32> to vector<64x128xf32>
    %add3A_45 = arith.addf %dot_general3A_40, %add3A_44 : vector<64x128xf32>
    %swap3A = arith.constant 0 : index
    %swap3A_46 = arith.constant 0 : index
    %swap3A_47 = vector.load %arg7[%swap3A, %swap3A_46] : memref<64x128xf32, #tpu.memory_space<vmem>>, vector<64x128xf32>
    tpu.vector_store %arg7[%swap3A, %swap3A_46], %add3A_45 {strides = array<i32>} : memref<64x128xf32, #tpu.memory_space<vmem>>, vector<64x128xf32>,
    return
  }
}

</mosaic_0001>

<sc_bundles>
// kernel: kernel.32.cloned.1.call-start
scs
__scs_entry_jumppad:
0x0: {  	(pc) =	sbr.rel $0x88, $3  }
0x1: {  	(tag) =	ssettag $0x0;
	lr =	simm.s32 $0x1  }
0x2: {  	[smem:$0x3F91] =	sst lr;
	_ =	strace $0xD0000000  }
0x3: {  	_ = 	snop  }
0x4: {  	_ = 	snop  }
0x5: {  	_ = 	snop  }
0x6: {  	_ = 	snop  }
0x7: {  	_ = 	snop  }
__scs_overlays_trampoline_lowered:
0x8: {  	[smem:$0x3FA0] =	sst s0  }
0x9: {  	[smem:$0x3FA1] =	sst s1  }
0xa: {  	[smem:$0x3FA2] =	sst s2  }
0xb: {  	[smem:$0x3FA3] =	sst s3  }
0xc: {  	[smem:$0x3FA4] =	sst s4  }
0xd: {  	[smem:$0x3FA5] =	sst s5  }
0xe: {  	[smem:$0x3FA6] =	sst s6  }
0xf: {  	[smem:$0x3FA7] =	sst s7  }
0x10: {  	[smem:$0x3FA8] =	sst s8  }
0x11: {  	[smem:$0x3FA9] =	sst s9;
	s0 =	simm.s32 @!p0 $0x0  }
0x12: {  	s1 =	sld [smem:$0x3F8F];
	s0 =	simm.s32 @p0 $0x1  }
0x13: {  	[smem:$0x3FAA] =	sst s0;
	s0 =	simm.s32 @!p1 $0x0  }
0x14: {  	s2 =	sld [smem:$0x3F8E];
	s0 =	simm.s32 @p1 $0x1  }
0x15: {  	[smem:$0x3FAB] =	sst s0;
	s0 =	simm.s32 @!p2 $0x0  }
0x16: {  	s3 =	sld [smem:$0x3FDB];
	s0 =	simm.s32 @p2 $0x1  }
0x17: {  	s4 =	simm.s32 $0x1BF5;
	[smem:$0x3FAD] =	sst s0  }
0x18: {  	s0 =	sld [smem:$0x3F90];
	_ =	swait.ge [sflag:s4], $0x0  }
0x19: {  	s7 =	sld [smem:$0x3F91]  }
0x1a: {  	s8 =	sadd.s32 $0xFFFFE003, lr  }
0x1b: {  	s9 =	sadd.s32 $0xFFFFFEF7, lr;
	s5 =	simm.s32 $0xFFFFFFFF;
	p2 =	slt.u32 s8, $0xFFFFF086  }
0x1c: {  	p1 =	slt.u32 s9, $0xF7A;
	s5 =	simm.s32 @!p2 $0x0  }
0x1d: {  	s5 =	simm.s32 @p1 $0x1;
	p0 =	seq.s32 s7, s2  }
0x1e: {  	s7 =	smul.u32 @!p0 $0xF7A, s2;
	p2 =	seq.s32 @!p0 s5, $0x0  }
0x1f: {  	s9 =	smul.u32 $0xF7A, s1;
	s8 =	simm.s32 @!p0 $0x1BF5;
	p2 =	por !p2, p0  }
0x20: {  	[sflag:s8] =	ssyncset.s32 @!p0 $0xFFFFF086;
	s6 =	sadd.s32 @!p0 s3, s7;
	s7 =	simm.s32 @!p0 $0x108  }
0x21: {  	s3 =	sadd.s32 s3, s9;
	s6 =	sadd.s32 @!p0 $0x88, s6;
	s7 =	simm.s32 @p2 $0x1082  }
0x22: {  	[simem:s7], [sflag:s8] =	dma.local @!p0 [hbm:s6], $0xF7A  }
0x23: {  	s9 =	sor.u32 $0xD0000000, s2;
	s6 =	simm.s32 $0x108;
	_ =	swait.ge @!p0 [sflag:s8], $0x0  }
0x24: {  	s3 =	sadd.s32 $0x88, s3;
	s6 =	simm.s32 @!p1 $0x1082;
	[sflag:s4] =	ssyncset.s32 $0xFFFFF086  }
0x25: {  	[simem:s6], [sflag:s4] =	dma.local [hbm:s3], $0xF7A  }
0x26: {  	[smem:$0x3F91] =	sst s1;
	(tag) =	ssettag s2;
	_ =	strace s9  }
0x27: {  	s1 =	sld [smem:$0x3FA1]  }
0x28: {  	s2 =	sld [smem:$0x3FA2]  }
0x29: {  	s4 =	sld [smem:$0x3FA4]  }
0x2a: {  	p0 =	seq.s32 s5, $0x0;
	s5 =	sld [smem:$0x3FA5]  }
0x2b: {  	s6 =	sld [smem:$0x3FA6]  }
0x2c: {  	s7 =	sld [smem:$0x3FA7]  }
0x2d: {  	s3 =	simm.s32 $0x108;
	s8 =	sld [smem:$0x3FA8]  }
0x2e: {  	s3 =	simm.s32 @!p0 $0x1082;
	s9 =	sld [smem:$0x3FA9]  }
0x2f: {  	lr =	sadd.s32 s0, s3;
	s0 =	sld [smem:$0x3FA0]  }
0x30: {  	s3 =	sld [smem:$0x3FA3]  }
0x31: {  	[smem:$0x3FAC] =	sst s10  }
0x32: {  	s10 =	sld [smem:$0x3FAA];
	_ =	sdelay $0x3  }
0x33: {  	p0 =	seq.s32 s10, $0x1;
	s10 =	sld [smem:$0x3FAC];
	_ =	sdelay $0x3  }
0x34: {  	[smem:$0x3FAC] =	sst s10  }
0x35: {  	s10 =	sld [smem:$0x3FAB];
	_ =	sdelay $0x3  }
0x36: {  	p1 =	seq.s32 s10, $0x1;
	s10 =	sld [smem:$0x3FAC];
	_ =	sdelay $0x3  }
0x37: {  	[smem:$0x3FAC] =	sst s10  }
0x38: {  	s10 =	sld [smem:$0x3FAD]  }
0x39: {  	_ = 	snop;
	(pc) =	sbr.ind lr, $3  }
0x3a: {  	_ = 	snop  }
0x3b: {  	_ = 	snop  }
0x3c: {  	p2 =	seq.s32 s10, $0x1;
	s10 =	sld [smem:$0x3FAC]  }
0x3d: {  	_ =	shalt  }
0x3e: {  	_ =	shalt  }
0x3f: {  	_ =	shalt  }
0x40: {  	_ =	shalt  }
0x41: {  	_ =	shalt  }
0x42: {  	_ =	shalt  }
0x43: {  	_ =	shalt  }
0x44: {  	_ =	shalt  }
0x45: {  	_ =	shalt  }
0x46: {  	_ =	shalt  }
0x47: {  	_ =	shalt  }
0x48: {  	_ =	shalt  }
0x49: {  	_ =	shalt  }
0x4a: {  	_ =	shalt  }
0x4b: {  	_ =	shalt  }
0x4c: {  	_ =	shalt  }
0x4d: {  	_ =	shalt  }
0x4e: {  	_ =	shalt  }
0x4f: {  	_ =	shalt  }
0x50: {  	_ =	shalt  }
0x51: {  	_ =	shalt  }
0x52: {  	_ =	shalt  }
0x53: {  	_ =	shalt  }
0x54: {  	_ =	shalt  }
0x55: {  	_ =	shalt  }
0x56: {  	_ =	shalt  }
0x57: {  	_ =	shalt  }
0x58: {  	_ =	shalt  }
0x59: {  	_ =	shalt  }
0x5a: {  	_ =	shalt  }
0x5b: {  	_ =	shalt  }
0x5c: {  	_ =	shalt  }
0x5d: {  	_ =	shalt  }
0x5e: {  	_ =	shalt  }
0x5f: {  	_ =	shalt  }
0x60: {  	_ =	shalt  }
0x61: {  	_ =	shalt  }
0x62: {  	_ =	shalt  }
0x63: {  	_ =	shalt  }
0x64: {  	_ =	shalt  }
0x65: {  	_ =	shalt  }
0x66: {  	_ =	shalt  }
0x67: {  	_ =	shalt  }
0x68: {  	_ =	shalt  }
0x69: {  	_ =	shalt  }
0x6a: {  	_ =	shalt  }
0x6b: {  	_ =	shalt  }
0x6c: {  	_ =	shalt  }
0x6d: {  	_ =	shalt  }
0x6e: {  	_ =	shalt  }
0x6f: {  	_ =	shalt  }
0x70: {  	_ =	shalt  }
0x71: {  	_ =	shalt  }
0x72: {  	_ =	shalt  }
0x73: {  	_ =	shalt  }
0x74: {  	_ =	shalt  }
0x75: {  	_ =	shalt  }
0x76: {  	_ =	shalt  }
0x77: {  	_ =	shalt  }
0x78: {  	_ =	shalt  }
0x79: {  	_ =	shalt  }
0x7a: {  	_ =	shalt  }
0x7b: {  	_ =	shalt  }
0x7c: {  	_ =	shalt  }
0x7d: {  	_ =	shalt  }
0x7e: {  	_ =	shalt  }
0x7f: {  	_ =	shalt  }
0x80: {  	_ =	shalt  }
0x81: {  	_ =	shalt  }
0x82: {  	_ =	shalt  }
0x83: {  	_ =	shalt  }
0x84: {  	_ =	shalt  }
0x85: {  	_ =	shalt  }
0x86: {  	_ =	shalt  }
0x87: {  	_ =	shalt  }
.Lfunc_end0:
.L_simem_size_0:
called_computation.1_lowered:
.L_overlay_start_0:
0x88: {  	s2 =	sld [smem:$0x3FD9]  }
0x89: {  	s3 =	sld [smem:$0x3FFE];
	_ =	sdelay $0x1  }
0x8a: {  	s1 =	srdreg.scid  }
0x8b: {  	s0 =	sand.u32 $0x1, s1  }
0x8c: {  	s17 =	sshll.u32 s0, $0xA;
	s2 =	sadd.s32 s3, s2  }
0x8d: {  	s2 =	sadd.s32 s2, s17  }
0x8e: {  	[smem:$0x3FB8] =	sst s2  }
0x8f: {  	_ = 	snop  }
0x90: {  	(tm) =	ssettm $0x1  }
0x91: {  	s18 =	sld [smem:$0x3FFB];
	_ =	sdelay $0x3  }
0x92: {  	_ =	strace s18  }
0x93: {  	s2 =	sld [smem:$0x3FFC];
	_ =	sdelay $0x3  }
0x94: {  	_ =	strace s2  }
0x95: {  	s2 =	sld [smem:$0x3FFD];
	_ =	sdelay $0x3  }
0x96: {  	_ =	strace s2  }
0x97: {  	_ =	strace $0x8FFFFFFF  }
0x98: {  	s19 =	sld [smem:$0x3FDB];
	_ =	sdelay $0x1  }
0x99: {  	s20 =	simm.s32 $_scs_section_size  }
0x9a: {  	s4 =	simm.s32 $_size__tile_overlayer_lowered;
	s5 =	simm.s32 $_tile_overlayer_lowered  }
0x9b: {  	s6 =	simm.s32 $0x1BFF;
	s21 =	sshll.u32 s5, $0x1;
	s3 =	sadd.s32 s20, s19  }
0x9c: {  	s22 =	simm.s32 $0x0;
	s4 =	sshll.u32 s4, $0x1;
	s5 =	sadd.s32 s21, s3  }
0x9d: {  	[timem:s22], [sflag:s6] =	dma.local [hbm:s5], s4  }
0x9e: {  	_ =	swait.ge [sflag:s6], s4  }
0x9f: {  	s4 =	ssub.s32 $0x0, s4;
	[sflag:s6] =	ssyncset.done $0x0  }
0xa0: {  	[sflag:s6] =	ssyncadd.s32 s4;
	_ =	sdelay $0x1  }
0xa1: {  	s23 =	simm.s32 $0x1B8B  }
0xa2: {  	_ =	swait.ge [sflag:s23], $0x1  }
0xa3: {  	[sflag:s23] =	ssyncset.done $0x0  }
0xa4: {  	[sflag:s23] =	ssyncadd.s32 $0xFFFFFFFF  }
0xa5: {  	s4 =	sld [smem:$0x0]  }
0xa6: {  	s5 =	sand.u32 $0xFFFFFFFE, s1  }
0xa7: {  	p0 =	sne.s32 s1, s5  }
0xa8: {  	s5 =	sshll.u32 @p0 s5, $0xE  }
0xa9: {  	s5 =	sadd.s32 @p0 $0x11B8D, s5;
	s6 =	sshll.u32 @p0 s4, $0x11  }
0xaa: {  	s5 =	sor.u32 @p0 s6, s5  }
0xab: {  	[sflag:s5] =	ssyncadd.remote.s32 @p0 $0x1;
	_ =	sdelay $0x1  }
0xac: {  	s5 =	simm.s32 @p0 $0x1B8D  }
0xad: {  	_ =	swait.eq @p0 [sflag:s5], $0x1  }
0xae: {  	[sflag:s5] =	ssyncadd.s32 @p0 $0xFFFFFFFF  }
0xaf: {  	s6 =	sshll.u32 @!p0 s1, $0xE  }
0xb0: {  	s6 =	sor.u32 @!p0 $0x4000, s6;
	s5 =	simm.s32 @!p0 $0x1B8D  }
0xb1: {  	s4 =	sshll.u32 @!p0 s4, $0x11;
	s6 =	sadd.s32 @!p0 $0x11B8D, s6;
	_ =	swait.eq @!p0 [sflag:s5], $0x1  }
0xb2: {  	s4 =	sor.u32 @!p0 s4, s6;
	[sflag:s5] =	ssyncadd.s32 @!p0 $0xFFFFFFFF  }
0xb3: {  	s25 =	simm.s32 $0x1B8E;
	s24 =	sld [smem:$0x3FFE];
	[sflag:s4] =	ssyncadd.remote.s32 @!p0 $0x1  }
0xb4: {  	s26 =	simm.s32 $execute0_lowered;
	[smem:$0x3FD2] =	sst s25  }
0xb5: {  	s5 =	sshll.u32 s26, $0x1;
	_ =	strace $0x80000049;
	[dreg:$0x1] =	wrdreg $0xFFFFFFFF  }
0xb6: {  	s28 =	simm.s32 $_size_execute0_lowered;
	s3 =	sadd.s32 s3, s5;
	[dreg:$0x0] =	wrdreg $0x0  }
0xb7: {  	s5 =	sshll.u32 s28, $0x1;
	[dreg:$0x2] =	wrdreg s3  }
0xb8: {  	[dreg:$0x3] =	wrdreg s5  }
0xb9: {  	[dreg:$0x4] =	wrdreg $0xC0  }
0xba: {  	_ =	task [dreg:s22], $0x5FFFF  }
0xbb: {  	[dreg:$0x1] =	wrdreg $0xFFFFFFFF  }
0xbc: {  	[dreg:$0x0] =	wrdreg $0x60  }
0xbd: {  	[dreg:$0x2] =	wrdreg s24  }
0xbe: {  	[dreg:$0x3] =	wrdreg $0x0  }
0xbf: {  	[dreg:$0x4] =	wrdreg $0xA  }
0xc0: {  	_ =	task.clear_ibuf [dreg:s22], $0x5FFFF;
	_ =	strace $0x90000049  }
0xc1: {  	s29 =	simm.s32 $0xA;
	_ =	strace $0x8000004E  }
0xc2: {  	_ =	swait.ge [sflag:s29], $0x1  }
0xc3: {  	[sflag:s29] =	ssyncadd.s32 $0xFFFFFFFF  }
0xc4: {  	_ =	strace $0x9000004E  }
0xc5: {  	_ =	sfence  }
0xc6: {  	s30 =	sld [smem:$0x0];
	_ =	sdelay $0x2  }
0xc7: {  	s31 =	sshll.u32 s1, $0xD;
	s1 =	sshrl.u32 s1, $0x2  }
0xc8: {  	s4 =	sand.u32 $0x4000, s31;
	s1 =	sadd.s32 s1, s30  }
0xc9: {  	s0 =	sor.u32 s4, s0;
	s1 =	sshll.u32 s1, $0x11  }
0xca: {  	s0 =	sor.u32 s1, s0  }
0xcb: {  	s0 =	sadd.s32 $0x8F2B, s0  }
0xcc: {  	[sflag:s0] =	ssyncadd.remote.s32 $0x1  }
0xcd: {  	_ =	sfence.sel $0xFFFF  }
0xce: {  	[dreg:$0x0] =	wrdreg $0xFFFFFFFF;
	(pc) =	sbr.abs _section_cstart, $3  }
0xcf: {  	[dreg:$0x1] =	wrdreg $0xFFFFFFFF  }
0xd0: {  	_ =	task.clear_ibuf [dreg:s22], $0x2FFFF;
	_ =	strace $0x9FFFFFFF  }
0xd1: {  	(tm) =	ssettm $0x7FFFFFFF  }
tec
execute0_lowered:
.L_overlay_start_1:
0x0: {  	(tag) =	ssettag $0x1  }
0x1: {  	s5 =	rddreg [dreg:$0x0]  }
0x2: {  	s1 =	rddreg [dreg:$0x1];
	s2 =	srdreg.scid;
	s3 =	simm.s32 $0x0  }
0x3: {  	s19 =	simm.s32 $0x3;
	s20 =	simm.s32 $0x64;
	s21 =	simm.s32 $0x14200  }
0x4: {  	s22 =	simm.s32 $0x17600;
	s23 =	simm.s32 $0x14100;
	s24 =	simm.s32 $0x1  }
0x5: {  	s25 =	simm.s32 $0x14080;
	s28 =	simm.s32 $0x14180;
	s6 =	sand.u32 $0x1, s2  }
0x6: {  	s29 =	simm.s32 $0x0;
	s2 =	stileid.u32;
	s7 =	smul.u32 $0x140000, s6  }
0x7: {  	[smem:$0x7FF] =	sst s3;
	s4 =	sadd.s32 $0x30A00, s5;
	s8 =	smul.u32 $0x14000, s2  }
0x8: {  	s17 =	sadd.s32 $0x17400, s5;
	s9 =	sshll.u32 s6, $0x4;
	s11 =	smul.u32 $0x50000, s2  }
0x9: {  	_ =	strace $0x8000004A;
	s26 =	ssub.s32 $0x2, s6;
	s12 =	smul.u32 $0x64000, s6  }
0xa: {  	s15 =	smul.u32 $0x6400, s2;
	s9 =	sor.u32 s2, s9;
	s10 =	sshrl.u32 s26, $0x1  }
0xb: {  	s7 =	sadd.s32 s8, s7;
	s9 =	smul.u32 $0x6400, s9;
	s14 =	ssub.s32 s26, s10  }
0xc: {  	s31 =	sshrl.u32 s11, $0x2;
	s15 =	sadd.s32 s15, s12;
	s26 =	simm.s32 $0x2  }
0xd: {  	s7 =	sshrl.u32 s7, $0x3;
	s6 =	sadd.s32 s31, s1;
	s16 =	sor.u32 $0x200, s15  }
0xe: {  	s14 =	smax.u32 s14, $0x1;
	s18 =	sor.u32 $0x100, s15;
	s13 =	sadd.s32 s7, s5  }
0xf: {  	s30 =	sshrl.u32 s9, $0x3;
	s7 =	sadd.s32 $0x3200, s6;
	s8 =	sadd.s32 $0x6400, s6  }
0x10: {  	s9 =	sadd.s32 $0x9600, s6;
	s10 =	sadd.s32 $0xC800, s6;
	s11 =	sadd.s32 $0xFA00, s6  }
0x11: {  	s12 =	sadd.s32 $0x12C00, s6;
	s16 =	sshrl.u32 s16, $0x3;
	s18 =	sshrl.u32 s18, $0x3  }
0x12: {  	s5 =	sadd.s32 s17, s30;
	s13 =	sadd.s32 $0x57C00, s13;
	s16 =	sadd.s32 s16, s17  }
0x13: {  	v0 =	vimm.f32 $0.0e+00;
	s17 =	sadd.s32 s18, s17;
	s18 =	simm.s32 $0x14000;
	s15 =	sadd.s32 $0xC60, s5  }
.LBB2_1:
0x14: {  	_ =	strace $0x8000004B  }
0x15: {  	[tilespmem:s18], [sflag:$0x3] =	stream.linear.gather [hbm4b:s5+s3], $0x100, $0x200038;
	[tilespmem:$0x1AA00] =	vst v63  }
0x16: {  	_ =	swait.ge [sflag:s19], $0x100  }
0x17: {  	[sflag:s19] =	ssyncset.done $0x0  }
0x18: {  	s30 =	simm.s32 $0x0;
	s31 =	simm.s32 $0x200;
	[sflag:s19] =	ssyncadd.s32 $0xFFFFFF00  }
0x19: {  	[tilespmem:s21], [sflag:$0x1] =	stream.indirect.gather [hbm4b:s4+s20], $0x80, s18, s20, $0x2000b8;
	[tilespmem:$0x1AA00] =	vst v63  }
.LBB2_2:
0x1a: {  	p0 =	sne.s32 s31, $0xC600;
	[tilespmem:s30+$0x17670] =	vst v0  }
0x1b: {  	[tilespmem:s30+$0x17600] =	vst v0  }
0x1c: {  	[tilespmem:s30+$0x17610] =	vst v0  }
.Ltmp0:
0x1d: {  	[tilespmem:s30+$0x17620] =	vst v0;
	(pc) =	sbr.rel @p0 .LBB2_2-.Ltmp0, $4  }
0x1e: {  	[tilespmem:s30+$0x17630] =	vst v0  }
0x1f: {  	[tilespmem:s30+$0x17640] =	vst v0  }
0x20: {  	[tilespmem:s30+$0x17650] =	vst v0  }
0x21: {  	[tilespmem:s30+$0x17660] =	vst v0;
	s30 =	sshra.s32 s31, $0x2;
	s31 =	sadd.s32 $0x200, s31  }
0x22: {  	[tilespmem:s30+$0x17670] =	vst v0  }
0x23: {  	[tilespmem:s30+$0x17600] =	vst v0  }
0x24: {  	[tilespmem:s30+$0x17610] =	vst v0  }
0x25: {  	[tilespmem:s30+$0x17620] =	vst v0  }
0x26: {  	[tilespmem:s30+$0x17630] =	vst v0  }
0x27: {  	[tilespmem:s30+$0x17640] =	vst v0  }
0x28: {  	[tilespmem:s30+$0x17650] =	vst v0  }
0x29: {  	[tilespmem:s30+$0x17660] =	vst v0  }
0x2a: {  	[spmem:s6] =	stream.linear.scatter [tilespmem:s22], [sflag:$0x3], $0x3200, $0x200038;
	[tilespmem:$0x1AA00] =	vst v63  }
0x2b: {  	_ =	swait.ge [sflag:s19], $0x3200  }
0x2c: {  	[sflag:s19] =	ssyncset.done $0x0  }
0x2d: {  	[sflag:s19] =	ssyncadd.s32 $0xFFFFCE00  }
0x2e: {  	[spmem:s7] =	stream.linear.scatter [tilespmem:s22], [sflag:$0x3], $0x3200, $0x200038;
	[tilespmem:$0x1AA00] =	vst v63  }
0x2f: {  	_ =	swait.ge [sflag:s19], $0x3200  }
0x30: {  	[sflag:s19] =	ssyncset.done $0x0  }
0x31: {  	[sflag:s19] =	ssyncadd.s32 $0xFFFFCE00  }
0x32: {  	[spmem:s8] =	stream.linear.scatter [tilespmem:s22], [sflag:$0x3], $0x3200, $0x200038;
	[tilespmem:$0x1AA00] =	vst v63  }
0x33: {  	_ =	swait.ge [sflag:s19], $0x3200  }
0x34: {  	[sflag:s19] =	ssyncset.done $0x0  }
0x35: {  	[sflag:s19] =	ssyncadd.s32 $0xFFFFCE00  }
0x36: {  	[spmem:s9] =	stream.linear.scatter [tilespmem:s22], [sflag:$0x3], $0x3200, $0x200038;
	[tilespmem:$0x1AA00] =	vst v63  }
0x37: {  	_ =	swait.ge [sflag:s19], $0x3200  }
0x38: {  	[sflag:s19] =	ssyncset.done $0x0  }
0x39: {  	[sflag:s19] =	ssyncadd.s32 $0xFFFFCE00  }
0x3a: {  	[spmem:s10] =	stream.linear.scatter [tilespmem:s22], [sflag:$0x3], $0x3200, $0x200038;
	[tilespmem:$0x1AA00] =	vst v63  }
0x3b: {  	_ =	swait.ge [sflag:s19], $0x3200  }
0x3c: {  	[sflag:s19] =	ssyncset.done $0x0  }
0x3d: {  	[sflag:s19] =	ssyncadd.s32 $0xFFFFCE00  }
0x3e: {  	[spmem:s11] =	stream.linear.scatter [tilespmem:s22], [sflag:$0x3], $0x3200, $0x200038;
	[tilespmem:$0x1AA00] =	vst v63  }
0x3f: {  	_ =	swait.ge [sflag:s19], $0x3200  }
0x40: {  	[sflag:s19] =	ssyncset.done $0x0  }
0x41: {  	[sflag:s19] =	ssyncadd.s32 $0xFFFFCE00  }
0x42: {  	[spmem:s12] =	stream.linear.scatter [tilespmem:s22], [sflag:$0x3], $0x1400, $0x200038;
	[tilespmem:$0x1AA00] =	vst v63  }
0x43: {  	_ =	swait.ge [sflag:s19], $0x1400  }
0x44: {  	[sflag:s19] =	ssyncset.done $0x0  }
0x45: {  	[sflag:s19] =	ssyncadd.s32 $0xFFFFEC00  }
0x46: {  	[bflag:$0x0] =	sbarrier.arrive $0xFFFF  }
0x47: {  	_ =	strace $0x9000004B  }
0x48: {  	s30 =	sadd.s32 $0x0, s17;
	_ =	strace $0x8000004C  }
0x49: {  	[tilespmem:s23], [sflag:$0x3] =	stream.linear.gather [hbm4b:s30+s3], $0x100, $0x200038;
	[tilespmem:$0x1AA00] =	vst v63  }
0x4a: {  	_ =	swait.ge [sflag:s19], $0x100  }
0x4b: {  	[sflag:s19] =	ssyncset.done $0x0  }
0x4c: {  	[sflag:s19] =	ssyncadd.s32 $0xFFFFFF00  }
0x4d: {  	_ =	swait.ge [sflag:s24], $0x3200  }
0x4e: {  	[sflag:s24] =	ssyncset.done $0x0  }
0x4f: {  	[sflag:s24] =	ssyncadd.s32 $0xFFFFCE00  }
0x50: {  	[tilespmem:s22], [sflag:$0x2] =	stream.indirect.gather [hbm4b:s4+s20], $0x80, s23, s20, $0x2000b8;
	[tilespmem:$0x1AA00] =	vst v63  }
0x51: {  	_ = 	snop  }
0x52: {  	[spmem:s1] =	stream.indirect.scatter.add.f32 [tilespmem:s21], [sflag:$0x3], $0x80, s25, s20, $0x2000b8;
	[tilespmem:$0x1AA00] =	vst v63  }
0x53: {  	_ =	swait.ge [sflag:s19], $0x3200  }
0x54: {  	[sflag:s19] =	ssyncset.done $0x0  }
0x55: {  	s30 =	sadd.s32 $0x0, s16;
	[sflag:s19] =	ssyncadd.s32 $0xFFFFCE00  }
0x56: {  	[tilespmem:s18], [sflag:$0x3] =	stream.linear.gather [hbm4b:s30+s3], $0x100, $0x200038;
	[tilespmem:$0x1AA00] =	vst v63  }
0x57: {  	_ =	swait.ge [sflag:s19], $0x100  }
0x58: {  	[sflag:s19] =	ssyncset.done $0x0  }
0x59: {  	[sflag:s19] =	ssyncadd.s32 $0xFFFFFF00  }
0x5a: {  	_ =	swait.ge [sflag:s26], $0x3200  }
0x5b: {  	[sflag:s26] =	ssyncset.done $0x0  }
0x5c: {  	[sflag:s26] =	ssyncadd.s32 $0xFFFFCE00  }
0x5d: {  	[tilespmem:s21], [sflag:$0x1] =	stream.indirect.gather [hbm4b:s4+s20], $0x80, s18, s20, $0x2000b8;
	[tilespmem:$0x1AA00] =	vst v63  }
0x5e: {  	_ = 	snop  }
0x5f: {  	[spmem:s1] =	stream.indirect.scatter.add.f32 [tilespmem:s22], [sflag:$0x3], $0x80, s28, s20, $0x2000b8;
	[tilespmem:$0x1AA00] =	vst v63  }
0x60: {  	_ =	swait.ge [sflag:s19], $0x3200  }
0x61: {  	s30 =	simm.s32 $0x40;
	[sflag:s19] =	ssyncset.done $0x0  }
.LBB2_4:
0x62: {  	p0 =	sne.s32 s30, $0xC00  }
0x63: {  	[sflag:s19] =	ssyncadd.s32 $0xFFFFCE00;
	s31 =	smov.u32 s30;
	s30 =	sadd.s32 $0x40, s30  }
0x64: {  	s0 =	sadd.s32 s31, s17  }
0x65: {  	[tilespmem:s23], [sflag:$0x3] =	stream.linear.gather [hbm4b:s0+s3], $0x100, $0x200038;
	[tilespmem:$0x1AA00] =	vst v63  }
0x66: {  	_ =	swait.ge [sflag:s19], $0x100  }
0x67: {  	[sflag:s19] =	ssyncset.done $0x0  }
0x68: {  	[sflag:s19] =	ssyncadd.s32 $0xFFFFFF00  }
0x69: {  	_ =	swait.ge [sflag:s24], $0x3200  }
0x6a: {  	[sflag:s24] =	ssyncset.done $0x0  }
0x6b: {  	[sflag:s24] =	ssyncadd.s32 $0xFFFFCE00  }
0x6c: {  	[tilespmem:s22], [sflag:$0x2] =	stream.indirect.gather [hbm4b:s4+s20], $0x80, s23, s20, $0x2000b8;
	[tilespmem:$0x1AA00] =	vst v63  }
0x6d: {  	_ = 	snop  }
0x6e: {  	[spmem:s1] =	stream.indirect.scatter.add.f32 [tilespmem:s21], [sflag:$0x3], $0x80, s25, s20, $0x2000b8;
	[tilespmem:$0x1AA00] =	vst v63  }
0x6f: {  	_ =	swait.ge [sflag:s19], $0x3200  }
0x70: {  	[sflag:s19] =	ssyncset.done $0x0  }
0x71: {  	s0 =	sadd.s32 s31, s16;
	[sflag:s19] =	ssyncadd.s32 $0xFFFFCE00  }
0x72: {  	[tilespmem:s18], [sflag:$0x3] =	stream.linear.gather [hbm4b:s0+s3], $0x100, $0x200038;
	[tilespmem:$0x1AA00] =	vst v63  }
0x73: {  	_ =	swait.ge [sflag:s19], $0x100  }
0x74: {  	[sflag:s19] =	ssyncset.done $0x0  }
0x75: {  	[sflag:s19] =	ssyncadd.s32 $0xFFFFFF00  }
0x76: {  	_ =	swait.ge [sflag:s26], $0x3200  }
0x77: {  	[sflag:s26] =	ssyncset.done $0x0  }
0x78: {  	[sflag:s26] =	ssyncadd.s32 $0xFFFFCE00  }
0x79: {  	[tilespmem:s21], [sflag:$0x1] =	stream.indirect.gather [hbm4b:s4+s20], $0x80, s18, s20, $0x2000b8;
	[tilespmem:$0x1AA00] =	vst v63  }
.Ltmp1:
0x7a: {  	_ = 	snop;
	(pc) =	sbr.rel @p0 .LBB2_4-.Ltmp1, $4  }
0x7b: {  	_ = 	snop  }
0x7c: {  	[spmem:s1] =	stream.indirect.scatter.add.f32 [tilespmem:s22], [sflag:$0x3], $0x80, s28, s20, $0x2000b8;
	[tilespmem:$0x1AA00] =	vst v63  }
0x7d: {  	_ =	swait.ge [sflag:s19], $0x3200  }
0x7e: {  	[sflag:s19] =	ssyncset.done $0x0  }
0x7f: {  	[sflag:s19] =	ssyncadd.s32 $0xFFFFCE00  }
0x80: {  	[tilespmem:s23], [sflag:$0x3] =	stream.linear.gather [hbm4b:s15+s3], $0x100, $0x200038;
	[tilespmem:$0x1AA00] =	vst v63  }
0x81: {  	_ =	swait.ge [sflag:s19], $0x100  }
0x82: {  	[sflag:s19] =	ssyncset.done $0x0  }
0x83: {  	[sflag:s19] =	ssyncadd.s32 $0xFFFFFF00  }
0x84: {  	_ =	swait.ge [sflag:s24], $0x3200  }
0x85: {  	[sflag:s24] =	ssyncset.done $0x0  }
0x86: {  	[sflag:s24] =	ssyncadd.s32 $0xFFFFCE00  }
0x87: {  	[tilespmem:s22], [sflag:$0x2] =	stream.indirect.gather [hbm4b:s4+s20], $0x80, s23, s20, $0x2000b8;
	[tilespmem:$0x1AA00] =	vst v63  }
0x88: {  	_ = 	snop  }
0x89: {  	[spmem:s1] =	stream.indirect.scatter.add.f32 [tilespmem:s21], [sflag:$0x3], $0x80, s25, s20, $0x2000b8;
	[tilespmem:$0x1AA00] =	vst v63  }
0x8a: {  	_ =	swait.ge [sflag:s19], $0x3200  }
0x8b: {  	[sflag:s19] =	ssyncset.done $0x0  }
0x8c: {  	[sflag:s19] =	ssyncadd.s32 $0xFFFFCE00  }
0x8d: {  	[tilespmem:s18], [sflag:$0x3] =	stream.linear.gather [hbm4b:s5+s3], $0x100, $0x200038;
	[tilespmem:$0x1AA00] =	vst v63  }
0x8e: {  	_ =	swait.ge [sflag:s19], $0x100  }
0x8f: {  	[sflag:s19] =	ssyncset.done $0x0  }
0x90: {  	[sflag:s19] =	ssyncadd.s32 $0xFFFFFF00  }
0x91: {  	_ =	swait.ge [sflag:s26], $0x3200  }
0x92: {  	[sflag:s26] =	ssyncset.done $0x0  }
0x93: {  	[sflag:s26] =	ssyncadd.s32 $0xFFFFCE00  }
0x94: {  	[tilespmem:s21], [sflag:$0x1] =	stream.indirect.gather [hbm4b:s4+s20], $0x80, s18, s20, $0x2000b8;
	[tilespmem:$0x1AA00] =	vst v63  }
0x95: {  	_ = 	snop  }
0x96: {  	[spmem:s1] =	stream.indirect.scatter.add.f32 [tilespmem:s22], [sflag:$0x3], $0x80, s28, s20, $0x2000b8;
	[tilespmem:$0x1AA00] =	vst v63  }
0x97: {  	_ =	swait.ge [sflag:s19], $0x3200  }
0x98: {  	[sflag:s19] =	ssyncset.done $0x0  }
0x99: {  	[sflag:s19] =	ssyncadd.s32 $0xFFFFCE00  }
0x9a: {  	_ =	swait.ge [sflag:s24], $0x3200  }
0x9b: {  	[sflag:s24] =	ssyncset.done $0x0  }
0x9c: {  	[sflag:s24] =	ssyncadd.s32 $0xFFFFCE00  }
0x9d: {  	s0 =	sshll.u32 s2, $0x6;
	_ =	strace $0x9000004C  }
0x9e: {  	s30 =	sshrl.u32 s6, $0x3;
	s29 =	sadd.s32 $0x1, s29;
	_ =	strace $0x8000004D  }
0x9f: {  	s0 =	sor.u32 $0x1C03, s0;
	p0 =	sne.s32 s29, s14;
	[bflag:$0x0] =	sbarrier.arrive $0xFFFF  }
0xa0: {  	[hbm:s13], [sflag:s0] =	dma.local [spmem:s30], $0x2800  }
.Ltmp2:
0xa1: {  	_ = 	snop;
	(pc) =	sbr.rel @p0 .LBB2_1-.Ltmp2, $4  }
0xa2: {  	_ =	swait.ge [sflag:s19], $0x2800  }
0xa3: {  	[sflag:s19] =	ssyncset.done $0x0  }
0xa4: {  	[sflag:s19] =	ssyncadd.s32 $0xFFFFD800  }
0xa5: {  	_ =	strace $0x9000004D  }
0xa6: {  	_ =	sfence.sel $0x180000  }
0xa7: {  	[bflag:$0x0] =	sbarrier.arrive $0xFFFF  }
0xa8: {  	_ =	strace $0x9000004A  }
0xa9: {  	[bflag:$0x2] =	sbarrier.arrive $0xFFFF  }
0xaa: {  	p0 =	sne.s32 s2, $0x0;
	s0 =	rddreg [dreg:$0x2]  }
0xab: {  	s0 =	sadd.s32 @!p0 $0x100000, s0  }
0xac: {  	[sflag:s0] =	ssyncadd.tile.s32 @!p0 $0x1;
	_ =	shalt  }
.Lfunc_end2:
_tile_overlayer_lowered:
.L_overlay_start_2:
0xad: {  	(tag) =	ssettag $0x2  }
0xae: {  	s0 =	rddreg [dreg:$0x0];
	s2 =	stileid.u32  }
0xaf: {  	s1 =	rddreg [dreg:$0x1];
	p0 =	sne.s32 s2, $0x0  }
0xb0: {  	s3 =	rddreg [dreg:$0x2];
	[bflag:$0x3] =	sbarrier.arrive $0xFFFF;
	s2 =	simm.s32 @!p0 $0x1C03  }
0xb1: {  	[timem:s3], [sflag:s2] =	dma.local @!p0 [hbm:s0], s1  }
0xb2: {  	s0 =	simm.s32 @!p0 $0x3  }
0xb3: {  	_ =	swait.ge @!p0 [sflag:s0], s1  }
0xb4: {  	s1 =	ssub.s32 @!p0 $0x0, s1;
	[sflag:s0] =	ssyncset.done @!p0 $0x0  }
0xb5: {  	[sflag:s0] =	ssyncadd.s32 @!p0 s1  }
0xb6: {  	[bflag:$0x3] =	sbarrier.arrive $0xFFFF  }
0xb7: {  	_ =	shalt  }

// kernel: kernel.35.cloned.1.call-start
scs
__scs_entry_jumppad:
0x0: {  	(pc) =	sbr.rel $0x88, $3  }
0x1: {  	(tag) =	ssettag $0x0;
	lr =	simm.s32 $0x1  }
0x2: {  	[smem:$0x3F91] =	sst lr;
	_ =	strace $0xD0000000  }
0x3: {  	_ = 	snop  }
0x4: {  	_ = 	snop  }
0x5: {  	_ = 	snop  }
0x6: {  	_ = 	snop  }
0x7: {  	_ = 	snop  }
__scs_overlays_trampoline_lowered:
0x8: {  	[smem:$0x3FA0] =	sst s0  }
0x9: {  	[smem:$0x3FA1] =	sst s1  }
0xa: {  	[smem:$0x3FA2] =	sst s2  }
0xb: {  	[smem:$0x3FA3] =	sst s3  }
0xc: {  	[smem:$0x3FA4] =	sst s4  }
0xd: {  	[smem:$0x3FA5] =	sst s5  }
0xe: {  	[smem:$0x3FA6] =	sst s6  }
0xf: {  	[smem:$0x3FA7] =	sst s7  }
0x10: {  	[smem:$0x3FA8] =	sst s8  }
0x11: {  	[smem:$0x3FA9] =	sst s9;
	s0 =	simm.s32 @!p0 $0x0  }
0x12: {  	s1 =	sld [smem:$0x3F8F];
	s0 =	simm.s32 @p0 $0x1  }
0x13: {  	[smem:$0x3FAA] =	sst s0;
	s0 =	simm.s32 @!p1 $0x0  }
0x14: {  	s2 =	sld [smem:$0x3F8E];
	s0 =	simm.s32 @p1 $0x1  }
0x15: {  	[smem:$0x3FAB] =	sst s0;
	s0 =	simm.s32 @!p2 $0x0  }
0x16: {  	s3 =	sld [smem:$0x3FDB];
	s0 =	simm.s32 @p2 $0x1  }
0x17: {  	s4 =	simm.s32 $0x1BF5;
	[smem:$0x3FAD] =	sst s0  }
0x18: {  	s0 =	sld [smem:$0x3F90];
	_ =	swait.ge [sflag:s4], $0x0  }
0x19: {  	s7 =	sld [smem:$0x3F91]  }
0x1a: {  	s8 =	sadd.s32 $0xFFFFE003, lr  }
0x1b: {  	s9 =	sadd.s32 $0xFFFFFEF7, lr;
	s5 =	simm.s32 $0xFFFFFFFF;
	p2 =	slt.u32 s8, $0xFFFFF086  }
0x1c: {  	p1 =	slt.u32 s9, $0xF7A;
	s5 =	simm.s32 @!p2 $0x0  }
0x1d: {  	s5 =	simm.s32 @p1 $0x1;
	p0 =	seq.s32 s7, s2  }
0x1e: {  	s7 =	smul.u32 @!p0 $0xF7A, s2;
	p2 =	seq.s32 @!p0 s5, $0x0  }
0x1f: {  	s9 =	smul.u32 $0xF7A, s1;
	s8 =	simm.s32 @!p0 $0x1BF5;
	p2 =	por !p2, p0  }
0x20: {  	[sflag:s8] =	ssyncset.s32 @!p0 $0xFFFFF086;
	s6 =	sadd.s32 @!p0 s3, s7;
	s7 =	simm.s32 @!p0 $0x108  }
0x21: {  	s3 =	sadd.s32 s3, s9;
	s6 =	sadd.s32 @!p0 $0x88, s6;
	s7 =	simm.s32 @p2 $0x1082  }
0x22: {  	[simem:s7], [sflag:s8] =	dma.local @!p0 [hbm:s6], $0xF7A  }
0x23: {  	s9 =	sor.u32 $0xD0000000, s2;
	s6 =	simm.s32 $0x108;
	_ =	swait.ge @!p0 [sflag:s8], $0x0  }
0x24: {  	s3 =	sadd.s32 $0x88, s3;
	s6 =	simm.s32 @!p1 $0x1082;
	[sflag:s4] =	ssyncset.s32 $0xFFFFF086  }
0x25: {  	[simem:s6], [sflag:s4] =	dma.local [hbm:s3], $0xF7A  }
0x26: {  	[smem:$0x3F91] =	sst s1;
	(tag) =	ssettag s2;
	_ =	strace s9  }
0x27: {  	s1 =	sld [smem:$0x3FA1]  }
0x28: {  	s2 =	sld [smem:$0x3FA2]  }
0x29: {  	s4 =	sld [smem:$0x3FA4]  }
0x2a: {  	p0 =	seq.s32 s5, $0x0;
	s5 =	sld [smem:$0x3FA5]  }
0x2b: {  	s6 =	sld [smem:$0x3FA6]  }
0x2c: {  	s7 =	sld [smem:$0x3FA7]  }
0x2d: {  	s3 =	simm.s32 $0x108;
	s8 =	sld [smem:$0x3FA8]  }
0x2e: {  	s3 =	simm.s32 @!p0 $0x1082;
	s9 =	sld [smem:$0x3FA9]  }
0x2f: {  	lr =	sadd.s32 s0, s3;
	s0 =	sld [smem:$0x3FA0]  }
0x30: {  	s3 =	sld [smem:$0x3FA3]  }
0x31: {  	[smem:$0x3FAC] =	sst s10  }
0x32: {  	s10 =	sld [smem:$0x3FAA];
	_ =	sdelay $0x3  }
0x33: {  	p0 =	seq.s32 s10, $0x1;
	s10 =	sld [smem:$0x3FAC];
	_ =	sdelay $0x3  }
0x34: {  	[smem:$0x3FAC] =	sst s10  }
0x35: {  	s10 =	sld [smem:$0x3FAB];
	_ =	sdelay $0x3  }
0x36: {  	p1 =	seq.s32 s10, $0x1;
	s10 =	sld [smem:$0x3FAC];
	_ =	sdelay $0x3  }
0x37: {  	[smem:$0x3FAC] =	sst s10  }
0x38: {  	s10 =	sld [smem:$0x3FAD]  }
0x39: {  	_ = 	snop;
	(pc) =	sbr.ind lr, $3  }
0x3a: {  	_ = 	snop  }
0x3b: {  	_ = 	snop  }
0x3c: {  	p2 =	seq.s32 s10, $0x1;
	s10 =	sld [smem:$0x3FAC]  }
0x3d: {  	_ =	shalt  }
0x3e: {  	_ =	shalt  }
0x3f: {  	_ =	shalt  }
0x40: {  	_ =	shalt  }
0x41: {  	_ =	shalt  }
0x42: {  	_ =	shalt  }
0x43: {  	_ =	shalt  }
0x44: {  	_ =	shalt  }
0x45: {  	_ =	shalt  }
0x46: {  	_ =	shalt  }
0x47: {  	_ =	shalt  }
0x48: {  	_ =	shalt  }
0x49: {  	_ =	shalt  }
0x4a: {  	_ =	shalt  }
0x4b: {  	_ =	shalt  }
0x4c: {  	_ =	shalt  }
0x4d: {  	_ =	shalt  }
0x4e: {  	_ =	shalt  }
0x4f: {  	_ =	shalt  }
0x50: {  	_ =	shalt  }
0x51: {  	_ =	shalt  }
0x52: {  	_ =	shalt  }
0x53: {  	_ =	shalt  }
0x54: {  	_ =	shalt  }
0x55: {  	_ =	shalt  }
0x56: {  	_ =	shalt  }
0x57: {  	_ =	shalt  }
0x58: {  	_ =	shalt  }
0x59: {  	_ =	shalt  }
0x5a: {  	_ =	shalt  }
0x5b: {  	_ =	shalt  }
0x5c: {  	_ =	shalt  }
0x5d: {  	_ =	shalt  }
0x5e: {  	_ =	shalt  }
0x5f: {  	_ =	shalt  }
0x60: {  	_ =	shalt  }
0x61: {  	_ =	shalt  }
0x62: {  	_ =	shalt  }
0x63: {  	_ =	shalt  }
0x64: {  	_ =	shalt  }
0x65: {  	_ =	shalt  }
0x66: {  	_ =	shalt  }
0x67: {  	_ =	shalt  }
0x68: {  	_ =	shalt  }
0x69: {  	_ =	shalt  }
0x6a: {  	_ =	shalt  }
0x6b: {  	_ =	shalt  }
0x6c: {  	_ =	shalt  }
0x6d: {  	_ =	shalt  }
0x6e: {  	_ =	shalt  }
0x6f: {  	_ =	shalt  }
0x70: {  	_ =	shalt  }
0x71: {  	_ =	shalt  }
0x72: {  	_ =	shalt  }
0x73: {  	_ =	shalt  }
0x74: {  	_ =	shalt  }
0x75: {  	_ =	shalt  }
0x76: {  	_ =	shalt  }
0x77: {  	_ =	shalt  }
0x78: {  	_ =	shalt  }
0x79: {  	_ =	shalt  }
0x7a: {  	_ =	shalt  }
0x7b: {  	_ =	shalt  }
0x7c: {  	_ =	shalt  }
0x7d: {  	_ =	shalt  }
0x7e: {  	_ =	shalt  }
0x7f: {  	_ =	shalt  }
0x80: {  	_ =	shalt  }
0x81: {  	_ =	shalt  }
0x82: {  	_ =	shalt  }
0x83: {  	_ =	shalt  }
0x84: {  	_ =	shalt  }
0x85: {  	_ =	shalt  }
0x86: {  	_ =	shalt  }
0x87: {  	_ =	shalt  }
.Lfunc_end0:
.L_simem_size_0:
called_computation.2_lowered:
.L_overlay_start_0:
0x88: {  	s2 =	sld [smem:$0x3FD9]  }
0x89: {  	s3 =	sld [smem:$0x3FFE];
	_ =	sdelay $0x1  }
0x8a: {  	s1 =	srdreg.scid  }
0x8b: {  	s0 =	sand.u32 $0x1, s1  }
0x8c: {  	s16 =	sshll.u32 s0, $0xA;
	s2 =	sadd.s32 s3, s2  }
0x8d: {  	s2 =	sadd.s32 s2, s16  }
0x8e: {  	[smem:$0x3FB8] =	sst s2  }
0x8f: {  	_ = 	snop  }
0x90: {  	(tm) =	ssettm $0x1  }
0x91: {  	s17 =	sld [smem:$0x3FFB];
	_ =	sdelay $0x3  }
0x92: {  	_ =	strace s17  }
0x93: {  	s2 =	sld [smem:$0x3FFC];
	_ =	sdelay $0x3  }
0x94: {  	_ =	strace s2  }
0x95: {  	s2 =	sld [smem:$0x3FFD];
	_ =	sdelay $0x3  }
0x96: {  	_ =	strace s2  }
0x97: {  	_ =	strace $0x8FFFFFFF  }
0x98: {  	s18 =	sld [smem:$0x3FDB];
	_ =	sdelay $0x1  }
0x99: {  	s19 =	simm.s32 $_scs_section_size  }
0x9a: {  	s4 =	simm.s32 $_size__tile_overlayer_lowered;
	s5 =	simm.s32 $_tile_overlayer_lowered  }
0x9b: {  	s22 =	simm.s32 $0x1BFF;
	s21 =	sshll.u32 s5, $0x1;
	s2 =	sadd.s32 s19, s18  }
0x9c: {  	s6 =	simm.s32 $0x0;
	s20 =	sshll.u32 s4, $0x1;
	s4 =	sadd.s32 s21, s2  }
0x9d: {  	[timem:s6], [sflag:s22] =	dma.local [hbm:s4], s20  }
0x9e: {  	_ =	swait.ge [sflag:s22], s20  }
0x9f: {  	s3 =	ssub.s32 $0x0, s20;
	[sflag:s22] =	ssyncset.done $0x0  }
0xa0: {  	[sflag:s22] =	ssyncadd.s32 s3;
	_ =	sdelay $0x1  }
0xa1: {  	s23 =	simm.s32 $0x1B8B  }
0xa2: {  	_ =	swait.ge [sflag:s23], $0x1  }
0xa3: {  	[sflag:s23] =	ssyncset.done $0x0  }
0xa4: {  	s25 =	simm.s32 $0x1B8E;
	s24 =	sld [smem:$0x3FFE];
	[sflag:s23] =	ssyncadd.s32 $0xFFFFFFFF  }
0xa5: {  	s26 =	simm.s32 $execute0_lowered;
	[smem:$0x3FD2] =	sst s25  }
0xa6: {  	s4 =	sshll.u32 s26, $0x1;
	_ =	strace $0x8000004F;
	[dreg:$0x1] =	wrdreg $0xFFFFFFFF  }
0xa7: {  	s28 =	simm.s32 $_size_execute0_lowered;
	s2 =	sadd.s32 s2, s4;
	[dreg:$0x0] =	wrdreg $0x0  }
0xa8: {  	s4 =	sshll.u32 s28, $0x1;
	[dreg:$0x2] =	wrdreg s2  }
0xa9: {  	[dreg:$0x3] =	wrdreg s4  }
0xaa: {  	[dreg:$0x4] =	wrdreg $0xC0  }
0xab: {  	_ =	task [dreg:s6], $0x5FFFF  }
0xac: {  	[dreg:$0x1] =	wrdreg $0xFFFFFFFF  }
0xad: {  	[dreg:$0x0] =	wrdreg $0x60  }
0xae: {  	[dreg:$0x2] =	wrdreg s24  }
0xaf: {  	[dreg:$0x3] =	wrdreg $0x0  }
0xb0: {  	[dreg:$0x4] =	wrdreg $0x9  }
0xb1: {  	_ =	task.clear_ibuf [dreg:s6], $0x5FFFF;
	_ =	strace $0x9000004F  }
0xb2: {  	s29 =	simm.s32 $0x9;
	_ =	strace $0x80000054  }
0xb3: {  	_ =	swait.ge [sflag:s29], $0x1  }
0xb4: {  	[sflag:s29] =	ssyncadd.s32 $0xFFFFFFFF  }
0xb5: {  	_ =	strace $0x90000054  }
0xb6: {  	_ =	sfence  }
0xb7: {  	s30 =	sld [smem:$0x0];
	_ =	sdelay $0x2  }
0xb8: {  	s31 =	sshll.u32 s1, $0xD;
	s1 =	sshrl.u32 s1, $0x2  }
0xb9: {  	s3 =	sand.u32 $0x4000, s31;
	s1 =	sadd.s32 s1, s30  }
0xba: {  	s0 =	sor.u32 s3, s0;
	s1 =	sshll.u32 s1, $0x11  }
0xbb: {  	s0 =	sor.u32 s1, s0  }
0xbc: {  	s0 =	sadd.s32 $0x8F2B, s0  }
0xbd: {  	[sflag:s0] =	ssyncadd.remote.s32 $0x1  }
0xbe: {  	_ =	sfence.sel $0xFFFF  }
0xbf: {  	[dreg:$0x0] =	wrdreg $0xFFFFFFFF;
	(pc) =	sbr.abs _section_cstart, $3  }
0xc0: {  	[dreg:$0x1] =	wrdreg $0xFFFFFFFF  }
0xc1: {  	_ =	task.clear_ibuf [dreg:s6], $0x2FFFF;
	_ =	strace $0x9FFFFFFF  }
0xc2: {  	(tm) =	ssettm $0x7FFFFFFF  }
0xc3: {  	_ =	shalt  }
tec
execute0_lowered:
.L_overlay_start_1:
0x0: {  	(tag) =	ssettag $0x1  }
0x1: {  	s5 =	rddreg [dreg:$0x0]  }
0x2: {  	s1 =	rddreg [dreg:$0x1];
	s2 =	srdreg.scid;
	s3 =	simm.s32 $0x0  }
0x3: {  	s19 =	simm.s32 $0x3;
	s20 =	simm.s32 $0x64;
	s21 =	simm.s32 $0x14200  }
0x4: {  	s22 =	simm.s32 $0x17600;
	s23 =	simm.s32 $0x14100;
	s24 =	simm.s32 $0x1  }
0x5: {  	s25 =	simm.s32 $0x14080;
	s28 =	simm.s32 $0x14180;
	s6 =	sand.u32 $0x1, s2  }
0x6: {  	s29 =	simm.s32 $0x0;
	s2 =	stileid.u32;
	s7 =	smul.u32 $0x140000, s6  }
0x7: {  	[smem:$0x7FF] =	sst s3;
	s4 =	sadd.s32 $0x30400, s5;
	s8 =	smul.u32 $0x14000, s2  }
0x8: {  	s17 =	sadd.s32 $0x17400, s5;
	s9 =	sshll.u32 s6, $0x4;
	s11 =	smul.u32 $0x50000, s2  }
0x9: {  	_ =	strace $0x80000050;
	s26 =	ssub.s32 $0x2, s6;
	s12 =	smul.u32 $0x64000, s6  }
0xa: {  	s15 =	smul.u32 $0x6400, s2;
	s9 =	sor.u32 s2, s9;
	s10 =	sshrl.u32 s26, $0x1  }
0xb: {  	s7 =	sadd.s32 s8, s7;
	s9 =	smul.u32 $0x6400, s9;
	s14 =	ssub.s32 s26, s10  }
0xc: {  	s31 =	sshrl.u32 s11, $0x2;
	s15 =	sadd.s32 s15, s12;
	s26 =	simm.s32 $0x2  }
0xd: {  	s7 =	sshrl.u32 s7, $0x3;
	s6 =	sadd.s32 s31, s1;
	s16 =	sor.u32 $0x200, s15  }
0xe: {  	s14 =	smax.u32 s14, $0x1;
	s18 =	sor.u32 $0x100, s15;
	s13 =	sadd.s32 s7, s5  }
0xf: {  	s30 =	sshrl.u32 s9, $0x3;
	s7 =	sadd.s32 $0x3200, s6;
	s8 =	sadd.s32 $0x6400, s6  }
0x10: {  	s9 =	sadd.s32 $0x9600, s6;
	s10 =	sadd.s32 $0xC800, s6;
	s11 =	sadd.s32 $0xFA00, s6  }
0x11: {  	s12 =	sadd.s32 $0x12C00, s6;
	s16 =	sshrl.u32 s16, $0x3;
	s18 =	sshrl.u32 s18, $0x3  }
0x12: {  	s5 =	sadd.s32 s17, s30;
	s13 =	sadd.s32 $0x57600, s13;
	s16 =	sadd.s32 s16, s17  }
0x13: {  	v0 =	vimm.f32 $0.0e+00;
	s17 =	sadd.s32 s18, s17;
	s18 =	simm.s32 $0x14000;
	s15 =	sadd.s32 $0xC60, s5  }
.LBB2_1:
0x14: {  	_ =	strace $0x80000051  }
0x15: {  	[tilespmem:s18], [sflag:$0x3] =	stream.linear.gather [hbm4b:s5+s3], $0x100, $0x200038;
	[tilespmem:$0x1AA00] =	vst v63  }
0x16: {  	_ =	swait.ge [sflag:s19], $0x100  }
0x17: {  	[sflag:s19] =	ssyncset.done $0x0  }
0x18: {  	s30 =	simm.s32 $0x0;
	s31 =	simm.s32 $0x200;
	[sflag:s19] =	ssyncadd.s32 $0xFFFFFF00  }
0x19: {  	[tilespmem:s21], [sflag:$0x1] =	stream.indirect.gather [hbm4b:s4+s20], $0x80, s18, s20, $0x2000b8;
	[tilespmem:$0x1AA00] =	vst v63  }
.LBB2_2:
0x1a: {  	p0 =	sne.s32 s31, $0xC600;
	[tilespmem:s30+$0x17670] =	vst v0  }
0x1b: {  	[tilespmem:s30+$0x17600] =	vst v0  }
0x1c: {  	[tilespmem:s30+$0x17610] =	vst v0  }
.Ltmp0:
0x1d: {  	[tilespmem:s30+$0x17620] =	vst v0;
	(pc) =	sbr.rel @p0 .LBB2_2-.Ltmp0, $4  }
0x1e: {  	[tilespmem:s30+$0x17630] =	vst v0  }
0x1f: {  	[tilespmem:s30+$0x17640] =	vst v0  }
0x20: {  	[tilespmem:s30+$0x17650] =	vst v0  }
0x21: {  	[tilespmem:s30+$0x17660] =	vst v0;
	s30 =	sshra.s32 s31, $0x2;
	s31 =	sadd.s32 $0x200, s31  }
0x22: {  	[tilespmem:s30+$0x17670] =	vst v0  }
0x23: {  	[tilespmem:s30+$0x17600] =	vst v0  }
0x24: {  	[tilespmem:s30+$0x17610] =	vst v0  }
0x25: {  	[tilespmem:s30+$0x17620] =	vst v0  }
0x26: {  	[tilespmem:s30+$0x17630] =	vst v0  }
0x27: {  	[tilespmem:s30+$0x17640] =	vst v0  }
0x28: {  	[tilespmem:s30+$0x17650] =	vst v0  }
0x29: {  	[tilespmem:s30+$0x17660] =	vst v0  }
0x2a: {  	[spmem:s6] =	stream.linear.scatter [tilespmem:s22], [sflag:$0x3], $0x3200, $0x200038;
	[tilespmem:$0x1AA00] =	vst v63  }
0x2b: {  	_ =	swait.ge [sflag:s19], $0x3200  }
0x2c: {  	[sflag:s19] =	ssyncset.done $0x0  }
0x2d: {  	[sflag:s19] =	ssyncadd.s32 $0xFFFFCE00  }
0x2e: {  	[spmem:s7] =	stream.linear.scatter [tilespmem:s22], [sflag:$0x3], $0x3200, $0x200038;
	[tilespmem:$0x1AA00] =	vst v63  }
0x2f: {  	_ =	swait.ge [sflag:s19], $0x3200  }
0x30: {  	[sflag:s19] =	ssyncset.done $0x0  }
0x31: {  	[sflag:s19] =	ssyncadd.s32 $0xFFFFCE00  }
0x32: {  	[spmem:s8] =	stream.linear.scatter [tilespmem:s22], [sflag:$0x3], $0x3200, $0x200038;
	[tilespmem:$0x1AA00] =	vst v63  }
0x33: {  	_ =	swait.ge [sflag:s19], $0x3200  }
0x34: {  	[sflag:s19] =	ssyncset.done $0x0  }
0x35: {  	[sflag:s19] =	ssyncadd.s32 $0xFFFFCE00  }
0x36: {  	[spmem:s9] =	stream.linear.scatter [tilespmem:s22], [sflag:$0x3], $0x3200, $0x200038;
	[tilespmem:$0x1AA00] =	vst v63  }
0x37: {  	_ =	swait.ge [sflag:s19], $0x3200  }
0x38: {  	[sflag:s19] =	ssyncset.done $0x0  }
0x39: {  	[sflag:s19] =	ssyncadd.s32 $0xFFFFCE00  }
0x3a: {  	[spmem:s10] =	stream.linear.scatter [tilespmem:s22], [sflag:$0x3], $0x3200, $0x200038;
	[tilespmem:$0x1AA00] =	vst v63  }
0x3b: {  	_ =	swait.ge [sflag:s19], $0x3200  }
0x3c: {  	[sflag:s19] =	ssyncset.done $0x0  }
0x3d: {  	[sflag:s19] =	ssyncadd.s32 $0xFFFFCE00  }
0x3e: {  	[spmem:s11] =	stream.linear.scatter [tilespmem:s22], [sflag:$0x3], $0x3200, $0x200038;
	[tilespmem:$0x1AA00] =	vst v63  }
0x3f: {  	_ =	swait.ge [sflag:s19], $0x3200  }
0x40: {  	[sflag:s19] =	ssyncset.done $0x0  }
0x41: {  	[sflag:s19] =	ssyncadd.s32 $0xFFFFCE00  }
0x42: {  	[spmem:s12] =	stream.linear.scatter [tilespmem:s22], [sflag:$0x3], $0x1400, $0x200038;
	[tilespmem:$0x1AA00] =	vst v63  }
0x43: {  	_ =	swait.ge [sflag:s19], $0x1400  }
0x44: {  	[sflag:s19] =	ssyncset.done $0x0  }
0x45: {  	[sflag:s19] =	ssyncadd.s32 $0xFFFFEC00  }
0x46: {  	[bflag:$0x0] =	sbarrier.arrive $0xFFFF  }
0x47: {  	_ =	strace $0x90000051  }
0x48: {  	s30 =	sadd.s32 $0x0, s17;
	_ =	strace $0x80000052  }
0x49: {  	[tilespmem:s23], [sflag:$0x3] =	stream.linear.gather [hbm4b:s30+s3], $0x100, $0x200038;
	[tilespmem:$0x1AA00] =	vst v63  }
0x4a: {  	_ =	swait.ge [sflag:s19], $0x100  }
0x4b: {  	[sflag:s19] =	ssyncset.done $0x0  }
0x4c: {  	[sflag:s19] =	ssyncadd.s32 $0xFFFFFF00  }
0x4d: {  	_ =	swait.ge [sflag:s24], $0x3200  }
0x4e: {  	[sflag:s24] =	ssyncset.done $0x0  }
0x4f: {  	[sflag:s24] =	ssyncadd.s32 $0xFFFFCE00  }
0x50: {  	[tilespmem:s22], [sflag:$0x2] =	stream.indirect.gather [hbm4b:s4+s20], $0x80, s23, s20, $0x2000b8;
	[tilespmem:$0x1AA00] =	vst v63  }
0x51: {  	_ = 	snop  }
0x52: {  	[spmem:s1] =	stream.indirect.scatter.add.f32 [tilespmem:s21], [sflag:$0x3], $0x80, s25, s20, $0x2000b8;
	[tilespmem:$0x1AA00] =	vst v63  }
0x53: {  	_ =	swait.ge [sflag:s19], $0x3200  }
0x54: {  	[sflag:s19] =	ssyncset.done $0x0  }
0x55: {  	s30 =	sadd.s32 $0x0, s16;
	[sflag:s19] =	ssyncadd.s32 $0xFFFFCE00  }
0x56: {  	[tilespmem:s18], [sflag:$0x3] =	stream.linear.gather [hbm4b:s30+s3], $0x100, $0x200038;
	[tilespmem:$0x1AA00] =	vst v63  }
0x57: {  	_ =	swait.ge [sflag:s19], $0x100  }
0x58: {  	[sflag:s19] =	ssyncset.done $0x0  }
0x59: {  	[sflag:s19] =	ssyncadd.s32 $0xFFFFFF00  }
0x5a: {  	_ =	swait.ge [sflag:s26], $0x3200  }
0x5b: {  	[sflag:s26] =	ssyncset.done $0x0  }
0x5c: {  	[sflag:s26] =	ssyncadd.s32 $0xFFFFCE00  }
0x5d: {  	[tilespmem:s21], [sflag:$0x1] =	stream.indirect.gather [hbm4b:s4+s20], $0x80, s18, s20, $0x2000b8;
	[tilespmem:$0x1AA00] =	vst v63  }
0x5e: {  	_ = 	snop  }
0x5f: {  	[spmem:s1] =	stream.indirect.scatter.add.f32 [tilespmem:s22], [sflag:$0x3], $0x80, s28, s20, $0x2000b8;
	[tilespmem:$0x1AA00] =	vst v63  }
0x60: {  	_ =	swait.ge [sflag:s19], $0x3200  }
0x61: {  	s30 =	simm.s32 $0x40;
	[sflag:s19] =	ssyncset.done $0x0  }
.LBB2_4:
0x62: {  	p0 =	sne.s32 s30, $0xC00  }
0x63: {  	[sflag:s19] =	ssyncadd.s32 $0xFFFFCE00;
	s31 =	smov.u32 s30;
	s30 =	sadd.s32 $0x40, s30  }
0x64: {  	s0 =	sadd.s32 s31, s17  }
0x65: {  	[tilespmem:s23], [sflag:$0x3] =	stream.linear.gather [hbm4b:s0+s3], $0x100, $0x200038;
	[tilespmem:$0x1AA00] =	vst v63  }
0x66: {  	_ =	swait.ge [sflag:s19], $0x100  }
0x67: {  	[sflag:s19] =	ssyncset.done $0x0  }
0x68: {  	[sflag:s19] =	ssyncadd.s32 $0xFFFFFF00  }
0x69: {  	_ =	swait.ge [sflag:s24], $0x3200  }
0x6a: {  	[sflag:s24] =	ssyncset.done $0x0  }
0x6b: {  	[sflag:s24] =	ssyncadd.s32 $0xFFFFCE00  }
0x6c: {  	[tilespmem:s22], [sflag:$0x2] =	stream.indirect.gather [hbm4b:s4+s20], $0x80, s23, s20, $0x2000b8;
	[tilespmem:$0x1AA00] =	vst v63  }
0x6d: {  	_ = 	snop  }
0x6e: {  	[spmem:s1] =	stream.indirect.scatter.add.f32 [tilespmem:s21], [sflag:$0x3], $0x80, s25, s20, $0x2000b8;
	[tilespmem:$0x1AA00] =	vst v63  }
0x6f: {  	_ =	swait.ge [sflag:s19], $0x3200  }
0x70: {  	[sflag:s19] =	ssyncset.done $0x0  }
0x71: {  	s0 =	sadd.s32 s31, s16;
	[sflag:s19] =	ssyncadd.s32 $0xFFFFCE00  }
0x72: {  	[tilespmem:s18], [sflag:$0x3] =	stream.linear.gather [hbm4b:s0+s3], $0x100, $0x200038;
	[tilespmem:$0x1AA00] =	vst v63  }
0x73: {  	_ =	swait.ge [sflag:s19], $0x100  }
0x74: {  	[sflag:s19] =	ssyncset.done $0x0  }
0x75: {  	[sflag:s19] =	ssyncadd.s32 $0xFFFFFF00  }
0x76: {  	_ =	swait.ge [sflag:s26], $0x3200  }
0x77: {  	[sflag:s26] =	ssyncset.done $0x0  }
0x78: {  	[sflag:s26] =	ssyncadd.s32 $0xFFFFCE00  }
0x79: {  	[tilespmem:s21], [sflag:$0x1] =	stream.indirect.gather [hbm4b:s4+s20], $0x80, s18, s20, $0x2000b8;
	[tilespmem:$0x1AA00] =	vst v63  }
.Ltmp1:
0x7a: {  	_ = 	snop;
	(pc) =	sbr.rel @p0 .LBB2_4-.Ltmp1, $4  }
0x7b: {  	_ = 	snop  }
0x7c: {  	[spmem:s1] =	stream.indirect.scatter.add.f32 [tilespmem:s22], [sflag:$0x3], $0x80, s28, s20, $0x2000b8;
	[tilespmem:$0x1AA00] =	vst v63  }
0x7d: {  	_ =	swait.ge [sflag:s19], $0x3200  }
0x7e: {  	[sflag:s19] =	ssyncset.done $0x0  }
0x7f: {  	[sflag:s19] =	ssyncadd.s32 $0xFFFFCE00  }
0x80: {  	[tilespmem:s23], [sflag:$0x3] =	stream.linear.gather [hbm4b:s15+s3], $0x100, $0x200038;
	[tilespmem:$0x1AA00] =	vst v63  }
0x81: {  	_ =	swait.ge [sflag:s19], $0x100  }
0x82: {  	[sflag:s19] =	ssyncset.done $0x0  }
0x83: {  	[sflag:s19] =	ssyncadd.s32 $0xFFFFFF00  }
0x84: {  	_ =	swait.ge [sflag:s24], $0x3200  }
0x85: {  	[sflag:s24] =	ssyncset.done $0x0  }
0x86: {  	[sflag:s24] =	ssyncadd.s32 $0xFFFFCE00  }
0x87: {  	[tilespmem:s22], [sflag:$0x2] =	stream.indirect.gather [hbm4b:s4+s20], $0x80, s23, s20, $0x2000b8;
	[tilespmem:$0x1AA00] =	vst v63  }
0x88: {  	_ = 	snop  }
0x89: {  	[spmem:s1] =	stream.indirect.scatter.add.f32 [tilespmem:s21], [sflag:$0x3], $0x80, s25, s20, $0x2000b8;
	[tilespmem:$0x1AA00] =	vst v63  }
0x8a: {  	_ =	swait.ge [sflag:s19], $0x3200  }
0x8b: {  	[sflag:s19] =	ssyncset.done $0x0  }
0x8c: {  	[sflag:s19] =	ssyncadd.s32 $0xFFFFCE00  }
0x8d: {  	[tilespmem:s18], [sflag:$0x3] =	stream.linear.gather [hbm4b:s5+s3], $0x100, $0x200038;
	[tilespmem:$0x1AA00] =	vst v63  }
0x8e: {  	_ =	swait.ge [sflag:s19], $0x100  }
0x8f: {  	[sflag:s19] =	ssyncset.done $0x0  }
0x90: {  	[sflag:s19] =	ssyncadd.s32 $0xFFFFFF00  }
0x91: {  	_ =	swait.ge [sflag:s26], $0x3200  }
0x92: {  	[sflag:s26] =	ssyncset.done $0x0  }
0x93: {  	[sflag:s26] =	ssyncadd.s32 $0xFFFFCE00  }
0x94: {  	[tilespmem:s21], [sflag:$0x1] =	stream.indirect.gather [hbm4b:s4+s20], $0x80, s18, s20, $0x2000b8;
	[tilespmem:$0x1AA00] =	vst v63  }
0x95: {  	_ = 	snop  }
0x96: {  	[spmem:s1] =	stream.indirect.scatter.add.f32 [tilespmem:s22], [sflag:$0x3], $0x80, s28, s20, $0x2000b8;
	[tilespmem:$0x1AA00] =	vst v63  }
0x97: {  	_ =	swait.ge [sflag:s19], $0x3200  }
0x98: {  	[sflag:s19] =	ssyncset.done $0x0  }
0x99: {  	[sflag:s19] =	ssyncadd.s32 $0xFFFFCE00  }
0x9a: {  	_ =	swait.ge [sflag:s24], $0x3200  }
0x9b: {  	[sflag:s24] =	ssyncset.done $0x0  }
0x9c: {  	[sflag:s24] =	ssyncadd.s32 $0xFFFFCE00  }
0x9d: {  	s0 =	sshll.u32 s2, $0x6;
	_ =	strace $0x90000052  }
0x9e: {  	s30 =	sshrl.u32 s6, $0x3;
	s29 =	sadd.s32 $0x1, s29;
	_ =	strace $0x80000053  }
0x9f: {  	s0 =	sor.u32 $0x1C03, s0;
	p0 =	sne.s32 s29, s14;
	[bflag:$0x0] =	sbarrier.arrive $0xFFFF  }
0xa0: {  	[hbm:s13], [sflag:s0] =	dma.local [spmem:s30], $0x2800  }
.Ltmp2:
0xa1: {  	_ = 	snop;
	(pc) =	sbr.rel @p0 .LBB2_1-.Ltmp2, $4  }
0xa2: {  	_ =	swait.ge [sflag:s19], $0x2800  }
0xa3: {  	[sflag:s19] =	ssyncset.done $0x0  }
0xa4: {  	[sflag:s19] =	ssyncadd.s32 $0xFFFFD800  }
0xa5: {  	_ =	strace $0x90000053  }
0xa6: {  	_ =	sfence.sel $0x180000  }
0xa7: {  	[bflag:$0x0] =	sbarrier.arrive $0xFFFF  }
0xa8: {  	_ =	strace $0x90000050  }
0xa9: {  	[bflag:$0x2] =	sbarrier.arrive $0xFFFF  }
0xaa: {  	p0 =	sne.s32 s2, $0x0;
	s0 =	rddreg [dreg:$0x2]  }
0xab: {  	s0 =	sadd.s32 @!p0 $0x100000, s0  }
0xac: {  	[sflag:s0] =	ssyncadd.tile.s32 @!p0 $0x1;
	_ =	shalt  }
.Lfunc_end2:
_tile_overlayer_lowered:
.L_overlay_start_2:
0xad: {  	(tag) =	ssettag $0x2  }
0xae: {  	s0 =	rddreg [dreg:$0x0];
	s2 =	stileid.u32  }
0xaf: {  	s1 =	rddreg [dreg:$0x1];
	p0 =	sne.s32 s2, $0x0  }
0xb0: {  	s3 =	rddreg [dreg:$0x2];
	[bflag:$0x3] =	sbarrier.arrive $0xFFFF;
	s2 =	simm.s32 @!p0 $0x1C03  }
0xb1: {  	[timem:s3], [sflag:s2] =	dma.local @!p0 [hbm:s0], s1  }
0xb2: {  	s0 =	simm.s32 @!p0 $0x3  }
0xb3: {  	_ =	swait.ge @!p0 [sflag:s0], s1  }
0xb4: {  	s1 =	ssub.s32 @!p0 $0x0, s1;
	[sflag:s0] =	ssyncset.done @!p0 $0x0  }
0xb5: {  	[sflag:s0] =	ssyncadd.s32 @!p0 s1  }
0xb6: {  	[bflag:$0x3] =	sbarrier.arrive $0xFFFF  }
0xb7: {  	_ =	shalt  }

// kernel: kernel.38.cloned.1.call-start
scs
__scs_entry_jumppad:
0x0: {  	(pc) =	sbr.rel $0x88, $3  }
0x1: {  	(tag) =	ssettag $0x0;
	lr =	simm.s32 $0x1  }
0x2: {  	[smem:$0x3F91] =	sst lr;
	_ =	strace $0xD0000000  }
0x3: {  	_ = 	snop  }
0x4: {  	_ = 	snop  }
0x5: {  	_ = 	snop  }
0x6: {  	_ = 	snop  }
0x7: {  	_ = 	snop  }
__scs_overlays_trampoline_lowered:
0x8: {  	[smem:$0x3FA0] =	sst s0  }
0x9: {  	[smem:$0x3FA1] =	sst s1  }
0xa: {  	[smem:$0x3FA2] =	sst s2  }
0xb: {  	[smem:$0x3FA3] =	sst s3  }
0xc: {  	[smem:$0x3FA4] =	sst s4  }
0xd: {  	[smem:$0x3FA5] =	sst s5  }
0xe: {  	[smem:$0x3FA6] =	sst s6  }
0xf: {  	[smem:$0x3FA7] =	sst s7  }
0x10: {  	[smem:$0x3FA8] =	sst s8  }
0x11: {  	[smem:$0x3FA9] =	sst s9;
	s0 =	simm.s32 @!p0 $0x0  }
0x12: {  	s1 =	sld [smem:$0x3F8F];
	s0 =	simm.s32 @p0 $0x1  }
0x13: {  	[smem:$0x3FAA] =	sst s0;
	s0 =	simm.s32 @!p1 $0x0  }
0x14: {  	s2 =	sld [smem:$0x3F8E];
	s0 =	simm.s32 @p1 $0x1  }
0x15: {  	[smem:$0x3FAB] =	sst s0;
	s0 =	simm.s32 @!p2 $0x0  }
0x16: {  	s3 =	sld [smem:$0x3FDB];
	s0 =	simm.s32 @p2 $0x1  }
0x17: {  	s4 =	simm.s32 $0x1BF5;
	[smem:$0x3FAD] =	sst s0  }
0x18: {  	s0 =	sld [smem:$0x3F90];
	_ =	swait.ge [sflag:s4], $0x0  }
0x19: {  	s7 =	sld [smem:$0x3F91]  }
0x1a: {  	s8 =	sadd.s32 $0xFFFFE003, lr  }
0x1b: {  	s9 =	sadd.s32 $0xFFFFFEF7, lr;
	s5 =	simm.s32 $0xFFFFFFFF;
	p2 =	slt.u32 s8, $0xFFFFF086  }
0x1c: {  	p1 =	slt.u32 s9, $0xF7A;
	s5 =	simm.s32 @!p2 $0x0  }
0x1d: {  	s5 =	simm.s32 @p1 $0x1;
	p0 =	seq.s32 s7, s2  }
0x1e: {  	s7 =	smul.u32 @!p0 $0xF7A, s2;
	p2 =	seq.s32 @!p0 s5, $0x0  }
0x1f: {  	s9 =	smul.u32 $0xF7A, s1;
	s8 =	simm.s32 @!p0 $0x1BF5;
	p2 =	por !p2, p0  }
0x20: {  	[sflag:s8] =	ssyncset.s32 @!p0 $0xFFFFF086;
	s6 =	sadd.s32 @!p0 s3, s7;
	s7 =	simm.s32 @!p0 $0x108  }
0x21: {  	s3 =	sadd.s32 s3, s9;
	s6 =	sadd.s32 @!p0 $0x88, s6;
	s7 =	simm.s32 @p2 $0x1082  }
0x22: {  	[simem:s7], [sflag:s8] =	dma.local @!p0 [hbm:s6], $0xF7A  }
0x23: {  	s9 =	sor.u32 $0xD0000000, s2;
	s6 =	simm.s32 $0x108;
	_ =	swait.ge @!p0 [sflag:s8], $0x0  }
0x24: {  	s3 =	sadd.s32 $0x88, s3;
	s6 =	simm.s32 @!p1 $0x1082;
	[sflag:s4] =	ssyncset.s32 $0xFFFFF086  }
0x25: {  	[simem:s6], [sflag:s4] =	dma.local [hbm:s3], $0xF7A  }
0x26: {  	[smem:$0x3F91] =	sst s1;
	(tag) =	ssettag s2;
	_ =	strace s9  }
0x27: {  	s1 =	sld [smem:$0x3FA1]  }
0x28: {  	s2 =	sld [smem:$0x3FA2]  }
0x29: {  	s4 =	sld [smem:$0x3FA4]  }
0x2a: {  	p0 =	seq.s32 s5, $0x0;
	s5 =	sld [smem:$0x3FA5]  }
0x2b: {  	s6 =	sld [smem:$0x3FA6]  }
0x2c: {  	s7 =	sld [smem:$0x3FA7]  }
0x2d: {  	s3 =	simm.s32 $0x108;
	s8 =	sld [smem:$0x3FA8]  }
0x2e: {  	s3 =	simm.s32 @!p0 $0x1082;
	s9 =	sld [smem:$0x3FA9]  }
0x2f: {  	lr =	sadd.s32 s0, s3;
	s0 =	sld [smem:$0x3FA0]  }
0x30: {  	s3 =	sld [smem:$0x3FA3]  }
0x31: {  	[smem:$0x3FAC] =	sst s10  }
0x32: {  	s10 =	sld [smem:$0x3FAA];
	_ =	sdelay $0x3  }
0x33: {  	p0 =	seq.s32 s10, $0x1;
	s10 =	sld [smem:$0x3FAC];
	_ =	sdelay $0x3  }
0x34: {  	[smem:$0x3FAC] =	sst s10  }
0x35: {  	s10 =	sld [smem:$0x3FAB];
	_ =	sdelay $0x3  }
0x36: {  	p1 =	seq.s32 s10, $0x1;
	s10 =	sld [smem:$0x3FAC];
	_ =	sdelay $0x3  }
0x37: {  	[smem:$0x3FAC] =	sst s10  }
0x38: {  	s10 =	sld [smem:$0x3FAD]  }
0x39: {  	_ = 	snop;
	(pc) =	sbr.ind lr, $3  }
0x3a: {  	_ = 	snop  }
0x3b: {  	_ = 	snop  }
0x3c: {  	p2 =	seq.s32 s10, $0x1;
	s10 =	sld [smem:$0x3FAC]  }
0x3d: {  	_ =	shalt  }
0x3e: {  	_ =	shalt  }
0x3f: {  	_ =	shalt  }
0x40: {  	_ =	shalt  }
0x41: {  	_ =	shalt  }
0x42: {  	_ =	shalt  }
0x43: {  	_ =	shalt  }
0x44: {  	_ =	shalt  }
0x45: {  	_ =	shalt  }
0x46: {  	_ =	shalt  }
0x47: {  	_ =	shalt  }
0x48: {  	_ =	shalt  }
0x49: {  	_ =	shalt  }
0x4a: {  	_ =	shalt  }
0x4b: {  	_ =	shalt  }
0x4c: {  	_ =	shalt  }
0x4d: {  	_ =	shalt  }
0x4e: {  	_ =	shalt  }
0x4f: {  	_ =	shalt  }
0x50: {  	_ =	shalt  }
0x51: {  	_ =	shalt  }
0x52: {  	_ =	shalt  }
0x53: {  	_ =	shalt  }
0x54: {  	_ =	shalt  }
0x55: {  	_ =	shalt  }
0x56: {  	_ =	shalt  }
0x57: {  	_ =	shalt  }
0x58: {  	_ =	shalt  }
0x59: {  	_ =	shalt  }
0x5a: {  	_ =	shalt  }
0x5b: {  	_ =	shalt  }
0x5c: {  	_ =	shalt  }
0x5d: {  	_ =	shalt  }
0x5e: {  	_ =	shalt  }
0x5f: {  	_ =	shalt  }
0x60: {  	_ =	shalt  }
0x61: {  	_ =	shalt  }
0x62: {  	_ =	shalt  }
0x63: {  	_ =	shalt  }
0x64: {  	_ =	shalt  }
0x65: {  	_ =	shalt  }
0x66: {  	_ =	shalt  }
0x67: {  	_ =	shalt  }
0x68: {  	_ =	shalt  }
0x69: {  	_ =	shalt  }
0x6a: {  	_ =	shalt  }
0x6b: {  	_ =	shalt  }
0x6c: {  	_ =	shalt  }
0x6d: {  	_ =	shalt  }
0x6e: {  	_ =	shalt  }
0x6f: {  	_ =	shalt  }
0x70: {  	_ =	shalt  }
0x71: {  	_ =	shalt  }
0x72: {  	_ =	shalt  }
0x73: {  	_ =	shalt  }
0x74: {  	_ =	shalt  }
0x75: {  	_ =	shalt  }
0x76: {  	_ =	shalt  }
0x77: {  	_ =	shalt  }
0x78: {  	_ =	shalt  }
0x79: {  	_ =	shalt  }
0x7a: {  	_ =	shalt  }
0x7b: {  	_ =	shalt  }
0x7c: {  	_ =	shalt  }
0x7d: {  	_ =	shalt  }
0x7e: {  	_ =	shalt  }
0x7f: {  	_ =	shalt  }
0x80: {  	_ =	shalt  }
0x81: {  	_ =	shalt  }
0x82: {  	_ =	shalt  }
0x83: {  	_ =	shalt  }
0x84: {  	_ =	shalt  }
0x85: {  	_ =	shalt  }
0x86: {  	_ =	shalt  }
0x87: {  	_ =	shalt  }
.Lfunc_end0:
.L_simem_size_0:
called_computation.3_lowered:
.L_overlay_start_0:
0x88: {  	s2 =	sld [smem:$0x3FD9]  }
0x89: {  	s3 =	sld [smem:$0x3FFE];
	_ =	sdelay $0x1  }
0x8a: {  	s1 =	srdreg.scid  }
0x8b: {  	s0 =	sand.u32 $0x1, s1  }
0x8c: {  	s16 =	sshll.u32 s0, $0xA;
	s2 =	sadd.s32 s3, s2  }
0x8d: {  	s2 =	sadd.s32 s2, s16  }
0x8e: {  	[smem:$0x3FB8] =	sst s2  }
0x8f: {  	_ = 	snop  }
0x90: {  	(tm) =	ssettm $0x1  }
0x91: {  	s17 =	sld [smem:$0x3FFB];
	_ =	sdelay $0x3  }
0x92: {  	_ =	strace s17  }
0x93: {  	s2 =	sld [smem:$0x3FFC];
	_ =	sdelay $0x3  }
0x94: {  	_ =	strace s2  }
0x95: {  	s2 =	sld [smem:$0x3FFD];
	_ =	sdelay $0x3  }
0x96: {  	_ =	strace s2  }
0x97: {  	_ =	strace $0x8FFFFFFF  }
0x98: {  	s18 =	sld [smem:$0x3FDB];
	_ =	sdelay $0x1  }
0x99: {  	s19 =	simm.s32 $_scs_section_size  }
0x9a: {  	s4 =	simm.s32 $_size__tile_overlayer_lowered;
	s5 =	simm.s32 $_tile_overlayer_lowered  }
0x9b: {  	s22 =	simm.s32 $0x1BFF;
	s21 =	sshll.u32 s5, $0x1;
	s2 =	sadd.s32 s19, s18  }
0x9c: {  	s6 =	simm.s32 $0x0;
	s20 =	sshll.u32 s4, $0x1;
	s4 =	sadd.s32 s21, s2  }
0x9d: {  	[timem:s6], [sflag:s22] =	dma.local [hbm:s4], s20  }
0x9e: {  	_ =	swait.ge [sflag:s22], s20  }
0x9f: {  	s3 =	ssub.s32 $0x0, s20;
	[sflag:s22] =	ssyncset.done $0x0  }
0xa0: {  	[sflag:s22] =	ssyncadd.s32 s3;
	_ =	sdelay $0x1  }
0xa1: {  	s23 =	simm.s32 $0x1B8B  }
0xa2: {  	_ =	swait.ge [sflag:s23], $0x1  }
0xa3: {  	[sflag:s23] =	ssyncset.done $0x0  }
0xa4: {  	s25 =	simm.s32 $0x1B8E;
	s24 =	sld [smem:$0x3FFE];
	[sflag:s23] =	ssyncadd.s32 $0xFFFFFFFF  }
0xa5: {  	s26 =	simm.s32 $execute0_lowered;
	[smem:$0x3FD2] =	sst s25  }
0xa6: {  	s4 =	sshll.u32 s26, $0x1;
	_ =	strace $0x80000055;
	[dreg:$0x1] =	wrdreg $0xFFFFFFFF  }
0xa7: {  	s28 =	simm.s32 $_size_execute0_lowered;
	s2 =	sadd.s32 s2, s4;
	[dreg:$0x0] =	wrdreg $0x0  }
0xa8: {  	s4 =	sshll.u32 s28, $0x1;
	[dreg:$0x2] =	wrdreg s2  }
0xa9: {  	[dreg:$0x3] =	wrdreg s4  }
0xaa: {  	[dreg:$0x4] =	wrdreg $0xC0  }
0xab: {  	_ =	task [dreg:s6], $0x5FFFF  }
0xac: {  	[dreg:$0x1] =	wrdreg $0xFFFFFFFF  }
0xad: {  	[dreg:$0x0] =	wrdreg $0x60  }
0xae: {  	[dreg:$0x2] =	wrdreg s24  }
0xaf: {  	[dreg:$0x3] =	wrdreg $0x0  }
0xb0: {  	[dreg:$0x4] =	wrdreg $0x9  }
0xb1: {  	_ =	task.clear_ibuf [dreg:s6], $0x5FFFF;
	_ =	strace $0x90000055  }
0xb2: {  	s29 =	simm.s32 $0x9;
	_ =	strace $0x8000005A  }
0xb3: {  	_ =	swait.ge [sflag:s29], $0x1  }
0xb4: {  	[sflag:s29] =	ssyncadd.s32 $0xFFFFFFFF  }
0xb5: {  	_ =	strace $0x9000005A  }
0xb6: {  	_ =	sfence  }
0xb7: {  	s30 =	sld [smem:$0x0];
	_ =	sdelay $0x2  }
0xb8: {  	s31 =	sshll.u32 s1, $0xD;
	s1 =	sshrl.u32 s1, $0x2  }
0xb9: {  	s3 =	sand.u32 $0x4000, s31;
	s1 =	sadd.s32 s1, s30  }
0xba: {  	s0 =	sor.u32 s3, s0;
	s1 =	sshll.u32 s1, $0x11  }
0xbb: {  	s0 =	sor.u32 s1, s0  }
0xbc: {  	s0 =	sadd.s32 $0x8F2B, s0  }
0xbd: {  	[sflag:s0] =	ssyncadd.remote.s32 $0x1  }
0xbe: {  	_ =	sfence.sel $0xFFFF  }
0xbf: {  	[dreg:$0x0] =	wrdreg $0xFFFFFFFF;
	(pc) =	sbr.abs _section_cstart, $3  }
0xc0: {  	[dreg:$0x1] =	wrdreg $0xFFFFFFFF  }
0xc1: {  	_ =	task.clear_ibuf [dreg:s6], $0x2FFFF;
	_ =	strace $0x9FFFFFFF  }
0xc2: {  	(tm) =	ssettm $0x7FFFFFFF  }
0xc3: {  	_ =	shalt  }
tec
execute0_lowered:
.L_overlay_start_1:
0x0: {  	(tag) =	ssettag $0x1  }
0x1: {  	s5 =	rddreg [dreg:$0x0]  }
0x2: {  	s1 =	rddreg [dreg:$0x1];
	s2 =	srdreg.scid;
	s3 =	simm.s32 $0x0  }
0x3: {  	s19 =	simm.s32 $0x3;
	s20 =	simm.s32 $0x64;
	s21 =	simm.s32 $0x14200  }
0x4: {  	s22 =	simm.s32 $0x17600;
	s23 =	simm.s32 $0x14100;
	s24 =	simm.s32 $0x1  }
0x5: {  	s25 =	simm.s32 $0x14080;
	s28 =	simm.s32 $0x14180;
	s6 =	sand.u32 $0x1, s2  }
0x6: {  	s29 =	simm.s32 $0x0;
	s2 =	stileid.u32;
	s7 =	smul.u32 $0x140000, s6  }
0x7: {  	[smem:$0x7FF] =	sst s3;
	s4 =	sadd.s32 $0x30400, s5;
	s8 =	smul.u32 $0x14000, s2  }
0x8: {  	s17 =	sadd.s32 $0x17400, s5;
	s9 =	sshll.u32 s6, $0x4;
	s11 =	smul.u32 $0x50000, s2  }
0x9: {  	_ =	strace $0x80000056;
	s26 =	ssub.s32 $0x2, s6;
	s12 =	smul.u32 $0x64000, s6  }
0xa: {  	s15 =	smul.u32 $0x6400, s2;
	s9 =	sor.u32 s2, s9;
	s10 =	sshrl.u32 s26, $0x1  }
0xb: {  	s7 =	sadd.s32 s8, s7;
	s9 =	smul.u32 $0x6400, s9;
	s14 =	ssub.s32 s26, s10  }
0xc: {  	s31 =	sshrl.u32 s11, $0x2;
	s15 =	sadd.s32 s15, s12;
	s26 =	simm.s32 $0x2  }
0xd: {  	s7 =	sshrl.u32 s7, $0x3;
	s6 =	sadd.s32 s31, s1;
	s16 =	sor.u32 $0x200, s15  }
0xe: {  	s14 =	smax.u32 s14, $0x1;
	s18 =	sor.u32 $0x100, s15;
	s13 =	sadd.s32 s7, s5  }
0xf: {  	s30 =	sshrl.u32 s9, $0x3;
	s7 =	sadd.s32 $0x3200, s6;
	s8 =	sadd.s32 $0x6400, s6  }
0x10: {  	s9 =	sadd.s32 $0x9600, s6;
	s10 =	sadd.s32 $0xC800, s6;
	s11 =	sadd.s32 $0xFA00, s6  }
0x11: {  	s12 =	sadd.s32 $0x12C00, s6;
	s16 =	sshrl.u32 s16, $0x3;
	s18 =	sshrl.u32 s18, $0x3  }
0x12: {  	s5 =	sadd.s32 s17, s30;
	s13 =	sadd.s32 $0x57600, s13;
	s16 =	sadd.s32 s16, s17  }
0x13: {  	v0 =	vimm.f32 $0.0e+00;
	s17 =	sadd.s32 s18, s17;
	s18 =	simm.s32 $0x14000;
	s15 =	sadd.s32 $0xC60, s5  }
.LBB2_1:
0x14: {  	_ =	strace $0x80000057  }
0x15: {  	[tilespmem:s18], [sflag:$0x3] =	stream.linear.gather [hbm4b:s5+s3], $0x100, $0x200038;
	[tilespmem:$0x1AA00] =	vst v63  }
0x16: {  	_ =	swait.ge [sflag:s19], $0x100  }
0x17: {  	[sflag:s19] =	ssyncset.done $0x0  }
0x18: {  	s30 =	simm.s32 $0x0;
	s31 =	simm.s32 $0x200;
	[sflag:s19] =	ssyncadd.s32 $0xFFFFFF00  }
0x19: {  	[tilespmem:s21], [sflag:$0x1] =	stream.indirect.gather [hbm4b:s4+s20], $0x80, s18, s20, $0x2000b8;
	[tilespmem:$0x1AA00] =	vst v63  }
.LBB2_2:
0x1a: {  	p0 =	sne.s32 s31, $0xC600;
	[tilespmem:s30+$0x17670] =	vst v0  }
0x1b: {  	[tilespmem:s30+$0x17600] =	vst v0  }
0x1c: {  	[tilespmem:s30+$0x17610] =	vst v0  }
.Ltmp0:
0x1d: {  	[tilespmem:s30+$0x17620] =	vst v0;
	(pc) =	sbr.rel @p0 .LBB2_2-.Ltmp0, $4  }
0x1e: {  	[tilespmem:s30+$0x17630] =	vst v0  }
0x1f: {  	[tilespmem:s30+$0x17640] =	vst v0  }
0x20: {  	[tilespmem:s30+$0x17650] =	vst v0  }
0x21: {  	[tilespmem:s30+$0x17660] =	vst v0;
	s30 =	sshra.s32 s31, $0x2;
	s31 =	sadd.s32 $0x200, s31  }
0x22: {  	[tilespmem:s30+$0x17670] =	vst v0  }
0x23: {  	[tilespmem:s30+$0x17600] =	vst v0  }
0x24: {  	[tilespmem:s30+$0x17610] =	vst v0  }
0x25: {  	[tilespmem:s30+$0x17620] =	vst v0  }
0x26: {  	[tilespmem:s30+$0x17630] =	vst v0  }
0x27: {  	[tilespmem:s30+$0x17640] =	vst v0  }
0x28: {  	[tilespmem:s30+$0x17650] =	vst v0  }
0x29: {  	[tilespmem:s30+$0x17660] =	vst v0  }
0x2a: {  	[spmem:s6] =	stream.linear.scatter [tilespmem:s22], [sflag:$0x3], $0x3200, $0x200038;
	[tilespmem:$0x1AA00] =	vst v63  }
0x2b: {  	_ =	swait.ge [sflag:s19], $0x3200  }
0x2c: {  	[sflag:s19] =	ssyncset.done $0x0  }
0x2d: {  	[sflag:s19] =	ssyncadd.s32 $0xFFFFCE00  }
0x2e: {  	[spmem:s7] =	stream.linear.scatter [tilespmem:s22], [sflag:$0x3], $0x3200, $0x200038;
	[tilespmem:$0x1AA00] =	vst v63  }
0x2f: {  	_ =	swait.ge [sflag:s19], $0x3200  }
0x30: {  	[sflag:s19] =	ssyncset.done $0x0  }
0x31: {  	[sflag:s19] =	ssyncadd.s32 $0xFFFFCE00  }
0x32: {  	[spmem:s8] =	stream.linear.scatter [tilespmem:s22], [sflag:$0x3], $0x3200, $0x200038;
	[tilespmem:$0x1AA00] =	vst v63  }
0x33: {  	_ =	swait.ge [sflag:s19], $0x3200  }
0x34: {  	[sflag:s19] =	ssyncset.done $0x0  }
0x35: {  	[sflag:s19] =	ssyncadd.s32 $0xFFFFCE00  }
0x36: {  	[spmem:s9] =	stream.linear.scatter [tilespmem:s22], [sflag:$0x3], $0x3200, $0x200038;
	[tilespmem:$0x1AA00] =	vst v63  }
0x37: {  	_ =	swait.ge [sflag:s19], $0x3200  }
0x38: {  	[sflag:s19] =	ssyncset.done $0x0  }
0x39: {  	[sflag:s19] =	ssyncadd.s32 $0xFFFFCE00  }
0x3a: {  	[spmem:s10] =	stream.linear.scatter [tilespmem:s22], [sflag:$0x3], $0x3200, $0x200038;
	[tilespmem:$0x1AA00] =	vst v63  }
0x3b: {  	_ =	swait.ge [sflag:s19], $0x3200  }
0x3c: {  	[sflag:s19] =	ssyncset.done $0x0  }
0x3d: {  	[sflag:s19] =	ssyncadd.s32 $0xFFFFCE00  }
0x3e: {  	[spmem:s11] =	stream.linear.scatter [tilespmem:s22], [sflag:$0x3], $0x3200, $0x200038;
	[tilespmem:$0x1AA00] =	vst v63  }
0x3f: {  	_ =	swait.ge [sflag:s19], $0x3200  }
0x40: {  	[sflag:s19] =	ssyncset.done $0x0  }
0x41: {  	[sflag:s19] =	ssyncadd.s32 $0xFFFFCE00  }
0x42: {  	[spmem:s12] =	stream.linear.scatter [tilespmem:s22], [sflag:$0x3], $0x1400, $0x200038;
	[tilespmem:$0x1AA00] =	vst v63  }
0x43: {  	_ =	swait.ge [sflag:s19], $0x1400  }
0x44: {  	[sflag:s19] =	ssyncset.done $0x0  }
0x45: {  	[sflag:s19] =	ssyncadd.s32 $0xFFFFEC00  }
0x46: {  	[bflag:$0x0] =	sbarrier.arrive $0xFFFF  }
0x47: {  	_ =	strace $0x90000057  }
0x48: {  	s30 =	sadd.s32 $0x0, s17;
	_ =	strace $0x80000058  }
0x49: {  	[tilespmem:s23], [sflag:$0x3] =	stream.linear.gather [hbm4b:s30+s3], $0x100, $0x200038;
	[tilespmem:$0x1AA00] =	vst v63  }
0x4a: {  	_ =	swait.ge [sflag:s19], $0x100  }
0x4b: {  	[sflag:s19] =	ssyncset.done $0x0  }
0x4c: {  	[sflag:s19] =	ssyncadd.s32 $0xFFFFFF00  }
0x4d: {  	_ =	swait.ge [sflag:s24], $0x3200  }
0x4e: {  	[sflag:s24] =	ssyncset.done $0x0  }
0x4f: {  	[sflag:s24] =	ssyncadd.s32 $0xFFFFCE00  }
0x50: {  	[tilespmem:s22], [sflag:$0x2] =	stream.indirect.gather [hbm4b:s4+s20], $0x80, s23, s20, $0x2000b8;
	[tilespmem:$0x1AA00] =	vst v63  }
0x51: {  	_ = 	snop  }
0x52: {  	[spmem:s1] =	stream.indirect.scatter.add.f32 [tilespmem:s21], [sflag:$0x3], $0x80, s25, s20, $0x2000b8;
	[tilespmem:$0x1AA00] =	vst v63  }
0x53: {  	_ =	swait.ge [sflag:s19], $0x3200  }
0x54: {  	[sflag:s19] =	ssyncset.done $0x0  }
0x55: {  	s30 =	sadd.s32 $0x0, s16;
	[sflag:s19] =	ssyncadd.s32 $0xFFFFCE00  }
0x56: {  	[tilespmem:s18], [sflag:$0x3] =	stream.linear.gather [hbm4b:s30+s3], $0x100, $0x200038;
	[tilespmem:$0x1AA00] =	vst v63  }
0x57: {  	_ =	swait.ge [sflag:s19], $0x100  }
0x58: {  	[sflag:s19] =	ssyncset.done $0x0  }
0x59: {  	[sflag:s19] =	ssyncadd.s32 $0xFFFFFF00  }
0x5a: {  	_ =	swait.ge [sflag:s26], $0x3200  }
0x5b: {  	[sflag:s26] =	ssyncset.done $0x0  }
0x5c: {  	[sflag:s26] =	ssyncadd.s32 $0xFFFFCE00  }
0x5d: {  	[tilespmem:s21], [sflag:$0x1] =	stream.indirect.gather [hbm4b:s4+s20], $0x80, s18, s20, $0x2000b8;
	[tilespmem:$0x1AA00] =	vst v63  }
0x5e: {  	_ = 	snop  }
0x5f: {  	[spmem:s1] =	stream.indirect.scatter.add.f32 [tilespmem:s22], [sflag:$0x3], $0x80, s28, s20, $0x2000b8;
	[tilespmem:$0x1AA00] =	vst v63  }
0x60: {  	_ =	swait.ge [sflag:s19], $0x3200  }
0x61: {  	s30 =	simm.s32 $0x40;
	[sflag:s19] =	ssyncset.done $0x0  }
.LBB2_4:
0x62: {  	p0 =	sne.s32 s30, $0xC00  }
0x63: {  	[sflag:s19] =	ssyncadd.s32 $0xFFFFCE00;
	s31 =	smov.u32 s30;
	s30 =	sadd.s32 $0x40, s30  }
0x64: {  	s0 =	sadd.s32 s31, s17  }
0x65: {  	[tilespmem:s23], [sflag:$0x3] =	stream.linear.gather [hbm4b:s0+s3], $0x100, $0x200038;
	[tilespmem:$0x1AA00] =	vst v63  }
0x66: {  	_ =	swait.ge [sflag:s19], $0x100  }
0x67: {  	[sflag:s19] =	ssyncset.done $0x0  }
0x68: {  	[sflag:s19] =	ssyncadd.s32 $0xFFFFFF00  }
0x69: {  	_ =	swait.ge [sflag:s24], $0x3200  }
0x6a: {  	[sflag:s24] =	ssyncset.done $0x0  }
0x6b: {  	[sflag:s24] =	ssyncadd.s32 $0xFFFFCE00  }
0x6c: {  	[tilespmem:s22], [sflag:$0x2] =	stream.indirect.gather [hbm4b:s4+s20], $0x80, s23, s20, $0x2000b8;
	[tilespmem:$0x1AA00] =	vst v63  }
0x6d: {  	_ = 	snop  }
0x6e: {  	[spmem:s1] =	stream.indirect.scatter.add.f32 [tilespmem:s21], [sflag:$0x3], $0x80, s25, s20, $0x2000b8;
	[tilespmem:$0x1AA00] =	vst v63  }
0x6f: {  	_ =	swait.ge [sflag:s19], $0x3200  }
0x70: {  	[sflag:s19] =	ssyncset.done $0x0  }
0x71: {  	s0 =	sadd.s32 s31, s16;
	[sflag:s19] =	ssyncadd.s32 $0xFFFFCE00  }
0x72: {  	[tilespmem:s18], [sflag:$0x3] =	stream.linear.gather [hbm4b:s0+s3], $0x100, $0x200038;
	[tilespmem:$0x1AA00] =	vst v63  }
0x73: {  	_ =	swait.ge [sflag:s19], $0x100  }
0x74: {  	[sflag:s19] =	ssyncset.done $0x0  }
0x75: {  	[sflag:s19] =	ssyncadd.s32 $0xFFFFFF00  }
0x76: {  	_ =	swait.ge [sflag:s26], $0x3200  }
0x77: {  	[sflag:s26] =	ssyncset.done $0x0  }
0x78: {  	[sflag:s26] =	ssyncadd.s32 $0xFFFFCE00  }
0x79: {  	[tilespmem:s21], [sflag:$0x1] =	stream.indirect.gather [hbm4b:s4+s20], $0x80, s18, s20, $0x2000b8;
	[tilespmem:$0x1AA00] =	vst v63  }
.Ltmp1:
0x7a: {  	_ = 	snop;
	(pc) =	sbr.rel @p0 .LBB2_4-.Ltmp1, $4  }
0x7b: {  	_ = 	snop  }
0x7c: {  	[spmem:s1] =	stream.indirect.scatter.add.f32 [tilespmem:s22], [sflag:$0x3], $0x80, s28, s20, $0x2000b8;
	[tilespmem:$0x1AA00] =	vst v63  }
0x7d: {  	_ =	swait.ge [sflag:s19], $0x3200  }
0x7e: {  	[sflag:s19] =	ssyncset.done $0x0  }
0x7f: {  	[sflag:s19] =	ssyncadd.s32 $0xFFFFCE00  }
0x80: {  	[tilespmem:s23], [sflag:$0x3] =	stream.linear.gather [hbm4b:s15+s3], $0x100, $0x200038;
	[tilespmem:$0x1AA00] =	vst v63  }
0x81: {  	_ =	swait.ge [sflag:s19], $0x100  }
0x82: {  	[sflag:s19] =	ssyncset.done $0x0  }
0x83: {  	[sflag:s19] =	ssyncadd.s32 $0xFFFFFF00  }
0x84: {  	_ =	swait.ge [sflag:s24], $0x3200  }
0x85: {  	[sflag:s24] =	ssyncset.done $0x0  }
0x86: {  	[sflag:s24] =	ssyncadd.s32 $0xFFFFCE00  }
0x87: {  	[tilespmem:s22], [sflag:$0x2] =	stream.indirect.gather [hbm4b:s4+s20], $0x80, s23, s20, $0x2000b8;
	[tilespmem:$0x1AA00] =	vst v63  }
0x88: {  	_ = 	snop  }
0x89: {  	[spmem:s1] =	stream.indirect.scatter.add.f32 [tilespmem:s21], [sflag:$0x3], $0x80, s25, s20, $0x2000b8;
	[tilespmem:$0x1AA00] =	vst v63  }
0x8a: {  	_ =	swait.ge [sflag:s19], $0x3200  }
0x8b: {  	[sflag:s19] =	ssyncset.done $0x0  }
0x8c: {  	[sflag:s19] =	ssyncadd.s32 $0xFFFFCE00  }
0x8d: {  	[tilespmem:s18], [sflag:$0x3] =	stream.linear.gather [hbm4b:s5+s3], $0x100, $0x200038;
	[tilespmem:$0x1AA00] =	vst v63  }
0x8e: {  	_ =	swait.ge [sflag:s19], $0x100  }
0x8f: {  	[sflag:s19] =	ssyncset.done $0x0  }
0x90: {  	[sflag:s19] =	ssyncadd.s32 $0xFFFFFF00  }
0x91: {  	_ =	swait.ge [sflag:s26], $0x3200  }
0x92: {  	[sflag:s26] =	ssyncset.done $0x0  }
0x93: {  	[sflag:s26] =	ssyncadd.s32 $0xFFFFCE00  }
0x94: {  	[tilespmem:s21], [sflag:$0x1] =	stream.indirect.gather [hbm4b:s4+s20], $0x80, s18, s20, $0x2000b8;
	[tilespmem:$0x1AA00] =	vst v63  }
0x95: {  	_ = 	snop  }
0x96: {  	[spmem:s1] =	stream.indirect.scatter.add.f32 [tilespmem:s22], [sflag:$0x3], $0x80, s28, s20, $0x2000b8;
	[tilespmem:$0x1AA00] =	vst v63  }
0x97: {  	_ =	swait.ge [sflag:s19], $0x3200  }
0x98: {  	[sflag:s19] =	ssyncset.done $0x0  }
0x99: {  	[sflag:s19] =	ssyncadd.s32 $0xFFFFCE00  }
0x9a: {  	_ =	swait.ge [sflag:s24], $0x3200  }
0x9b: {  	[sflag:s24] =	ssyncset.done $0x0  }
0x9c: {  	[sflag:s24] =	ssyncadd.s32 $0xFFFFCE00  }
0x9d: {  	s0 =	sshll.u32 s2, $0x6;
	_ =	strace $0x90000058  }
0x9e: {  	s30 =	sshrl.u32 s6, $0x3;
	s29 =	sadd.s32 $0x1, s29;
	_ =	strace $0x80000059  }
0x9f: {  	s0 =	sor.u32 $0x1C03, s0;
	p0 =	sne.s32 s29, s14;
	[bflag:$0x0] =	sbarrier.arrive $0xFFFF  }
0xa0: {  	[hbm:s13], [sflag:s0] =	dma.local [spmem:s30], $0x2800  }
.Ltmp2:
0xa1: {  	_ = 	snop;
	(pc) =	sbr.rel @p0 .LBB2_1-.Ltmp2, $4  }
0xa2: {  	_ =	swait.ge [sflag:s19], $0x2800  }
0xa3: {  	[sflag:s19] =	ssyncset.done $0x0  }
0xa4: {  	[sflag:s19] =	ssyncadd.s32 $0xFFFFD800  }
0xa5: {  	_ =	strace $0x90000059  }
0xa6: {  	_ =	sfence.sel $0x180000  }
0xa7: {  	[bflag:$0x0] =	sbarrier.arrive $0xFFFF  }
0xa8: {  	_ =	strace $0x90000056  }
0xa9: {  	[bflag:$0x2] =	sbarrier.arrive $0xFFFF  }
0xaa: {  	p0 =	sne.s32 s2, $0x0;
	s0 =	rddreg [dreg:$0x2]  }
0xab: {  	s0 =	sadd.s32 @!p0 $0x100000, s0  }
0xac: {  	[sflag:s0] =	ssyncadd.tile.s32 @!p0 $0x1;
	_ =	shalt  }
.Lfunc_end2:
_tile_overlayer_lowered:
.L_overlay_start_2:
0xad: {  	(tag) =	ssettag $0x2  }
0xae: {  	s0 =	rddreg [dreg:$0x0];
	s2 =	stileid.u32  }
0xaf: {  	s1 =	rddreg [dreg:$0x1];
	p0 =	sne.s32 s2, $0x0  }
0xb0: {  	s3 =	rddreg [dreg:$0x2];
	[bflag:$0x3] =	sbarrier.arrive $0xFFFF;
	s2 =	simm.s32 @!p0 $0x1C03  }
0xb1: {  	[timem:s3], [sflag:s2] =	dma.local @!p0 [hbm:s0], s1  }
0xb2: {  	s0 =	simm.s32 @!p0 $0x3  }
0xb3: {  	_ =	swait.ge @!p0 [sflag:s0], s1  }
0xb4: {  	s1 =	ssub.s32 @!p0 $0x0, s1;
	[sflag:s0] =	ssyncset.done @!p0 $0x0  }
0xb5: {  	[sflag:s0] =	ssyncadd.s32 @!p0 s1  }
0xb6: {  	[bflag:$0x3] =	sbarrier.arrive $0xFFFF  }
0xb7: {  	_ =	shalt  }

// kernel: kernel.41.cloned.1.call-start
scs
__scs_entry_jumppad:
0x0: {  	(pc) =	sbr.rel $0x88, $3  }
0x1: {  	(tag) =	ssettag $0x0;
	lr =	simm.s32 $0x1  }
0x2: {  	[smem:$0x3F91] =	sst lr;
	_ =	strace $0xD0000000  }
0x3: {  	_ = 	snop  }
0x4: {  	_ = 	snop  }
0x5: {  	_ = 	snop  }
0x6: {  	_ = 	snop  }
0x7: {  	_ = 	snop  }
__scs_overlays_trampoline_lowered:
0x8: {  	[smem:$0x3FA0] =	sst s0  }
0x9: {  	[smem:$0x3FA1] =	sst s1  }
0xa: {  	[smem:$0x3FA2] =	sst s2  }
0xb: {  	[smem:$0x3FA3] =	sst s3  }
0xc: {  	[smem:$0x3FA4] =	sst s4  }
0xd: {  	[smem:$0x3FA5] =	sst s5  }
0xe: {  	[smem:$0x3FA6] =	sst s6  }
0xf: {  	[smem:$0x3FA7] =	sst s7  }
0x10: {  	[smem:$0x3FA8] =	sst s8  }
0x11: {  	[smem:$0x3FA9] =	sst s9;
	s0 =	simm.s32 @!p0 $0x0  }
0x12: {  	s1 =	sld [smem:$0x3F8F];
	s0 =	simm.s32 @p0 $0x1  }
0x13: {  	[smem:$0x3FAA] =	sst s0;
	s0 =	simm.s32 @!p1 $0x0  }
0x14: {  	s2 =	sld [smem:$0x3F8E];
	s0 =	simm.s32 @p1 $0x1  }
0x15: {  	[smem:$0x3FAB] =	sst s0;
	s0 =	simm.s32 @!p2 $0x0  }
0x16: {  	s3 =	sld [smem:$0x3FDB];
	s0 =	simm.s32 @p2 $0x1  }
0x17: {  	s4 =	simm.s32 $0x1BF5;
	[smem:$0x3FAD] =	sst s0  }
0x18: {  	s0 =	sld [smem:$0x3F90];
	_ =	swait.ge [sflag:s4], $0x0  }
0x19: {  	s7 =	sld [smem:$0x3F91]  }
0x1a: {  	s8 =	sadd.s32 $0xFFFFE003, lr  }
0x1b: {  	s9 =	sadd.s32 $0xFFFFFEF7, lr;
	s5 =	simm.s32 $0xFFFFFFFF;
	p2 =	slt.u32 s8, $0xFFFFF086  }
0x1c: {  	p1 =	slt.u32 s9, $0xF7A;
	s5 =	simm.s32 @!p2 $0x0  }
0x1d: {  	s5 =	simm.s32 @p1 $0x1;
	p0 =	seq.s32 s7, s2  }
0x1e: {  	s7 =	smul.u32 @!p0 $0xF7A, s2;
	p2 =	seq.s32 @!p0 s5, $0x0  }
0x1f: {  	s9 =	smul.u32 $0xF7A, s1;
	s8 =	simm.s32 @!p0 $0x1BF5;
	p2 =	por !p2, p0  }
0x20: {  	[sflag:s8] =	ssyncset.s32 @!p0 $0xFFFFF086;
	s6 =	sadd.s32 @!p0 s3, s7;
	s7 =	simm.s32 @!p0 $0x108  }
0x21: {  	s3 =	sadd.s32 s3, s9;
	s6 =	sadd.s32 @!p0 $0x88, s6;
	s7 =	simm.s32 @p2 $0x1082  }
0x22: {  	[simem:s7], [sflag:s8] =	dma.local @!p0 [hbm:s6], $0xF7A  }
0x23: {  	s9 =	sor.u32 $0xD0000000, s2;
	s6 =	simm.s32 $0x108;
	_ =	swait.ge @!p0 [sflag:s8], $0x0  }
0x24: {  	s3 =	sadd.s32 $0x88, s3;
	s6 =	simm.s32 @!p1 $0x1082;
	[sflag:s4] =	ssyncset.s32 $0xFFFFF086  }
0x25: {  	[simem:s6], [sflag:s4] =	dma.local [hbm:s3], $0xF7A  }
0x26: {  	[smem:$0x3F91] =	sst s1;
	(tag) =	ssettag s2;
	_ =	strace s9  }
0x27: {  	s1 =	sld [smem:$0x3FA1]  }
0x28: {  	s2 =	sld [smem:$0x3FA2]  }
0x29: {  	s4 =	sld [smem:$0x3FA4]  }
0x2a: {  	p0 =	seq.s32 s5, $0x0;
	s5 =	sld [smem:$0x3FA5]  }
0x2b: {  	s6 =	sld [smem:$0x3FA6]  }
0x2c: {  	s7 =	sld [smem:$0x3FA7]  }
0x2d: {  	s3 =	simm.s32 $0x108;
	s8 =	sld [smem:$0x3FA8]  }
0x2e: {  	s3 =	simm.s32 @!p0 $0x1082;
	s9 =	sld [smem:$0x3FA9]  }
0x2f: {  	lr =	sadd.s32 s0, s3;
	s0 =	sld [smem:$0x3FA0]  }
0x30: {  	s3 =	sld [smem:$0x3FA3]  }
0x31: {  	[smem:$0x3FAC] =	sst s10  }
0x32: {  	s10 =	sld [smem:$0x3FAA];
	_ =	sdelay $0x3  }
0x33: {  	p0 =	seq.s32 s10, $0x1;
	s10 =	sld [smem:$0x3FAC];
	_ =	sdelay $0x3  }
0x34: {  	[smem:$0x3FAC] =	sst s10  }
0x35: {  	s10 =	sld [smem:$0x3FAB];
	_ =	sdelay $0x3  }
0x36: {  	p1 =	seq.s32 s10, $0x1;
	s10 =	sld [smem:$0x3FAC];
	_ =	sdelay $0x3  }
0x37: {  	[smem:$0x3FAC] =	sst s10  }
0x38: {  	s10 =	sld [smem:$0x3FAD]  }
0x39: {  	_ = 	snop;
	(pc) =	sbr.ind lr, $3  }
0x3a: {  	_ = 	snop  }
0x3b: {  	_ = 	snop  }
0x3c: {  	p2 =	seq.s32 s10, $0x1;
	s10 =	sld [smem:$0x3FAC]  }
0x3d: {  	_ =	shalt  }
0x3e: {  	_ =	shalt  }
0x3f: {  	_ =	shalt  }
0x40: {  	_ =	shalt  }
0x41: {  	_ =	shalt  }
0x42: {  	_ =	shalt  }
0x43: {  	_ =	shalt  }
0x44: {  	_ =	shalt  }
0x45: {  	_ =	shalt  }
0x46: {  	_ =	shalt  }
0x47: {  	_ =	shalt  }
0x48: {  	_ =	shalt  }
0x49: {  	_ =	shalt  }
0x4a: {  	_ =	shalt  }
0x4b: {  	_ =	shalt  }
0x4c: {  	_ =	shalt  }
0x4d: {  	_ =	shalt  }
0x4e: {  	_ =	shalt  }
0x4f: {  	_ =	shalt  }
0x50: {  	_ =	shalt  }
0x51: {  	_ =	shalt  }
0x52: {  	_ =	shalt  }
0x53: {  	_ =	shalt  }
0x54: {  	_ =	shalt  }
0x55: {  	_ =	shalt  }
0x56: {  	_ =	shalt  }
0x57: {  	_ =	shalt  }
0x58: {  	_ =	shalt  }
0x59: {  	_ =	shalt  }
0x5a: {  	_ =	shalt  }
0x5b: {  	_ =	shalt  }
0x5c: {  	_ =	shalt  }
0x5d: {  	_ =	shalt  }
0x5e: {  	_ =	shalt  }
0x5f: {  	_ =	shalt  }
0x60: {  	_ =	shalt  }
0x61: {  	_ =	shalt  }
0x62: {  	_ =	shalt  }
0x63: {  	_ =	shalt  }
0x64: {  	_ =	shalt  }
0x65: {  	_ =	shalt  }
0x66: {  	_ =	shalt  }
0x67: {  	_ =	shalt  }
0x68: {  	_ =	shalt  }
0x69: {  	_ =	shalt  }
0x6a: {  	_ =	shalt  }
0x6b: {  	_ =	shalt  }
0x6c: {  	_ =	shalt  }
0x6d: {  	_ =	shalt  }
0x6e: {  	_ =	shalt  }
0x6f: {  	_ =	shalt  }
0x70: {  	_ =	shalt  }
0x71: {  	_ =	shalt  }
0x72: {  	_ =	shalt  }
0x73: {  	_ =	shalt  }
0x74: {  	_ =	shalt  }
0x75: {  	_ =	shalt  }
0x76: {  	_ =	shalt  }
0x77: {  	_ =	shalt  }
0x78: {  	_ =	shalt  }
0x79: {  	_ =	shalt  }
0x7a: {  	_ =	shalt  }
0x7b: {  	_ =	shalt  }
0x7c: {  	_ =	shalt  }
0x7d: {  	_ =	shalt  }
0x7e: {  	_ =	shalt  }
0x7f: {  	_ =	shalt  }
0x80: {  	_ =	shalt  }
0x81: {  	_ =	shalt  }
0x82: {  	_ =	shalt  }
0x83: {  	_ =	shalt  }
0x84: {  	_ =	shalt  }
0x85: {  	_ =	shalt  }
0x86: {  	_ =	shalt  }
0x87: {  	_ =	shalt  }
.Lfunc_end0:
.L_simem_size_0:
called_computation.4_lowered:
.L_overlay_start_0:
0x88: {  	s2 =	sld [smem:$0x3FD9]  }
0x89: {  	s3 =	sld [smem:$0x3FFE];
	_ =	sdelay $0x1  }
0x8a: {  	s1 =	srdreg.scid  }
0x8b: {  	s0 =	sand.u32 $0x1, s1  }
0x8c: {  	s16 =	sshll.u32 s0, $0xA;
	s2 =	sadd.s32 s3, s2  }
0x8d: {  	s2 =	sadd.s32 s2, s16  }
0x8e: {  	[smem:$0x3FB8] =	sst s2  }
0x8f: {  	_ = 	snop  }
0x90: {  	(tm) =	ssettm $0x1  }
0x91: {  	s17 =	sld [smem:$0x3FFB];
	_ =	sdelay $0x3  }
0x92: {  	_ =	strace s17  }
0x93: {  	s2 =	sld [smem:$0x3FFC];
	_ =	sdelay $0x3  }
0x94: {  	_ =	strace s2  }
0x95: {  	s2 =	sld [smem:$0x3FFD];
	_ =	sdelay $0x3  }
0x96: {  	_ =	strace s2  }
0x97: {  	_ =	strace $0x8FFFFFFF  }
0x98: {  	s18 =	sld [smem:$0x3FDB];
	_ =	sdelay $0x1  }
0x99: {  	s19 =	simm.s32 $_scs_section_size  }
0x9a: {  	s4 =	simm.s32 $_size__tile_overlayer_lowered;
	s5 =	simm.s32 $_tile_overlayer_lowered  }
0x9b: {  	s22 =	simm.s32 $0x1BFF;
	s21 =	sshll.u32 s5, $0x1;
	s2 =	sadd.s32 s19, s18  }
0x9c: {  	s6 =	simm.s32 $0x0;
	s20 =	sshll.u32 s4, $0x1;
	s4 =	sadd.s32 s21, s2  }
0x9d: {  	[timem:s6], [sflag:s22] =	dma.local [hbm:s4], s20  }
0x9e: {  	_ =	swait.ge [sflag:s22], s20  }
0x9f: {  	s3 =	ssub.s32 $0x0, s20;
	[sflag:s22] =	ssyncset.done $0x0  }
0xa0: {  	[sflag:s22] =	ssyncadd.s32 s3;
	_ =	sdelay $0x1  }
0xa1: {  	s23 =	simm.s32 $0x1B8B  }
0xa2: {  	_ =	swait.ge [sflag:s23], $0x1  }
0xa3: {  	[sflag:s23] =	ssyncset.done $0x0  }
0xa4: {  	s25 =	simm.s32 $0x1B8E;
	s24 =	sld [smem:$0x3FFE];
	[sflag:s23] =	ssyncadd.s32 $0xFFFFFFFF  }
0xa5: {  	s26 =	simm.s32 $execute0_lowered;
	[smem:$0x3FD2] =	sst s25  }
0xa6: {  	s4 =	sshll.u32 s26, $0x1;
	_ =	strace $0x8000005B;
	[dreg:$0x1] =	wrdreg $0xFFFFFFFF  }
0xa7: {  	s28 =	simm.s32 $_size_execute0_lowered;
	s2 =	sadd.s32 s2, s4;
	[dreg:$0x0] =	wrdreg $0x0  }
0xa8: {  	s4 =	sshll.u32 s28, $0x1;
	[dreg:$0x2] =	wrdreg s2  }
0xa9: {  	[dreg:$0x3] =	wrdreg s4  }
0xaa: {  	[dreg:$0x4] =	wrdreg $0xC0  }
0xab: {  	_ =	task [dreg:s6], $0x5FFFF  }
0xac: {  	[dreg:$0x1] =	wrdreg $0xFFFFFFFF  }
0xad: {  	[dreg:$0x0] =	wrdreg $0x60  }
0xae: {  	[dreg:$0x2] =	wrdreg s24  }
0xaf: {  	[dreg:$0x3] =	wrdreg $0x0  }
0xb0: {  	[dreg:$0x4] =	wrdreg $0x9  }
0xb1: {  	_ =	task.clear_ibuf [dreg:s6], $0x5FFFF;
	_ =	strace $0x9000005B  }
0xb2: {  	s29 =	simm.s32 $0x9;
	_ =	strace $0x80000060  }
0xb3: {  	_ =	swait.ge [sflag:s29], $0x1  }
0xb4: {  	[sflag:s29] =	ssyncadd.s32 $0xFFFFFFFF  }
0xb5: {  	_ =	strace $0x90000060  }
0xb6: {  	_ =	sfence  }
0xb7: {  	s30 =	sld [smem:$0x0];
	_ =	sdelay $0x2  }
0xb8: {  	s31 =	sshll.u32 s1, $0xD;
	s1 =	sshrl.u32 s1, $0x2  }
0xb9: {  	s3 =	sand.u32 $0x4000, s31;
	s1 =	sadd.s32 s1, s30  }
0xba: {  	s0 =	sor.u32 s3, s0;
	s1 =	sshll.u32 s1, $0x11  }
0xbb: {  	s0 =	sor.u32 s1, s0  }
0xbc: {  	s0 =	sadd.s32 $0x8F2B, s0  }
0xbd: {  	[sflag:s0] =	ssyncadd.remote.s32 $0x1  }
0xbe: {  	_ =	sfence.sel $0xFFFF  }
0xbf: {  	[dreg:$0x0] =	wrdreg $0xFFFFFFFF;
	(pc) =	sbr.abs _section_cstart, $3  }
0xc0: {  	[dreg:$0x1] =	wrdreg $0xFFFFFFFF  }
0xc1: {  	_ =	task.clear_ibuf [dreg:s6], $0x2FFFF;
	_ =	strace $0x9FFFFFFF  }
0xc2: {  	(tm) =	ssettm $0x7FFFFFFF  }
0xc3: {  	_ =	shalt  }
tec
execute0_lowered:
.L_overlay_start_1:
0x0: {  	(tag) =	ssettag $0x1  }
0x1: {  	s5 =	rddreg [dreg:$0x0]  }
0x2: {  	s1 =	rddreg [dreg:$0x1];
	s2 =	srdreg.scid;
	s3 =	simm.s32 $0x0  }
0x3: {  	s19 =	simm.s32 $0x3;
	s20 =	simm.s32 $0x64;
	s21 =	simm.s32 $0x14200  }
0x4: {  	s22 =	simm.s32 $0x17600;
	s23 =	simm.s32 $0x14100;
	s24 =	simm.s32 $0x1  }
0x5: {  	s25 =	simm.s32 $0x14080;
	s28 =	simm.s32 $0x14180;
	s6 =	sand.u32 $0x1, s2  }
0x6: {  	s29 =	simm.s32 $0x0;
	s2 =	stileid.u32;
	s7 =	smul.u32 $0x140000, s6  }
0x7: {  	[smem:$0x7FF] =	sst s3;
	s4 =	sadd.s32 $0x30400, s5;
	s8 =	smul.u32 $0x14000, s2  }
0x8: {  	s17 =	sadd.s32 $0x17400, s5;
	s9 =	sshll.u32 s6, $0x4;
	s11 =	smul.u32 $0x50000, s2  }
0x9: {  	_ =	strace $0x8000005C;
	s26 =	ssub.s32 $0x2, s6;
	s12 =	smul.u32 $0x64000, s6  }
0xa: {  	s15 =	smul.u32 $0x6400, s2;
	s9 =	sor.u32 s2, s9;
	s10 =	sshrl.u32 s26, $0x1  }
0xb: {  	s7 =	sadd.s32 s8, s7;
	s9 =	smul.u32 $0x6400, s9;
	s14 =	ssub.s32 s26, s10  }
0xc: {  	s31 =	sshrl.u32 s11, $0x2;
	s15 =	sadd.s32 s15, s12;
	s26 =	simm.s32 $0x2  }
0xd: {  	s7 =	sshrl.u32 s7, $0x3;
	s6 =	sadd.s32 s31, s1;
	s16 =	sor.u32 $0x200, s15  }
0xe: {  	s14 =	smax.u32 s14, $0x1;
	s18 =	sor.u32 $0x100, s15;
	s13 =	sadd.s32 s7, s5  }
0xf: {  	s30 =	sshrl.u32 s9, $0x3;
	s7 =	sadd.s32 $0x3200, s6;
	s8 =	sadd.s32 $0x6400, s6  }
0x10: {  	s9 =	sadd.s32 $0x9600, s6;
	s10 =	sadd.s32 $0xC800, s6;
	s11 =	sadd.s32 $0xFA00, s6  }
0x11: {  	s12 =	sadd.s32 $0x12C00, s6;
	s16 =	sshrl.u32 s16, $0x3;
	s18 =	sshrl.u32 s18, $0x3  }
0x12: {  	s5 =	sadd.s32 s17, s30;
	s13 =	sadd.s32 $0x57600, s13;
	s16 =	sadd.s32 s16, s17  }
0x13: {  	v0 =	vimm.f32 $0.0e+00;
	s17 =	sadd.s32 s18, s17;
	s18 =	simm.s32 $0x14000;
	s15 =	sadd.s32 $0xC60, s5  }
.LBB2_1:
0x14: {  	_ =	strace $0x8000005D  }
0x15: {  	[tilespmem:s18], [sflag:$0x3] =	stream.linear.gather [hbm4b:s5+s3], $0x100, $0x200038;
	[tilespmem:$0x1AA00] =	vst v63  }
0x16: {  	_ =	swait.ge [sflag:s19], $0x100  }
0x17: {  	[sflag:s19] =	ssyncset.done $0x0  }
0x18: {  	s30 =	simm.s32 $0x0;
	s31 =	simm.s32 $0x200;
	[sflag:s19] =	ssyncadd.s32 $0xFFFFFF00  }
0x19: {  	[tilespmem:s21], [sflag:$0x1] =	stream.indirect.gather [hbm4b:s4+s20], $0x80, s18, s20, $0x2000b8;
	[tilespmem:$0x1AA00] =	vst v63  }
.LBB2_2:
0x1a: {  	p0 =	sne.s32 s31, $0xC600;
	[tilespmem:s30+$0x17670] =	vst v0  }
0x1b: {  	[tilespmem:s30+$0x17600] =	vst v0  }
0x1c: {  	[tilespmem:s30+$0x17610] =	vst v0  }
.Ltmp0:
0x1d: {  	[tilespmem:s30+$0x17620] =	vst v0;
	(pc) =	sbr.rel @p0 .LBB2_2-.Ltmp0, $4  }
0x1e: {  	[tilespmem:s30+$0x17630] =	vst v0  }
0x1f: {  	[tilespmem:s30+$0x17640] =	vst v0  }
0x20: {  	[tilespmem:s30+$0x17650] =	vst v0  }
0x21: {  	[tilespmem:s30+$0x17660] =	vst v0;
	s30 =	sshra.s32 s31, $0x2;
	s31 =	sadd.s32 $0x200, s31  }
0x22: {  	[tilespmem:s30+$0x17670] =	vst v0  }
0x23: {  	[tilespmem:s30+$0x17600] =	vst v0  }
0x24: {  	[tilespmem:s30+$0x17610] =	vst v0  }
0x25: {  	[tilespmem:s30+$0x17620] =	vst v0  }
0x26: {  	[tilespmem:s30+$0x17630] =	vst v0  }
0x27: {  	[tilespmem:s30+$0x17640] =	vst v0  }
0x28: {  	[tilespmem:s30+$0x17650] =	vst v0  }
0x29: {  	[tilespmem:s30+$0x17660] =	vst v0  }
0x2a: {  	[spmem:s6] =	stream.linear.scatter [tilespmem:s22], [sflag:$0x3], $0x3200, $0x200038;
	[tilespmem:$0x1AA00] =	vst v63  }
0x2b: {  	_ =	swait.ge [sflag:s19], $0x3200  }
0x2c: {  	[sflag:s19] =	ssyncset.done $0x0  }
0x2d: {  	[sflag:s19] =	ssyncadd.s32 $0xFFFFCE00  }
0x2e: {  	[spmem:s7] =	stream.linear.scatter [tilespmem:s22], [sflag:$0x3], $0x3200, $0x200038;
	[tilespmem:$0x1AA00] =	vst v63  }
0x2f: {  	_ =	swait.ge [sflag:s19], $0x3200  }
0x30: {  	[sflag:s19] =	ssyncset.done $0x0  }
0x31: {  	[sflag:s19] =	ssyncadd.s32 $0xFFFFCE00  }
0x32: {  	[spmem:s8] =	stream.linear.scatter [tilespmem:s22], [sflag:$0x3], $0x3200, $0x200038;
	[tilespmem:$0x1AA00] =	vst v63  }
0x33: {  	_ =	swait.ge [sflag:s19], $0x3200  }
0x34: {  	[sflag:s19] =	ssyncset.done $0x0  }
0x35: {  	[sflag:s19] =	ssyncadd.s32 $0xFFFFCE00  }
0x36: {  	[spmem:s9] =	stream.linear.scatter [tilespmem:s22], [sflag:$0x3], $0x3200, $0x200038;
	[tilespmem:$0x1AA00] =	vst v63  }
0x37: {  	_ =	swait.ge [sflag:s19], $0x3200  }
0x38: {  	[sflag:s19] =	ssyncset.done $0x0  }
0x39: {  	[sflag:s19] =	ssyncadd.s32 $0xFFFFCE00  }
0x3a: {  	[spmem:s10] =	stream.linear.scatter [tilespmem:s22], [sflag:$0x3], $0x3200, $0x200038;
	[tilespmem:$0x1AA00] =	vst v63  }
0x3b: {  	_ =	swait.ge [sflag:s19], $0x3200  }
0x3c: {  	[sflag:s19] =	ssyncset.done $0x0  }
0x3d: {  	[sflag:s19] =	ssyncadd.s32 $0xFFFFCE00  }
0x3e: {  	[spmem:s11] =	stream.linear.scatter [tilespmem:s22], [sflag:$0x3], $0x3200, $0x200038;
	[tilespmem:$0x1AA00] =	vst v63  }
0x3f: {  	_ =	swait.ge [sflag:s19], $0x3200  }
0x40: {  	[sflag:s19] =	ssyncset.done $0x0  }
0x41: {  	[sflag:s19] =	ssyncadd.s32 $0xFFFFCE00  }
0x42: {  	[spmem:s12] =	stream.linear.scatter [tilespmem:s22], [sflag:$0x3], $0x1400, $0x200038;
	[tilespmem:$0x1AA00] =	vst v63  }
0x43: {  	_ =	swait.ge [sflag:s19], $0x1400  }
0x44: {  	[sflag:s19] =	ssyncset.done $0x0  }
0x45: {  	[sflag:s19] =	ssyncadd.s32 $0xFFFFEC00  }
0x46: {  	[bflag:$0x0] =	sbarrier.arrive $0xFFFF  }
0x47: {  	_ =	strace $0x9000005D  }
0x48: {  	s30 =	sadd.s32 $0x0, s17;
	_ =	strace $0x8000005E  }
0x49: {  	[tilespmem:s23], [sflag:$0x3] =	stream.linear.gather [hbm4b:s30+s3], $0x100, $0x200038;
	[tilespmem:$0x1AA00] =	vst v63  }
0x4a: {  	_ =	swait.ge [sflag:s19], $0x100  }
0x4b: {  	[sflag:s19] =	ssyncset.done $0x0  }
0x4c: {  	[sflag:s19] =	ssyncadd.s32 $0xFFFFFF00  }
0x4d: {  	_ =	swait.ge [sflag:s24], $0x3200  }
0x4e: {  	[sflag:s24] =	ssyncset.done $0x0  }
0x4f: {  	[sflag:s24] =	ssyncadd.s32 $0xFFFFCE00  }
0x50: {  	[tilespmem:s22], [sflag:$0x2] =	stream.indirect.gather [hbm4b:s4+s20], $0x80, s23, s20, $0x2000b8;
	[tilespmem:$0x1AA00] =	vst v63  }
0x51: {  	_ = 	snop  }
0x52: {  	[spmem:s1] =	stream.indirect.scatter.add.f32 [tilespmem:s21], [sflag:$0x3], $0x80, s25, s20, $0x2000b8;
	[tilespmem:$0x1AA00] =	vst v63  }
0x53: {  	_ =	swait.ge [sflag:s19], $0x3200  }
0x54: {  	[sflag:s19] =	ssyncset.done $0x0  }
0x55: {  	s30 =	sadd.s32 $0x0, s16;
	[sflag:s19] =	ssyncadd.s32 $0xFFFFCE00  }
0x56: {  	[tilespmem:s18], [sflag:$0x3] =	stream.linear.gather [hbm4b:s30+s3], $0x100, $0x200038;
	[tilespmem:$0x1AA00] =	vst v63  }
0x57: {  	_ =	swait.ge [sflag:s19], $0x100  }
0x58: {  	[sflag:s19] =	ssyncset.done $0x0  }
0x59: {  	[sflag:s19] =	ssyncadd.s32 $0xFFFFFF00  }
0x5a: {  	_ =	swait.ge [sflag:s26], $0x3200  }
0x5b: {  	[sflag:s26] =	ssyncset.done $0x0  }
0x5c: {  	[sflag:s26] =	ssyncadd.s32 $0xFFFFCE00  }
0x5d: {  	[tilespmem:s21], [sflag:$0x1] =	stream.indirect.gather [hbm4b:s4+s20], $0x80, s18, s20, $0x2000b8;
	[tilespmem:$0x1AA00] =	vst v63  }
0x5e: {  	_ = 	snop  }
0x5f: {  	[spmem:s1] =	stream.indirect.scatter.add.f32 [tilespmem:s22], [sflag:$0x3], $0x80, s28, s20, $0x2000b8;
	[tilespmem:$0x1AA00] =	vst v63  }
0x60: {  	_ =	swait.ge [sflag:s19], $0x3200  }
0x61: {  	s30 =	simm.s32 $0x40;
	[sflag:s19] =	ssyncset.done $0x0  }
.LBB2_4:
0x62: {  	p0 =	sne.s32 s30, $0xC00  }
0x63: {  	[sflag:s19] =	ssyncadd.s32 $0xFFFFCE00;
	s31 =	smov.u32 s30;
	s30 =	sadd.s32 $0x40, s30  }
0x64: {  	s0 =	sadd.s32 s31, s17  }
0x65: {  	[tilespmem:s23], [sflag:$0x3] =	stream.linear.gather [hbm4b:s0+s3], $0x100, $0x200038;
	[tilespmem:$0x1AA00] =	vst v63  }
0x66: {  	_ =	swait.ge [sflag:s19], $0x100  }
0x67: {  	[sflag:s19] =	ssyncset.done $0x0  }
0x68: {  	[sflag:s19] =	ssyncadd.s32 $0xFFFFFF00  }
0x69: {  	_ =	swait.ge [sflag:s24], $0x3200  }
0x6a: {  	[sflag:s24] =	ssyncset.done $0x0  }
0x6b: {  	[sflag:s24] =	ssyncadd.s32 $0xFFFFCE00  }
0x6c: {  	[tilespmem:s22], [sflag:$0x2] =	stream.indirect.gather [hbm4b:s4+s20], $0x80, s23, s20, $0x2000b8;
	[tilespmem:$0x1AA00] =	vst v63  }
0x6d: {  	_ = 	snop  }
0x6e: {  	[spmem:s1] =	stream.indirect.scatter.add.f32 [tilespmem:s21], [sflag:$0x3], $0x80, s25, s20, $0x2000b8;
	[tilespmem:$0x1AA00] =	vst v63  }
0x6f: {  	_ =	swait.ge [sflag:s19], $0x3200  }
0x70: {  	[sflag:s19] =	ssyncset.done $0x0  }
0x71: {  	s0 =	sadd.s32 s31, s16;
	[sflag:s19] =	ssyncadd.s32 $0xFFFFCE00  }
0x72: {  	[tilespmem:s18], [sflag:$0x3] =	stream.linear.gather [hbm4b:s0+s3], $0x100, $0x200038;
	[tilespmem:$0x1AA00] =	vst v63  }
0x73: {  	_ =	swait.ge [sflag:s19], $0x100  }
0x74: {  	[sflag:s19] =	ssyncset.done $0x0  }
0x75: {  	[sflag:s19] =	ssyncadd.s32 $0xFFFFFF00  }
0x76: {  	_ =	swait.ge [sflag:s26], $0x3200  }
0x77: {  	[sflag:s26] =	ssyncset.done $0x0  }
0x78: {  	[sflag:s26] =	ssyncadd.s32 $0xFFFFCE00  }
0x79: {  	[tilespmem:s21], [sflag:$0x1] =	stream.indirect.gather [hbm4b:s4+s20], $0x80, s18, s20, $0x2000b8;
	[tilespmem:$0x1AA00] =	vst v63  }
.Ltmp1:
0x7a: {  	_ = 	snop;
	(pc) =	sbr.rel @p0 .LBB2_4-.Ltmp1, $4  }
0x7b: {  	_ = 	snop  }
0x7c: {  	[spmem:s1] =	stream.indirect.scatter.add.f32 [tilespmem:s22], [sflag:$0x3], $0x80, s28, s20, $0x2000b8;
	[tilespmem:$0x1AA00] =	vst v63  }
0x7d: {  	_ =	swait.ge [sflag:s19], $0x3200  }
0x7e: {  	[sflag:s19] =	ssyncset.done $0x0  }
0x7f: {  	[sflag:s19] =	ssyncadd.s32 $0xFFFFCE00  }
0x80: {  	[tilespmem:s23], [sflag:$0x3] =	stream.linear.gather [hbm4b:s15+s3], $0x100, $0x200038;
	[tilespmem:$0x1AA00] =	vst v63  }
0x81: {  	_ =	swait.ge [sflag:s19], $0x100  }
0x82: {  	[sflag:s19] =	ssyncset.done $0x0  }
0x83: {  	[sflag:s19] =	ssyncadd.s32 $0xFFFFFF00  }
0x84: {  	_ =	swait.ge [sflag:s24], $0x3200  }
0x85: {  	[sflag:s24] =	ssyncset.done $0x0  }
0x86: {  	[sflag:s24] =	ssyncadd.s32 $0xFFFFCE00  }
0x87: {  	[tilespmem:s22], [sflag:$0x2] =	stream.indirect.gather [hbm4b:s4+s20], $0x80, s23, s20, $0x2000b8;
	[tilespmem:$0x1AA00] =	vst v63  }
0x88: {  	_ = 	snop  }
0x89: {  	[spmem:s1] =	stream.indirect.scatter.add.f32 [tilespmem:s21], [sflag:$0x3], $0x80, s25, s20, $0x2000b8;
	[tilespmem:$0x1AA00] =	vst v63  }
0x8a: {  	_ =	swait.ge [sflag:s19], $0x3200  }
0x8b: {  	[sflag:s19] =	ssyncset.done $0x0  }
0x8c: {  	[sflag:s19] =	ssyncadd.s32 $0xFFFFCE00  }
0x8d: {  	[tilespmem:s18], [sflag:$0x3] =	stream.linear.gather [hbm4b:s5+s3], $0x100, $0x200038;
	[tilespmem:$0x1AA00] =	vst v63  }
0x8e: {  	_ =	swait.ge [sflag:s19], $0x100  }
0x8f: {  	[sflag:s19] =	ssyncset.done $0x0  }
0x90: {  	[sflag:s19] =	ssyncadd.s32 $0xFFFFFF00  }
0x91: {  	_ =	swait.ge [sflag:s26], $0x3200  }
0x92: {  	[sflag:s26] =	ssyncset.done $0x0  }
0x93: {  	[sflag:s26] =	ssyncadd.s32 $0xFFFFCE00  }
0x94: {  	[tilespmem:s21], [sflag:$0x1] =	stream.indirect.gather [hbm4b:s4+s20], $0x80, s18, s20, $0x2000b8;
	[tilespmem:$0x1AA00] =	vst v63  }
0x95: {  	_ = 	snop  }
0x96: {  	[spmem:s1] =	stream.indirect.scatter.add.f32 [tilespmem:s22], [sflag:$0x3], $0x80, s28, s20, $0x2000b8;
	[tilespmem:$0x1AA00] =	vst v63  }
0x97: {  	_ =	swait.ge [sflag:s19], $0x3200  }
0x98: {  	[sflag:s19] =	ssyncset.done $0x0  }
0x99: {  	[sflag:s19] =	ssyncadd.s32 $0xFFFFCE00  }
0x9a: {  	_ =	swait.ge [sflag:s24], $0x3200  }
0x9b: {  	[sflag:s24] =	ssyncset.done $0x0  }
0x9c: {  	[sflag:s24] =	ssyncadd.s32 $0xFFFFCE00  }
0x9d: {  	s0 =	sshll.u32 s2, $0x6;
	_ =	strace $0x9000005E  }
0x9e: {  	s30 =	sshrl.u32 s6, $0x3;
	s29 =	sadd.s32 $0x1, s29;
	_ =	strace $0x8000005F  }
0x9f: {  	s0 =	sor.u32 $0x1C03, s0;
	p0 =	sne.s32 s29, s14;
	[bflag:$0x0] =	sbarrier.arrive $0xFFFF  }
0xa0: {  	[hbm:s13], [sflag:s0] =	dma.local [spmem:s30], $0x2800  }
.Ltmp2:
0xa1: {  	_ = 	snop;
	(pc) =	sbr.rel @p0 .LBB2_1-.Ltmp2, $4  }
0xa2: {  	_ =	swait.ge [sflag:s19], $0x2800  }
0xa3: {  	[sflag:s19] =	ssyncset.done $0x0  }
0xa4: {  	[sflag:s19] =	ssyncadd.s32 $0xFFFFD800  }
0xa5: {  	_ =	strace $0x9000005F  }
0xa6: {  	_ =	sfence.sel $0x180000  }
0xa7: {  	[bflag:$0x0] =	sbarrier.arrive $0xFFFF  }
0xa8: {  	_ =	strace $0x9000005C  }
0xa9: {  	[bflag:$0x2] =	sbarrier.arrive $0xFFFF  }
0xaa: {  	p0 =	sne.s32 s2, $0x0;
	s0 =	rddreg [dreg:$0x2]  }
0xab: {  	s0 =	sadd.s32 @!p0 $0x100000, s0  }
0xac: {  	[sflag:s0] =	ssyncadd.tile.s32 @!p0 $0x1;
	_ =	shalt  }
.Lfunc_end2:
_tile_overlayer_lowered:
.L_overlay_start_2:
0xad: {  	(tag) =	ssettag $0x2  }
0xae: {  	s0 =	rddreg [dreg:$0x0];
	s2 =	stileid.u32  }
0xaf: {  	s1 =	rddreg [dreg:$0x1];
	p0 =	sne.s32 s2, $0x0  }
0xb0: {  	s3 =	rddreg [dreg:$0x2];
	[bflag:$0x3] =	sbarrier.arrive $0xFFFF;
	s2 =	simm.s32 @!p0 $0x1C03  }
0xb1: {  	[timem:s3], [sflag:s2] =	dma.local @!p0 [hbm:s0], s1  }
0xb2: {  	s0 =	simm.s32 @!p0 $0x3  }
0xb3: {  	_ =	swait.ge @!p0 [sflag:s0], s1  }
0xb4: {  	s1 =	ssub.s32 @!p0 $0x0, s1;
	[sflag:s0] =	ssyncset.done @!p0 $0x0  }
0xb5: {  	[sflag:s0] =	ssyncadd.s32 @!p0 s1  }
0xb6: {  	[bflag:$0x3] =	sbarrier.arrive $0xFFFF  }
0xb7: {  	_ =	shalt  }

// kernel: kernel.44.cloned.1.call-start
scs
__scs_entry_jumppad:
0x0: {  	(pc) =	sbr.rel $0x88, $3  }
0x1: {  	(tag) =	ssettag $0x0;
	lr =	simm.s32 $0x1  }
0x2: {  	[smem:$0x3F91] =	sst lr;
	_ =	strace $0xD0000000  }
0x3: {  	_ = 	snop  }
0x4: {  	_ = 	snop  }
0x5: {  	_ = 	snop  }
0x6: {  	_ = 	snop  }
0x7: {  	_ = 	snop  }
__scs_overlays_trampoline_lowered:
0x8: {  	[smem:$0x3FA0] =	sst s0  }
0x9: {  	[smem:$0x3FA1] =	sst s1  }
0xa: {  	[smem:$0x3FA2] =	sst s2  }
0xb: {  	[smem:$0x3FA3] =	sst s3  }
0xc: {  	[smem:$0x3FA4] =	sst s4  }
0xd: {  	[smem:$0x3FA5] =	sst s5  }
0xe: {  	[smem:$0x3FA6] =	sst s6  }
0xf: {  	[smem:$0x3FA7] =	sst s7  }
0x10: {  	[smem:$0x3FA8] =	sst s8  }
0x11: {  	[smem:$0x3FA9] =	sst s9;
	s0 =	simm.s32 @!p0 $0x0  }
0x12: {  	s1 =	sld [smem:$0x3F8F];
	s0 =	simm.s32 @p0 $0x1  }
0x13: {  	[smem:$0x3FAA] =	sst s0;
	s0 =	simm.s32 @!p1 $0x0  }
0x14: {  	s2 =	sld [smem:$0x3F8E];
	s0 =	simm.s32 @p1 $0x1  }
0x15: {  	[smem:$0x3FAB] =	sst s0;
	s0 =	simm.s32 @!p2 $0x0  }
0x16: {  	s3 =	sld [smem:$0x3FDB];
	s0 =	simm.s32 @p2 $0x1  }
0x17: {  	s4 =	simm.s32 $0x1BF5;
	[smem:$0x3FAD] =	sst s0  }
0x18: {  	s0 =	sld [smem:$0x3F90];
	_ =	swait.ge [sflag:s4], $0x0  }
0x19: {  	s7 =	sld [smem:$0x3F91]  }
0x1a: {  	s8 =	sadd.s32 $0xFFFFE003, lr  }
0x1b: {  	s9 =	sadd.s32 $0xFFFFFEF7, lr;
	s5 =	simm.s32 $0xFFFFFFFF;
	p2 =	slt.u32 s8, $0xFFFFF086  }
0x1c: {  	p1 =	slt.u32 s9, $0xF7A;
	s5 =	simm.s32 @!p2 $0x0  }
0x1d: {  	s5 =	simm.s32 @p1 $0x1;
	p0 =	seq.s32 s7, s2  }
0x1e: {  	s7 =	smul.u32 @!p0 $0xF7A, s2;
	p2 =	seq.s32 @!p0 s5, $0x0  }
0x1f: {  	s9 =	smul.u32 $0xF7A, s1;
	s8 =	simm.s32 @!p0 $0x1BF5;
	p2 =	por !p2, p0  }
0x20: {  	[sflag:s8] =	ssyncset.s32 @!p0 $0xFFFFF086;
	s6 =	sadd.s32 @!p0 s3, s7;
	s7 =	simm.s32 @!p0 $0x108  }
0x21: {  	s3 =	sadd.s32 s3, s9;
	s6 =	sadd.s32 @!p0 $0x88, s6;
	s7 =	simm.s32 @p2 $0x1082  }
0x22: {  	[simem:s7], [sflag:s8] =	dma.local @!p0 [hbm:s6], $0xF7A  }
0x23: {  	s9 =	sor.u32 $0xD0000000, s2;
	s6 =	simm.s32 $0x108;
	_ =	swait.ge @!p0 [sflag:s8], $0x0  }
0x24: {  	s3 =	sadd.s32 $0x88, s3;
	s6 =	simm.s32 @!p1 $0x1082;
	[sflag:s4] =	ssyncset.s32 $0xFFFFF086  }
0x25: {  	[simem:s6], [sflag:s4] =	dma.local [hbm:s3], $0xF7A  }
0x26: {  	[smem:$0x3F91] =	sst s1;
	(tag) =	ssettag s2;
	_ =	strace s9  }
0x27: {  	s1 =	sld [smem:$0x3FA1]  }
0x28: {  	s2 =	sld [smem:$0x3FA2]  }
0x29: {  	s4 =	sld [smem:$0x3FA4]  }
0x2a: {  	p0 =	seq.s32 s5, $0x0;
	s5 =	sld [smem:$0x3FA5]  }
0x2b: {  	s6 =	sld [smem:$0x3FA6]  }
0x2c: {  	s7 =	sld [smem:$0x3FA7]  }
0x2d: {  	s3 =	simm.s32 $0x108;
	s8 =	sld [smem:$0x3FA8]  }
0x2e: {  	s3 =	simm.s32 @!p0 $0x1082;
	s9 =	sld [smem:$0x3FA9]  }
0x2f: {  	lr =	sadd.s32 s0, s3;
	s0 =	sld [smem:$0x3FA0]  }
0x30: {  	s3 =	sld [smem:$0x3FA3]  }
0x31: {  	[smem:$0x3FAC] =	sst s10  }
0x32: {  	s10 =	sld [smem:$0x3FAA];
	_ =	sdelay $0x3  }
0x33: {  	p0 =	seq.s32 s10, $0x1;
	s10 =	sld [smem:$0x3FAC];
	_ =	sdelay $0x3  }
0x34: {  	[smem:$0x3FAC] =	sst s10  }
0x35: {  	s10 =	sld [smem:$0x3FAB];
	_ =	sdelay $0x3  }
0x36: {  	p1 =	seq.s32 s10, $0x1;
	s10 =	sld [smem:$0x3FAC];
	_ =	sdelay $0x3  }
0x37: {  	[smem:$0x3FAC] =	sst s10  }
0x38: {  	s10 =	sld [smem:$0x3FAD]  }
0x39: {  	_ = 	snop;
	(pc) =	sbr.ind lr, $3  }
0x3a: {  	_ = 	snop  }
0x3b: {  	_ = 	snop  }
0x3c: {  	p2 =	seq.s32 s10, $0x1;
	s10 =	sld [smem:$0x3FAC]  }
0x3d: {  	_ =	shalt  }
0x3e: {  	_ =	shalt  }
0x3f: {  	_ =	shalt  }
0x40: {  	_ =	shalt  }
0x41: {  	_ =	shalt  }
0x42: {  	_ =	shalt  }
0x43: {  	_ =	shalt  }
0x44: {  	_ =	shalt  }
0x45: {  	_ =	shalt  }
0x46: {  	_ =	shalt  }
0x47: {  	_ =	shalt  }
0x48: {  	_ =	shalt  }
0x49: {  	_ =	shalt  }
0x4a: {  	_ =	shalt  }
0x4b: {  	_ =	shalt  }
0x4c: {  	_ =	shalt  }
0x4d: {  	_ =	shalt  }
0x4e: {  	_ =	shalt  }
0x4f: {  	_ =	shalt  }
0x50: {  	_ =	shalt  }
0x51: {  	_ =	shalt  }
0x52: {  	_ =	shalt  }
0x53: {  	_ =	shalt  }
0x54: {  	_ =	shalt  }
0x55: {  	_ =	shalt  }
0x56: {  	_ =	shalt  }
0x57: {  	_ =	shalt  }
0x58: {  	_ =	shalt  }
0x59: {  	_ =	shalt  }
0x5a: {  	_ =	shalt  }
0x5b: {  	_ =	shalt  }
0x5c: {  	_ =	shalt  }
0x5d: {  	_ =	shalt  }
0x5e: {  	_ =	shalt  }
0x5f: {  	_ =	shalt  }
0x60: {  	_ =	shalt  }
0x61: {  	_ =	shalt  }
0x62: {  	_ =	shalt  }
0x63: {  	_ =	shalt  }
0x64: {  	_ =	shalt  }
0x65: {  	_ =	shalt  }
0x66: {  	_ =	shalt  }
0x67: {  	_ =	shalt  }
0x68: {  	_ =	shalt  }
0x69: {  	_ =	shalt  }
0x6a: {  	_ =	shalt  }
0x6b: {  	_ =	shalt  }
0x6c: {  	_ =	shalt  }
0x6d: {  	_ =	shalt  }
0x6e: {  	_ =	shalt  }
0x6f: {  	_ =	shalt  }
0x70: {  	_ =	shalt  }
0x71: {  	_ =	shalt  }
0x72: {  	_ =	shalt  }
0x73: {  	_ =	shalt  }
0x74: {  	_ =	shalt  }
0x75: {  	_ =	shalt  }
0x76: {  	_ =	shalt  }
0x77: {  	_ =	shalt  }
0x78: {  	_ =	shalt  }
0x79: {  	_ =	shalt  }
0x7a: {  	_ =	shalt  }
0x7b: {  	_ =	shalt  }
0x7c: {  	_ =	shalt  }
0x7d: {  	_ =	shalt  }
0x7e: {  	_ =	shalt  }
0x7f: {  	_ =	shalt  }
0x80: {  	_ =	shalt  }
0x81: {  	_ =	shalt  }
0x82: {  	_ =	shalt  }
0x83: {  	_ =	shalt  }
0x84: {  	_ =	shalt  }
0x85: {  	_ =	shalt  }
0x86: {  	_ =	shalt  }
0x87: {  	_ =	shalt  }
.Lfunc_end0:
.L_simem_size_0:
called_computation.5_lowered:
.L_overlay_start_0:
0x88: {  	s2 =	sld [smem:$0x3FD9]  }
0x89: {  	s3 =	sld [smem:$0x3FFE];
	_ =	sdelay $0x1  }
0x8a: {  	s1 =	srdreg.scid  }
0x8b: {  	s0 =	sand.u32 $0x1, s1  }
0x8c: {  	s16 =	sshll.u32 s0, $0xA;
	s2 =	sadd.s32 s3, s2  }
0x8d: {  	s2 =	sadd.s32 s2, s16  }
0x8e: {  	[smem:$0x3FB8] =	sst s2  }
0x8f: {  	_ = 	snop  }
0x90: {  	(tm) =	ssettm $0x1  }
0x91: {  	s17 =	sld [smem:$0x3FFB];
	_ =	sdelay $0x3  }
0x92: {  	_ =	strace s17  }
0x93: {  	s2 =	sld [smem:$0x3FFC];
	_ =	sdelay $0x3  }
0x94: {  	_ =	strace s2  }
0x95: {  	s2 =	sld [smem:$0x3FFD];
	_ =	sdelay $0x3  }
0x96: {  	_ =	strace s2  }
0x97: {  	_ =	strace $0x8FFFFFFF  }
0x98: {  	s18 =	sld [smem:$0x3FDB];
	_ =	sdelay $0x1  }
0x99: {  	s19 =	simm.s32 $_scs_section_size  }
0x9a: {  	s4 =	simm.s32 $_size__tile_overlayer_lowered;
	s5 =	simm.s32 $_tile_overlayer_lowered  }
0x9b: {  	s22 =	simm.s32 $0x1BFF;
	s21 =	sshll.u32 s5, $0x1;
	s2 =	sadd.s32 s19, s18  }
0x9c: {  	s6 =	simm.s32 $0x0;
	s20 =	sshll.u32 s4, $0x1;
	s4 =	sadd.s32 s21, s2  }
0x9d: {  	[timem:s6], [sflag:s22] =	dma.local [hbm:s4], s20  }
0x9e: {  	_ =	swait.ge [sflag:s22], s20  }
0x9f: {  	s3 =	ssub.s32 $0x0, s20;
	[sflag:s22] =	ssyncset.done $0x0  }
0xa0: {  	[sflag:s22] =	ssyncadd.s32 s3;
	_ =	sdelay $0x1  }
0xa1: {  	s23 =	simm.s32 $0x1B8B  }
0xa2: {  	_ =	swait.ge [sflag:s23], $0x1  }
0xa3: {  	[sflag:s23] =	ssyncset.done $0x0  }
0xa4: {  	s25 =	simm.s32 $0x1B8E;
	s24 =	sld [smem:$0x3FFE];
	[sflag:s23] =	ssyncadd.s32 $0xFFFFFFFF  }
0xa5: {  	s26 =	simm.s32 $execute0_lowered;
	[smem:$0x3FD2] =	sst s25  }
0xa6: {  	s4 =	sshll.u32 s26, $0x1;
	_ =	strace $0x80000061;
	[dreg:$0x1] =	wrdreg $0xFFFFFFFF  }
0xa7: {  	s28 =	simm.s32 $_size_execute0_lowered;
	s2 =	sadd.s32 s2, s4;
	[dreg:$0x0] =	wrdreg $0x0  }
0xa8: {  	s4 =	sshll.u32 s28, $0x1;
	[dreg:$0x2] =	wrdreg s2  }
0xa9: {  	[dreg:$0x3] =	wrdreg s4  }
0xaa: {  	[dreg:$0x4] =	wrdreg $0xC0  }
0xab: {  	_ =	task [dreg:s6], $0x5FFFF  }
0xac: {  	[dreg:$0x1] =	wrdreg $0xFFFFFFFF  }
0xad: {  	[dreg:$0x0] =	wrdreg $0x60  }
0xae: {  	[dreg:$0x2] =	wrdreg s24  }
0xaf: {  	[dreg:$0x3] =	wrdreg $0x0  }
0xb0: {  	[dreg:$0x4] =	wrdreg $0x9  }
0xb1: {  	_ =	task.clear_ibuf [dreg:s6], $0x5FFFF;
	_ =	strace $0x90000061  }
0xb2: {  	s29 =	simm.s32 $0x9;
	_ =	strace $0x80000066  }
0xb3: {  	_ =	swait.ge [sflag:s29], $0x1  }
0xb4: {  	[sflag:s29] =	ssyncadd.s32 $0xFFFFFFFF  }
0xb5: {  	_ =	strace $0x90000066  }
0xb6: {  	_ =	sfence  }
0xb7: {  	s30 =	sld [smem:$0x0];
	_ =	sdelay $0x2  }
0xb8: {  	s31 =	sshll.u32 s1, $0xD;
	s1 =	sshrl.u32 s1, $0x2  }
0xb9: {  	s3 =	sand.u32 $0x4000, s31;
	s1 =	sadd.s32 s1, s30  }
0xba: {  	s0 =	sor.u32 s3, s0;
	s1 =	sshll.u32 s1, $0x11  }
0xbb: {  	s0 =	sor.u32 s1, s0  }
0xbc: {  	s0 =	sadd.s32 $0x8F2B, s0  }
0xbd: {  	[sflag:s0] =	ssyncadd.remote.s32 $0x1  }
0xbe: {  	_ =	sfence.sel $0xFFFF  }
0xbf: {  	[dreg:$0x0] =	wrdreg $0xFFFFFFFF;
	(pc) =	sbr.abs _section_cstart, $3  }
0xc0: {  	[dreg:$0x1] =	wrdreg $0xFFFFFFFF  }
0xc1: {  	_ =	task.clear_ibuf [dreg:s6], $0x2FFFF;
	_ =	strace $0x9FFFFFFF  }
0xc2: {  	(tm) =	ssettm $0x7FFFFFFF  }
0xc3: {  	_ =	shalt  }
tec
execute0_lowered:
.L_overlay_start_1:
0x0: {  	(tag) =	ssettag $0x1  }
0x1: {  	s5 =	rddreg [dreg:$0x0]  }
0x2: {  	s1 =	rddreg [dreg:$0x1];
	s2 =	srdreg.scid;
	s3 =	simm.s32 $0x0  }
0x3: {  	s19 =	simm.s32 $0x3;
	s20 =	simm.s32 $0x64;
	s21 =	simm.s32 $0x14200  }
0x4: {  	s22 =	simm.s32 $0x17600;
	s23 =	simm.s32 $0x14100;
	s24 =	simm.s32 $0x1  }
0x5: {  	s25 =	simm.s32 $0x14080;
	s28 =	simm.s32 $0x14180;
	s6 =	sand.u32 $0x1, s2  }
0x6: {  	s29 =	simm.s32 $0x0;
	s2 =	stileid.u32;
	s7 =	smul.u32 $0x140000, s6  }
0x7: {  	[smem:$0x7FF] =	sst s3;
	s4 =	sadd.s32 $0x30400, s5;
	s8 =	smul.u32 $0x14000, s2  }
0x8: {  	s17 =	sadd.s32 $0x17400, s5;
	s9 =	sshll.u32 s6, $0x4;
	s11 =	smul.u32 $0x50000, s2  }
0x9: {  	_ =	strace $0x80000062;
	s26 =	ssub.s32 $0x2, s6;
	s12 =	smul.u32 $0x64000, s6  }
0xa: {  	s15 =	smul.u32 $0x6400, s2;
	s9 =	sor.u32 s2, s9;
	s10 =	sshrl.u32 s26, $0x1  }
0xb: {  	s7 =	sadd.s32 s8, s7;
	s9 =	smul.u32 $0x6400, s9;
	s14 =	ssub.s32 s26, s10  }
0xc: {  	s31 =	sshrl.u32 s11, $0x2;
	s15 =	sadd.s32 s15, s12;
	s26 =	simm.s32 $0x2  }
0xd: {  	s7 =	sshrl.u32 s7, $0x3;
	s6 =	sadd.s32 s31, s1;
	s16 =	sor.u32 $0x200, s15  }
0xe: {  	s14 =	smax.u32 s14, $0x1;
	s18 =	sor.u32 $0x100, s15;
	s13 =	sadd.s32 s7, s5  }
0xf: {  	s30 =	sshrl.u32 s9, $0x3;
	s7 =	sadd.s32 $0x3200, s6;
	s8 =	sadd.s32 $0x6400, s6  }
0x10: {  	s9 =	sadd.s32 $0x9600, s6;
	s10 =	sadd.s32 $0xC800, s6;
	s11 =	sadd.s32 $0xFA00, s6  }
0x11: {  	s12 =	sadd.s32 $0x12C00, s6;
	s16 =	sshrl.u32 s16, $0x3;
	s18 =	sshrl.u32 s18, $0x3  }
0x12: {  	s5 =	sadd.s32 s17, s30;
	s13 =	sadd.s32 $0x57600, s13;
	s16 =	sadd.s32 s16, s17  }
0x13: {  	v0 =	vimm.f32 $0.0e+00;
	s17 =	sadd.s32 s18, s17;
	s18 =	simm.s32 $0x14000;
	s15 =	sadd.s32 $0xC60, s5  }
.LBB2_1:
0x14: {  	_ =	strace $0x80000063  }
0x15: {  	[tilespmem:s18], [sflag:$0x3] =	stream.linear.gather [hbm4b:s5+s3], $0x100, $0x200038;
	[tilespmem:$0x1AA00] =	vst v63  }
0x16: {  	_ =	swait.ge [sflag:s19], $0x100  }
0x17: {  	[sflag:s19] =	ssyncset.done $0x0  }
0x18: {  	s30 =	simm.s32 $0x0;
	s31 =	simm.s32 $0x200;
	[sflag:s19] =	ssyncadd.s32 $0xFFFFFF00  }
0x19: {  	[tilespmem:s21], [sflag:$0x1] =	stream.indirect.gather [hbm4b:s4+s20], $0x80, s18, s20, $0x2000b8;
	[tilespmem:$0x1AA00] =	vst v63  }
.LBB2_2:
0x1a: {  	p0 =	sne.s32 s31, $0xC600;
	[tilespmem:s30+$0x17670] =	vst v0  }
0x1b: {  	[tilespmem:s30+$0x17600] =	vst v0  }
0x1c: {  	[tilespmem:s30+$0x17610] =	vst v0  }
.Ltmp0:
0x1d: {  	[tilespmem:s30+$0x17620] =	vst v0;
	(pc) =	sbr.rel @p0 .LBB2_2-.Ltmp0, $4  }
0x1e: {  	[tilespmem:s30+$0x17630] =	vst v0  }
0x1f: {  	[tilespmem:s30+$0x17640] =	vst v0  }
0x20: {  	[tilespmem:s30+$0x17650] =	vst v0  }
0x21: {  	[tilespmem:s30+$0x17660] =	vst v0;
	s30 =	sshra.s32 s31, $0x2;
	s31 =	sadd.s32 $0x200, s31  }
0x22: {  	[tilespmem:s30+$0x17670] =	vst v0  }
0x23: {  	[tilespmem:s30+$0x17600] =	vst v0  }
0x24: {  	[tilespmem:s30+$0x17610] =	vst v0  }
0x25: {  	[tilespmem:s30+$0x17620] =	vst v0  }
0x26: {  	[tilespmem:s30+$0x17630] =	vst v0  }
0x27: {  	[tilespmem:s30+$0x17640] =	vst v0  }
0x28: {  	[tilespmem:s30+$0x17650] =	vst v0  }
0x29: {  	[tilespmem:s30+$0x17660] =	vst v0  }
0x2a: {  	[spmem:s6] =	stream.linear.scatter [tilespmem:s22], [sflag:$0x3], $0x3200, $0x200038;
	[tilespmem:$0x1AA00] =	vst v63  }
0x2b: {  	_ =	swait.ge [sflag:s19], $0x3200  }
0x2c: {  	[sflag:s19] =	ssyncset.done $0x0  }
0x2d: {  	[sflag:s19] =	ssyncadd.s32 $0xFFFFCE00  }
0x2e: {  	[spmem:s7] =	stream.linear.scatter [tilespmem:s22], [sflag:$0x3], $0x3200, $0x200038;
	[tilespmem:$0x1AA00] =	vst v63  }
0x2f: {  	_ =	swait.ge [sflag:s19], $0x3200  }
0x30: {  	[sflag:s19] =	ssyncset.done $0x0  }
0x31: {  	[sflag:s19] =	ssyncadd.s32 $0xFFFFCE00  }
0x32: {  	[spmem:s8] =	stream.linear.scatter [tilespmem:s22], [sflag:$0x3], $0x3200, $0x200038;
	[tilespmem:$0x1AA00] =	vst v63  }
0x33: {  	_ =	swait.ge [sflag:s19], $0x3200  }
0x34: {  	[sflag:s19] =	ssyncset.done $0x0  }
0x35: {  	[sflag:s19] =	ssyncadd.s32 $0xFFFFCE00  }
0x36: {  	[spmem:s9] =	stream.linear.scatter [tilespmem:s22], [sflag:$0x3], $0x3200, $0x200038;
	[tilespmem:$0x1AA00] =	vst v63  }
0x37: {  	_ =	swait.ge [sflag:s19], $0x3200  }
0x38: {  	[sflag:s19] =	ssyncset.done $0x0  }
0x39: {  	[sflag:s19] =	ssyncadd.s32 $0xFFFFCE00  }
0x3a: {  	[spmem:s10] =	stream.linear.scatter [tilespmem:s22], [sflag:$0x3], $0x3200, $0x200038;
	[tilespmem:$0x1AA00] =	vst v63  }
0x3b: {  	_ =	swait.ge [sflag:s19], $0x3200  }
0x3c: {  	[sflag:s19] =	ssyncset.done $0x0  }
0x3d: {  	[sflag:s19] =	ssyncadd.s32 $0xFFFFCE00  }
0x3e: {  	[spmem:s11] =	stream.linear.scatter [tilespmem:s22], [sflag:$0x3], $0x3200, $0x200038;
	[tilespmem:$0x1AA00] =	vst v63  }
0x3f: {  	_ =	swait.ge [sflag:s19], $0x3200  }
0x40: {  	[sflag:s19] =	ssyncset.done $0x0  }
0x41: {  	[sflag:s19] =	ssyncadd.s32 $0xFFFFCE00  }
0x42: {  	[spmem:s12] =	stream.linear.scatter [tilespmem:s22], [sflag:$0x3], $0x1400, $0x200038;
	[tilespmem:$0x1AA00] =	vst v63  }
0x43: {  	_ =	swait.ge [sflag:s19], $0x1400  }
0x44: {  	[sflag:s19] =	ssyncset.done $0x0  }
0x45: {  	[sflag:s19] =	ssyncadd.s32 $0xFFFFEC00  }
0x46: {  	[bflag:$0x0] =	sbarrier.arrive $0xFFFF  }
0x47: {  	_ =	strace $0x90000063  }
0x48: {  	s30 =	sadd.s32 $0x0, s17;
	_ =	strace $0x80000064  }
0x49: {  	[tilespmem:s23], [sflag:$0x3] =	stream.linear.gather [hbm4b:s30+s3], $0x100, $0x200038;
	[tilespmem:$0x1AA00] =	vst v63  }
0x4a: {  	_ =	swait.ge [sflag:s19], $0x100  }
0x4b: {  	[sflag:s19] =	ssyncset.done $0x0  }
0x4c: {  	[sflag:s19] =	ssyncadd.s32 $0xFFFFFF00  }
0x4d: {  	_ =	swait.ge [sflag:s24], $0x3200  }
0x4e: {  	[sflag:s24] =	ssyncset.done $0x0  }
0x4f: {  	[sflag:s24] =	ssyncadd.s32 $0xFFFFCE00  }
0x50: {  	[tilespmem:s22], [sflag:$0x2] =	stream.indirect.gather [hbm4b:s4+s20], $0x80, s23, s20, $0x2000b8;
	[tilespmem:$0x1AA00] =	vst v63  }
0x51: {  	_ = 	snop  }
0x52: {  	[spmem:s1] =	stream.indirect.scatter.add.f32 [tilespmem:s21], [sflag:$0x3], $0x80, s25, s20, $0x2000b8;
	[tilespmem:$0x1AA00] =	vst v63  }
0x53: {  	_ =	swait.ge [sflag:s19], $0x3200  }
0x54: {  	[sflag:s19] =	ssyncset.done $0x0  }
0x55: {  	s30 =	sadd.s32 $0x0, s16;
	[sflag:s19] =	ssyncadd.s32 $0xFFFFCE00  }
0x56: {  	[tilespmem:s18], [sflag:$0x3] =	stream.linear.gather [hbm4b:s30+s3], $0x100, $0x200038;
	[tilespmem:$0x1AA00] =	vst v63  }
0x57: {  	_ =	swait.ge [sflag:s19], $0x100  }
0x58: {  	[sflag:s19] =	ssyncset.done $0x0  }
0x59: {  	[sflag:s19] =	ssyncadd.s32 $0xFFFFFF00  }
0x5a: {  	_ =	swait.ge [sflag:s26], $0x3200  }
0x5b: {  	[sflag:s26] =	ssyncset.done $0x0  }
0x5c: {  	[sflag:s26] =	ssyncadd.s32 $0xFFFFCE00  }
0x5d: {  	[tilespmem:s21], [sflag:$0x1] =	stream.indirect.gather [hbm4b:s4+s20], $0x80, s18, s20, $0x2000b8;
	[tilespmem:$0x1AA00] =	vst v63  }
0x5e: {  	_ = 	snop  }
0x5f: {  	[spmem:s1] =	stream.indirect.scatter.add.f32 [tilespmem:s22], [sflag:$0x3], $0x80, s28, s20, $0x2000b8;
	[tilespmem:$0x1AA00] =	vst v63  }
0x60: {  	_ =	swait.ge [sflag:s19], $0x3200  }
0x61: {  	s30 =	simm.s32 $0x40;
	[sflag:s19] =	ssyncset.done $0x0  }
.LBB2_4:
0x62: {  	p0 =	sne.s32 s30, $0xC00  }
0x63: {  	[sflag:s19] =	ssyncadd.s32 $0xFFFFCE00;
	s31 =	smov.u32 s30;
	s30 =	sadd.s32 $0x40, s30  }
0x64: {  	s0 =	sadd.s32 s31, s17  }
0x65: {  	[tilespmem:s23], [sflag:$0x3] =	stream.linear.gather [hbm4b:s0+s3], $0x100, $0x200038;
	[tilespmem:$0x1AA00] =	vst v63  }
0x66: {  	_ =	swait.ge [sflag:s19], $0x100  }
0x67: {  	[sflag:s19] =	ssyncset.done $0x0  }
0x68: {  	[sflag:s19] =	ssyncadd.s32 $0xFFFFFF00  }
0x69: {  	_ =	swait.ge [sflag:s24], $0x3200  }
0x6a: {  	[sflag:s24] =	ssyncset.done $0x0  }
0x6b: {  	[sflag:s24] =	ssyncadd.s32 $0xFFFFCE00  }
0x6c: {  	[tilespmem:s22], [sflag:$0x2] =	stream.indirect.gather [hbm4b:s4+s20], $0x80, s23, s20, $0x2000b8;
	[tilespmem:$0x1AA00] =	vst v63  }
0x6d: {  	_ = 	snop  }
0x6e: {  	[spmem:s1] =	stream.indirect.scatter.add.f32 [tilespmem:s21], [sflag:$0x3], $0x80, s25, s20, $0x2000b8;
	[tilespmem:$0x1AA00] =	vst v63  }
0x6f: {  	_ =	swait.ge [sflag:s19], $0x3200  }
0x70: {  	[sflag:s19] =	ssyncset.done $0x0  }
0x71: {  	s0 =	sadd.s32 s31, s16;
	[sflag:s19] =	ssyncadd.s32 $0xFFFFCE00  }
0x72: {  	[tilespmem:s18], [sflag:$0x3] =	stream.linear.gather [hbm4b:s0+s3], $0x100, $0x200038;
	[tilespmem:$0x1AA00] =	vst v63  }
0x73: {  	_ =	swait.ge [sflag:s19], $0x100  }
0x74: {  	[sflag:s19] =	ssyncset.done $0x0  }
0x75: {  	[sflag:s19] =	ssyncadd.s32 $0xFFFFFF00  }
0x76: {  	_ =	swait.ge [sflag:s26], $0x3200  }
0x77: {  	[sflag:s26] =	ssyncset.done $0x0  }
0x78: {  	[sflag:s26] =	ssyncadd.s32 $0xFFFFCE00  }
0x79: {  	[tilespmem:s21], [sflag:$0x1] =	stream.indirect.gather [hbm4b:s4+s20], $0x80, s18, s20, $0x2000b8;
	[tilespmem:$0x1AA00] =	vst v63  }
.Ltmp1:
0x7a: {  	_ = 	snop;
	(pc) =	sbr.rel @p0 .LBB2_4-.Ltmp1, $4  }
0x7b: {  	_ = 	snop  }
0x7c: {  	[spmem:s1] =	stream.indirect.scatter.add.f32 [tilespmem:s22], [sflag:$0x3], $0x80, s28, s20, $0x2000b8;
	[tilespmem:$0x1AA00] =	vst v63  }
0x7d: {  	_ =	swait.ge [sflag:s19], $0x3200  }
0x7e: {  	[sflag:s19] =	ssyncset.done $0x0  }
0x7f: {  	[sflag:s19] =	ssyncadd.s32 $0xFFFFCE00  }
0x80: {  	[tilespmem:s23], [sflag:$0x3] =	stream.linear.gather [hbm4b:s15+s3], $0x100, $0x200038;
	[tilespmem:$0x1AA00] =	vst v63  }
0x81: {  	_ =	swait.ge [sflag:s19], $0x100  }
0x82: {  	[sflag:s19] =	ssyncset.done $0x0  }
0x83: {  	[sflag:s19] =	ssyncadd.s32 $0xFFFFFF00  }
0x84: {  	_ =	swait.ge [sflag:s24], $0x3200  }
0x85: {  	[sflag:s24] =	ssyncset.done $0x0  }
0x86: {  	[sflag:s24] =	ssyncadd.s32 $0xFFFFCE00  }
0x87: {  	[tilespmem:s22], [sflag:$0x2] =	stream.indirect.gather [hbm4b:s4+s20], $0x80, s23, s20, $0x2000b8;
	[tilespmem:$0x1AA00] =	vst v63  }
0x88: {  	_ = 	snop  }
0x89: {  	[spmem:s1] =	stream.indirect.scatter.add.f32 [tilespmem:s21], [sflag:$0x3], $0x80, s25, s20, $0x2000b8;
	[tilespmem:$0x1AA00] =	vst v63  }
0x8a: {  	_ =	swait.ge [sflag:s19], $0x3200  }
0x8b: {  	[sflag:s19] =	ssyncset.done $0x0  }
0x8c: {  	[sflag:s19] =	ssyncadd.s32 $0xFFFFCE00  }
0x8d: {  	[tilespmem:s18], [sflag:$0x3] =	stream.linear.gather [hbm4b:s5+s3], $0x100, $0x200038;
	[tilespmem:$0x1AA00] =	vst v63  }
0x8e: {  	_ =	swait.ge [sflag:s19], $0x100  }
0x8f: {  	[sflag:s19] =	ssyncset.done $0x0  }
0x90: {  	[sflag:s19] =	ssyncadd.s32 $0xFFFFFF00  }
0x91: {  	_ =	swait.ge [sflag:s26], $0x3200  }
0x92: {  	[sflag:s26] =	ssyncset.done $0x0  }
0x93: {  	[sflag:s26] =	ssyncadd.s32 $0xFFFFCE00  }
0x94: {  	[tilespmem:s21], [sflag:$0x1] =	stream.indirect.gather [hbm4b:s4+s20], $0x80, s18, s20, $0x2000b8;
	[tilespmem:$0x1AA00] =	vst v63  }
0x95: {  	_ = 	snop  }
0x96: {  	[spmem:s1] =	stream.indirect.scatter.add.f32 [tilespmem:s22], [sflag:$0x3], $0x80, s28, s20, $0x2000b8;
	[tilespmem:$0x1AA00] =	vst v63  }
0x97: {  	_ =	swait.ge [sflag:s19], $0x3200  }
0x98: {  	[sflag:s19] =	ssyncset.done $0x0  }
0x99: {  	[sflag:s19] =	ssyncadd.s32 $0xFFFFCE00  }
0x9a: {  	_ =	swait.ge [sflag:s24], $0x3200  }
0x9b: {  	[sflag:s24] =	ssyncset.done $0x0  }
0x9c: {  	[sflag:s24] =	ssyncadd.s32 $0xFFFFCE00  }
0x9d: {  	s0 =	sshll.u32 s2, $0x6;
	_ =	strace $0x90000064  }
0x9e: {  	s30 =	sshrl.u32 s6, $0x3;
	s29 =	sadd.s32 $0x1, s29;
	_ =	strace $0x80000065  }
0x9f: {  	s0 =	sor.u32 $0x1C03, s0;
	p0 =	sne.s32 s29, s14;
	[bflag:$0x0] =	sbarrier.arrive $0xFFFF  }
0xa0: {  	[hbm:s13], [sflag:s0] =	dma.local [spmem:s30], $0x2800  }
.Ltmp2:
0xa1: {  	_ = 	snop;
	(pc) =	sbr.rel @p0 .LBB2_1-.Ltmp2, $4  }
0xa2: {  	_ =	swait.ge [sflag:s19], $0x2800  }
0xa3: {  	[sflag:s19] =	ssyncset.done $0x0  }
0xa4: {  	[sflag:s19] =	ssyncadd.s32 $0xFFFFD800  }
0xa5: {  	_ =	strace $0x90000065  }
0xa6: {  	_ =	sfence.sel $0x180000  }
0xa7: {  	[bflag:$0x0] =	sbarrier.arrive $0xFFFF  }
0xa8: {  	_ =	strace $0x90000062  }
0xa9: {  	[bflag:$0x2] =	sbarrier.arrive $0xFFFF  }
0xaa: {  	p0 =	sne.s32 s2, $0x0;
	s0 =	rddreg [dreg:$0x2]  }
0xab: {  	s0 =	sadd.s32 @!p0 $0x100000, s0  }
0xac: {  	[sflag:s0] =	ssyncadd.tile.s32 @!p0 $0x1;
	_ =	shalt  }
.Lfunc_end2:
_tile_overlayer_lowered:
.L_overlay_start_2:
0xad: {  	(tag) =	ssettag $0x2  }
0xae: {  	s0 =	rddreg [dreg:$0x0];
	s2 =	stileid.u32  }
0xaf: {  	s1 =	rddreg [dreg:$0x1];
	p0 =	sne.s32 s2, $0x0  }
0xb0: {  	s3 =	rddreg [dreg:$0x2];
	[bflag:$0x3] =	sbarrier.arrive $0xFFFF;
	s2 =	simm.s32 @!p0 $0x1C03  }
0xb1: {  	[timem:s3], [sflag:s2] =	dma.local @!p0 [hbm:s0], s1  }
0xb2: {  	s0 =	simm.s32 @!p0 $0x3  }
0xb3: {  	_ =	swait.ge @!p0 [sflag:s0], s1  }
0xb4: {  	s1 =	ssub.s32 @!p0 $0x0, s1;
	[sflag:s0] =	ssyncset.done @!p0 $0x0  }
0xb5: {  	[sflag:s0] =	ssyncadd.s32 @!p0 s1  }
0xb6: {  	[bflag:$0x3] =	sbarrier.arrive $0xFFFF  }
0xb7: {  	_ =	shalt  }

// kernel: kernel.47.cloned.1.call-start
scs
__scs_entry_jumppad:
0x0: {  	(pc) =	sbr.rel $0x88, $3  }
0x1: {  	(tag) =	ssettag $0x0;
	lr =	simm.s32 $0x1  }
0x2: {  	[smem:$0x3F91] =	sst lr;
	_ =	strace $0xD0000000  }
0x3: {  	_ = 	snop  }
0x4: {  	_ = 	snop  }
0x5: {  	_ = 	snop  }
0x6: {  	_ = 	snop  }
0x7: {  	_ = 	snop  }
__scs_overlays_trampoline_lowered:
0x8: {  	[smem:$0x3FA0] =	sst s0  }
0x9: {  	[smem:$0x3FA1] =	sst s1  }
0xa: {  	[smem:$0x3FA2] =	sst s2  }
0xb: {  	[smem:$0x3FA3] =	sst s3  }
0xc: {  	[smem:$0x3FA4] =	sst s4  }
0xd: {  	[smem:$0x3FA5] =	sst s5  }
0xe: {  	[smem:$0x3FA6] =	sst s6  }
0xf: {  	[smem:$0x3FA7] =	sst s7  }
0x10: {  	[smem:$0x3FA8] =	sst s8  }
0x11: {  	[smem:$0x3FA9] =	sst s9;
	s0 =	simm.s32 @!p0 $0x0  }
0x12: {  	s1 =	sld [smem:$0x3F8F];
	s0 =	simm.s32 @p0 $0x1  }
0x13: {  	[smem:$0x3FAA] =	sst s0;
	s0 =	simm.s32 @!p1 $0x0  }
0x14: {  	s2 =	sld [smem:$0x3F8E];
	s0 =	simm.s32 @p1 $0x1  }
0x15: {  	[smem:$0x3FAB] =	sst s0;
	s0 =	simm.s32 @!p2 $0x0  }
0x16: {  	s3 =	sld [smem:$0x3FDB];
	s0 =	simm.s32 @p2 $0x1  }
0x17: {  	s4 =	simm.s32 $0x1BF5;
	[smem:$0x3FAD] =	sst s0  }
0x18: {  	s0 =	sld [smem:$0x3F90];
	_ =	swait.ge [sflag:s4], $0x0  }
0x19: {  	s7 =	sld [smem:$0x3F91]  }
0x1a: {  	s8 =	sadd.s32 $0xFFFFE003, lr  }
0x1b: {  	s9 =	sadd.s32 $0xFFFFFEF7, lr;
	s5 =	simm.s32 $0xFFFFFFFF;
	p2 =	slt.u32 s8, $0xFFFFF086  }
0x1c: {  	p1 =	slt.u32 s9, $0xF7A;
	s5 =	simm.s32 @!p2 $0x0  }
0x1d: {  	s5 =	simm.s32 @p1 $0x1;
	p0 =	seq.s32 s7, s2  }
0x1e: {  	s7 =	smul.u32 @!p0 $0xF7A, s2;
	p2 =	seq.s32 @!p0 s5, $0x0  }
0x1f: {  	s9 =	smul.u32 $0xF7A, s1;
	s8 =	simm.s32 @!p0 $0x1BF5;
	p2 =	por !p2, p0  }
0x20: {  	[sflag:s8] =	ssyncset.s32 @!p0 $0xFFFFF086;
	s6 =	sadd.s32 @!p0 s3, s7;
	s7 =	simm.s32 @!p0 $0x108  }
0x21: {  	s3 =	sadd.s32 s3, s9;
	s6 =	sadd.s32 @!p0 $0x88, s6;
	s7 =	simm.s32 @p2 $0x1082  }
0x22: {  	[simem:s7], [sflag:s8] =	dma.local @!p0 [hbm:s6], $0xF7A  }
0x23: {  	s9 =	sor.u32 $0xD0000000, s2;
	s6 =	simm.s32 $0x108;
	_ =	swait.ge @!p0 [sflag:s8], $0x0  }
0x24: {  	s3 =	sadd.s32 $0x88, s3;
	s6 =	simm.s32 @!p1 $0x1082;
	[sflag:s4] =	ssyncset.s32 $0xFFFFF086  }
0x25: {  	[simem:s6], [sflag:s4] =	dma.local [hbm:s3], $0xF7A  }
0x26: {  	[smem:$0x3F91] =	sst s1;
	(tag) =	ssettag s2;
	_ =	strace s9  }
0x27: {  	s1 =	sld [smem:$0x3FA1]  }
0x28: {  	s2 =	sld [smem:$0x3FA2]  }
0x29: {  	s4 =	sld [smem:$0x3FA4]  }
0x2a: {  	p0 =	seq.s32 s5, $0x0;
	s5 =	sld [smem:$0x3FA5]  }
0x2b: {  	s6 =	sld [smem:$0x3FA6]  }
0x2c: {  	s7 =	sld [smem:$0x3FA7]  }
0x2d: {  	s3 =	simm.s32 $0x108;
	s8 =	sld [smem:$0x3FA8]  }
0x2e: {  	s3 =	simm.s32 @!p0 $0x1082;
	s9 =	sld [smem:$0x3FA9]  }
0x2f: {  	lr =	sadd.s32 s0, s3;
	s0 =	sld [smem:$0x3FA0]  }
0x30: {  	s3 =	sld [smem:$0x3FA3]  }
0x31: {  	[smem:$0x3FAC] =	sst s10  }
0x32: {  	s10 =	sld [smem:$0x3FAA];
	_ =	sdelay $0x3  }
0x33: {  	p0 =	seq.s32 s10, $0x1;
	s10 =	sld [smem:$0x3FAC];
	_ =	sdelay $0x3  }
0x34: {  	[smem:$0x3FAC] =	sst s10  }
0x35: {  	s10 =	sld [smem:$0x3FAB];
	_ =	sdelay $0x3  }
0x36: {  	p1 =	seq.s32 s10, $0x1;
	s10 =	sld [smem:$0x3FAC];
	_ =	sdelay $0x3  }
0x37: {  	[smem:$0x3FAC] =	sst s10  }
0x38: {  	s10 =	sld [smem:$0x3FAD]  }
0x39: {  	_ = 	snop;
	(pc) =	sbr.ind lr, $3  }
0x3a: {  	_ = 	snop  }
0x3b: {  	_ = 	snop  }
0x3c: {  	p2 =	seq.s32 s10, $0x1;
	s10 =	sld [smem:$0x3FAC]  }
0x3d: {  	_ =	shalt  }
0x3e: {  	_ =	shalt  }
0x3f: {  	_ =	shalt  }
0x40: {  	_ =	shalt  }
0x41: {  	_ =	shalt  }
0x42: {  	_ =	shalt  }
0x43: {  	_ =	shalt  }
0x44: {  	_ =	shalt  }
0x45: {  	_ =	shalt  }
0x46: {  	_ =	shalt  }
0x47: {  	_ =	shalt  }
0x48: {  	_ =	shalt  }
0x49: {  	_ =	shalt  }
0x4a: {  	_ =	shalt  }
0x4b: {  	_ =	shalt  }
0x4c: {  	_ =	shalt  }
0x4d: {  	_ =	shalt  }
0x4e: {  	_ =	shalt  }
0x4f: {  	_ =	shalt  }
0x50: {  	_ =	shalt  }
0x51: {  	_ =	shalt  }
0x52: {  	_ =	shalt  }
0x53: {  	_ =	shalt  }
0x54: {  	_ =	shalt  }
0x55: {  	_ =	shalt  }
0x56: {  	_ =	shalt  }
0x57: {  	_ =	shalt  }
0x58: {  	_ =	shalt  }
0x59: {  	_ =	shalt  }
0x5a: {  	_ =	shalt  }
0x5b: {  	_ =	shalt  }
0x5c: {  	_ =	shalt  }
0x5d: {  	_ =	shalt  }
0x5e: {  	_ =	shalt  }
0x5f: {  	_ =	shalt  }
0x60: {  	_ =	shalt  }
0x61: {  	_ =	shalt  }
0x62: {  	_ =	shalt  }
0x63: {  	_ =	shalt  }
0x64: {  	_ =	shalt  }
0x65: {  	_ =	shalt  }
0x66: {  	_ =	shalt  }
0x67: {  	_ =	shalt  }
0x68: {  	_ =	shalt  }
0x69: {  	_ =	shalt  }
0x6a: {  	_ =	shalt  }
0x6b: {  	_ =	shalt  }
0x6c: {  	_ =	shalt  }
0x6d: {  	_ =	shalt  }
0x6e: {  	_ =	shalt  }
0x6f: {  	_ =	shalt  }
0x70: {  	_ =	shalt  }
0x71: {  	_ =	shalt  }
0x72: {  	_ =	shalt  }
0x73: {  	_ =	shalt  }
0x74: {  	_ =	shalt  }
0x75: {  	_ =	shalt  }
0x76: {  	_ =	shalt  }
0x77: {  	_ =	shalt  }
0x78: {  	_ =	shalt  }
0x79: {  	_ =	shalt  }
0x7a: {  	_ =	shalt  }
0x7b: {  	_ =	shalt  }
0x7c: {  	_ =	shalt  }
0x7d: {  	_ =	shalt  }
0x7e: {  	_ =	shalt  }
0x7f: {  	_ =	shalt  }
0x80: {  	_ =	shalt  }
0x81: {  	_ =	shalt  }
0x82: {  	_ =	shalt  }
0x83: {  	_ =	shalt  }
0x84: {  	_ =	shalt  }
0x85: {  	_ =	shalt  }
0x86: {  	_ =	shalt  }
0x87: {  	_ =	shalt  }
.Lfunc_end0:
.L_simem_size_0:
called_computation.6_lowered:
.L_overlay_start_0:
0x88: {  	s2 =	sld [smem:$0x3FD9]  }
0x89: {  	s3 =	sld [smem:$0x3FFE];
	_ =	sdelay $0x1  }
0x8a: {  	s1 =	srdreg.scid  }
0x8b: {  	s0 =	sand.u32 $0x1, s1  }
0x8c: {  	s16 =	sshll.u32 s0, $0xA;
	s2 =	sadd.s32 s3, s2  }
0x8d: {  	s2 =	sadd.s32 s2, s16  }
0x8e: {  	[smem:$0x3FB8] =	sst s2  }
0x8f: {  	_ = 	snop  }
0x90: {  	(tm) =	ssettm $0x1  }
0x91: {  	s17 =	sld [smem:$0x3FFB];
	_ =	sdelay $0x3  }
0x92: {  	_ =	strace s17  }
0x93: {  	s2 =	sld [smem:$0x3FFC];
	_ =	sdelay $0x3  }
0x94: {  	_ =	strace s2  }
0x95: {  	s2 =	sld [smem:$0x3FFD];
	_ =	sdelay $0x3  }
0x96: {  	_ =	strace s2  }
0x97: {  	_ =	strace $0x8FFFFFFF  }
0x98: {  	s18 =	sld [smem:$0x3FDB];
	_ =	sdelay $0x1  }
0x99: {  	s19 =	simm.s32 $_scs_section_size  }
0x9a: {  	s4 =	simm.s32 $_size__tile_overlayer_lowered;
	s5 =	simm.s32 $_tile_overlayer_lowered  }
0x9b: {  	s22 =	simm.s32 $0x1BFF;
	s21 =	sshll.u32 s5, $0x1;
	s2 =	sadd.s32 s19, s18  }
0x9c: {  	s6 =	simm.s32 $0x0;
	s20 =	sshll.u32 s4, $0x1;
	s4 =	sadd.s32 s21, s2  }
0x9d: {  	[timem:s6], [sflag:s22] =	dma.local [hbm:s4], s20  }
0x9e: {  	_ =	swait.ge [sflag:s22], s20  }
0x9f: {  	s3 =	ssub.s32 $0x0, s20;
	[sflag:s22] =	ssyncset.done $0x0  }
0xa0: {  	[sflag:s22] =	ssyncadd.s32 s3;
	_ =	sdelay $0x1  }
0xa1: {  	s23 =	simm.s32 $0x1B8B  }
0xa2: {  	_ =	swait.ge [sflag:s23], $0x1  }
0xa3: {  	[sflag:s23] =	ssyncset.done $0x0  }
0xa4: {  	s25 =	simm.s32 $0x1B8E;
	s24 =	sld [smem:$0x3FFE];
	[sflag:s23] =	ssyncadd.s32 $0xFFFFFFFF  }
0xa5: {  	s26 =	simm.s32 $execute0_lowered;
	[smem:$0x3FD2] =	sst s25  }
0xa6: {  	s4 =	sshll.u32 s26, $0x1;
	_ =	strace $0x80000067;
	[dreg:$0x1] =	wrdreg $0xFFFFFFFF  }
0xa7: {  	s28 =	simm.s32 $_size_execute0_lowered;
	s2 =	sadd.s32 s2, s4;
	[dreg:$0x0] =	wrdreg $0x0  }
0xa8: {  	s4 =	sshll.u32 s28, $0x1;
	[dreg:$0x2] =	wrdreg s2  }
0xa9: {  	[dreg:$0x3] =	wrdreg s4  }
0xaa: {  	[dreg:$0x4] =	wrdreg $0xC0  }
0xab: {  	_ =	task [dreg:s6], $0x5FFFF  }
0xac: {  	[dreg:$0x1] =	wrdreg $0xFFFFFFFF  }
0xad: {  	[dreg:$0x0] =	wrdreg $0x60  }
0xae: {  	[dreg:$0x2] =	wrdreg s24  }
0xaf: {  	[dreg:$0x3] =	wrdreg $0x0  }
0xb0: {  	[dreg:$0x4] =	wrdreg $0x9  }
0xb1: {  	_ =	task.clear_ibuf [dreg:s6], $0x5FFFF;
	_ =	strace $0x90000067  }
0xb2: {  	s29 =	simm.s32 $0x9;
	_ =	strace $0x8000006C  }
0xb3: {  	_ =	swait.ge [sflag:s29], $0x1  }
0xb4: {  	[sflag:s29] =	ssyncadd.s32 $0xFFFFFFFF  }
0xb5: {  	_ =	strace $0x9000006C  }
0xb6: {  	_ =	sfence  }
0xb7: {  	s30 =	sld [smem:$0x0];
	_ =	sdelay $0x2  }
0xb8: {  	s31 =	sshll.u32 s1, $0xD;
	s1 =	sshrl.u32 s1, $0x2  }
0xb9: {  	s3 =	sand.u32 $0x4000, s31;
	s1 =	sadd.s32 s1, s30  }
0xba: {  	s0 =	sor.u32 s3, s0;
	s1 =	sshll.u32 s1, $0x11  }
0xbb: {  	s0 =	sor.u32 s1, s0  }
0xbc: {  	s0 =	sadd.s32 $0x8F2B, s0  }
0xbd: {  	[sflag:s0] =	ssyncadd.remote.s32 $0x1  }
0xbe: {  	_ =	sfence.sel $0xFFFF  }
0xbf: {  	[dreg:$0x0] =	wrdreg $0xFFFFFFFF;
	(pc) =	sbr.abs _section_cstart, $3  }
0xc0: {  	[dreg:$0x1] =	wrdreg $0xFFFFFFFF  }
0xc1: {  	_ =	task.clear_ibuf [dreg:s6], $0x2FFFF;
	_ =	strace $0x9FFFFFFF  }
0xc2: {  	(tm) =	ssettm $0x7FFFFFFF  }
0xc3: {  	_ =	shalt  }
tec
execute0_lowered:
.L_overlay_start_1:
0x0: {  	(tag) =	ssettag $0x1  }
0x1: {  	s5 =	rddreg [dreg:$0x0]  }
0x2: {  	s1 =	rddreg [dreg:$0x1];
	s2 =	srdreg.scid;
	s3 =	simm.s32 $0x0  }
0x3: {  	s19 =	simm.s32 $0x3;
	s20 =	simm.s32 $0x64;
	s21 =	simm.s32 $0x14200  }
0x4: {  	s22 =	simm.s32 $0x17600;
	s23 =	simm.s32 $0x14100;
	s24 =	simm.s32 $0x1  }
0x5: {  	s25 =	simm.s32 $0x14080;
	s28 =	simm.s32 $0x14180;
	s6 =	sand.u32 $0x1, s2  }
0x6: {  	s29 =	simm.s32 $0x0;
	s2 =	stileid.u32;
	s7 =	smul.u32 $0x140000, s6  }
0x7: {  	[smem:$0x7FF] =	sst s3;
	s4 =	sadd.s32 $0x30400, s5;
	s8 =	smul.u32 $0x14000, s2  }
0x8: {  	s17 =	sadd.s32 $0x17400, s5;
	s9 =	sshll.u32 s6, $0x4;
	s11 =	smul.u32 $0x50000, s2  }
0x9: {  	_ =	strace $0x80000068;
	s26 =	ssub.s32 $0x2, s6;
	s12 =	smul.u32 $0x64000, s6  }
0xa: {  	s15 =	smul.u32 $0x6400, s2;
	s9 =	sor.u32 s2, s9;
	s10 =	sshrl.u32 s26, $0x1  }
0xb: {  	s7 =	sadd.s32 s8, s7;
	s9 =	smul.u32 $0x6400, s9;
	s14 =	ssub.s32 s26, s10  }
0xc: {  	s31 =	sshrl.u32 s11, $0x2;
	s15 =	sadd.s32 s15, s12;
	s26 =	simm.s32 $0x2  }
0xd: {  	s7 =	sshrl.u32 s7, $0x3;
	s6 =	sadd.s32 s31, s1;
	s16 =	sor.u32 $0x200, s15  }
0xe: {  	s14 =	smax.u32 s14, $0x1;
	s18 =	sor.u32 $0x100, s15;
	s13 =	sadd.s32 s7, s5  }
0xf: {  	s30 =	sshrl.u32 s9, $0x3;
	s7 =	sadd.s32 $0x3200, s6;
	s8 =	sadd.s32 $0x6400, s6  }
0x10: {  	s9 =	sadd.s32 $0x9600, s6;
	s10 =	sadd.s32 $0xC800, s6;
	s11 =	sadd.s32 $0xFA00, s6  }
0x11: {  	s12 =	sadd.s32 $0x12C00, s6;
	s16 =	sshrl.u32 s16, $0x3;
	s18 =	sshrl.u32 s18, $0x3  }
0x12: {  	s5 =	sadd.s32 s17, s30;
	s13 =	sadd.s32 $0x57600, s13;
	s16 =	sadd.s32 s16, s17  }
0x13: {  	v0 =	vimm.f32 $0.0e+00;
	s17 =	sadd.s32 s18, s17;
	s18 =	simm.s32 $0x14000;
	s15 =	sadd.s32 $0xC60, s5  }
.LBB2_1:
0x14: {  	_ =	strace $0x80000069  }
0x15: {  	[tilespmem:s18], [sflag:$0x3] =	stream.linear.gather [hbm4b:s5+s3], $0x100, $0x200038;
	[tilespmem:$0x1AA00] =	vst v63  }
0x16: {  	_ =	swait.ge [sflag:s19], $0x100  }
0x17: {  	[sflag:s19] =	ssyncset.done $0x0  }
0x18: {  	s30 =	simm.s32 $0x0;
	s31 =	simm.s32 $0x200;
	[sflag:s19] =	ssyncadd.s32 $0xFFFFFF00  }
0x19: {  	[tilespmem:s21], [sflag:$0x1] =	stream.indirect.gather [hbm4b:s4+s20], $0x80, s18, s20, $0x2000b8;
	[tilespmem:$0x1AA00] =	vst v63  }
.LBB2_2:
0x1a: {  	p0 =	sne.s32 s31, $0xC600;
	[tilespmem:s30+$0x17670] =	vst v0  }
0x1b: {  	[tilespmem:s30+$0x17600] =	vst v0  }
0x1c: {  	[tilespmem:s30+$0x17610] =	vst v0  }
.Ltmp0:
0x1d: {  	[tilespmem:s30+$0x17620] =	vst v0;
	(pc) =	sbr.rel @p0 .LBB2_2-.Ltmp0, $4  }
0x1e: {  	[tilespmem:s30+$0x17630] =	vst v0  }
0x1f: {  	[tilespmem:s30+$0x17640] =	vst v0  }
0x20: {  	[tilespmem:s30+$0x17650] =	vst v0  }
0x21: {  	[tilespmem:s30+$0x17660] =	vst v0;
	s30 =	sshra.s32 s31, $0x2;
	s31 =	sadd.s32 $0x200, s31  }
0x22: {  	[tilespmem:s30+$0x17670] =	vst v0  }
0x23: {  	[tilespmem:s30+$0x17600] =	vst v0  }
0x24: {  	[tilespmem:s30+$0x17610] =	vst v0  }
0x25: {  	[tilespmem:s30+$0x17620] =	vst v0  }
0x26: {  	[tilespmem:s30+$0x17630] =	vst v0  }
0x27: {  	[tilespmem:s30+$0x17640] =	vst v0  }
0x28: {  	[tilespmem:s30+$0x17650] =	vst v0  }
0x29: {  	[tilespmem:s30+$0x17660] =	vst v0  }
0x2a: {  	[spmem:s6] =	stream.linear.scatter [tilespmem:s22], [sflag:$0x3], $0x3200, $0x200038;
	[tilespmem:$0x1AA00] =	vst v63  }
0x2b: {  	_ =	swait.ge [sflag:s19], $0x3200  }
0x2c: {  	[sflag:s19] =	ssyncset.done $0x0  }
0x2d: {  	[sflag:s19] =	ssyncadd.s32 $0xFFFFCE00  }
0x2e: {  	[spmem:s7] =	stream.linear.scatter [tilespmem:s22], [sflag:$0x3], $0x3200, $0x200038;
	[tilespmem:$0x1AA00] =	vst v63  }
0x2f: {  	_ =	swait.ge [sflag:s19], $0x3200  }
0x30: {  	[sflag:s19] =	ssyncset.done $0x0  }
0x31: {  	[sflag:s19] =	ssyncadd.s32 $0xFFFFCE00  }
0x32: {  	[spmem:s8] =	stream.linear.scatter [tilespmem:s22], [sflag:$0x3], $0x3200, $0x200038;
	[tilespmem:$0x1AA00] =	vst v63  }
0x33: {  	_ =	swait.ge [sflag:s19], $0x3200  }
0x34: {  	[sflag:s19] =	ssyncset.done $0x0  }
0x35: {  	[sflag:s19] =	ssyncadd.s32 $0xFFFFCE00  }
0x36: {  	[spmem:s9] =	stream.linear.scatter [tilespmem:s22], [sflag:$0x3], $0x3200, $0x200038;
	[tilespmem:$0x1AA00] =	vst v63  }
0x37: {  	_ =	swait.ge [sflag:s19], $0x3200  }
0x38: {  	[sflag:s19] =	ssyncset.done $0x0  }
0x39: {  	[sflag:s19] =	ssyncadd.s32 $0xFFFFCE00  }
0x3a: {  	[spmem:s10] =	stream.linear.scatter [tilespmem:s22], [sflag:$0x3], $0x3200, $0x200038;
	[tilespmem:$0x1AA00] =	vst v63  }
0x3b: {  	_ =	swait.ge [sflag:s19], $0x3200  }
0x3c: {  	[sflag:s19] =	ssyncset.done $0x0  }
0x3d: {  	[sflag:s19] =	ssyncadd.s32 $0xFFFFCE00  }
0x3e: {  	[spmem:s11] =	stream.linear.scatter [tilespmem:s22], [sflag:$0x3], $0x3200, $0x200038;
	[tilespmem:$0x1AA00] =	vst v63  }
0x3f: {  	_ =	swait.ge [sflag:s19], $0x3200  }
0x40: {  	[sflag:s19] =	ssyncset.done $0x0  }
0x41: {  	[sflag:s19] =	ssyncadd.s32 $0xFFFFCE00  }
0x42: {  	[spmem:s12] =	stream.linear.scatter [tilespmem:s22], [sflag:$0x3], $0x1400, $0x200038;
	[tilespmem:$0x1AA00] =	vst v63  }
0x43: {  	_ =	swait.ge [sflag:s19], $0x1400  }
0x44: {  	[sflag:s19] =	ssyncset.done $0x0  }
0x45: {  	[sflag:s19] =	ssyncadd.s32 $0xFFFFEC00  }
0x46: {  	[bflag:$0x0] =	sbarrier.arrive $0xFFFF  }
0x47: {  	_ =	strace $0x90000069  }
0x48: {  	s30 =	sadd.s32 $0x0, s17;
	_ =	strace $0x8000006A  }
0x49: {  	[tilespmem:s23], [sflag:$0x3] =	stream.linear.gather [hbm4b:s30+s3], $0x100, $0x200038;
	[tilespmem:$0x1AA00] =	vst v63  }
0x4a: {  	_ =	swait.ge [sflag:s19], $0x100  }
0x4b: {  	[sflag:s19] =	ssyncset.done $0x0  }
0x4c: {  	[sflag:s19] =	ssyncadd.s32 $0xFFFFFF00  }
0x4d: {  	_ =	swait.ge [sflag:s24], $0x3200  }
0x4e: {  	[sflag:s24] =	ssyncset.done $0x0  }
0x4f: {  	[sflag:s24] =	ssyncadd.s32 $0xFFFFCE00  }
0x50: {  	[tilespmem:s22], [sflag:$0x2] =	stream.indirect.gather [hbm4b:s4+s20], $0x80, s23, s20, $0x2000b8;
	[tilespmem:$0x1AA00] =	vst v63  }
0x51: {  	_ = 	snop  }
0x52: {  	[spmem:s1] =	stream.indirect.scatter.add.f32 [tilespmem:s21], [sflag:$0x3], $0x80, s25, s20, $0x2000b8;
	[tilespmem:$0x1AA00] =	vst v63  }
0x53: {  	_ =	swait.ge [sflag:s19], $0x3200  }
0x54: {  	[sflag:s19] =	ssyncset.done $0x0  }
0x55: {  	s30 =	sadd.s32 $0x0, s16;
	[sflag:s19] =	ssyncadd.s32 $0xFFFFCE00  }
0x56: {  	[tilespmem:s18], [sflag:$0x3] =	stream.linear.gather [hbm4b:s30+s3], $0x100, $0x200038;
	[tilespmem:$0x1AA00] =	vst v63  }
0x57: {  	_ =	swait.ge [sflag:s19], $0x100  }
0x58: {  	[sflag:s19] =	ssyncset.done $0x0  }
0x59: {  	[sflag:s19] =	ssyncadd.s32 $0xFFFFFF00  }
0x5a: {  	_ =	swait.ge [sflag:s26], $0x3200  }
0x5b: {  	[sflag:s26] =	ssyncset.done $0x0  }
0x5c: {  	[sflag:s26] =	ssyncadd.s32 $0xFFFFCE00  }
0x5d: {  	[tilespmem:s21], [sflag:$0x1] =	stream.indirect.gather [hbm4b:s4+s20], $0x80, s18, s20, $0x2000b8;
	[tilespmem:$0x1AA00] =	vst v63  }
0x5e: {  	_ = 	snop  }
0x5f: {  	[spmem:s1] =	stream.indirect.scatter.add.f32 [tilespmem:s22], [sflag:$0x3], $0x80, s28, s20, $0x2000b8;
	[tilespmem:$0x1AA00] =	vst v63  }
0x60: {  	_ =	swait.ge [sflag:s19], $0x3200  }
0x61: {  	s30 =	simm.s32 $0x40;
	[sflag:s19] =	ssyncset.done $0x0  }
.LBB2_4:
0x62: {  	p0 =	sne.s32 s30, $0xC00  }
0x63: {  	[sflag:s19] =	ssyncadd.s32 $0xFFFFCE00;
	s31 =	smov.u32 s30;
	s30 =	sadd.s32 $0x40, s30  }
0x64: {  	s0 =	sadd.s32 s31, s17  }
0x65: {  	[tilespmem:s23], [sflag:$0x3] =	stream.linear.gather [hbm4b:s0+s3], $0x100, $0x200038;
	[tilespmem:$0x1AA00] =	vst v63  }
0x66: {  	_ =	swait.ge [sflag:s19], $0x100  }
0x67: {  	[sflag:s19] =	ssyncset.done $0x0  }
0x68: {  	[sflag:s19] =	ssyncadd.s32 $0xFFFFFF00  }
0x69: {  	_ =	swait.ge [sflag:s24], $0x3200  }
0x6a: {  	[sflag:s24] =	ssyncset.done $0x0  }
0x6b: {  	[sflag:s24] =	ssyncadd.s32 $0xFFFFCE00  }
0x6c: {  	[tilespmem:s22], [sflag:$0x2] =	stream.indirect.gather [hbm4b:s4+s20], $0x80, s23, s20, $0x2000b8;
	[tilespmem:$0x1AA00] =	vst v63  }
0x6d: {  	_ = 	snop  }
0x6e: {  	[spmem:s1] =	stream.indirect.scatter.add.f32 [tilespmem:s21], [sflag:$0x3], $0x80, s25, s20, $0x2000b8;
	[tilespmem:$0x1AA00] =	vst v63  }
0x6f: {  	_ =	swait.ge [sflag:s19], $0x3200  }
0x70: {  	[sflag:s19] =	ssyncset.done $0x0  }
0x71: {  	s0 =	sadd.s32 s31, s16;
	[sflag:s19] =	ssyncadd.s32 $0xFFFFCE00  }
0x72: {  	[tilespmem:s18], [sflag:$0x3] =	stream.linear.gather [hbm4b:s0+s3], $0x100, $0x200038;
	[tilespmem:$0x1AA00] =	vst v63  }
0x73: {  	_ =	swait.ge [sflag:s19], $0x100  }
0x74: {  	[sflag:s19] =	ssyncset.done $0x0  }
0x75: {  	[sflag:s19] =	ssyncadd.s32 $0xFFFFFF00  }
0x76: {  	_ =	swait.ge [sflag:s26], $0x3200  }
0x77: {  	[sflag:s26] =	ssyncset.done $0x0  }
0x78: {  	[sflag:s26] =	ssyncadd.s32 $0xFFFFCE00  }
0x79: {  	[tilespmem:s21], [sflag:$0x1] =	stream.indirect.gather [hbm4b:s4+s20], $0x80, s18, s20, $0x2000b8;
	[tilespmem:$0x1AA00] =	vst v63  }
.Ltmp1:
0x7a: {  	_ = 	snop;
	(pc) =	sbr.rel @p0 .LBB2_4-.Ltmp1, $4  }
0x7b: {  	_ = 	snop  }
0x7c: {  	[spmem:s1] =	stream.indirect.scatter.add.f32 [tilespmem:s22], [sflag:$0x3], $0x80, s28, s20, $0x2000b8;
	[tilespmem:$0x1AA00] =	vst v63  }
0x7d: {  	_ =	swait.ge [sflag:s19], $0x3200  }
0x7e: {  	[sflag:s19] =	ssyncset.done $0x0  }
0x7f: {  	[sflag:s19] =	ssyncadd.s32 $0xFFFFCE00  }
0x80: {  	[tilespmem:s23], [sflag:$0x3] =	stream.linear.gather [hbm4b:s15+s3], $0x100, $0x200038;
	[tilespmem:$0x1AA00] =	vst v63  }
0x81: {  	_ =	swait.ge [sflag:s19], $0x100  }
0x82: {  	[sflag:s19] =	ssyncset.done $0x0  }
0x83: {  	[sflag:s19] =	ssyncadd.s32 $0xFFFFFF00  }
0x84: {  	_ =	swait.ge [sflag:s24], $0x3200  }
0x85: {  	[sflag:s24] =	ssyncset.done $0x0  }
0x86: {  	[sflag:s24] =	ssyncadd.s32 $0xFFFFCE00  }
0x87: {  	[tilespmem:s22], [sflag:$0x2] =	stream.indirect.gather [hbm4b:s4+s20], $0x80, s23, s20, $0x2000b8;
	[tilespmem:$0x1AA00] =	vst v63  }
0x88: {  	_ = 	snop  }
0x89: {  	[spmem:s1] =	stream.indirect.scatter.add.f32 [tilespmem:s21], [sflag:$0x3], $0x80, s25, s20, $0x2000b8;
	[tilespmem:$0x1AA00] =	vst v63  }
0x8a: {  	_ =	swait.ge [sflag:s19], $0x3200  }
0x8b: {  	[sflag:s19] =	ssyncset.done $0x0  }
0x8c: {  	[sflag:s19] =	ssyncadd.s32 $0xFFFFCE00  }
0x8d: {  	[tilespmem:s18], [sflag:$0x3] =	stream.linear.gather [hbm4b:s5+s3], $0x100, $0x200038;
	[tilespmem:$0x1AA00] =	vst v63  }
0x8e: {  	_ =	swait.ge [sflag:s19], $0x100  }
0x8f: {  	[sflag:s19] =	ssyncset.done $0x0  }
0x90: {  	[sflag:s19] =	ssyncadd.s32 $0xFFFFFF00  }
0x91: {  	_ =	swait.ge [sflag:s26], $0x3200  }
0x92: {  	[sflag:s26] =	ssyncset.done $0x0  }
0x93: {  	[sflag:s26] =	ssyncadd.s32 $0xFFFFCE00  }
0x94: {  	[tilespmem:s21], [sflag:$0x1] =	stream.indirect.gather [hbm4b:s4+s20], $0x80, s18, s20, $0x2000b8;
	[tilespmem:$0x1AA00] =	vst v63  }
0x95: {  	_ = 	snop  }
0x96: {  	[spmem:s1] =	stream.indirect.scatter.add.f32 [tilespmem:s22], [sflag:$0x3], $0x80, s28, s20, $0x2000b8;
	[tilespmem:$0x1AA00] =	vst v63  }
0x97: {  	_ =	swait.ge [sflag:s19], $0x3200  }
0x98: {  	[sflag:s19] =	ssyncset.done $0x0  }
0x99: {  	[sflag:s19] =	ssyncadd.s32 $0xFFFFCE00  }
0x9a: {  	_ =	swait.ge [sflag:s24], $0x3200  }
0x9b: {  	[sflag:s24] =	ssyncset.done $0x0  }
0x9c: {  	[sflag:s24] =	ssyncadd.s32 $0xFFFFCE00  }
0x9d: {  	s0 =	sshll.u32 s2, $0x6;
	_ =	strace $0x9000006A  }
0x9e: {  	s30 =	sshrl.u32 s6, $0x3;
	s29 =	sadd.s32 $0x1, s29;
	_ =	strace $0x8000006B  }
0x9f: {  	s0 =	sor.u32 $0x1C03, s0;
	p0 =	sne.s32 s29, s14;
	[bflag:$0x0] =	sbarrier.arrive $0xFFFF  }
0xa0: {  	[hbm:s13], [sflag:s0] =	dma.local [spmem:s30], $0x2800  }
.Ltmp2:
0xa1: {  	_ = 	snop;
	(pc) =	sbr.rel @p0 .LBB2_1-.Ltmp2, $4  }
0xa2: {  	_ =	swait.ge [sflag:s19], $0x2800  }
0xa3: {  	[sflag:s19] =	ssyncset.done $0x0  }
0xa4: {  	[sflag:s19] =	ssyncadd.s32 $0xFFFFD800  }
0xa5: {  	_ =	strace $0x9000006B  }
0xa6: {  	_ =	sfence.sel $0x180000  }
0xa7: {  	[bflag:$0x0] =	sbarrier.arrive $0xFFFF  }
0xa8: {  	_ =	strace $0x90000068  }
0xa9: {  	[bflag:$0x2] =	sbarrier.arrive $0xFFFF  }
0xaa: {  	p0 =	sne.s32 s2, $0x0;
	s0 =	rddreg [dreg:$0x2]  }
0xab: {  	s0 =	sadd.s32 @!p0 $0x100000, s0  }
0xac: {  	[sflag:s0] =	ssyncadd.tile.s32 @!p0 $0x1;
	_ =	shalt  }
.Lfunc_end2:
_tile_overlayer_lowered:
.L_overlay_start_2:
0xad: {  	(tag) =	ssettag $0x2  }
0xae: {  	s0 =	rddreg [dreg:$0x0];
	s2 =	stileid.u32  }
0xaf: {  	s1 =	rddreg [dreg:$0x1];
	p0 =	sne.s32 s2, $0x0  }
0xb0: {  	s3 =	rddreg [dreg:$0x2];
	[bflag:$0x3] =	sbarrier.arrive $0xFFFF;
	s2 =	simm.s32 @!p0 $0x1C03  }
0xb1: {  	[timem:s3], [sflag:s2] =	dma.local @!p0 [hbm:s0], s1  }
0xb2: {  	s0 =	simm.s32 @!p0 $0x3  }
0xb3: {  	_ =	swait.ge @!p0 [sflag:s0], s1  }
0xb4: {  	s1 =	ssub.s32 @!p0 $0x0, s1;
	[sflag:s0] =	ssyncset.done @!p0 $0x0  }
0xb5: {  	[sflag:s0] =	ssyncadd.s32 @!p0 s1  }
0xb6: {  	[bflag:$0x3] =	sbarrier.arrive $0xFFFF  }
0xb7: {  	_ =	shalt  }

// kernel: scatter_offload_async_start
scs
__scs_entry_jumppad:
0x0: {  	(pc) =	sbr.rel $0x88, $3  }
0x1: {  	(tag) =	ssettag $0x0;
	lr =	simm.s32 $0x1  }
0x2: {  	[smem:$0x3F91] =	sst lr;
	_ =	strace $0xD0000000  }
0x3: {  	_ = 	snop  }
0x4: {  	_ = 	snop  }
0x5: {  	_ = 	snop  }
0x6: {  	_ = 	snop  }
0x7: {  	_ = 	snop  }
__scs_overlays_trampoline_lowered:
0x8: {  	[smem:$0x3FA0] =	sst s0  }
0x9: {  	[smem:$0x3FA1] =	sst s1  }
0xa: {  	[smem:$0x3FA2] =	sst s2  }
0xb: {  	[smem:$0x3FA3] =	sst s3  }
0xc: {  	[smem:$0x3FA4] =	sst s4  }
0xd: {  	[smem:$0x3FA5] =	sst s5  }
0xe: {  	[smem:$0x3FA6] =	sst s6  }
0xf: {  	[smem:$0x3FA7] =	sst s7  }
0x10: {  	[smem:$0x3FA8] =	sst s8  }
0x11: {  	[smem:$0x3FA9] =	sst s9;
	s0 =	simm.s32 @!p0 $0x0  }
0x12: {  	s1 =	sld [smem:$0x3F8F];
	s0 =	simm.s32 @p0 $0x1  }
0x13: {  	[smem:$0x3FAA] =	sst s0;
	s0 =	simm.s32 @!p1 $0x0  }
0x14: {  	s2 =	sld [smem:$0x3F8E];
	s0 =	simm.s32 @p1 $0x1  }
0x15: {  	[smem:$0x3FAB] =	sst s0;
	s0 =	simm.s32 @!p2 $0x0  }
0x16: {  	s3 =	sld [smem:$0x3FDB];
	s0 =	simm.s32 @p2 $0x1  }
0x17: {  	s4 =	simm.s32 $0x1BF5;
	[smem:$0x3FAD] =	sst s0  }
0x18: {  	s0 =	sld [smem:$0x3F90];
	_ =	swait.ge [sflag:s4], $0x0  }
0x19: {  	s7 =	sld [smem:$0x3F91]  }
0x1a: {  	s8 =	sadd.s32 $0xFFFFE003, lr  }
0x1b: {  	s9 =	sadd.s32 $0xFFFFFEF7, lr;
	s5 =	simm.s32 $0xFFFFFFFF;
	p2 =	slt.u32 s8, $0xFFFFF086  }
0x1c: {  	p1 =	slt.u32 s9, $0xF7A;
	s5 =	simm.s32 @!p2 $0x0  }
0x1d: {  	s5 =	simm.s32 @p1 $0x1;
	p0 =	seq.s32 s7, s2  }
0x1e: {  	s7 =	smul.u32 @!p0 $0xF7A, s2;
	p2 =	seq.s32 @!p0 s5, $0x0  }
0x1f: {  	s9 =	smul.u32 $0xF7A, s1;
	s8 =	simm.s32 @!p0 $0x1BF5;
	p2 =	por !p2, p0  }
0x20: {  	[sflag:s8] =	ssyncset.s32 @!p0 $0xFFFFF086;
	s6 =	sadd.s32 @!p0 s3, s7;
	s7 =	simm.s32 @!p0 $0x108  }
0x21: {  	s3 =	sadd.s32 s3, s9;
	s6 =	sadd.s32 @!p0 $0x88, s6;
	s7 =	simm.s32 @p2 $0x1082  }
0x22: {  	[simem:s7], [sflag:s8] =	dma.local @!p0 [hbm:s6], $0xF7A  }
0x23: {  	s9 =	sor.u32 $0xD0000000, s2;
	s6 =	simm.s32 $0x108;
	_ =	swait.ge @!p0 [sflag:s8], $0x0  }
0x24: {  	s3 =	sadd.s32 $0x88, s3;
	s6 =	simm.s32 @!p1 $0x1082;
	[sflag:s4] =	ssyncset.s32 $0xFFFFF086  }
0x25: {  	[simem:s6], [sflag:s4] =	dma.local [hbm:s3], $0xF7A  }
0x26: {  	[smem:$0x3F91] =	sst s1;
	(tag) =	ssettag s2;
	_ =	strace s9  }
0x27: {  	s1 =	sld [smem:$0x3FA1]  }
0x28: {  	s2 =	sld [smem:$0x3FA2]  }
0x29: {  	s4 =	sld [smem:$0x3FA4]  }
0x2a: {  	p0 =	seq.s32 s5, $0x0;
	s5 =	sld [smem:$0x3FA5]  }
0x2b: {  	s6 =	sld [smem:$0x3FA6]  }
0x2c: {  	s7 =	sld [smem:$0x3FA7]  }
0x2d: {  	s3 =	simm.s32 $0x108;
	s8 =	sld [smem:$0x3FA8]  }
0x2e: {  	s3 =	simm.s32 @!p0 $0x1082;
	s9 =	sld [smem:$0x3FA9]  }
0x2f: {  	lr =	sadd.s32 s0, s3;
	s0 =	sld [smem:$0x3FA0]  }
0x30: {  	s3 =	sld [smem:$0x3FA3]  }
0x31: {  	[smem:$0x3FAC] =	sst s10  }
0x32: {  	s10 =	sld [smem:$0x3FAA];
	_ =	sdelay $0x3  }
0x33: {  	p0 =	seq.s32 s10, $0x1;
	s10 =	sld [smem:$0x3FAC];
	_ =	sdelay $0x3  }
0x34: {  	[smem:$0x3FAC] =	sst s10  }
0x35: {  	s10 =	sld [smem:$0x3FAB];
	_ =	sdelay $0x3  }
0x36: {  	p1 =	seq.s32 s10, $0x1;
	s10 =	sld [smem:$0x3FAC];
	_ =	sdelay $0x3  }
0x37: {  	[smem:$0x3FAC] =	sst s10  }
0x38: {  	s10 =	sld [smem:$0x3FAD]  }
0x39: {  	_ = 	snop;
	(pc) =	sbr.ind lr, $3  }
0x3a: {  	_ = 	snop  }
0x3b: {  	_ = 	snop  }
0x3c: {  	p2 =	seq.s32 s10, $0x1;
	s10 =	sld [smem:$0x3FAC]  }
0x3d: {  	_ =	shalt  }
0x3e: {  	_ =	shalt  }
0x3f: {  	_ =	shalt  }
0x40: {  	_ =	shalt  }
0x41: {  	_ =	shalt  }
0x42: {  	_ =	shalt  }
0x43: {  	_ =	shalt  }
0x44: {  	_ =	shalt  }
0x45: {  	_ =	shalt  }
0x46: {  	_ =	shalt  }
0x47: {  	_ =	shalt  }
0x48: {  	_ =	shalt  }
0x49: {  	_ =	shalt  }
0x4a: {  	_ =	shalt  }
0x4b: {  	_ =	shalt  }
0x4c: {  	_ =	shalt  }
0x4d: {  	_ =	shalt  }
0x4e: {  	_ =	shalt  }
0x4f: {  	_ =	shalt  }
0x50: {  	_ =	shalt  }
0x51: {  	_ =	shalt  }
0x52: {  	_ =	shalt  }
0x53: {  	_ =	shalt  }
0x54: {  	_ =	shalt  }
0x55: {  	_ =	shalt  }
0x56: {  	_ =	shalt  }
0x57: {  	_ =	shalt  }
0x58: {  	_ =	shalt  }
0x59: {  	_ =	shalt  }
0x5a: {  	_ =	shalt  }
0x5b: {  	_ =	shalt  }
0x5c: {  	_ =	shalt  }
0x5d: {  	_ =	shalt  }
0x5e: {  	_ =	shalt  }
0x5f: {  	_ =	shalt  }
0x60: {  	_ =	shalt  }
0x61: {  	_ =	shalt  }
0x62: {  	_ =	shalt  }
0x63: {  	_ =	shalt  }
0x64: {  	_ =	shalt  }
0x65: {  	_ =	shalt  }
0x66: {  	_ =	shalt  }
0x67: {  	_ =	shalt  }
0x68: {  	_ =	shalt  }
0x69: {  	_ =	shalt  }
0x6a: {  	_ =	shalt  }
0x6b: {  	_ =	shalt  }
0x6c: {  	_ =	shalt  }
0x6d: {  	_ =	shalt  }
0x6e: {  	_ =	shalt  }
0x6f: {  	_ =	shalt  }
0x70: {  	_ =	shalt  }
0x71: {  	_ =	shalt  }
0x72: {  	_ =	shalt  }
0x73: {  	_ =	shalt  }
0x74: {  	_ =	shalt  }
0x75: {  	_ =	shalt  }
0x76: {  	_ =	shalt  }
0x77: {  	_ =	shalt  }
0x78: {  	_ =	shalt  }
0x79: {  	_ =	shalt  }
0x7a: {  	_ =	shalt  }
0x7b: {  	_ =	shalt  }
0x7c: {  	_ =	shalt  }
0x7d: {  	_ =	shalt  }
0x7e: {  	_ =	shalt  }
0x7f: {  	_ =	shalt  }
0x80: {  	_ =	shalt  }
0x81: {  	_ =	shalt  }
0x82: {  	_ =	shalt  }
0x83: {  	_ =	shalt  }
0x84: {  	_ =	shalt  }
0x85: {  	_ =	shalt  }
0x86: {  	_ =	shalt  }
0x87: {  	_ =	shalt  }
.Lfunc_end0:
.L_simem_size_0:
called_computation_lowered:
.L_overlay_start_0:
0x88: {  	s0 =	sld [smem:$0x3FD9]  }
0x89: {  	s1 =	sld [smem:$0x3FFE];
	_ =	sdelay $0x3  }
0x8a: {  	s0 =	sadd.s32 s1, s0  }
0x8b: {  	[smem:$0x3FB8] =	sst s0  }
0x8c: {  	_ = 	snop  }
0x8d: {  	(tm) =	ssettm $0x1  }
0x8e: {  	s15 =	sld [smem:$0x3FFB];
	_ =	sdelay $0x3  }
0x8f: {  	_ =	strace s15  }
0x90: {  	s0 =	sld [smem:$0x3FFC];
	_ =	sdelay $0x3  }
0x91: {  	_ =	strace s0  }
0x92: {  	s0 =	sld [smem:$0x3FFD];
	_ =	sdelay $0x3  }
0x93: {  	_ =	strace s0  }
0x94: {  	_ =	strace $0x8FFFFFFF  }
0x95: {  	s16 =	sld [smem:$0x3FDB];
	_ =	sdelay $0x1  }
0x96: {  	s17 =	simm.s32 $_scs_section_size  }
0x97: {  	s2 =	simm.s32 $_size__tile_overlayer_lowered;
	s3 =	simm.s32 $_tile_overlayer_lowered  }
0x98: {  	s20 =	simm.s32 $0x1BFF;
	s19 =	sshll.u32 s3, $0x1;
	s0 =	sadd.s32 s17, s16  }
0x99: {  	s4 =	simm.s32 $0x0;
	s18 =	sshll.u32 s2, $0x1;
	s2 =	sadd.s32 s19, s0  }
0x9a: {  	[timem:s4], [sflag:s20] =	dma.local [hbm:s2], s18  }
0x9b: {  	_ =	swait.ge [sflag:s20], s18  }
0x9c: {  	s1 =	ssub.s32 $0x0, s18;
	[sflag:s20] =	ssyncset.done $0x0  }
0x9d: {  	[sflag:s20] =	ssyncadd.s32 s1;
	_ =	sdelay $0x1  }
0x9e: {  	s21 =	simm.s32 $0x1B8B  }
0x9f: {  	_ =	swait.ge [sflag:s21], $0x1  }
0xa0: {  	[sflag:s21] =	ssyncset.done $0x0  }
0xa1: {  	s23 =	simm.s32 $0x1B8E;
	s22 =	sld [smem:$0x3FFE];
	[sflag:s21] =	ssyncadd.s32 $0xFFFFFFFF  }
0xa2: {  	s24 =	simm.s32 $execute0_lowered;
	[smem:$0x3FD2] =	sst s23  }
0xa3: {  	s2 =	sshll.u32 s24, $0x1;
	_ =	strace $0x80000046;
	[dreg:$0x1] =	wrdreg $0xFFFFFFFF  }
0xa4: {  	s25 =	simm.s32 $_size_execute0_lowered;
	s0 =	sadd.s32 s0, s2;
	[dreg:$0x0] =	wrdreg $0x0  }
0xa5: {  	s2 =	sshll.u32 s25, $0x1;
	[dreg:$0x2] =	wrdreg s0  }
0xa6: {  	[dreg:$0x3] =	wrdreg s2  }
0xa7: {  	[dreg:$0x4] =	wrdreg $0xC0  }
0xa8: {  	_ =	task [dreg:s4], $0x5FFFF  }
0xa9: {  	[dreg:$0x1] =	wrdreg $0xFFFFFFFF  }
0xaa: {  	[dreg:$0x0] =	wrdreg $0x60  }
0xab: {  	[dreg:$0x2] =	wrdreg s22  }
0xac: {  	[dreg:$0x3] =	wrdreg $0x9  }
0xad: {  	_ =	task.clear_ibuf [dreg:s4], $0x4FFFF;
	_ =	strace $0x90000046  }
0xae: {  	s26 =	simm.s32 $0x9;
	_ =	strace $0x80000048  }
0xaf: {  	_ =	swait.ge [sflag:s26], $0x1  }
0xb0: {  	[sflag:s26] =	ssyncadd.s32 $0xFFFFFFFF  }
0xb1: {  	_ =	strace $0x90000048  }
0xb2: {  	_ =	sfence  }
0xb3: {  	s28 =	sld [smem:$0x0];
	_ =	sdelay $0x1  }
0xb4: {  	s29 =	srdreg.scid  }
0xb5: {  	s30 =	sshll.u32 s29, $0xD;
	s31 =	sshrl.u32 s29, $0x2  }
0xb6: {  	s1 =	sand.u32 $0x1, s29;
	s2 =	sand.u32 $0x4000, s30;
	s0 =	sadd.s32 s31, s28  }
0xb7: {  	s1 =	sor.u32 s2, s1;
	s0 =	sshll.u32 s0, $0x11  }
0xb8: {  	s0 =	sor.u32 s0, s1  }
0xb9: {  	s0 =	sadd.s32 $0x8F2B, s0  }
0xba: {  	[sflag:s0] =	ssyncadd.remote.s32 $0x1  }
0xbb: {  	_ =	sfence.sel $0xFFFF  }
0xbc: {  	[dreg:$0x0] =	wrdreg $0xFFFFFFFF;
	(pc) =	sbr.abs _section_cstart, $3  }
0xbd: {  	[dreg:$0x1] =	wrdreg $0xFFFFFFFF  }
0xbe: {  	_ =	task.clear_ibuf [dreg:s4], $0x2FFFF;
	_ =	strace $0x9FFFFFFF  }
0xbf: {  	(tm) =	ssettm $0x7FFFFFFF  }
tec
execute0_lowered:
.L_overlay_start_1:
0x0: {  	(tag) =	ssettag $0x1  }
0x1: {  	s0 =	rddreg [dreg:$0x0];
	_ =	strace $0x80000047;
	s15 =	stileid.u32  }
0x2: {  	s2 =	simm.s32 $0x1;
	s1 =	smin.u32 s15, $0x8;
	s3 =	sshll.u32 s15, $0x1  }
0x3: {  	v1 =	vimm.s32 $0xFFFFFFFF;
	[sflag:s2] =	ssyncpa.u1 $0x0;
	s1 =	sadd.s32 s1, s3  }
0x4: {  	p0 =	slt.u32 s15, $0x8;
	[tilespmem:$0x10] =	vst v1;
	s4 =	smul.u32 $0x1F40, s1;
	s1 =	simm.s32 $0x5DC0  }
0x5: {  	v0 =	vimm.f32 $0.0e+00;
	[tilespmem:$0x20] =	vst v1;
	s1 =	simm.s32 @!p0 $0x3E80  }
0x6: {  	[tilespmem:$0x30] =	vst v0;
	s1 =	sadd.s32 s1, s4  }
0x7: {  	[tilespmem:$0x40] =	vst v0;
	s5 =	smin.u32 s1, $0x4E200  }
0x8: {  	s7 =	simm.s32 $0x2;
	s8 =	simm.s32 $0x8;
	[tilespmem:$0x50] =	vst v0;
	s9 =	ssub.s32 s5, s4  }
0x9: {  	s31 =	simm.s32 $0x9;
	s16 =	simm.s32 $0x0;
	[tilespmem:$0x60] =	vst v1;
	p0 =	sgt.s32 s9, $0x0  }
0xa: {  	s17 =	simm.s32 $0xF0;
	s18 =	simm.s32 $0xFFFFFFFF;
	[tilespmem:$0x70] =	vst v1;
	s9 =	simm.s32 @!p0 $0x0  }
0xb: {  	s19 =	simm.s32 $0xFFFFC280;
	s20 =	simm.s32 $0xFFFFFFFE;
	[tilespmem:$0x80] =	vst v1;
	s30 =	smulhi.u32 $0x10624DD3, s9  }
0xc: {  	s21 =	simm.s32 $0xF;
	s25 =	simm.s32 $0x0;
	s24 =	simm.s32 $0x0;
	v1 =	vimm.s32 $0x0;
	[tilespmem:$0xB0] =	vst v0  }
0xd: {  	s6 =	sadd.s32 $0x3800, s0;
	s15 =	sshllo.u32 s15, $0x1;
	[tilespmem:$0x90] =	vst v1;
	s10 =	sshrl.u32 s30, $0x9  }
0xe: {  	[tilespmem:$0xA0] =	vst v1;
	[sflag:s7] =	ssyncpa.u1 $0x0;
	s7 =	simm.s32 $0x7;
	s11 =	smul.u32 $0x1F40, s10  }
.Ltmp0:
0xf: {  	s13 =	sor.u32 $0x80, s3;
	[sflag:s7] =	ssyncpa.u1 $0x0;
	(pc) =	sbr.rel .LBB2_1-.Ltmp0, $4  }
0x10: {  	s14 =	sor.u32 $0x81, s3;
	[sflag:s8] =	ssyncpa.u1 $0x0;
	p0 =	sne.s32 s9, s11  }
0x11: {  	s23 =	smov.u32 s4;
	s1 =	sadd.s32 $0x30400, s0;
	s2 =	simm.s32 @!p0 $0x0  }
0x12: {  	vm0 =	vmmov $0xffff;
	v2 =	vlaneseq.u32;
	[sflag:s31] =	ssyncpa.u1 $0x0;
	s9 =	sadd.s32 $0xD600, s0;
	s10 =	sadd.s32 s2, s10  }
0x13: {  	vm1 =	vmxor vm1, vm1;
	vm2 =	vmmov $0x1;
	vm3 =	vcmask $0x3F3C;
	p0 =	por $0x0, $0x0;
	s11 =	sadd.s32 $0x1, s10;
	s12 =	sadd.s32 $0x2, s10  }
.LBB2_9:
0x14: {  	p1 =	slt.u32 s24, $0x3  }
0x15: {  	s0 =	simm.s32 @!p1 $0x2  }
0x16: {  	_ =	swait.ge @!p1 [sflag:s0], $0x1F40  }
0x17: {  	[sflag:s0] =	ssyncset.done @!p1 $0x0  }
0x18: {  	[sflag:s0] =	ssyncadd.s32 @!p1 $0xFFFFE0C0;
	s0 =	simm.s32 @!p1 $0x9  }
0x19: {  	_ =	swait.ge @!p1 [sflag:s0], $0x10  }
0x1a: {  	[sflag:s0] =	ssyncset.done @!p1 $0x0  }
0x1b: {  	[sflag:s0] =	ssyncadd.s32 @!p1 $0xFFFFFFF0;
	p1 =	sne.s32 s24, s12  }
.Ltmp1:
0x1c: {  	s2 =	sadd.s32 $0x1F40, s23;
	(pc) =	sbr.rel @!p1 .LBB2_10-.Ltmp1, $4  }
0x1d: {  	s22 =	smov.u32 s4;
	s31 =	sadd.s32 $0x1, s24;
	s17 =	sadd.s32 $0x1F40, s17  }
0x1e: {  	s18 =	sadd.s32 $0x1, s18;
	s25 =	smov.u32 s23;
	p2 =	slt.s32 s2, s5  }
0x1f: {  	p0 =	por !p0, !p0;
	s19 =	sadd.s32 $0x1F40, s19;
	s22 =	smov.u32 @p2 s2  }
0x20: {  	s20 =	sadd.s32 $0x1, s20;
	s23 =	smov.u32 s22;
	s24 =	smov.u32 s31  }
.LBB2_1:
0x21: {  	p1 =	sge.u32 s24, s10  }
0x22: {  	s0 =	smulhi.u32 @!p1 $0xAAAAAAAB, s24;
	_ =	sdelay $0x1  }
0x23: {  	s0 =	sshrl.u32 @!p1 s0, $0x1  }
0x24: {  	s0 =	smul.u32 @!p1 $0x3, s0;
	_ =	sdelay $0x1  }
0x25: {  	s0 =	ssub.s32 @!p1 s24, s0  }
0x26: {  	s0 =	smul.u32 @!p1 $0x7D00, s0;
	_ =	sdelay $0x1  }
0x27: {  	s2 =	sshrl.u32 @!p1 s23, $0x3;
	s0 =	sshrl.u32 @!p1 s0, $0x2  }
0x28: {  	s22 =	sand.u32 @!p1 $0x7, s23;
	s2 =	sadd.s32 @!p1 s6, s2;
	s0 =	sadd.s32 @!p1 $0x100, s0  }
0x29: {  	[tilespmem:s0], [sflag:$0x7] =	stream.linear.gather @!p1 [hbm4b:s2+s22], $0x1F40, $0x38;
	[tilespmem:$0x11A60] =	vst v63  }
0x2a: {  	s0 =	sadd.s32 $0xFFFFFFFF, s24  }
0x2b: {  	p1 =	sge.u32 s0, s10  }
.Ltmp2:
0x2c: {  	_ = 	snop;
	(pc) =	sbr.rel @p1 .LBB2_5-.Ltmp2, $1  }
0x2d: {  	_ =	sdelay $0x3  }
0x2e: {  	s2 =	smulhi.u32 $0xAAAAAAAB, s0;
	_ =	sdelay $0x1  }
0x2f: {  	s2 =	sshrl.u32 s2, $0x1  }
0x30: {  	s2 =	smul.u32 $0x3, s2;
	_ =	sdelay $0x1  }
0x31: {  	s2 =	ssub.s32 s0, s2  }
0x32: {  	s2 =	smul.u32 $0x7D00, s2  }
0x33: {  	_ =	swait.ge [sflag:s7], $0x1F40  }
0x34: {  	[sflag:s7] =	ssyncset.done $0x0;
	s2 =	sshrl.u32 s2, $0x2  }
0x35: {  	[sflag:s7] =	ssyncadd.s32 $0xFFFFE0C0;
	(ifvalue) =	ssetifvalue $0xFFFFFFFF;
	v3 =	vld.msk [tilespmem:s2+$0x100 ss:$0x1], $0xffff;
	_ =	sdelay $0x2  }
0x36: {  	s30 =	smulhi.u32 $0xAAAAAAAB, s18;
	p1 =	sne.s32 s24, $0x1  }
0x37: {  	v4 =	vimm.s32 @!p1 $0x0  }
0x38: {  	s2 =	sshrl.u32 s30, $0x1;
	v4 =	vperm.xlane @!p1 v3, v4  }
0x39: {  	s22 =	sshll.u32 s24, $0x4;
	s2 =	smul.u32 $0xFFFE8900, s2;
	vm4 =	vlt.u32 v3, $0x2800  }
0x3a: {  	s22 =	sand.u32 $0x10, s22;
	v3 =	vnsel vm4, $0xFFFFFFFE, v3;
	vm4 =	vlt.u32 @!p1 v4, $0x2800  }
0x3b: {  	s2 =	sshra.s32 s2, $0x2;
	[tilespmem:s22+$0x60] =	vst v3;
	v3 =	vnsel @!p1 vm4, $0xFFFFFFFE, v4  }
0x3c: {  	s28 =	sadd.s32 s2, s17;
	[tilespmem:$0x80] =	vst @!p1 v3  }
0x3d: {  	v3 =	vld.msk [tilespmem:s28+$0x0 ss:$0x1], $0xffff;
	_ =	sdelay $0x4  }
0x3e: {  	(xrf1) =	vunique.msk.u32 $0xffff, v3;
	_ =	sdelay $0xd  }
0x3f: {  	v4 =	vimm.s32 $0xFFFFFFFF;
	v5, _, _ =	vpop (xrf1)  }
0x40: {  	vm5 =	vne.s32 v3, v4;
	vm4 =	veq.s32 v5, v2  }
0x41: {  	vm6 =	vlt.u32 v3, $0x2800;
	vm4 =	vmand vm5, vm4  }
0x42: {  	vm4 =	vmand vm6, vm4  }
0x43: {  	v4 =	vnsel vm4, $0xFFFFFFFF, v3  }
0x44: {  	s31 =	sand.u32 $0x1, s0  }
0x45: {  	s0 =	simm.s32 $0x1F40;
	p1 =	seq.s32 s31, $0x1  }
0x46: {  	s0 =	simm.s32 @!p1 $0x0  }
0x47: {  	s26 =	sadd.s32 $0x7DF0, s0;
	(ifvalue) =	ssetifvalue $0xFFFFFFFF  }
0x48: {  	v3 =	vperm.xlane v3, v1;
	[tilespmem:s26], [sflag:$0x8] =	stream.indirect_vreg.gather [hbm4b:s1+s16], $0x1, v4, vm0, $0x4038;
	v4 =	vnsel vm6, $0xFFFFFFFE, v4;
	[tilespmem:$0x11A60] =	vst v63  }
0x49: {  	s2 =	simm.s32 $0x0;
	s22 =	sadd.s32 $0xFFFFFFF0, s28;
	[tilespmem:s28+$0x0] =	vst v4  }
.LBB2_3:
0x4a: {  	v4 =	vld.msk [tilespmem:s22+$0x0 ss:$0x1], $0xffff;
	s2 =	sadd.s32 $0x10, s2;
	v5 =	vmov v3;
	s28 =	smov.u32 s22  }
0x4b: {  	p1 =	slt.u32 s2, $0x1F30;
	_ =	sdelay $0x4  }
0x4c: {  	v3 =	vperm.xlane v4, v1;
	(xrf1) =	vunique.msk.u32 $0xffff, v4;
	_ =	sdelay $0xd  }
0x4d: {  	v6, _, _ =	vpop (xrf1)  }
0x4e: {  	vm5 =	vne.s32 v4, v5;
	vm4 =	veq.s32 v6, v2  }
0x4f: {  	vm6 =	vlt.u32 v4, $0x2800;
	vm4 =	vmand vm5, vm4  }
0x50: {  	vm4 =	vmand vm6, vm4  }
0x51: {  	v4 =	vnsel vm4, $0xFFFFFFFF, v4  }
.Ltmp3:
0x52: {  	v5 =	vnsel vm6, $0xFFFFFFFE, v4;
	(pc) =	sbr.rel @p1 .LBB2_3-.Ltmp3, $3  }
0x53: {  	_ =	sdelay $0x1  }
0x54: {  	s22 =	sadd.s32 $0xFFFFFFF0, s22;
	s26 =	sadd.s32 $0xFFFFFFF0, s26;
	(ifvalue) =	ssetifvalue $0xFFFFFFFF  }
0x55: {  	[tilespmem:s26], [sflag:$0x8] =	stream.indirect_vreg.gather [hbm4b:s1+s16], $0x1, v4, vm0, $0x4038;
	[tilespmem:s28+$0x0] =	vst v5  }
0x56: {  	s2 =	sshrl.u32 s25, $0x3  }
0x57: {  	s0 =	sadd.s32 $0x9D40, s0;
	s2 =	sadd.s32 s9, s2  }
0x58: {  	[tilespmem:s0], [sflag:$0x8] =	stream.linear.gather [hbm:s2], $0x1F40, $0x38;
	[tilespmem:$0x11A60] =	vst v63  }
.LBB2_5:
0x59: {  	p1 =	slt.u32 s24, $0x2  }
0x5a: {  	p2 =	sge.u32 @!p1 s24, s12  }
0x5b: {  	p1 =	por p1, p2  }
.Ltmp4:
0x5c: {  	_ = 	snop;
	(pc) =	sbr.rel @p1 .LBB2_9-.Ltmp4, $1  }
0x5d: {  	_ =	sdelay $0x3  }
0x5e: {  	s0 =	sadd.s32 $0xFFFFFFFE, s24  }
0x5f: {  	s2 =	smulhi.u32 $0xAAAAAAAB, s0;
	_ =	sdelay $0x1  }
0x60: {  	s2 =	sshrl.u32 s2, $0x1  }
0x61: {  	s2 =	smul.u32 $0x3, s2;
	_ =	sdelay $0x1  }
0x62: {  	s0 =	ssub.s32 s0, s2  }
0x63: {  	_ =	swait.ge [sflag:s8], $0x3E80;
	s0 =	smul.u32 $0x1F40, s0  }
0x64: {  	p1 =	sne.s32 s24, s11;
	[sflag:s8] =	ssyncset.done $0x0  }
0x65: {  	[sflag:s8] =	ssyncadd.s32 $0xFFFFC180;
	s2 =	sadd.s32 @!p1 $0x203F, s0  }
0x66: {  	[spmem:s14] =	stream.linear.scatter @!p1 [tilespmem:s2], [sflag:$0x1], $0x1, $0x38;
	[tilespmem:$0x11A60] =	vst v63  }
0x67: {  	s2 =	simm.s32 @!p1 $0x1  }
0x68: {  	_ =	swait.ge @!p1 [sflag:s2], $0x1  }
0x69: {  	s22 =	sshll.u32 s24, $0x4;
	[sflag:s2] =	ssyncset.done @!p1 $0x0  }
0x6a: {  	s25 =	sand.u32 $0x10, s22;
	[sflag:s2] =	ssyncadd.s32 @!p1 $0xFFFFFFFF  }
0x6b: {  	s2 =	sxor.u32 $0x10, s25;
	v4 =	vld [tilespmem:s25+$0x10]  }
0x6c: {  	v5 =	vld [tilespmem:s2+$0x60]  }
0x6d: {  	v3 =	vld [tilespmem:$0x80];
	_ =	sdelay $0x2  }
0x6e: {  	(v2sf) =	vpush v4, $0x0  }
0x6f: {  	(v2sf) =	vpush v5, $0x0  }
0x70: {  	(v2sf) =	vpush v3, $0x0;
	_ =	sdelay $0xc  }
0x71: {  	s22 =	spop (v2sf)  }
0x72: {  	s26 =	spop (v2sf)  }
0x73: {  	s28 =	spop (v2sf)  }
0x74: {  	p2 =	seq.s32 s22, s26;
	p3 =	seq.s32 s28, s22  }
0x75: {  	p3 =	por p2, p3  }
0x76: {  	s26 =	sand.u32 $0x1, s24;
	v4 =	vpsel p3, $0xFFFFFFFF, v4  }
0x77: {  	s29 =	smul.u32 $0x1F40, s26;
	[tilespmem:s25+$0x10] =	vst.msk $0x1, v4  }
0x78: {  	v4 =	vld [tilespmem:$0x30]  }
0x79: {  	v5 =	vld [tilespmem:s29+$0x9D40]  }
0x7a: {  	v6 =	vld [tilespmem:s25+$0x40];
	_ =	sdelay $0x3  }
0x7b: {  	vm4 =	vmmov vm1;
	v5 =	vadd.f32 v5, v4  }
0x7c: {  	vm5 =	vmmov vm2;
	vm4 =	vmmov @p2 vm2;
	s22 =	sshll.u32 s26, $0x4;
	v4 =	vadd.f32 v6, v4  }
0x7d: {  	s26 =	sor.u32 $0x11A40, s22;
	vm5 =	vmmov @p3 vm1;
	[tilespmem:s29+$0x9D40] =	vst.msk vm4, v5  }
0x7e: {  	[tilespmem:s26+$0x0] =	vst.msk vm5, v4  }
0x7f: {  	v4 =	vld [tilespmem:s29+$0x7DF0];
	_ =	sdelay $0x3  }
0x80: {  	v5 =	vimm.f32 $0.0e+00  }
0x81: {  	v4 =	vshift.insert v4, v5, s21  }
0x82: {  	s22 =	sor.u32 $0x40, s2  }
0x83: {  	[tilespmem:s22+$0x0] =	vst.msk $0x1, v4  }
0x84: {  	[tilespmem:s29+$0x7DFF] =	vst.msk $0x1, v5  }
0x85: {  	v4 =	vld [tilespmem:s0+$0x2030];
	_ =	sdelay $0x1  }
0x86: {  	s22 =	smulhi.u32 $0xAAAAAAAB, s20;
	s0 =	simm.s32 $0x1  }
0x87: {  	s0 =	simm.s32 @!p0 $0x0  }
0x88: {  	s22 =	sshrl.u32 s22, $0x1;
	s0 =	smul.u32 $0x7D00, s0  }
0x89: {  	s22 =	smul.u32 $0xFFFE8900, s22;
	v4 =	vshift.insert v4, v1, s21  }
0x8a: {  	s0 =	sshrl.u32 s0, $0x2  }
0x8b: {  	s22 =	sshra.s32 s22, $0x2;
	s30 =	sadd.s32 $0x9D40, s0;
	[tilespmem:s2+$0x10] =	vst.msk $0x1, v4  }
0x8c: {  	s22 =	sadd.s32 s22, s19;
	v6 =	vld [tilespmem:s30+$0x0]  }
0x8d: {  	v7 =	vld [tilespmem:s22+$0x0];
	_ =	sdelay $0x3  }
0x8e: {  	v5 =	vadd.f32 v6, v5  }
0x8f: {  	vm4 =	vne.s32 v7, $0xFFFFFFFF  }
0x90: {  	(xrf2) =	vadd.seg.scan.f32 vm4, v5;
	_ =	sdelay $0x3  }
0x91: {  	s31 =	sadd.s32 $0x5EC0, s0;
	v5 =	vperm.xlane v4, v1  }
0x92: {  	v6 =	vld [tilespmem:s31+$0x0]  }
0x93: {  	vm5 =	veq.s32 v7, v3;
	vm6 =	veq.s32 v7, v5  }
0x94: {  	vm7 =	vgt.u32 v7, $0xFFFFFFFD;
	vm6 =	vmor vm6, vm5  }
0x95: {  	vm6 =	vmor vm6, vm7  }
0x96: {  	v9 =	vld [tilespmem:$0xA0];
	v7 =	vsel vm6, $0xFFFFFFFF, v7  }
0x97: {  	v10 =	vld [tilespmem:$0x90];
	v6 =	vsel vm5, $0x0, v6;
	v8, _, _ =	vpop (xrf2)  }
0x98: {  	v6 =	vadd.f32 v8, v6  }
0x99: {  	s0 =	sadd.s32 $0xDBC0, s0  }
0x9a: {  	vm4 =	vmand vm4, vm3;
	[tilespmem:s0+$0x0] =	vst v6;
	(ifvalue) =	ssetifvalue $0xFFFFFFFF  }
0x9b: {  	vm6 =	veq.s32 v9, $0x1;
	[hbm4b:s1+s16] =	stream.indirect_vreg.scatter [tilespmem:s0], [sflag:$0x2], $0x1, v7, vm0, $0x4038;
	v7 =	vsel vm4, $0x0, v8;
	[tilespmem:$0x11A60] =	vst v63  }
0x9c: {  	s2 =	simm.s32 $0x0;
	s22 =	sadd.s32 $0x10, s22;
	vm4 =	vmor vm6, vm5;
	v6 =	vsel vm5, v8, v10;
	v7 =	vshift.insert v7, v0, s21  }
.LBB2_7:
0x9d: {  	v8 =	vld [tilespmem:s22+$0x0];
	s30 =	sadd.s32 $0x10, s30  }
0x9e: {  	s31 =	sadd.s32 $0x10, s31;
	v9 =	vld [tilespmem:s30+$0x0]  }
0x9f: {  	s2 =	sadd.s32 $0x10, s2;
	v10 =	vld [tilespmem:s31+$0x0]  }
0xa0: {  	p2 =	slt.u32 s2, $0x1F30;
	_ =	sdelay $0x2  }
0xa1: {  	v7 =	vadd.f32 v9, v7  }
0xa2: {  	vm5 =	vne.s32 v8, $0xFFFFFFFF  }
0xa3: {  	vm6 =	vmand vm5, vm3;
	(xrf2) =	vadd.seg.scan.f32 vm5, v7;
	_ =	sdelay $0x5  }
0xa4: {  	vm7 =	veq.s32 v8, v5;
	vm5 =	veq.s32 v8, v3  }
0xa5: {  	vm8 =	vgt.u32 v8, $0xFFFFFFFD;
	vm4 =	vmor vm4, vm5;
	vm7 =	vmor vm7, vm5  }
0xa6: {  	vm7 =	vmor vm7, vm8  }
0xa7: {  	v8 =	vsel vm7, $0xFFFFFFFF, v8  }
.Ltmp5:
0xa8: {  	v7 =	vsel vm5, $0x0, v10;
	v9, _, _ =	vpop (xrf2);
	(pc) =	sbr.rel @p2 .LBB2_7-.Ltmp5, $4  }
0xa9: {  	v6 =	vsel vm5, v9, v6;
	v10 =	vadd.f32 v9, v7;
	v7 =	vsel vm6, $0x0, v9  }
0xaa: {  	s0 =	sadd.s32 $0x10, s0;
	v7 =	vshift.insert v7, v0, s21  }
0xab: {  	s22 =	sadd.s32 $0x10, s22;
	[tilespmem:s0+$0x0] =	vst v10;
	(ifvalue) =	ssetifvalue $0xFFFFFFFF  }
0xac: {  	[hbm4b:s1+s16] =	stream.indirect_vreg.scatter [tilespmem:s0], [sflag:$0x2], $0x1, v8, vm0, $0x4038;
	[tilespmem:$0x11A60] =	vst v63  }
0xad: {  	v3 =	vld [tilespmem:s29+$0xFAF0];
	_ =	sdelay $0x4  }
0xae: {  	v3 =	vshift.insert v3, v0, s21  }
0xaf: {  	s0 =	simm.s32 $0x30  }
0xb0: {  	[tilespmem:s0+$0x0] =	vst.msk $0x1, v3  }
0xb1: {  	v3 =	vsel vm4, $0x1, v1;
	[tilespmem:$0x90] =	vst v6  }
0xb2: {  	s0 =	sadd.s32 @!p1 $0xFAFF, s29;
	[tilespmem:$0xA0] =	vst v3  }
0xb3: {  	[spmem:s15] =	stream.linear.scatter @!p1 [tilespmem:s0], [sflag:$0x1], $0x1, $0x38;
	[tilespmem:$0x11A60] =	vst v63  }
0xb4: {  	s0 =	simm.s32 @!p1 $0x1  }
0xb5: {  	v3 =	vmctz.xlane @!p1 vm4;
	_ =	swait.ge @!p1 [sflag:s0], $0x1  }
0xb6: {  	(v2sf) =	vpush @!p1 v4, $0x0  }
0xb7: {  	(v2sf) =	vpush @!p1 v3, $0x0;
	_ =	sdelay $0xd  }
0xb8: {  	s2 =	spop @!p1 (v2sf)  }
0xb9: {  	s22 =	spop @!p1 (v2sf)  }
0xba: {  	p2 =	sne.s32 @!p1 s28, s2;
	p3 =	slt.s32 @!p1 s22, $0xF  }
0xbb: {  	[sflag:s0] =	ssyncset.done @!p1 $0x0;
	p2 =	por p2, p1;
	p3 =	por !p3, p1  }
0xbc: {  	[sflag:s0] =	ssyncadd.s32 @!p1 $0xFFFFFFFF;
	v3 =	vimm.s32 @!p2 $0xFFFFFFFF;
	s22 =	simm.s32 @p3 $0xF  }
0xbd: {  	[tilespmem:$0x80] =	vst @!p2 v3;
	s2 =	sadd.s32 @!p1 $0x90, s22  }
0xbe: {  	[spmem:s3] =	stream.linear.scatter @!p1 [tilespmem:s2], [sflag:$0x1], $0x1, $0x38;
	[tilespmem:$0x11A60] =	vst v63  }
0xbf: {  	_ =	swait.ge @!p1 [sflag:s0], $0x1  }
0xc0: {  	[sflag:s0] =	ssyncset.done @!p1 $0x0  }
0xc1: {  	s2 =	simm.s32 @!p1 $0x80;
	[sflag:s0] =	ssyncadd.s32 @!p1 $0xFFFFFFFF  }
0xc2: {  	[spmem:s13] =	stream.linear.scatter @!p1 [tilespmem:s2], [sflag:$0x1], $0x1, $0x38;
	[tilespmem:$0x11A60] =	vst v63  }
0xc3: {  	_ =	swait.ge @!p1 [sflag:s0], $0x1  }
0xc4: {  	[sflag:s0] =	ssyncset.done @!p1 $0x0  }
0xc5: {  	[sflag:s0] =	ssyncadd.s32 @!p1 $0xFFFFFFFF;
	(ifvalue) =	ssetifvalue $0xFFFFFFFF;
	v3 =	vld [tilespmem:s25+$0x10];
	_ =	sdelay $0x3  }
.Ltmp6:
0xc6: {  	_ = 	snop;
	(pc) =	sbr.rel .LBB2_9-.Ltmp6, $3  }
0xc7: {  	_ =	sdelay $0x1  }
0xc8: {  	(ifvalue) =	ssetifvalue $0xFFFFFFFF  }
0xc9: {  	[hbm4b:s1+s16] =	stream.indirect_vreg.scatter [tilespmem:s26], [sflag:$0x9], $0x1, v3, vm0, $0x4038;
	[tilespmem:$0x11A60] =	vst v63  }
.LBB2_10:
0xca: {  	_ =	sfence.sel $0x180000  }
0xcb: {  	s0 =	simm.s32 $0x7;
	[bflag:$0x0] =	sbarrier.arrive $0xFFFF  }
0xcc: {  	s26 =	simm.s32 $0x8;
	[sflag:s0] =	ssyncpa.u1 $0x1  }
0xcd: {  	s28 =	simm.s32 $0x9;
	[sflag:s26] =	ssyncpa.u1 $0x1  }
0xce: {  	[sflag:s28] =	ssyncpa.u1 $0x1  }
0xcf: {  	_ =	sfence.stream.spmem  }
0xd0: {  	s29 =	simm.s32 $0x3;
	[bflag:$0x0] =	sbarrier.arrive $0xFFFF  }
0xd1: {  	s30 =	simm.s32 $0x4;
	[sflag:s29] =	ssyncpa.u1 $0x1  }
0xd2: {  	s31 =	simm.s32 $0x3C;
	s2 =	stileid.u32;
	[sflag:s30] =	ssyncpa.u1 $0x1  }
0xd3: {  	p0 =	sne.s32 s2, $0x0;
	[sflag:s31] =	ssyncpa.u1 $0x1  }
0xd4: {  	s0 =	simm.s32 @p0 $0x1;
	_ =	sfence @p0  }
0xd5: {  	[sflag:s0] =	ssyncpa.u1 @p0 $0x1;
	s0 =	simm.s32 @p0 $0x2  }
0xd6: {  	[sflag:s0] =	ssyncpa.u1 @p0 $0x1  }
0xd7: {  	_ =	strace @p0 $0x90000047  }
0xd8: {  	[bflag:$0x2] =	sbarrier.arrive @p0 $0xFFFF  }
0xd9: {  	_ =	shalt @p0  }
.LBB2_11:
0xda: {  	_ =	sfence.stream.spmem;
	s0 =	simm.s32 $0x5  }
0xdb: {  	s2 =	simm.s32 $0x80;
	s3 =	simm.s32 $0xC0;
	[sflag:s0] =	ssyncpa.u1 $0x0  }
0xdc: {  	[tilespmem:s3], [sflag:$0x5] =	stream.linear.gather [spmem:s2], $0x20, $0x38;
	[tilespmem:$0x11A60] =	vst v63  }
0xdd: {  	s2 =	simm.s32 $0x0;
	s3 =	simm.s32 $0xE0  }
0xde: {  	[tilespmem:s3], [sflag:$0x5] =	stream.linear.gather [spmem:s2], $0x20, $0x38;
	[tilespmem:$0x11A60] =	vst v63  }
.Ltmp7:
0xdf: {  	_ = 	snop;
	(pc) =	sbr.rel .LBB2_12-.Ltmp7, $4  }
0xe0: {  	_ =	swait.ge [sflag:s0], $0x40  }
0xe1: {  	[sflag:s0] =	ssyncset.done $0x0  }
0xe2: {  	s31 =	simm.s32 $0x6;
	[sflag:s0] =	ssyncadd.s32 $0xFFFFFFC0  }
0xe3: {  	s4 =	simm.s32 $0x0;
	[sflag:s31] =	ssyncpa.u1 $0x0  }
.LBB2_17:
0xe4: {  	p0 =	sgt.u32 s5, $0x27FF  }
0xe5: {  	s0 =	sshrl.u32 @!p0 s5, $0x3  }
0xe6: {  	s5 =	sand.u32 @!p0 $0x7, s5;
	s6 =	simm.s32 @!p0 $0xB0;
	s0 =	sadd.s32 @!p0 s1, s0  }
0xe7: {  	[tilespmem:s6], [sflag:$0x6] =	stream.linear.gather @!p0 [hbm4b:s0+s5], $0x1, $0x38;
	[tilespmem:$0x11A60] =	vst v63  }
0xe8: {  	s0 =	simm.s32 @!p0 $0x6  }
0xe9: {  	_ =	swait.ge @!p0 [sflag:s0], $0x1  }
0xea: {  	[sflag:s0] =	ssyncset.done @!p0 $0x0  }
0xeb: {  	[sflag:s0] =	ssyncadd.s32 @!p0 $0xFFFFFFFF  }
0xec: {  	v2 =	vmov @!p0 s4;
	v1 =	vld.msk @!p0 [tilespmem:$0xB0], $0x1;
	_ =	sdelay $0x3  }
0xed: {  	s0 =	simm.s32 @!p0 $0xE0  }
0xee: {  	[tilespmem:v2+s0+$0x0], v1 =	vst.idx.ret.add.f32.msk @!p0 $0x1, v1  }
0xef: {  	[tilespmem:s2+$0xC0] =	vst.msk $0x1, v0  }
0xf0: {  	v0 =	vld.msk [tilespmem:s4+$0xE0], $0x1;
	_ =	sdelay $0x4  }
0xf1: {  	[tilespmem:s2+$0xE0] =	vst.msk $0x1, v0;
	s2 =	sadd.s32 $0x1, s2  }
.LBB2_19:
0xf2: {  	s4 =	sadd.s32 $0x1, s4  }
0xf3: {  	p0 =	sne.s32 s4, $0x20  }
.Ltmp8:
0xf4: {  	_ = 	snop;
	(pc) =	sbr.rel @!p0 .LBB2_20-.Ltmp8, $1  }
0xf5: {  	_ =	sdelay $0x3  }
.LBB2_12:
0xf6: {  	v0 =	vld.msk [tilespmem:s4+$0xC0], $0x1;
	_ =	sdelay $0x4  }
0xf7: {  	(v2sf) =	vpush v0, $0x0;
	_ =	sdelay $0xe  }
0xf8: {  	s5 =	spop (v2sf)  }
0xf9: {  	p0 =	seq.s32 s5, $0xFFFFFFFF  }
.Ltmp9:
0xfa: {  	_ = 	snop;
	(pc) =	sbr.rel @p0 .LBB2_19-.Ltmp9, $1  }
0xfb: {  	_ =	sdelay $0x3  }
0xfc: {  	p0 =	slt.s32 s2, $0x1  }
.Ltmp10:
0xfd: {  	_ = 	snop;
	(pc) =	sbr.rel @p0 .LBB2_17-.Ltmp10, $1  }
0xfe: {  	_ =	sdelay $0x3  }
0xff: {  	s0 =	simm.s32 $0xC0;
	p0 =	por $0x0, $0x0  }
0x100: {  	v1 =	vld.msk @!p0 [tilespmem:s0+$0x0], $0x1;
	_ =	sdelay $0x4  }
0x101: {  	(v2sf) =	vpush @!p0 v1, $0x0;
	_ =	sdelay $0xd  }
0x102: {  	p2 =	sne.s32 s2, $0x1  }
.Ltmp11:
0x103: {  	s6 =	spop @!p0 (v2sf);
	(pc) =	sbr.rel @!p2 .LBB2_16-.Ltmp11, $4  }
0x104: {  	p1 =	seq.s32 @!p0 s5, s6  }
0x105: {  	s6 =	simm.s32 $0x0;
	p1 =	por !p1, p0  }
0x106: {  	s8 =	simm.s32 $0xFFFFFFFF;
	s6 =	simm.s32 @p1 $0xFFFFFFFF  }
0x107: {  	s7 =	simm.s32 $0x1;
	s6 =	smov.u32 @p0 s8  }
.LBB2_15:
0x108: {  	s8 =	smov.u32 s6;
	p0 =	sne.s32 s6, $0xFFFFFFFF  }
0x109: {  	s0 =	sadd.s32 $0x1, s0;
	s6 =	smov.u32 s7;
	s7 =	sadd.s32 $0x1, s7  }
0x10a: {  	p1 =	sne.s32 s2, s7;
	v1 =	vld.msk @!p0 [tilespmem:s0+$0x0], $0x1;
	_ =	sdelay $0x4  }
0x10b: {  	(v2sf) =	vpush @!p0 v1, $0x0;
	_ =	sdelay $0xe  }
.Ltmp12:
0x10c: {  	s9 =	spop @!p0 (v2sf);
	(pc) =	sbr.rel @p1 .LBB2_15-.Ltmp12, $4  }
0x10d: {  	p2 =	seq.s32 @!p0 s5, s9  }
0x10e: {  	p2 =	por !p2, p0  }
0x10f: {  	s6 =	simm.s32 @p2 $0xFFFFFFFF  }
0x110: {  	s6 =	smov.u32 @p0 s8  }
.LBB2_16:
0x111: {  	p0 =	sne.s32 s6, $0xFFFFFFFF  }
.Ltmp13:
0x112: {  	_ = 	snop;
	(pc) =	sbr.rel @!p0 .LBB2_17-.Ltmp13, $1  }
0x113: {  	_ =	sdelay $0x3  }
0x114: {  	v0 =	vld.msk [tilespmem:s4+$0xE0], $0x1;
	v1 =	vmov s6  }
.Ltmp14:
0x115: {  	_ = 	snop;
	(pc) =	sbr.rel .LBB2_19-.Ltmp14, $2  }
0x116: {  	_ =	sdelay $0x2  }
0x117: {  	[tilespmem:v1+s3+$0x0], v0 =	vst.idx.ret.add.f32.msk $0x1, v0  }
.LBB2_20:
0x118: {  	p0 =	slt.s32 s2, $0x1  }
.Ltmp15:
0x119: {  	_ = 	snop;
	(pc) =	sbr.rel @p0 .LBB2_24-.Ltmp15, $3  }
0x11a: {  	_ =	sdelay $0x1  }
0x11b: {  	s0 =	simm.s32 $0x6  }
0x11c: {  	s3 =	simm.s32 $0x0;
	[sflag:s0] =	ssyncpa.u1 $0x1  }
0x11d: {  	s0 =	simm.s32 $0xC0  }
0x11e: {  	v0 =	vld.msk [tilespmem:s0+$0x0], $0x1;
	_ =	sdelay $0x4  }
0x11f: {  	(v2sf) =	vpush v0, $0x0;
	_ =	sdelay $0xe  }
0x120: {  	s2 =	sadd.s32 $0xFFFFFFFF, s2;
	s4 =	spop (v2sf)  }
0x121: {  	p1 =	sne.s32 s2, $0x0;
	p0 =	sgt.u32 s4, $0x27FF  }
.Ltmp16:
0x122: {  	s5 =	sshrl.u32 @!p0 s4, $0x3;
	(pc) =	sbr.rel @!p1 .LBB2_23-.Ltmp16, $4  }
0x123: {  	s0 =	simm.s32 $0xE0;
	s4 =	sand.u32 @!p0 $0x7, s4;
	s5 =	sadd.s32 @!p0 s1, s5  }
0x124: {  	[hbm4b:s5+s4] =	stream.linear.scatter @!p0 [tilespmem:s0], [sflag:$0x5], $0x1, $0x38;
	[tilespmem:$0x11A60] =	vst v63  }
0x125: {  	s5 =	simm.s32 $0x0  }
0x126: {  	s4 =	simm.s32 $0xC1;
	s5 =	simm.s32 @!p0 $0x4  }
.LBB2_22:
0x127: {  	v0 =	vld.msk [tilespmem:s4+$0x0], $0x1;
	s2 =	sadd.s32 $0xFFFFFFFF, s2;
	s3 =	sadd.s32 s3, s5  }
0x128: {  	p0 =	sne.s32 s2, $0x0;
	_ =	sdelay $0x3  }
0x129: {  	(v2sf) =	vpush v0, $0x0;
	_ =	sdelay $0xe  }
.Ltmp17:
0x12a: {  	s6 =	spop (v2sf);
	(pc) =	sbr.rel @p0 .LBB2_22-.Ltmp17, $4  }
0x12b: {  	s5 =	simm.s32 $0x0;
	p1 =	sgt.u32 s6, $0x27FF  }
0x12c: {  	s0 =	sadd.s32 $0x1, s0;
	s5 =	simm.s32 @!p1 $0x4;
	s7 =	sshrl.u32 @!p1 s6, $0x3  }
0x12d: {  	s4 =	sadd.s32 $0x1, s4;
	s6 =	sand.u32 @!p1 $0x7, s6;
	s7 =	sadd.s32 @!p1 s1, s7  }
0x12e: {  	[hbm4b:s7+s6] =	stream.linear.scatter @!p1 [tilespmem:s0], [sflag:$0x5], $0x1, $0x38;
	[tilespmem:$0x11A60] =	vst v63  }
.LBB2_23:
0x12f: {  	s0 =	sadd.s32 s3, s5  }
0x130: {  	s3 =	sshrl.u32 s0, $0x2  }
.LBB2_24:
0x131: {  	s0 =	simm.s32 $0x5  }
0x132: {  	_ =	swait.ge [sflag:s0], s3  }
0x133: {  	s1 =	ssub.s32 $0x0, s3;
	[sflag:s0] =	ssyncset.done $0x0  }
0x134: {  	[sflag:s0] =	ssyncadd.s32 s1  }
0x135: {  	[sflag:s0] =	ssyncpa.u1 $0x1  }
0x136: {  	s29 =	simm.s32 $0x1;
	_ =	sfence  }
0x137: {  	s30 =	simm.s32 $0x2;
	[sflag:s29] =	ssyncpa.u1 $0x1  }
0x138: {  	[sflag:s30] =	ssyncpa.u1 $0x1  }
0x139: {  	_ =	strace $0x90000047  }
0x13a: {  	[bflag:$0x2] =	sbarrier.arrive $0xFFFF  }
0x13b: {  	s31 =	rddreg [dreg:$0x1]  }
0x13c: {  	s0 =	sadd.s32 $0x100000, s31  }
0x13d: {  	[sflag:s0] =	ssyncadd.tile.s32 $0x1;
	_ =	shalt  }
.Lfunc_end2:
_tile_overlayer_lowered:
.L_overlay_start_2:
0x13e: {  	(tag) =	ssettag $0x2  }
0x13f: {  	s0 =	rddreg [dreg:$0x0];
	s2 =	stileid.u32  }
0x140: {  	s1 =	rddreg [dreg:$0x1];
	p0 =	sne.s32 s2, $0x0  }
0x141: {  	s3 =	rddreg [dreg:$0x2];
	[bflag:$0x3] =	sbarrier.arrive $0xFFFF;
	s2 =	simm.s32 @!p0 $0x1C01  }
0x142: {  	[timem:s3], [sflag:s2] =	dma.local @!p0 [hbm:s0], s1  }
0x143: {  	s0 =	simm.s32 @!p0 $0x1  }
0x144: {  	_ =	swait.ge @!p0 [sflag:s0], s1  }
0x145: {  	s1 =	ssub.s32 @!p0 $0x0, s1;
	[sflag:s0] =	ssyncset.done @!p0 $0x0  }
0x146: {  	[sflag:s0] =	ssyncadd.s32 @!p0 s1  }
0x147: {  	[bflag:$0x3] =	sbarrier.arrive $0xFFFF  }
0x148: {  	_ =	shalt  }

</sc_bundles>
